<compile_context>
chip_gen: v7x
topology: tpu7x:2x2x1
jax: 0.10.2.dev20260603
libtpu: 0.0.44.dev20260713+nightly
codegen_flags: <defaults>
</compile_context>

<pallas_src>
import functools

import jax
import jax.numpy as jnp
from jax import lax
from jax.experimental import pallas as pl
from jax.experimental.pallas import tpu as pltpu
from jax.experimental.pallas import tpu_sc as plsc

_B = 320000
_E = 128
_NSEG = 10000
_L = 16
_NW = 16
_CHUNK = _B // _NW
_SSEG = 640
_NSEGP = _NW * _SSEG
_TILE = 8192


def _tc_body(emb_ref, wa_ref, wv_ref, wo_ref, s_ref, t_ref):
    e = emb_ref[...]
    wa = wa_ref[0, :]
    weff = jnp.sum(wo_ref[0, :][:, None] * wv_ref[...], axis=0)
    row = jax.lax.broadcasted_iota(jnp.int32, (8, _E), 0)
    k = jnp.where(row == 0, wa[None, :],
                  jnp.where(row == 1, weff[None, :], 0.0))
    st8 = jax.lax.dot_general(
        k, e, (((1,), (1,)), ((), ())),
        preferred_element_type=jnp.float32)
    s_ref[...] = st8[0, :]
    t_ref[...] = st8[1, :]


def _tc_stage(emb, Wa, Wv, Wo):
    n = pl.cdiv(_B, _TILE)
    return pl.pallas_call(
        _tc_body,
        grid=(n,),
        in_specs=[
            pl.BlockSpec((_TILE, _E), lambda i: (i, 0)),
            pl.BlockSpec((1, _E), lambda i: (0, 0)),
            pl.BlockSpec((_E, _E), lambda i: (0, 0)),
            pl.BlockSpec((1, _E), lambda i: (0, 0)),
        ],
        out_specs=[
            pl.BlockSpec((_TILE,), lambda i: (i,)),
            pl.BlockSpec((_TILE,), lambda i: (i,)),
        ],
        out_shape=[
            jax.ShapeDtypeStruct((_B,), jnp.float32),
            jax.ShapeDtypeStruct((_B,), jnp.float32),
        ],
    )(emb, Wa, Wv, Wo)


_MESH = plsc.VectorSubcoreMesh(
    core_axis_name="c", subcore_axis_name="s", num_cores=1, num_subcores=_NW
)


def _sc_body(s_hbm, t_hbm, ids_hbm, cpb_hbm, bo_hbm,
             r_hbm, den_hbm, refl_hbm,
             sv, tv, iv, num_acc, den_acc, rtab, tmp, accn, accd,
             cvec, bvec, shn, shd, shr):
    wid = lax.axis_index("s")
    base = wid * _CHUNK

    pltpu.sync_copy(s_hbm.at[pl.ds(base, _CHUNK)], sv)
    pltpu.sync_copy(t_hbm.at[pl.ds(base, _CHUNK)], tv)
    pltpu.sync_copy(ids_hbm.at[pl.ds(base, _CHUNK)], iv)
    pltpu.sync_copy(cpb_hbm, cvec)
    pltpu.sync_copy(bo_hbm, bvec)

    zeros = jnp.zeros((_L,), jnp.float32)

    @plsc.parallel_loop(0, _NSEGP // _L, unroll=8)
    def zbody(j):
        sl = pl.ds(j * _L, _L)
        num_acc[sl] = zeros
        den_acc[sl] = zeros

    @plsc.parallel_loop(0, _CHUNK // _L, unroll=4)
    def sbody(i):
        sl = pl.ds(i * _L, _L)
        ex = jnp.exp(sv[sl])
        idx = iv[sl]
        plsc.addupdate_scatter(den_acc, [idx], ex)
        plsc.addupdate_scatter(num_acc, [idx], ex * tv[sl])

    pltpu.sync_copy(num_acc, shn.at[wid])
    pltpu.sync_copy(den_acc, shd.at[wid])
    plsc.subcore_barrier()

    off = wid * _SSEG

    pltpu.sync_copy(shn.at[0, pl.ds(off, _SSEG)], accn)
    pltpu.sync_copy(shd.at[0, pl.ds(off, _SSEG)], accd)
    for k in range(1, _NW):
        pltpu.sync_copy(shn.at[k, pl.ds(off, _SSEG)], tmp)

        @plsc.parallel_loop(0, _SSEG // _L, unroll=8)
        def addloop(j):
            sl = pl.ds(j * _L, _L)
            accn[sl] = accn[sl] + tmp[sl]

        pltpu.sync_copy(shd.at[k, pl.ds(off, _SSEG)], tmp)

        @plsc.parallel_loop(0, _SSEG // _L, unroll=8)
        def addloop_d(j):
            sl = pl.ds(j * _L, _L)
            accd[sl] = accd[sl] + tmp[sl]

    @plsc.parallel_loop(0, _SSEG // _L, unroll=8)
    def fbody(j):
        sl = pl.ds(j * _L, _L)
        den = accd[sl]
        r = jnp.where(den > 0.0, accn[sl] / den + cvec[...], bvec[...])
        accn[sl] = r

    pltpu.sync_copy(accn, r_hbm.at[pl.ds(off, _SSEG)])
    pltpu.sync_copy(accd, den_hbm.at[pl.ds(off, _SSEG)])
    pltpu.sync_copy(accn, shr.at[pl.ds(off, _SSEG)])
    plsc.subcore_barrier()

    pltpu.sync_copy(shr, rtab)

    @plsc.parallel_loop(0, _CHUNK // _L, unroll=4)
    def gbody(i):
        sl = pl.ds(i * _L, _L)
        sv[sl] = plsc.load_gather(rtab, [iv[sl]])
    pltpu.sync_copy(sv, refl_hbm.at[pl.ds(base, _CHUNK)])


_sc_stage = functools.partial(
    pl.kernel,
    out_type=[
        jax.ShapeDtypeStruct((_NSEGP,), jnp.float32),
        jax.ShapeDtypeStruct((_NSEGP,), jnp.float32),
        jax.ShapeDtypeStruct((_B,), jnp.float32),
    ],
    mesh=_MESH,
    compiler_params=pltpu.CompilerParams(needs_layout_passes=False),
    scratch_types=[
        pltpu.VMEM((_CHUNK,), jnp.float32),
        pltpu.VMEM((_CHUNK,), jnp.float32),
        pltpu.VMEM((_CHUNK,), jnp.int32),
        pltpu.VMEM((_NSEGP,), jnp.float32),
        pltpu.VMEM((_NSEGP,), jnp.float32),
        pltpu.VMEM((_NSEGP,), jnp.float32),
        pltpu.VMEM((_SSEG,), jnp.float32),
        pltpu.VMEM((_SSEG,), jnp.float32),
        pltpu.VMEM((_SSEG,), jnp.float32),
        pltpu.VMEM((_L,), jnp.float32),
        pltpu.VMEM((_L,), jnp.float32),
        pltpu.VMEM_SHARED((_NW, _NSEGP), jnp.float32),
        pltpu.VMEM_SHARED((_NW, _NSEGP), jnp.float32),
        pltpu.VMEM_SHARED((_NSEGP,), jnp.float32),
    ],
)(_sc_body)


def kernel(emb, img_ids, Wa, ba, Wv, bv, Wo, bo):
    del ba
    ids = img_ids.astype(jnp.int32)
    scores, t = _tc_stage(emb, Wa, Wv, Wo)
    cpb = jnp.dot(Wo[0], bv) + bo[0]
    cpb_vec = jnp.full((_L,), cpb, jnp.float32)
    bo_vec = jnp.full((_L,), bo[0], jnp.float32)
    r_pad, den_pad, refl = _sc_stage(scores, t, ids, cpb_vec, bo_vec)
    r_flat = r_pad[:_NSEG]
    den = den_pad[:_NSEG]
    occ = den > 0
    n = occ.sum()
    nz = jnp.nonzero(occ, size=_NSEG, fill_value=0)[0]
    unique_ids = jnp.where(jnp.arange(_NSEG) < n, nz, ids[0]).astype(img_ids.dtype)
    return refl[:, None], r_flat[:, None], unique_ids

# --- scband reference (transcript-rebuilt; emitter-appended) ---
"""Pipeline reference for scband-attention-pooling-per-image-55671366091486 (READ-ONLY COPY).

The authoritative reference and input builder live on the scoring server;
editing this copy changes nothing except your own understanding.
"""

import jax, jax.numpy as jnp
import numpy as np

B = 320000
EMB_DIM = 128
HID = 128
OUT = 1
NSEG = 10000


def setup_inputs(seed: int = 0) -> dict:
    key = jax.random.key(seed)
    ks = jax.random.split(key, 8)
    emb = jax.random.normal(ks[0], (B, EMB_DIM), dtype=jnp.float32)
    img_ids = jnp.sort(jax.random.randint(ks[1], (B,), 0, NSEG, dtype=jnp.int64))
    s = 1.0 / np.sqrt(EMB_DIM)
    Wa = jax.random.uniform(ks[2], (1, EMB_DIM), minval=-s, maxval=s, dtype=jnp.float32)
    ba = jax.random.uniform(ks[3], (1,), minval=-s, maxval=s, dtype=jnp.float32)
    Wv = jax.random.uniform(ks[4], (HID, EMB_DIM), minval=-s, maxval=s, dtype=jnp.float32)
    bv = jax.random.uniform(ks[5], (HID,), minval=-s, maxval=s, dtype=jnp.float32)
    so = 1.0 / np.sqrt(HID)
    Wo = jax.random.uniform(ks[6], (OUT, HID), minval=-so, maxval=so, dtype=jnp.float32)
    bo = jax.random.uniform(ks[7], (OUT,), minval=-so, maxval=so, dtype=jnp.float32)
    return {"emb": emb, "img_ids": img_ids, "Wa": Wa, "ba": ba, "Wv": Wv, "bv": bv, "Wo": Wo, "bo": bo}


def reference(emb, img_ids, Wa, ba, Wv, bv, Wo, bo):
    ids = img_ids
    # attn scores: Linear(emb_dim -> 1)
    scores = (emb @ Wa.T + ba)[:, 0]  # (B,)
    # per-segment softmax (numerically stable via segment max)
    seg_max = jax.ops.segment_max(scores, ids, num_segments=NSEG)
    ex = jnp.exp(scores - seg_max[ids])
    denom = jax.ops.segment_sum(ex, ids, num_segments=NSEG)
    w = ex / denom[ids]  # (B,)
    # values: Linear(emb_dim -> hidden_dim)
    values = emb @ Wv.T + bv  # (B, HID)
    # pooled per image: sum of attn_weights * values within each segment
    pooled = jax.ops.segment_sum(w[:, None] * values, ids, num_segments=NSEG)  # (NSEG, HID)
    # output head
    r_images = pooled @ Wo.T + bo  # (NSEG, OUT)
    # broadcast back to each reflection
    r_reflections = r_images[ids]  # (B, OUT)
    unique_ids = jnp.unique(ids, size=NSEG)
    return (r_reflections, r_images, unique_ids)

if __name__ == "__main__":
    import jax
    _d = setup_inputs()
    print(jax.jit(kernel)(*tuple(_d.values())))

</pallas_src>

<mosaic_0001>
#map = affine_map<(d0, d1) -> (0)>
module attributes {stable_mosaic.version = 14 : i64} {
  func.func @_sc_body(%arg0: i32, %arg1: i32, %arg2: memref<320000xf32, #tpu.memory_space<hbm>>, %arg3: memref<320000xf32, #tpu.memory_space<hbm>>, %arg4: memref<320000xi32, #tpu.memory_space<hbm>>, %arg5: memref<16xf32, #tpu.memory_space<hbm>>, %arg6: memref<16xf32, #tpu.memory_space<hbm>>, %arg7: memref<10240xf32, #tpu.memory_space<hbm>>, %arg8: memref<10240xf32, #tpu.memory_space<hbm>>, %arg9: memref<320000xf32, #tpu.memory_space<hbm>>, %arg10: memref<20000xf32, #tpu.memory_space<vmem>>, %arg11: memref<20000xf32, #tpu.memory_space<vmem>>, %arg12: memref<20000xi32, #tpu.memory_space<vmem>>, %arg13: memref<10240xf32, #tpu.memory_space<vmem>>, %arg14: memref<10240xf32, #tpu.memory_space<vmem>>, %arg15: memref<10240xf32, #tpu.memory_space<vmem>>, %arg16: memref<640xf32, #tpu.memory_space<vmem>>, %arg17: memref<640xf32, #tpu.memory_space<vmem>>, %arg18: memref<640xf32, #tpu.memory_space<vmem>>, %arg19: memref<16xf32, #tpu.memory_space<vmem>>, %arg20: memref<16xf32, #tpu.memory_space<vmem>>, %arg21: memref<16x10240xf32, #tpu.memory_space<vmem_shared>>, %arg22: memref<16x10240xf32, #tpu.memory_space<vmem_shared>>, %arg23: memref<10240xf32, #tpu.memory_space<vmem_shared>>) attributes {dimension_semantics = [#tpu.dimension_semantics<core_parallel>, #tpu.dimension_semantics<subcore_parallel>], iteration_bounds = array<i64: 1, 16>, scalar_prefetch = 0 : i64, scratch_operands = 14 : i64, tpu.core_type = #tpu.core_type<sc_vector_subcore>, window_params = [{transform_indices = #map}, {transform_indices = #map}, {transform_indices = #map}, {transform_indices = #map}, {transform_indices = #map}, {transform_indices = #map}, {transform_indices = #map}, {transform_indices = #map}]} {
    %mul3A = arith.constant 20000 : i32
    %mul3A_0 = arith.muli %arg1, %mul3A : i32
    "tpu.region"() ({
      %run_scoped3A_137 = tpu.sem_alloc : memref<!tpu.dma_semaphore, #tpu.memory_space<semaphore_mem>>
      %dma_start3A = tpu.memref_slice %arg2[%mul3A_0] : memref<320000xf32, #tpu.memory_space<hbm>> -> memref<20000xf32, #tpu.memory_space<hbm>>
      %dma_start3A_138 = tpu.memref_slice %arg2[%mul3A_0] : memref<320000xf32, #tpu.memory_space<hbm>> -> memref<20000xf32, #tpu.memory_space<hbm>>
      tpu.enqueue_dma source(%dma_start3A_138 : memref<20000xf32, #tpu.memory_space<hbm>>) target(%arg10 : memref<20000xf32, #tpu.memory_space<vmem>>) target_semaphore(%run_scoped3A_137 : memref<!tpu.dma_semaphore, #tpu.memory_space<semaphore_mem>>)
      %dma_wait3A = tpu.memref_slice %arg2[%mul3A_0] : memref<320000xf32, #tpu.memory_space<hbm>> -> memref<20000xf32, #tpu.memory_space<hbm>>
      %dma_wait3A_139 = tpu.memref_slice %arg2[%mul3A_0] : memref<320000xf32, #tpu.memory_space<hbm>> -> memref<20000xf32, #tpu.memory_space<hbm>>
      tpu.wait_dma2 semaphore(%run_scoped3A_137 : memref<!tpu.dma_semaphore, #tpu.memory_space<semaphore_mem>>) src(%dma_wait3A_139 : memref<20000xf32, #tpu.memory_space<hbm>>) dst(%arg10 : memref<20000xf32, #tpu.memory_space<vmem>>)
      tpu.yield
    }) : () -> ()
    "tpu.region"() ({
      %run_scoped3A_137 = tpu.sem_alloc : memref<!tpu.dma_semaphore, #tpu.memory_space<semaphore_mem>>
      %dma_start3A = tpu.memref_slice %arg3[%mul3A_0] : memref<320000xf32, #tpu.memory_space<hbm>> -> memref<20000xf32, #tpu.memory_space<hbm>>
      %dma_start3A_138 = tpu.memref_slice %arg3[%mul3A_0] : memref<320000xf32, #tpu.memory_space<hbm>> -> memref<20000xf32, #tpu.memory_space<hbm>>
      tpu.enqueue_dma source(%dma_start3A_138 : memref<20000xf32, #tpu.memory_space<hbm>>) target(%arg11 : memref<20000xf32, #tpu.memory_space<vmem>>) target_semaphore(%run_scoped3A_137 : memref<!tpu.dma_semaphore, #tpu.memory_space<semaphore_mem>>)
      %dma_wait3A = tpu.memref_slice %arg3[%mul3A_0] : memref<320000xf32, #tpu.memory_space<hbm>> -> memref<20000xf32, #tpu.memory_space<hbm>>
      %dma_wait3A_139 = tpu.memref_slice %arg3[%mul3A_0] : memref<320000xf32, #tpu.memory_space<hbm>> -> memref<20000xf32, #tpu.memory_space<hbm>>
      tpu.wait_dma2 semaphore(%run_scoped3A_137 : memref<!tpu.dma_semaphore, #tpu.memory_space<semaphore_mem>>) src(%dma_wait3A_139 : memref<20000xf32, #tpu.memory_space<hbm>>) dst(%arg11 : memref<20000xf32, #tpu.memory_space<vmem>>)
      tpu.yield
    }) : () -> ()
    "tpu.region"() ({
      %run_scoped3A_137 = tpu.sem_alloc : memref<!tpu.dma_semaphore, #tpu.memory_space<semaphore_mem>>
      %dma_start3A = tpu.memref_slice %arg4[%mul3A_0] : memref<320000xi32, #tpu.memory_space<hbm>> -> memref<20000xi32, #tpu.memory_space<hbm>>
      %dma_start3A_138 = tpu.memref_slice %arg4[%mul3A_0] : memref<320000xi32, #tpu.memory_space<hbm>> -> memref<20000xi32, #tpu.memory_space<hbm>>
      tpu.enqueue_dma source(%dma_start3A_138 : memref<20000xi32, #tpu.memory_space<hbm>>) target(%arg12 : memref<20000xi32, #tpu.memory_space<vmem>>) target_semaphore(%run_scoped3A_137 : memref<!tpu.dma_semaphore, #tpu.memory_space<semaphore_mem>>)
      %dma_wait3A = tpu.memref_slice %arg4[%mul3A_0] : memref<320000xi32, #tpu.memory_space<hbm>> -> memref<20000xi32, #tpu.memory_space<hbm>>
      %dma_wait3A_139 = tpu.memref_slice %arg4[%mul3A_0] : memref<320000xi32, #tpu.memory_space<hbm>> -> memref<20000xi32, #tpu.memory_space<hbm>>
      tpu.wait_dma2 semaphore(%run_scoped3A_137 : memref<!tpu.dma_semaphore, #tpu.memory_space<semaphore_mem>>) src(%dma_wait3A_139 : memref<20000xi32, #tpu.memory_space<hbm>>) dst(%arg12 : memref<20000xi32, #tpu.memory_space<vmem>>)
      tpu.yield
    }) : () -> ()
    "tpu.region"() ({
      %run_scoped3A_137 = tpu.sem_alloc : memref<!tpu.dma_semaphore, #tpu.memory_space<semaphore_mem>>
      tpu.enqueue_dma source(%arg5 : memref<16xf32, #tpu.memory_space<hbm>>) target(%arg19 : memref<16xf32, #tpu.memory_space<vmem>>) target_semaphore(%run_scoped3A_137 : memref<!tpu.dma_semaphore, #tpu.memory_space<semaphore_mem>>)
      tpu.wait_dma2 semaphore(%run_scoped3A_137 : memref<!tpu.dma_semaphore, #tpu.memory_space<semaphore_mem>>) src(%arg5 : memref<16xf32, #tpu.memory_space<hbm>>) dst(%arg19 : memref<16xf32, #tpu.memory_space<vmem>>)
      tpu.yield
    }) : () -> ()
    "tpu.region"() ({
      %run_scoped3A_137 = tpu.sem_alloc : memref<!tpu.dma_semaphore, #tpu.memory_space<semaphore_mem>>
      tpu.enqueue_dma source(%arg6 : memref<16xf32, #tpu.memory_space<hbm>>) target(%arg20 : memref<16xf32, #tpu.memory_space<vmem>>) target_semaphore(%run_scoped3A_137 : memref<!tpu.dma_semaphore, #tpu.memory_space<semaphore_mem>>)
      tpu.wait_dma2 semaphore(%run_scoped3A_137 : memref<!tpu.dma_semaphore, #tpu.memory_space<semaphore_mem>>) src(%arg6 : memref<16xf32, #tpu.memory_space<hbm>>) dst(%arg20 : memref<16xf32, #tpu.memory_space<vmem>>)
      tpu.yield
    }) : () -> ()
    %broadcast_in_dim3A = arith.constant 0.000000e+00 : f32
    %broadcast_in_dim3A_1 = vector.broadcast %broadcast_in_dim3A : f32 to vector<16xf32>
    %parallel_loop3A = arith.constant 0 : i32
    %parallel_loop3A_2 = arith.constant 640 : i32
    %parallel_loop3A_3 = arith.constant 1 : i32
    scf.for %parallel_loop3A_137 = %parallel_loop3A to %parallel_loop3A_2 step %parallel_loop3A_3  : i32 {
      %parallel_loop3A_138 = arith.constant 16 : i32
      %parallel_loop3A_139 = arith.muli %parallel_loop3A_137, %parallel_loop3A_138 : i32
      %parallel_loop3A_140 = arith.index_cast %parallel_loop3A_139 : i32 to index
      %parallel_loop3A_141 = tpu.vector_load %arg13[%parallel_loop3A_140] {strides = array<i32>} : memref<10240xf32, #tpu.memory_space<vmem>>, vector<16xf32>,
      tpu.vector_store %arg13[%parallel_loop3A_140], %broadcast_in_dim3A_1 {strides = array<i32>} : memref<10240xf32, #tpu.memory_space<vmem>>, vector<16xf32>,
      %parallel_loop3A_142 = arith.index_cast %parallel_loop3A_139 : i32 to index
      %parallel_loop3A_143 = tpu.vector_load %arg14[%parallel_loop3A_142] {strides = array<i32>} : memref<10240xf32, #tpu.memory_space<vmem>>, vector<16xf32>,
      tpu.vector_store %arg14[%parallel_loop3A_142], %broadcast_in_dim3A_1 {strides = array<i32>} : memref<10240xf32, #tpu.memory_space<vmem>>, vector<16xf32>,
    } {sc.loop_unroll_factor = 8 : i64, sc.parallel_access}
    %parallel_loop3A_4 = arith.constant 0 : i32
    %parallel_loop3A_5 = arith.constant 1250 : i32
    %parallel_loop3A_6 = arith.constant 1 : i32
    scf.for %parallel_loop3A_137 = %parallel_loop3A_4 to %parallel_loop3A_5 step %parallel_loop3A_6  : i32 {
      %parallel_loop3A_138 = arith.constant 16 : i32
      %parallel_loop3A_139 = arith.muli %parallel_loop3A_137, %parallel_loop3A_138 : i32
      %parallel_loop3A_140 = arith.index_cast %parallel_loop3A_139 : i32 to index
      %parallel_loop3A_141 = tpu.vector_load %arg10[%parallel_loop3A_140] {strides = array<i32>} : memref<20000xf32, #tpu.memory_space<vmem>>, vector<16xf32>,
      %parallel_loop3A_142 = math.exp %parallel_loop3A_141 : vector<16xf32>
      %parallel_loop3A_143 = arith.index_cast %parallel_loop3A_139 : i32 to index
      %parallel_loop3A_144 = tpu.vector_load %arg12[%parallel_loop3A_143] {strides = array<i32>} : memref<20000xi32, #tpu.memory_space<vmem>>, vector<16xi32>,
      tpu.vector_store_idx %arg14[%parallel_loop3A_144], %parallel_loop3A_142 {add = true} : memref<10240xf32, #tpu.memory_space<vmem>>[vector<16xi32>], vector<16xf32>,
      %parallel_loop3A_145 = arith.index_cast %parallel_loop3A_139 : i32 to index
      %parallel_loop3A_146 = tpu.vector_load %arg11[%parallel_loop3A_145] {strides = array<i32>} : memref<20000xf32, #tpu.memory_space<vmem>>, vector<16xf32>,
      %parallel_loop3A_147 = arith.mulf %parallel_loop3A_142, %parallel_loop3A_146 : vector<16xf32>
      tpu.vector_store_idx %arg13[%parallel_loop3A_144], %parallel_loop3A_147 {add = true} : memref<10240xf32, #tpu.memory_space<vmem>>[vector<16xi32>], vector<16xf32>,
    } {sc.loop_unroll_factor = 4 : i64, sc.parallel_access}
    "tpu.region"() ({
      %run_scoped3A_137 = tpu.sem_alloc : memref<!tpu.dma_semaphore, #tpu.memory_space<semaphore_mem>>
      %dma_start3A = arith.constant 0 : i32
      %dma_start3A_138 = tpu.memref_slice %arg21[%arg1, %dma_start3A] : memref<16x10240xf32, #tpu.memory_space<vmem_shared>> -> memref<1x10240xf32, #tpu.memory_space<vmem_shared>>
      %dma_start3A_139 = tpu.memref_squeeze %dma_start3A_138 : memref<1x10240xf32, #tpu.memory_space<vmem_shared>> -> memref<10240xf32, #tpu.memory_space<vmem_shared>>
      %dma_start3A_140 = arith.constant 0 : i32
      %dma_start3A_141 = tpu.memref_slice %arg21[%arg1, %dma_start3A_140] : memref<16x10240xf32, #tpu.memory_space<vmem_shared>> -> memref<1x10240xf32, #tpu.memory_space<vmem_shared>>
      %dma_start3A_142 = tpu.memref_squeeze %dma_start3A_141 : memref<1x10240xf32, #tpu.memory_space<vmem_shared>> -> memref<10240xf32, #tpu.memory_space<vmem_shared>>
      tpu.enqueue_dma source(%arg13 : memref<10240xf32, #tpu.memory_space<vmem>>) target(%dma_start3A_142 : memref<10240xf32, #tpu.memory_space<vmem_shared>>) target_semaphore(%run_scoped3A_137 : memref<!tpu.dma_semaphore, #tpu.memory_space<semaphore_mem>>)
      %dma_wait3A = arith.constant 0 : i32
      %dma_wait3A_143 = tpu.memref_slice %arg21[%arg1, %dma_wait3A] : memref<16x10240xf32, #tpu.memory_space<vmem_shared>> -> memref<1x10240xf32, #tpu.memory_space<vmem_shared>>
      %dma_wait3A_144 = tpu.memref_squeeze %dma_wait3A_143 : memref<1x10240xf32, #tpu.memory_space<vmem_shared>> -> memref<10240xf32, #tpu.memory_space<vmem_shared>>
      %dma_wait3A_145 = arith.constant 0 : i32
      %dma_wait3A_146 = tpu.memref_slice %arg21[%arg1, %dma_wait3A_145] : memref<16x10240xf32, #tpu.memory_space<vmem_shared>> -> memref<1x10240xf32, #tpu.memory_space<vmem_shared>>
      %dma_wait3A_147 = tpu.memref_squeeze %dma_wait3A_146 : memref<1x10240xf32, #tpu.memory_space<vmem_shared>> -> memref<10240xf32, #tpu.memory_space<vmem_shared>>
      tpu.wait_dma2 semaphore(%run_scoped3A_137 : memref<!tpu.dma_semaphore, #tpu.memory_space<semaphore_mem>>) src(%arg13 : memref<10240xf32, #tpu.memory_space<vmem>>) dst(%dma_wait3A_147 : memref<10240xf32, #tpu.memory_space<vmem_shared>>)
      tpu.yield
    }) : () -> ()
    "tpu.region"() ({
      %run_scoped3A_137 = tpu.sem_alloc : memref<!tpu.dma_semaphore, #tpu.memory_space<semaphore_mem>>
      %dma_start3A = arith.constant 0 : i32
      %dma_start3A_138 = tpu.memref_slice %arg22[%arg1, %dma_start3A] : memref<16x10240xf32, #tpu.memory_space<vmem_shared>> -> memref<1x10240xf32, #tpu.memory_space<vmem_shared>>
      %dma_start3A_139 = tpu.memref_squeeze %dma_start3A_138 : memref<1x10240xf32, #tpu.memory_space<vmem_shared>> -> memref<10240xf32, #tpu.memory_space<vmem_shared>>
      %dma_start3A_140 = arith.constant 0 : i32
      %dma_start3A_141 = tpu.memref_slice %arg22[%arg1, %dma_start3A_140] : memref<16x10240xf32, #tpu.memory_space<vmem_shared>> -> memref<1x10240xf32, #tpu.memory_space<vmem_shared>>
      %dma_start3A_142 = tpu.memref_squeeze %dma_start3A_141 : memref<1x10240xf32, #tpu.memory_space<vmem_shared>> -> memref<10240xf32, #tpu.memory_space<vmem_shared>>
      tpu.enqueue_dma source(%arg14 : memref<10240xf32, #tpu.memory_space<vmem>>) target(%dma_start3A_142 : memref<10240xf32, #tpu.memory_space<vmem_shared>>) target_semaphore(%run_scoped3A_137 : memref<!tpu.dma_semaphore, #tpu.memory_space<semaphore_mem>>)
      %dma_wait3A = arith.constant 0 : i32
      %dma_wait3A_143 = tpu.memref_slice %arg22[%arg1, %dma_wait3A] : memref<16x10240xf32, #tpu.memory_space<vmem_shared>> -> memref<1x10240xf32, #tpu.memory_space<vmem_shared>>
      %dma_wait3A_144 = tpu.memref_squeeze %dma_wait3A_143 : memref<1x10240xf32, #tpu.memory_space<vmem_shared>> -> memref<10240xf32, #tpu.memory_space<vmem_shared>>
      %dma_wait3A_145 = arith.constant 0 : i32
      %dma_wait3A_146 = tpu.memref_slice %arg22[%arg1, %dma_wait3A_145] : memref<16x10240xf32, #tpu.memory_space<vmem_shared>> -> memref<1x10240xf32, #tpu.memory_space<vmem_shared>>
      %dma_wait3A_147 = tpu.memref_squeeze %dma_wait3A_146 : memref<1x10240xf32, #tpu.memory_space<vmem_shared>> -> memref<10240xf32, #tpu.memory_space<vmem_shared>>
      tpu.wait_dma2 semaphore(%run_scoped3A_137 : memref<!tpu.dma_semaphore, #tpu.memory_space<semaphore_mem>>) src(%arg14 : memref<10240xf32, #tpu.memory_space<vmem>>) dst(%dma_wait3A_147 : memref<10240xf32, #tpu.memory_space<vmem_shared>>)
      tpu.yield
    }) : () -> ()
    %barrier3A = arith.constant 0 : index
    tpu.barrier barrier_id(%barrier3A)
    %mul3A_7 = arith.constant 640 : i32
    %mul3A_8 = arith.muli %arg1, %mul3A_7 : i32
    %run_scoped3A = arith.constant 0 : i32
    "tpu.region"() ({
      %run_scoped3A_137 = tpu.sem_alloc : memref<!tpu.dma_semaphore, #tpu.memory_space<semaphore_mem>>
      %dma_start3A = tpu.memref_slice %arg21[%run_scoped3A, %mul3A_8] : memref<16x10240xf32, #tpu.memory_space<vmem_shared>> -> memref<1x640xf32, #tpu.memory_space<vmem_shared>>
      %dma_start3A_138 = tpu.memref_squeeze %dma_start3A : memref<1x640xf32, #tpu.memory_space<vmem_shared>> -> memref<640xf32, #tpu.memory_space<vmem_shared>>
      %dma_start3A_139 = tpu.memref_slice %arg21[%run_scoped3A, %mul3A_8] : memref<16x10240xf32, #tpu.memory_space<vmem_shared>> -> memref<1x640xf32, #tpu.memory_space<vmem_shared>>
      %dma_start3A_140 = tpu.memref_squeeze %dma_start3A_139 : memref<1x640xf32, #tpu.memory_space<vmem_shared>> -> memref<640xf32, #tpu.memory_space<vmem_shared>>
      tpu.enqueue_dma source(%dma_start3A_140 : memref<640xf32, #tpu.memory_space<vmem_shared>>) target(%arg17 : memref<640xf32, #tpu.memory_space<vmem>>) target_semaphore(%run_scoped3A_137 : memref<!tpu.dma_semaphore, #tpu.memory_space<semaphore_mem>>)
      %dma_wait3A = tpu.memref_slice %arg21[%run_scoped3A, %mul3A_8] : memref<16x10240xf32, #tpu.memory_space<vmem_shared>> -> memref<1x640xf32, #tpu.memory_space<vmem_shared>>
      %dma_wait3A_141 = tpu.memref_squeeze %dma_wait3A : memref<1x640xf32, #tpu.memory_space<vmem_shared>> -> memref<640xf32, #tpu.memory_space<vmem_shared>>
      %dma_wait3A_142 = tpu.memref_slice %arg21[%run_scoped3A, %mul3A_8] : memref<16x10240xf32, #tpu.memory_space<vmem_shared>> -> memref<1x640xf32, #tpu.memory_space<vmem_shared>>
      %dma_wait3A_143 = tpu.memref_squeeze %dma_wait3A_142 : memref<1x640xf32, #tpu.memory_space<vmem_shared>> -> memref<640xf32, #tpu.memory_space<vmem_shared>>
      tpu.wait_dma2 semaphore(%run_scoped3A_137 : memref<!tpu.dma_semaphore, #tpu.memory_space<semaphore_mem>>) src(%dma_wait3A_143 : memref<640xf32, #tpu.memory_space<vmem_shared>>) dst(%arg17 : memref<640xf32, #tpu.memory_space<vmem>>)
      tpu.yield
    }) : () -> ()
    %run_scoped3A_9 = arith.constant 0 : i32
    "tpu.region"() ({
      %run_scoped3A_137 = tpu.sem_alloc : memref<!tpu.dma_semaphore, #tpu.memory_space<semaphore_mem>>
      %dma_start3A = tpu.memref_slice %arg22[%run_scoped3A_9, %mul3A_8] : memref<16x10240xf32, #tpu.memory_space<vmem_shared>> -> memref<1x640xf32, #tpu.memory_space<vmem_shared>>
      %dma_start3A_138 = tpu.memref_squeeze %dma_start3A : memref<1x640xf32, #tpu.memory_space<vmem_shared>> -> memref<640xf32, #tpu.memory_space<vmem_shared>>
      %dma_start3A_139 = tpu.memref_slice %arg22[%run_scoped3A_9, %mul3A_8] : memref<16x10240xf32, #tpu.memory_space<vmem_shared>> -> memref<1x640xf32, #tpu.memory_space<vmem_shared>>
      %dma_start3A_140 = tpu.memref_squeeze %dma_start3A_139 : memref<1x640xf32, #tpu.memory_space<vmem_shared>> -> memref<640xf32, #tpu.memory_space<vmem_shared>>
      tpu.enqueue_dma source(%dma_start3A_140 : memref<640xf32, #tpu.memory_space<vmem_shared>>) target(%arg18 : memref<640xf32, #tpu.memory_space<vmem>>) target_semaphore(%run_scoped3A_137 : memref<!tpu.dma_semaphore, #tpu.memory_space<semaphore_mem>>)
      %dma_wait3A = tpu.memref_slice %arg22[%run_scoped3A_9, %mul3A_8] : memref<16x10240xf32, #tpu.memory_space<vmem_shared>> -> memref<1x640xf32, #tpu.memory_space<vmem_shared>>
      %dma_wait3A_141 = tpu.memref_squeeze %dma_wait3A : memref<1x640xf32, #tpu.memory_space<vmem_shared>> -> memref<640xf32, #tpu.memory_space<vmem_shared>>
      %dma_wait3A_142 = tpu.memref_slice %arg22[%run_scoped3A_9, %mul3A_8] : memref<16x10240xf32, #tpu.memory_space<vmem_shared>> -> memref<1x640xf32, #tpu.memory_space<vmem_shared>>
      %dma_wait3A_143 = tpu.memref_squeeze %dma_wait3A_142 : memref<1x640xf32, #tpu.memory_space<vmem_shared>> -> memref<640xf32, #tpu.memory_space<vmem_shared>>
      tpu.wait_dma2 semaphore(%run_scoped3A_137 : memref<!tpu.dma_semaphore, #tpu.memory_space<semaphore_mem>>) src(%dma_wait3A_143 : memref<640xf32, #tpu.memory_space<vmem_shared>>) dst(%arg18 : memref<640xf32, #tpu.memory_space<vmem>>)
      tpu.yield
    }) : () -> ()
    %run_scoped3A_10 = arith.constant 1 : i32
    "tpu.region"() ({
      %run_scoped3A_137 = tpu.sem_alloc : memref<!tpu.dma_semaphore, #tpu.memory_space<semaphore_mem>>
      %dma_start3A = tpu.memref_slice %arg21[%run_scoped3A_10, %mul3A_8] : memref<16x10240xf32, #tpu.memory_space<vmem_shared>> -> memref<1x640xf32, #tpu.memory_space<vmem_shared>>
      %dma_start3A_138 = tpu.memref_squeeze %dma_start3A : memref<1x640xf32, #tpu.memory_space<vmem_shared>> -> memref<640xf32, #tpu.memory_space<vmem_shared>>
      %dma_start3A_139 = tpu.memref_slice %arg21[%run_scoped3A_10, %mul3A_8] : memref<16x10240xf32, #tpu.memory_space<vmem_shared>> -> memref<1x640xf32, #tpu.memory_space<vmem_shared>>
      %dma_start3A_140 = tpu.memref_squeeze %dma_start3A_139 : memref<1x640xf32, #tpu.memory_space<vmem_shared>> -> memref<640xf32, #tpu.memory_space<vmem_shared>>
      tpu.enqueue_dma source(%dma_start3A_140 : memref<640xf32, #tpu.memory_space<vmem_shared>>) target(%arg16 : memref<640xf32, #tpu.memory_space<vmem>>) target_semaphore(%run_scoped3A_137 : memref<!tpu.dma_semaphore, #tpu.memory_space<semaphore_mem>>)
      %dma_wait3A = tpu.memref_slice %arg21[%run_scoped3A_10, %mul3A_8] : memref<16x10240xf32, #tpu.memory_space<vmem_shared>> -> memref<1x640xf32, #tpu.memory_space<vmem_shared>>
      %dma_wait3A_141 = tpu.memref_squeeze %dma_wait3A : memref<1x640xf32, #tpu.memory_space<vmem_shared>> -> memref<640xf32, #tpu.memory_space<vmem_shared>>
      %dma_wait3A_142 = tpu.memref_slice %arg21[%run_scoped3A_10, %mul3A_8] : memref<16x10240xf32, #tpu.memory_space<vmem_shared>> -> memref<1x640xf32, #tpu.memory_space<vmem_shared>>
      %dma_wait3A_143 = tpu.memref_squeeze %dma_wait3A_142 : memref<1x640xf32, #tpu.memory_space<vmem_shared>> -> memref<640xf32, #tpu.memory_space<vmem_shared>>
      tpu.wait_dma2 semaphore(%run_scoped3A_137 : memref<!tpu.dma_semaphore, #tpu.memory_space<semaphore_mem>>) src(%dma_wait3A_143 : memref<640xf32, #tpu.memory_space<vmem_shared>>) dst(%arg16 : memref<640xf32, #tpu.memory_space<vmem>>)
      tpu.yield
    }) : () -> ()
    %parallel_loop3A_11 = arith.constant 0 : i32
    %parallel_loop3A_12 = arith.constant 40 : i32
    %parallel_loop3A_13 = arith.constant 1 : i32
    scf.for %parallel_loop3A_137 = %parallel_loop3A_11 to %parallel_loop3A_12 step %parallel_loop3A_13  : i32 {
      %parallel_loop3A_138 = arith.constant 16 : i32
      %parallel_loop3A_139 = arith.muli %parallel_loop3A_137, %parallel_loop3A_138 : i32
      %parallel_loop3A_140 = arith.index_cast %parallel_loop3A_139 : i32 to index
      %parallel_loop3A_141 = tpu.vector_load %arg17[%parallel_loop3A_140] {strides = array<i32>} : memref<640xf32, #tpu.memory_space<vmem>>, vector<16xf32>,
      %parallel_loop3A_142 = arith.index_cast %parallel_loop3A_139 : i32 to index
      %parallel_loop3A_143 = tpu.vector_load %arg16[%parallel_loop3A_142] {strides = array<i32>} : memref<640xf32, #tpu.memory_space<vmem>>, vector<16xf32>,
      %parallel_loop3A_144 = arith.addf %parallel_loop3A_141, %parallel_loop3A_143 : vector<16xf32>
      %parallel_loop3A_145 = arith.index_cast %parallel_loop3A_139 : i32 to index
      %parallel_loop3A_146 = tpu.vector_load %arg17[%parallel_loop3A_145] {strides = array<i32>} : memref<640xf32, #tpu.memory_space<vmem>>, vector<16xf32>,
      tpu.vector_store %arg17[%parallel_loop3A_145], %parallel_loop3A_144 {strides = array<i32>} : memref<640xf32, #tpu.memory_space<vmem>>, vector<16xf32>,
    } {sc.loop_unroll_factor = 8 : i64, sc.parallel_access}
    %run_scoped3A_14 = arith.constant 1 : i32
    "tpu.region"() ({
      %run_scoped3A_137 = tpu.sem_alloc : memref<!tpu.dma_semaphore, #tpu.memory_space<semaphore_mem>>
      %dma_start3A = tpu.memref_slice %arg22[%run_scoped3A_14, %mul3A_8] : memref<16x10240xf32, #tpu.memory_space<vmem_shared>> -> memref<1x640xf32, #tpu.memory_space<vmem_shared>>
      %dma_start3A_138 = tpu.memref_squeeze %dma_start3A : memref<1x640xf32, #tpu.memory_space<vmem_shared>> -> memref<640xf32, #tpu.memory_space<vmem_shared>>
      %dma_start3A_139 = tpu.memref_slice %arg22[%run_scoped3A_14, %mul3A_8] : memref<16x10240xf32, #tpu.memory_space<vmem_shared>> -> memref<1x640xf32, #tpu.memory_space<vmem_shared>>
      %dma_start3A_140 = tpu.memref_squeeze %dma_start3A_139 : memref<1x640xf32, #tpu.memory_space<vmem_shared>> -> memref<640xf32, #tpu.memory_space<vmem_shared>>
      tpu.enqueue_dma source(%dma_start3A_140 : memref<640xf32, #tpu.memory_space<vmem_shared>>) target(%arg16 : memref<640xf32, #tpu.memory_space<vmem>>) target_semaphore(%run_scoped3A_137 : memref<!tpu.dma_semaphore, #tpu.memory_space<semaphore_mem>>)
      %dma_wait3A = tpu.memref_slice %arg22[%run_scoped3A_14, %mul3A_8] : memref<16x10240xf32, #tpu.memory_space<vmem_shared>> -> memref<1x640xf32, #tpu.memory_space<vmem_shared>>
      %dma_wait3A_141 = tpu.memref_squeeze %dma_wait3A : memref<1x640xf32, #tpu.memory_space<vmem_shared>> -> memref<640xf32, #tpu.memory_space<vmem_shared>>
      %dma_wait3A_142 = tpu.memref_slice %arg22[%run_scoped3A_14, %mul3A_8] : memref<16x10240xf32, #tpu.memory_space<vmem_shared>> -> memref<1x640xf32, #tpu.memory_space<vmem_shared>>
      %dma_wait3A_143 = tpu.memref_squeeze %dma_wait3A_142 : memref<1x640xf32, #tpu.memory_space<vmem_shared>> -> memref<640xf32, #tpu.memory_space<vmem_shared>>
      tpu.wait_dma2 semaphore(%run_scoped3A_137 : memref<!tpu.dma_semaphore, #tpu.memory_space<semaphore_mem>>) src(%dma_wait3A_143 : memref<640xf32, #tpu.memory_space<vmem_shared>>) dst(%arg16 : memref<640xf32, #tpu.memory_space<vmem>>)
      tpu.yield
    }) : () -> ()
    %parallel_loop3A_15 = arith.constant 0 : i32
    %parallel_loop3A_16 = arith.constant 40 : i32
    %parallel_loop3A_17 = arith.constant 1 : i32
    scf.for %parallel_loop3A_137 = %parallel_loop3A_15 to %parallel_loop3A_16 step %parallel_loop3A_17  : i32 {
      %parallel_loop3A_138 = arith.constant 16 : i32
      %parallel_loop3A_139 = arith.muli %parallel_loop3A_137, %parallel_loop3A_138 : i32
      %parallel_loop3A_140 = arith.index_cast %parallel_loop3A_139 : i32 to index
      %parallel_loop3A_141 = tpu.vector_load %arg18[%parallel_loop3A_140] {strides = array<i32>} : memref<640xf32, #tpu.memory_space<vmem>>, vector<16xf32>,
      %parallel_loop3A_142 = arith.index_cast %parallel_loop3A_139 : i32 to index
      %parallel_loop3A_143 = tpu.vector_load %arg16[%parallel_loop3A_142] {strides = array<i32>} : memref<640xf32, #tpu.memory_space<vmem>>, vector<16xf32>,
      %parallel_loop3A_144 = arith.addf %parallel_loop3A_141, %parallel_loop3A_143 : vector<16xf32>
      %parallel_loop3A_145 = arith.index_cast %parallel_loop3A_139 : i32 to index
      %parallel_loop3A_146 = tpu.vector_load %arg18[%parallel_loop3A_145] {strides = array<i32>} : memref<640xf32, #tpu.memory_space<vmem>>, vector<16xf32>,
      tpu.vector_store %arg18[%parallel_loop3A_145], %parallel_loop3A_144 {strides = array<i32>} : memref<640xf32, #tpu.memory_space<vmem>>, vector<16xf32>,
    } {sc.loop_unroll_factor = 8 : i64, sc.parallel_access}
    %run_scoped3A_18 = arith.constant 2 : i32
    "tpu.region"() ({
      %run_scoped3A_137 = tpu.sem_alloc : memref<!tpu.dma_semaphore, #tpu.memory_space<semaphore_mem>>
      %dma_start3A = tpu.memref_slice %arg21[%run_scoped3A_18, %mul3A_8] : memref<16x10240xf32, #tpu.memory_space<vmem_shared>> -> memref<1x640xf32, #tpu.memory_space<vmem_shared>>
      %dma_start3A_138 = tpu.memref_squeeze %dma_start3A : memref<1x640xf32, #tpu.memory_space<vmem_shared>> -> memref<640xf32, #tpu.memory_space<vmem_shared>>
      %dma_start3A_139 = tpu.memref_slice %arg21[%run_scoped3A_18, %mul3A_8] : memref<16x10240xf32, #tpu.memory_space<vmem_shared>> -> memref<1x640xf32, #tpu.memory_space<vmem_shared>>
      %dma_start3A_140 = tpu.memref_squeeze %dma_start3A_139 : memref<1x640xf32, #tpu.memory_space<vmem_shared>> -> memref<640xf32, #tpu.memory_space<vmem_shared>>
      tpu.enqueue_dma source(%dma_start3A_140 : memref<640xf32, #tpu.memory_space<vmem_shared>>) target(%arg16 : memref<640xf32, #tpu.memory_space<vmem>>) target_semaphore(%run_scoped3A_137 : memref<!tpu.dma_semaphore, #tpu.memory_space<semaphore_mem>>)
      %dma_wait3A = tpu.memref_slice %arg21[%run_scoped3A_18, %mul3A_8] : memref<16x10240xf32, #tpu.memory_space<vmem_shared>> -> memref<1x640xf32, #tpu.memory_space<vmem_shared>>
      %dma_wait3A_141 = tpu.memref_squeeze %dma_wait3A : memref<1x640xf32, #tpu.memory_space<vmem_shared>> -> memref<640xf32, #tpu.memory_space<vmem_shared>>
      %dma_wait3A_142 = tpu.memref_slice %arg21[%run_scoped3A_18, %mul3A_8] : memref<16x10240xf32, #tpu.memory_space<vmem_shared>> -> memref<1x640xf32, #tpu.memory_space<vmem_shared>>
      %dma_wait3A_143 = tpu.memref_squeeze %dma_wait3A_142 : memref<1x640xf32, #tpu.memory_space<vmem_shared>> -> memref<640xf32, #tpu.memory_space<vmem_shared>>
      tpu.wait_dma2 semaphore(%run_scoped3A_137 : memref<!tpu.dma_semaphore, #tpu.memory_space<semaphore_mem>>) src(%dma_wait3A_143 : memref<640xf32, #tpu.memory_space<vmem_shared>>) dst(%arg16 : memref<640xf32, #tpu.memory_space<vmem>>)
      tpu.yield
    }) : () -> ()
    %parallel_loop3A_19 = arith.constant 0 : i32
    %parallel_loop3A_20 = arith.constant 40 : i32
    %parallel_loop3A_21 = arith.constant 1 : i32
    scf.for %parallel_loop3A_137 = %parallel_loop3A_19 to %parallel_loop3A_20 step %parallel_loop3A_21  : i32 {
      %parallel_loop3A_138 = arith.constant 16 : i32
      %parallel_loop3A_139 = arith.muli %parallel_loop3A_137, %parallel_loop3A_138 : i32
      %parallel_loop3A_140 = arith.index_cast %parallel_loop3A_139 : i32 to index
      %parallel_loop3A_141 = tpu.vector_load %arg17[%parallel_loop3A_140] {strides = array<i32>} : memref<640xf32, #tpu.memory_space<vmem>>, vector<16xf32>,
      %parallel_loop3A_142 = arith.index_cast %parallel_loop3A_139 : i32 to index
      %parallel_loop3A_143 = tpu.vector_load %arg16[%parallel_loop3A_142] {strides = array<i32>} : memref<640xf32, #tpu.memory_space<vmem>>, vector<16xf32>,
      %parallel_loop3A_144 = arith.addf %parallel_loop3A_141, %parallel_loop3A_143 : vector<16xf32>
      %parallel_loop3A_145 = arith.index_cast %parallel_loop3A_139 : i32 to index
      %parallel_loop3A_146 = tpu.vector_load %arg17[%parallel_loop3A_145] {strides = array<i32>} : memref<640xf32, #tpu.memory_space<vmem>>, vector<16xf32>,
      tpu.vector_store %arg17[%parallel_loop3A_145], %parallel_loop3A_144 {strides = array<i32>} : memref<640xf32, #tpu.memory_space<vmem>>, vector<16xf32>,
    } {sc.loop_unroll_factor = 8 : i64, sc.parallel_access}
    %run_scoped3A_22 = arith.constant 2 : i32
    "tpu.region"() ({
      %run_scoped3A_137 = tpu.sem_alloc : memref<!tpu.dma_semaphore, #tpu.memory_space<semaphore_mem>>
      %dma_start3A = tpu.memref_slice %arg22[%run_scoped3A_22, %mul3A_8] : memref<16x10240xf32, #tpu.memory_space<vmem_shared>> -> memref<1x640xf32, #tpu.memory_space<vmem_shared>>
      %dma_start3A_138 = tpu.memref_squeeze %dma_start3A : memref<1x640xf32, #tpu.memory_space<vmem_shared>> -> memref<640xf32, #tpu.memory_space<vmem_shared>>
      %dma_start3A_139 = tpu.memref_slice %arg22[%run_scoped3A_22, %mul3A_8] : memref<16x10240xf32, #tpu.memory_space<vmem_shared>> -> memref<1x640xf32, #tpu.memory_space<vmem_shared>>
      %dma_start3A_140 = tpu.memref_squeeze %dma_start3A_139 : memref<1x640xf32, #tpu.memory_space<vmem_shared>> -> memref<640xf32, #tpu.memory_space<vmem_shared>>
      tpu.enqueue_dma source(%dma_start3A_140 : memref<640xf32, #tpu.memory_space<vmem_shared>>) target(%arg16 : memref<640xf32, #tpu.memory_space<vmem>>) target_semaphore(%run_scoped3A_137 : memref<!tpu.dma_semaphore, #tpu.memory_space<semaphore_mem>>)
      %dma_wait3A = tpu.memref_slice %arg22[%run_scoped3A_22, %mul3A_8] : memref<16x10240xf32, #tpu.memory_space<vmem_shared>> -> memref<1x640xf32, #tpu.memory_space<vmem_shared>>
      %dma_wait3A_141 = tpu.memref_squeeze %dma_wait3A : memref<1x640xf32, #tpu.memory_space<vmem_shared>> -> memref<640xf32, #tpu.memory_space<vmem_shared>>
      %dma_wait3A_142 = tpu.memref_slice %arg22[%run_scoped3A_22, %mul3A_8] : memref<16x10240xf32, #tpu.memory_space<vmem_shared>> -> memref<1x640xf32, #tpu.memory_space<vmem_shared>>
      %dma_wait3A_143 = tpu.memref_squeeze %dma_wait3A_142 : memref<1x640xf32, #tpu.memory_space<vmem_shared>> -> memref<640xf32, #tpu.memory_space<vmem_shared>>
      tpu.wait_dma2 semaphore(%run_scoped3A_137 : memref<!tpu.dma_semaphore, #tpu.memory_space<semaphore_mem>>) src(%dma_wait3A_143 : memref<640xf32, #tpu.memory_space<vmem_shared>>) dst(%arg16 : memref<640xf32, #tpu.memory_space<vmem>>)
      tpu.yield
    }) : () -> ()
    %parallel_loop3A_23 = arith.constant 0 : i32
    %parallel_loop3A_24 = arith.constant 40 : i32
    %parallel_loop3A_25 = arith.constant 1 : i32
    scf.for %parallel_loop3A_137 = %parallel_loop3A_23 to %parallel_loop3A_24 step %parallel_loop3A_25  : i32 {
      %parallel_loop3A_138 = arith.constant 16 : i32
      %parallel_loop3A_139 = arith.muli %parallel_loop3A_137, %parallel_loop3A_138 : i32
      %parallel_loop3A_140 = arith.index_cast %parallel_loop3A_139 : i32 to index
      %parallel_loop3A_141 = tpu.vector_load %arg18[%parallel_loop3A_140] {strides = array<i32>} : memref<640xf32, #tpu.memory_space<vmem>>, vector<16xf32>,
      %parallel_loop3A_142 = arith.index_cast %parallel_loop3A_139 : i32 to index
      %parallel_loop3A_143 = tpu.vector_load %arg16[%parallel_loop3A_142] {strides = array<i32>} : memref<640xf32, #tpu.memory_space<vmem>>, vector<16xf32>,
      %parallel_loop3A_144 = arith.addf %parallel_loop3A_141, %parallel_loop3A_143 : vector<16xf32>
      %parallel_loop3A_145 = arith.index_cast %parallel_loop3A_139 : i32 to index
      %parallel_loop3A_146 = tpu.vector_load %arg18[%parallel_loop3A_145] {strides = array<i32>} : memref<640xf32, #tpu.memory_space<vmem>>, vector<16xf32>,
      tpu.vector_store %arg18[%parallel_loop3A_145], %parallel_loop3A_144 {strides = array<i32>} : memref<640xf32, #tpu.memory_space<vmem>>, vector<16xf32>,
    } {sc.loop_unroll_factor = 8 : i64, sc.parallel_access}
    %run_scoped3A_26 = arith.constant 3 : i32
    "tpu.region"() ({
      %run_scoped3A_137 = tpu.sem_alloc : memref<!tpu.dma_semaphore, #tpu.memory_space<semaphore_mem>>
      %dma_start3A = tpu.memref_slice %arg21[%run_scoped3A_26, %mul3A_8] : memref<16x10240xf32, #tpu.memory_space<vmem_shared>> -> memref<1x640xf32, #tpu.memory_space<vmem_shared>>
      %dma_start3A_138 = tpu.memref_squeeze %dma_start3A : memref<1x640xf32, #tpu.memory_space<vmem_shared>> -> memref<640xf32, #tpu.memory_space<vmem_shared>>
      %dma_start3A_139 = tpu.memref_slice %arg21[%run_scoped3A_26, %mul3A_8] : memref<16x10240xf32, #tpu.memory_space<vmem_shared>> -> memref<1x640xf32, #tpu.memory_space<vmem_shared>>
      %dma_start3A_140 = tpu.memref_squeeze %dma_start3A_139 : memref<1x640xf32, #tpu.memory_space<vmem_shared>> -> memref<640xf32, #tpu.memory_space<vmem_shared>>
      tpu.enqueue_dma source(%dma_start3A_140 : memref<640xf32, #tpu.memory_space<vmem_shared>>) target(%arg16 : memref<640xf32, #tpu.memory_space<vmem>>) target_semaphore(%run_scoped3A_137 : memref<!tpu.dma_semaphore, #tpu.memory_space<semaphore_mem>>)
      %dma_wait3A = tpu.memref_slice %arg21[%run_scoped3A_26, %mul3A_8] : memref<16x10240xf32, #tpu.memory_space<vmem_shared>> -> memref<1x640xf32, #tpu.memory_space<vmem_shared>>
      %dma_wait3A_141 = tpu.memref_squeeze %dma_wait3A : memref<1x640xf32, #tpu.memory_space<vmem_shared>> -> memref<640xf32, #tpu.memory_space<vmem_shared>>
      %dma_wait3A_142 = tpu.memref_slice %arg21[%run_scoped3A_26, %mul3A_8] : memref<16x10240xf32, #tpu.memory_space<vmem_shared>> -> memref<1x640xf32, #tpu.memory_space<vmem_shared>>
      %dma_wait3A_143 = tpu.memref_squeeze %dma_wait3A_142 : memref<1x640xf32, #tpu.memory_space<vmem_shared>> -> memref<640xf32, #tpu.memory_space<vmem_shared>>
      tpu.wait_dma2 semaphore(%run_scoped3A_137 : memref<!tpu.dma_semaphore, #tpu.memory_space<semaphore_mem>>) src(%dma_wait3A_143 : memref<640xf32, #tpu.memory_space<vmem_shared>>) dst(%arg16 : memref<640xf32, #tpu.memory_space<vmem>>)
      tpu.yield
    }) : () -> ()
    %parallel_loop3A_27 = arith.constant 0 : i32
    %parallel_loop3A_28 = arith.constant 40 : i32
    %parallel_loop3A_29 = arith.constant 1 : i32
    scf.for %parallel_loop3A_137 = %parallel_loop3A_27 to %parallel_loop3A_28 step %parallel_loop3A_29  : i32 {
      %parallel_loop3A_138 = arith.constant 16 : i32
      %parallel_loop3A_139 = arith.muli %parallel_loop3A_137, %parallel_loop3A_138 : i32
      %parallel_loop3A_140 = arith.index_cast %parallel_loop3A_139 : i32 to index
      %parallel_loop3A_141 = tpu.vector_load %arg17[%parallel_loop3A_140] {strides = array<i32>} : memref<640xf32, #tpu.memory_space<vmem>>, vector<16xf32>,
      %parallel_loop3A_142 = arith.index_cast %parallel_loop3A_139 : i32 to index
      %parallel_loop3A_143 = tpu.vector_load %arg16[%parallel_loop3A_142] {strides = array<i32>} : memref<640xf32, #tpu.memory_space<vmem>>, vector<16xf32>,
      %parallel_loop3A_144 = arith.addf %parallel_loop3A_141, %parallel_loop3A_143 : vector<16xf32>
      %parallel_loop3A_145 = arith.index_cast %parallel_loop3A_139 : i32 to index
      %parallel_loop3A_146 = tpu.vector_load %arg17[%parallel_loop3A_145] {strides = array<i32>} : memref<640xf32, #tpu.memory_space<vmem>>, vector<16xf32>,
      tpu.vector_store %arg17[%parallel_loop3A_145], %parallel_loop3A_144 {strides = array<i32>} : memref<640xf32, #tpu.memory_space<vmem>>, vector<16xf32>,
    } {sc.loop_unroll_factor = 8 : i64, sc.parallel_access}
    %run_scoped3A_30 = arith.constant 3 : i32
    "tpu.region"() ({
      %run_scoped3A_137 = tpu.sem_alloc : memref<!tpu.dma_semaphore, #tpu.memory_space<semaphore_mem>>
      %dma_start3A = tpu.memref_slice %arg22[%run_scoped3A_30, %mul3A_8] : memref<16x10240xf32, #tpu.memory_space<vmem_shared>> -> memref<1x640xf32, #tpu.memory_space<vmem_shared>>
      %dma_start3A_138 = tpu.memref_squeeze %dma_start3A : memref<1x640xf32, #tpu.memory_space<vmem_shared>> -> memref<640xf32, #tpu.memory_space<vmem_shared>>
      %dma_start3A_139 = tpu.memref_slice %arg22[%run_scoped3A_30, %mul3A_8] : memref<16x10240xf32, #tpu.memory_space<vmem_shared>> -> memref<1x640xf32, #tpu.memory_space<vmem_shared>>
      %dma_start3A_140 = tpu.memref_squeeze %dma_start3A_139 : memref<1x640xf32, #tpu.memory_space<vmem_shared>> -> memref<640xf32, #tpu.memory_space<vmem_shared>>
      tpu.enqueue_dma source(%dma_start3A_140 : memref<640xf32, #tpu.memory_space<vmem_shared>>) target(%arg16 : memref<640xf32, #tpu.memory_space<vmem>>) target_semaphore(%run_scoped3A_137 : memref<!tpu.dma_semaphore, #tpu.memory_space<semaphore_mem>>)
      %dma_wait3A = tpu.memref_slice %arg22[%run_scoped3A_30, %mul3A_8] : memref<16x10240xf32, #tpu.memory_space<vmem_shared>> -> memref<1x640xf32, #tpu.memory_space<vmem_shared>>
      %dma_wait3A_141 = tpu.memref_squeeze %dma_wait3A : memref<1x640xf32, #tpu.memory_space<vmem_shared>> -> memref<640xf32, #tpu.memory_space<vmem_shared>>
      %dma_wait3A_142 = tpu.memref_slice %arg22[%run_scoped3A_30, %mul3A_8] : memref<16x10240xf32, #tpu.memory_space<vmem_shared>> -> memref<1x640xf32, #tpu.memory_space<vmem_shared>>
      %dma_wait3A_143 = tpu.memref_squeeze %dma_wait3A_142 : memref<1x640xf32, #tpu.memory_space<vmem_shared>> -> memref<640xf32, #tpu.memory_space<vmem_shared>>
      tpu.wait_dma2 semaphore(%run_scoped3A_137 : memref<!tpu.dma_semaphore, #tpu.memory_space<semaphore_mem>>) src(%dma_wait3A_143 : memref<640xf32, #tpu.memory_space<vmem_shared>>) dst(%arg16 : memref<640xf32, #tpu.memory_space<vmem>>)
      tpu.yield
    }) : () -> ()
    %parallel_loop3A_31 = arith.constant 0 : i32
    %parallel_loop3A_32 = arith.constant 40 : i32
    %parallel_loop3A_33 = arith.constant 1 : i32
    scf.for %parallel_loop3A_137 = %parallel_loop3A_31 to %parallel_loop3A_32 step %parallel_loop3A_33  : i32 {
      %parallel_loop3A_138 = arith.constant 16 : i32
      %parallel_loop3A_139 = arith.muli %parallel_loop3A_137, %parallel_loop3A_138 : i32
      %parallel_loop3A_140 = arith.index_cast %parallel_loop3A_139 : i32 to index
      %parallel_loop3A_141 = tpu.vector_load %arg18[%parallel_loop3A_140] {strides = array<i32>} : memref<640xf32, #tpu.memory_space<vmem>>, vector<16xf32>,
      %parallel_loop3A_142 = arith.index_cast %parallel_loop3A_139 : i32 to index
      %parallel_loop3A_143 = tpu.vector_load %arg16[%parallel_loop3A_142] {strides = array<i32>} : memref<640xf32, #tpu.memory_space<vmem>>, vector<16xf32>,
      %parallel_loop3A_144 = arith.addf %parallel_loop3A_141, %parallel_loop3A_143 : vector<16xf32>
      %parallel_loop3A_145 = arith.index_cast %parallel_loop3A_139 : i32 to index
      %parallel_loop3A_146 = tpu.vector_load %arg18[%parallel_loop3A_145] {strides = array<i32>} : memref<640xf32, #tpu.memory_space<vmem>>, vector<16xf32>,
      tpu.vector_store %arg18[%parallel_loop3A_145], %parallel_loop3A_144 {strides = array<i32>} : memref<640xf32, #tpu.memory_space<vmem>>, vector<16xf32>,
    } {sc.loop_unroll_factor = 8 : i64, sc.parallel_access}
    %run_scoped3A_34 = arith.constant 4 : i32
    "tpu.region"() ({
      %run_scoped3A_137 = tpu.sem_alloc : memref<!tpu.dma_semaphore, #tpu.memory_space<semaphore_mem>>
      %dma_start3A = tpu.memref_slice %arg21[%run_scoped3A_34, %mul3A_8] : memref<16x10240xf32, #tpu.memory_space<vmem_shared>> -> memref<1x640xf32, #tpu.memory_space<vmem_shared>>
      %dma_start3A_138 = tpu.memref_squeeze %dma_start3A : memref<1x640xf32, #tpu.memory_space<vmem_shared>> -> memref<640xf32, #tpu.memory_space<vmem_shared>>
      %dma_start3A_139 = tpu.memref_slice %arg21[%run_scoped3A_34, %mul3A_8] : memref<16x10240xf32, #tpu.memory_space<vmem_shared>> -> memref<1x640xf32, #tpu.memory_space<vmem_shared>>
      %dma_start3A_140 = tpu.memref_squeeze %dma_start3A_139 : memref<1x640xf32, #tpu.memory_space<vmem_shared>> -> memref<640xf32, #tpu.memory_space<vmem_shared>>
      tpu.enqueue_dma source(%dma_start3A_140 : memref<640xf32, #tpu.memory_space<vmem_shared>>) target(%arg16 : memref<640xf32, #tpu.memory_space<vmem>>) target_semaphore(%run_scoped3A_137 : memref<!tpu.dma_semaphore, #tpu.memory_space<semaphore_mem>>)
      %dma_wait3A = tpu.memref_slice %arg21[%run_scoped3A_34, %mul3A_8] : memref<16x10240xf32, #tpu.memory_space<vmem_shared>> -> memref<1x640xf32, #tpu.memory_space<vmem_shared>>
      %dma_wait3A_141 = tpu.memref_squeeze %dma_wait3A : memref<1x640xf32, #tpu.memory_space<vmem_shared>> -> memref<640xf32, #tpu.memory_space<vmem_shared>>
      %dma_wait3A_142 = tpu.memref_slice %arg21[%run_scoped3A_34, %mul3A_8] : memref<16x10240xf32, #tpu.memory_space<vmem_shared>> -> memref<1x640xf32, #tpu.memory_space<vmem_shared>>
      %dma_wait3A_143 = tpu.memref_squeeze %dma_wait3A_142 : memref<1x640xf32, #tpu.memory_space<vmem_shared>> -> memref<640xf32, #tpu.memory_space<vmem_shared>>
      tpu.wait_dma2 semaphore(%run_scoped3A_137 : memref<!tpu.dma_semaphore, #tpu.memory_space<semaphore_mem>>) src(%dma_wait3A_143 : memref<640xf32, #tpu.memory_space<vmem_shared>>) dst(%arg16 : memref<640xf32, #tpu.memory_space<vmem>>)
      tpu.yield
    }) : () -> ()
    %parallel_loop3A_35 = arith.constant 0 : i32
    %parallel_loop3A_36 = arith.constant 40 : i32
    %parallel_loop3A_37 = arith.constant 1 : i32
    scf.for %parallel_loop3A_137 = %parallel_loop3A_35 to %parallel_loop3A_36 step %parallel_loop3A_37  : i32 {
      %parallel_loop3A_138 = arith.constant 16 : i32
      %parallel_loop3A_139 = arith.muli %parallel_loop3A_137, %parallel_loop3A_138 : i32
      %parallel_loop3A_140 = arith.index_cast %parallel_loop3A_139 : i32 to index
      %parallel_loop3A_141 = tpu.vector_load %arg17[%parallel_loop3A_140] {strides = array<i32>} : memref<640xf32, #tpu.memory_space<vmem>>, vector<16xf32>,
      %parallel_loop3A_142 = arith.index_cast %parallel_loop3A_139 : i32 to index
      %parallel_loop3A_143 = tpu.vector_load %arg16[%parallel_loop3A_142] {strides = array<i32>} : memref<640xf32, #tpu.memory_space<vmem>>, vector<16xf32>,
      %parallel_loop3A_144 = arith.addf %parallel_loop3A_141, %parallel_loop3A_143 : vector<16xf32>
      %parallel_loop3A_145 = arith.index_cast %parallel_loop3A_139 : i32 to index
      %parallel_loop3A_146 = tpu.vector_load %arg17[%parallel_loop3A_145] {strides = array<i32>} : memref<640xf32, #tpu.memory_space<vmem>>, vector<16xf32>,
      tpu.vector_store %arg17[%parallel_loop3A_145], %parallel_loop3A_144 {strides = array<i32>} : memref<640xf32, #tpu.memory_space<vmem>>, vector<16xf32>,
    } {sc.loop_unroll_factor = 8 : i64, sc.parallel_access}
    %run_scoped3A_38 = arith.constant 4 : i32
    "tpu.region"() ({
      %run_scoped3A_137 = tpu.sem_alloc : memref<!tpu.dma_semaphore, #tpu.memory_space<semaphore_mem>>
      %dma_start3A = tpu.memref_slice %arg22[%run_scoped3A_38, %mul3A_8] : memref<16x10240xf32, #tpu.memory_space<vmem_shared>> -> memref<1x640xf32, #tpu.memory_space<vmem_shared>>
      %dma_start3A_138 = tpu.memref_squeeze %dma_start3A : memref<1x640xf32, #tpu.memory_space<vmem_shared>> -> memref<640xf32, #tpu.memory_space<vmem_shared>>
      %dma_start3A_139 = tpu.memref_slice %arg22[%run_scoped3A_38, %mul3A_8] : memref<16x10240xf32, #tpu.memory_space<vmem_shared>> -> memref<1x640xf32, #tpu.memory_space<vmem_shared>>
      %dma_start3A_140 = tpu.memref_squeeze %dma_start3A_139 : memref<1x640xf32, #tpu.memory_space<vmem_shared>> -> memref<640xf32, #tpu.memory_space<vmem_shared>>
      tpu.enqueue_dma source(%dma_start3A_140 : memref<640xf32, #tpu.memory_space<vmem_shared>>) target(%arg16 : memref<640xf32, #tpu.memory_space<vmem>>) target_semaphore(%run_scoped3A_137 : memref<!tpu.dma_semaphore, #tpu.memory_space<semaphore_mem>>)
      %dma_wait3A = tpu.memref_slice %arg22[%run_scoped3A_38, %mul3A_8] : memref<16x10240xf32, #tpu.memory_space<vmem_shared>> -> memref<1x640xf32, #tpu.memory_space<vmem_shared>>
      %dma_wait3A_141 = tpu.memref_squeeze %dma_wait3A : memref<1x640xf32, #tpu.memory_space<vmem_shared>> -> memref<640xf32, #tpu.memory_space<vmem_shared>>
      %dma_wait3A_142 = tpu.memref_slice %arg22[%run_scoped3A_38, %mul3A_8] : memref<16x10240xf32, #tpu.memory_space<vmem_shared>> -> memref<1x640xf32, #tpu.memory_space<vmem_shared>>
      %dma_wait3A_143 = tpu.memref_squeeze %dma_wait3A_142 : memref<1x640xf32, #tpu.memory_space<vmem_shared>> -> memref<640xf32, #tpu.memory_space<vmem_shared>>
      tpu.wait_dma2 semaphore(%run_scoped3A_137 : memref<!tpu.dma_semaphore, #tpu.memory_space<semaphore_mem>>) src(%dma_wait3A_143 : memref<640xf32, #tpu.memory_space<vmem_shared>>) dst(%arg16 : memref<640xf32, #tpu.memory_space<vmem>>)
      tpu.yield
    }) : () -> ()
    %parallel_loop3A_39 = arith.constant 0 : i32
    %parallel_loop3A_40 = arith.constant 40 : i32
    %parallel_loop3A_41 = arith.constant 1 : i32
    scf.for %parallel_loop3A_137 = %parallel_loop3A_39 to %parallel_loop3A_40 step %parallel_loop3A_41  : i32 {
      %parallel_loop3A_138 = arith.constant 16 : i32
      %parallel_loop3A_139 = arith.muli %parallel_loop3A_137, %parallel_loop3A_138 : i32
      %parallel_loop3A_140 = arith.index_cast %parallel_loop3A_139 : i32 to index
      %parallel_loop3A_141 = tpu.vector_load %arg18[%parallel_loop3A_140] {strides = array<i32>} : memref<640xf32, #tpu.memory_space<vmem>>, vector<16xf32>,
      %parallel_loop3A_142 = arith.index_cast %parallel_loop3A_139 : i32 to index
      %parallel_loop3A_143 = tpu.vector_load %arg16[%parallel_loop3A_142] {strides = array<i32>} : memref<640xf32, #tpu.memory_space<vmem>>, vector<16xf32>,
      %parallel_loop3A_144 = arith.addf %parallel_loop3A_141, %parallel_loop3A_143 : vector<16xf32>
      %parallel_loop3A_145 = arith.index_cast %parallel_loop3A_139 : i32 to index
      %parallel_loop3A_146 = tpu.vector_load %arg18[%parallel_loop3A_145] {strides = array<i32>} : memref<640xf32, #tpu.memory_space<vmem>>, vector<16xf32>,
      tpu.vector_store %arg18[%parallel_loop3A_145], %parallel_loop3A_144 {strides = array<i32>} : memref<640xf32, #tpu.memory_space<vmem>>, vector<16xf32>,
    } {sc.loop_unroll_factor = 8 : i64, sc.parallel_access}
    %run_scoped3A_42 = arith.constant 5 : i32
    "tpu.region"() ({
      %run_scoped3A_137 = tpu.sem_alloc : memref<!tpu.dma_semaphore, #tpu.memory_space<semaphore_mem>>
      %dma_start3A = tpu.memref_slice %arg21[%run_scoped3A_42, %mul3A_8] : memref<16x10240xf32, #tpu.memory_space<vmem_shared>> -> memref<1x640xf32, #tpu.memory_space<vmem_shared>>
      %dma_start3A_138 = tpu.memref_squeeze %dma_start3A : memref<1x640xf32, #tpu.memory_space<vmem_shared>> -> memref<640xf32, #tpu.memory_space<vmem_shared>>
      %dma_start3A_139 = tpu.memref_slice %arg21[%run_scoped3A_42, %mul3A_8] : memref<16x10240xf32, #tpu.memory_space<vmem_shared>> -> memref<1x640xf32, #tpu.memory_space<vmem_shared>>
      %dma_start3A_140 = tpu.memref_squeeze %dma_start3A_139 : memref<1x640xf32, #tpu.memory_space<vmem_shared>> -> memref<640xf32, #tpu.memory_space<vmem_shared>>
      tpu.enqueue_dma source(%dma_start3A_140 : memref<640xf32, #tpu.memory_space<vmem_shared>>) target(%arg16 : memref<640xf32, #tpu.memory_space<vmem>>) target_semaphore(%run_scoped3A_137 : memref<!tpu.dma_semaphore, #tpu.memory_space<semaphore_mem>>)
      %dma_wait3A = tpu.memref_slice %arg21[%run_scoped3A_42, %mul3A_8] : memref<16x10240xf32, #tpu.memory_space<vmem_shared>> -> memref<1x640xf32, #tpu.memory_space<vmem_shared>>
      %dma_wait3A_141 = tpu.memref_squeeze %dma_wait3A : memref<1x640xf32, #tpu.memory_space<vmem_shared>> -> memref<640xf32, #tpu.memory_space<vmem_shared>>
      %dma_wait3A_142 = tpu.memref_slice %arg21[%run_scoped3A_42, %mul3A_8] : memref<16x10240xf32, #tpu.memory_space<vmem_shared>> -> memref<1x640xf32, #tpu.memory_space<vmem_shared>>
      %dma_wait3A_143 = tpu.memref_squeeze %dma_wait3A_142 : memref<1x640xf32, #tpu.memory_space<vmem_shared>> -> memref<640xf32, #tpu.memory_space<vmem_shared>>
      tpu.wait_dma2 semaphore(%run_scoped3A_137 : memref<!tpu.dma_semaphore, #tpu.memory_space<semaphore_mem>>) src(%dma_wait3A_143 : memref<640xf32, #tpu.memory_space<vmem_shared>>) dst(%arg16 : memref<640xf32, #tpu.memory_space<vmem>>)
      tpu.yield
    }) : () -> ()
    %parallel_loop3A_43 = arith.constant 0 : i32
    %parallel_loop3A_44 = arith.constant 40 : i32
    %parallel_loop3A_45 = arith.constant 1 : i32
    scf.for %parallel_loop3A_137 = %parallel_loop3A_43 to %parallel_loop3A_44 step %parallel_loop3A_45  : i32 {
      %parallel_loop3A_138 = arith.constant 16 : i32
      %parallel_loop3A_139 = arith.muli %parallel_loop3A_137, %parallel_loop3A_138 : i32
      %parallel_loop3A_140 = arith.index_cast %parallel_loop3A_139 : i32 to index
      %parallel_loop3A_141 = tpu.vector_load %arg17[%parallel_loop3A_140] {strides = array<i32>} : memref<640xf32, #tpu.memory_space<vmem>>, vector<16xf32>,
      %parallel_loop3A_142 = arith.index_cast %parallel_loop3A_139 : i32 to index
      %parallel_loop3A_143 = tpu.vector_load %arg16[%parallel_loop3A_142] {strides = array<i32>} : memref<640xf32, #tpu.memory_space<vmem>>, vector<16xf32>,
      %parallel_loop3A_144 = arith.addf %parallel_loop3A_141, %parallel_loop3A_143 : vector<16xf32>
      %parallel_loop3A_145 = arith.index_cast %parallel_loop3A_139 : i32 to index
      %parallel_loop3A_146 = tpu.vector_load %arg17[%parallel_loop3A_145] {strides = array<i32>} : memref<640xf32, #tpu.memory_space<vmem>>, vector<16xf32>,
      tpu.vector_store %arg17[%parallel_loop3A_145], %parallel_loop3A_144 {strides = array<i32>} : memref<640xf32, #tpu.memory_space<vmem>>, vector<16xf32>,
    } {sc.loop_unroll_factor = 8 : i64, sc.parallel_access}
    %run_scoped3A_46 = arith.constant 5 : i32
    "tpu.region"() ({
      %run_scoped3A_137 = tpu.sem_alloc : memref<!tpu.dma_semaphore, #tpu.memory_space<semaphore_mem>>
      %dma_start3A = tpu.memref_slice %arg22[%run_scoped3A_46, %mul3A_8] : memref<16x10240xf32, #tpu.memory_space<vmem_shared>> -> memref<1x640xf32, #tpu.memory_space<vmem_shared>>
      %dma_start3A_138 = tpu.memref_squeeze %dma_start3A : memref<1x640xf32, #tpu.memory_space<vmem_shared>> -> memref<640xf32, #tpu.memory_space<vmem_shared>>
      %dma_start3A_139 = tpu.memref_slice %arg22[%run_scoped3A_46, %mul3A_8] : memref<16x10240xf32, #tpu.memory_space<vmem_shared>> -> memref<1x640xf32, #tpu.memory_space<vmem_shared>>
      %dma_start3A_140 = tpu.memref_squeeze %dma_start3A_139 : memref<1x640xf32, #tpu.memory_space<vmem_shared>> -> memref<640xf32, #tpu.memory_space<vmem_shared>>
      tpu.enqueue_dma source(%dma_start3A_140 : memref<640xf32, #tpu.memory_space<vmem_shared>>) target(%arg16 : memref<640xf32, #tpu.memory_space<vmem>>) target_semaphore(%run_scoped3A_137 : memref<!tpu.dma_semaphore, #tpu.memory_space<semaphore_mem>>)
      %dma_wait3A = tpu.memref_slice %arg22[%run_scoped3A_46, %mul3A_8] : memref<16x10240xf32, #tpu.memory_space<vmem_shared>> -> memref<1x640xf32, #tpu.memory_space<vmem_shared>>
      %dma_wait3A_141 = tpu.memref_squeeze %dma_wait3A : memref<1x640xf32, #tpu.memory_space<vmem_shared>> -> memref<640xf32, #tpu.memory_space<vmem_shared>>
      %dma_wait3A_142 = tpu.memref_slice %arg22[%run_scoped3A_46, %mul3A_8] : memref<16x10240xf32, #tpu.memory_space<vmem_shared>> -> memref<1x640xf32, #tpu.memory_space<vmem_shared>>
      %dma_wait3A_143 = tpu.memref_squeeze %dma_wait3A_142 : memref<1x640xf32, #tpu.memory_space<vmem_shared>> -> memref<640xf32, #tpu.memory_space<vmem_shared>>
      tpu.wait_dma2 semaphore(%run_scoped3A_137 : memref<!tpu.dma_semaphore, #tpu.memory_space<semaphore_mem>>) src(%dma_wait3A_143 : memref<640xf32, #tpu.memory_space<vmem_shared>>) dst(%arg16 : memref<640xf32, #tpu.memory_space<vmem>>)
      tpu.yield
    }) : () -> ()
    %parallel_loop3A_47 = arith.constant 0 : i32
    %parallel_loop3A_48 = arith.constant 40 : i32
    %parallel_loop3A_49 = arith.constant 1 : i32
    scf.for %parallel_loop3A_137 = %parallel_loop3A_47 to %parallel_loop3A_48 step %parallel_loop3A_49  : i32 {
      %parallel_loop3A_138 = arith.constant 16 : i32
      %parallel_loop3A_139 = arith.muli %parallel_loop3A_137, %parallel_loop3A_138 : i32
      %parallel_loop3A_140 = arith.index_cast %parallel_loop3A_139 : i32 to index
      %parallel_loop3A_141 = tpu.vector_load %arg18[%parallel_loop3A_140] {strides = array<i32>} : memref<640xf32, #tpu.memory_space<vmem>>, vector<16xf32>,
      %parallel_loop3A_142 = arith.index_cast %parallel_loop3A_139 : i32 to index
      %parallel_loop3A_143 = tpu.vector_load %arg16[%parallel_loop3A_142] {strides = array<i32>} : memref<640xf32, #tpu.memory_space<vmem>>, vector<16xf32>,
      %parallel_loop3A_144 = arith.addf %parallel_loop3A_141, %parallel_loop3A_143 : vector<16xf32>
      %parallel_loop3A_145 = arith.index_cast %parallel_loop3A_139 : i32 to index
      %parallel_loop3A_146 = tpu.vector_load %arg18[%parallel_loop3A_145] {strides = array<i32>} : memref<640xf32, #tpu.memory_space<vmem>>, vector<16xf32>,
      tpu.vector_store %arg18[%parallel_loop3A_145], %parallel_loop3A_144 {strides = array<i32>} : memref<640xf32, #tpu.memory_space<vmem>>, vector<16xf32>,
    } {sc.loop_unroll_factor = 8 : i64, sc.parallel_access}
    %run_scoped3A_50 = arith.constant 6 : i32
    "tpu.region"() ({
      %run_scoped3A_137 = tpu.sem_alloc : memref<!tpu.dma_semaphore, #tpu.memory_space<semaphore_mem>>
      %dma_start3A = tpu.memref_slice %arg21[%run_scoped3A_50, %mul3A_8] : memref<16x10240xf32, #tpu.memory_space<vmem_shared>> -> memref<1x640xf32, #tpu.memory_space<vmem_shared>>
      %dma_start3A_138 = tpu.memref_squeeze %dma_start3A : memref<1x640xf32, #tpu.memory_space<vmem_shared>> -> memref<640xf32, #tpu.memory_space<vmem_shared>>
      %dma_start3A_139 = tpu.memref_slice %arg21[%run_scoped3A_50, %mul3A_8] : memref<16x10240xf32, #tpu.memory_space<vmem_shared>> -> memref<1x640xf32, #tpu.memory_space<vmem_shared>>
      %dma_start3A_140 = tpu.memref_squeeze %dma_start3A_139 : memref<1x640xf32, #tpu.memory_space<vmem_shared>> -> memref<640xf32, #tpu.memory_space<vmem_shared>>
      tpu.enqueue_dma source(%dma_start3A_140 : memref<640xf32, #tpu.memory_space<vmem_shared>>) target(%arg16 : memref<640xf32, #tpu.memory_space<vmem>>) target_semaphore(%run_scoped3A_137 : memref<!tpu.dma_semaphore, #tpu.memory_space<semaphore_mem>>)
      %dma_wait3A = tpu.memref_slice %arg21[%run_scoped3A_50, %mul3A_8] : memref<16x10240xf32, #tpu.memory_space<vmem_shared>> -> memref<1x640xf32, #tpu.memory_space<vmem_shared>>
      %dma_wait3A_141 = tpu.memref_squeeze %dma_wait3A : memref<1x640xf32, #tpu.memory_space<vmem_shared>> -> memref<640xf32, #tpu.memory_space<vmem_shared>>
      %dma_wait3A_142 = tpu.memref_slice %arg21[%run_scoped3A_50, %mul3A_8] : memref<16x10240xf32, #tpu.memory_space<vmem_shared>> -> memref<1x640xf32, #tpu.memory_space<vmem_shared>>
      %dma_wait3A_143 = tpu.memref_squeeze %dma_wait3A_142 : memref<1x640xf32, #tpu.memory_space<vmem_shared>> -> memref<640xf32, #tpu.memory_space<vmem_shared>>
      tpu.wait_dma2 semaphore(%run_scoped3A_137 : memref<!tpu.dma_semaphore, #tpu.memory_space<semaphore_mem>>) src(%dma_wait3A_143 : memref<640xf32, #tpu.memory_space<vmem_shared>>) dst(%arg16 : memref<640xf32, #tpu.memory_space<vmem>>)
      tpu.yield
    }) : () -> ()
    %parallel_loop3A_51 = arith.constant 0 : i32
    %parallel_loop3A_52 = arith.constant 40 : i32
    %parallel_loop3A_53 = arith.constant 1 : i32
    scf.for %parallel_loop3A_137 = %parallel_loop3A_51 to %parallel_loop3A_52 step %parallel_loop3A_53  : i32 {
      %parallel_loop3A_138 = arith.constant 16 : i32
      %parallel_loop3A_139 = arith.muli %parallel_loop3A_137, %parallel_loop3A_138 : i32
      %parallel_loop3A_140 = arith.index_cast %parallel_loop3A_139 : i32 to index
      %parallel_loop3A_141 = tpu.vector_load %arg17[%parallel_loop3A_140] {strides = array<i32>} : memref<640xf32, #tpu.memory_space<vmem>>, vector<16xf32>,
      %parallel_loop3A_142 = arith.index_cast %parallel_loop3A_139 : i32 to index
      %parallel_loop3A_143 = tpu.vector_load %arg16[%parallel_loop3A_142] {strides = array<i32>} : memref<640xf32, #tpu.memory_space<vmem>>, vector<16xf32>,
      %parallel_loop3A_144 = arith.addf %parallel_loop3A_141, %parallel_loop3A_143 : vector<16xf32>
      %parallel_loop3A_145 = arith.index_cast %parallel_loop3A_139 : i32 to index
      %parallel_loop3A_146 = tpu.vector_load %arg17[%parallel_loop3A_145] {strides = array<i32>} : memref<640xf32, #tpu.memory_space<vmem>>, vector<16xf32>,
      tpu.vector_store %arg17[%parallel_loop3A_145], %parallel_loop3A_144 {strides = array<i32>} : memref<640xf32, #tpu.memory_space<vmem>>, vector<16xf32>,
    } {sc.loop_unroll_factor = 8 : i64, sc.parallel_access}
    %run_scoped3A_54 = arith.constant 6 : i32
    "tpu.region"() ({
      %run_scoped3A_137 = tpu.sem_alloc : memref<!tpu.dma_semaphore, #tpu.memory_space<semaphore_mem>>
      %dma_start3A = tpu.memref_slice %arg22[%run_scoped3A_54, %mul3A_8] : memref<16x10240xf32, #tpu.memory_space<vmem_shared>> -> memref<1x640xf32, #tpu.memory_space<vmem_shared>>
      %dma_start3A_138 = tpu.memref_squeeze %dma_start3A : memref<1x640xf32, #tpu.memory_space<vmem_shared>> -> memref<640xf32, #tpu.memory_space<vmem_shared>>
      %dma_start3A_139 = tpu.memref_slice %arg22[%run_scoped3A_54, %mul3A_8] : memref<16x10240xf32, #tpu.memory_space<vmem_shared>> -> memref<1x640xf32, #tpu.memory_space<vmem_shared>>
      %dma_start3A_140 = tpu.memref_squeeze %dma_start3A_139 : memref<1x640xf32, #tpu.memory_space<vmem_shared>> -> memref<640xf32, #tpu.memory_space<vmem_shared>>
      tpu.enqueue_dma source(%dma_start3A_140 : memref<640xf32, #tpu.memory_space<vmem_shared>>) target(%arg16 : memref<640xf32, #tpu.memory_space<vmem>>) target_semaphore(%run_scoped3A_137 : memref<!tpu.dma_semaphore, #tpu.memory_space<semaphore_mem>>)
      %dma_wait3A = tpu.memref_slice %arg22[%run_scoped3A_54, %mul3A_8] : memref<16x10240xf32, #tpu.memory_space<vmem_shared>> -> memref<1x640xf32, #tpu.memory_space<vmem_shared>>
      %dma_wait3A_141 = tpu.memref_squeeze %dma_wait3A : memref<1x640xf32, #tpu.memory_space<vmem_shared>> -> memref<640xf32, #tpu.memory_space<vmem_shared>>
      %dma_wait3A_142 = tpu.memref_slice %arg22[%run_scoped3A_54, %mul3A_8] : memref<16x10240xf32, #tpu.memory_space<vmem_shared>> -> memref<1x640xf32, #tpu.memory_space<vmem_shared>>
      %dma_wait3A_143 = tpu.memref_squeeze %dma_wait3A_142 : memref<1x640xf32, #tpu.memory_space<vmem_shared>> -> memref<640xf32, #tpu.memory_space<vmem_shared>>
      tpu.wait_dma2 semaphore(%run_scoped3A_137 : memref<!tpu.dma_semaphore, #tpu.memory_space<semaphore_mem>>) src(%dma_wait3A_143 : memref<640xf32, #tpu.memory_space<vmem_shared>>) dst(%arg16 : memref<640xf32, #tpu.memory_space<vmem>>)
      tpu.yield
    }) : () -> ()
    %parallel_loop3A_55 = arith.constant 0 : i32
    %parallel_loop3A_56 = arith.constant 40 : i32
    %parallel_loop3A_57 = arith.constant 1 : i32
    scf.for %parallel_loop3A_137 = %parallel_loop3A_55 to %parallel_loop3A_56 step %parallel_loop3A_57  : i32 {
      %parallel_loop3A_138 = arith.constant 16 : i32
      %parallel_loop3A_139 = arith.muli %parallel_loop3A_137, %parallel_loop3A_138 : i32
      %parallel_loop3A_140 = arith.index_cast %parallel_loop3A_139 : i32 to index
      %parallel_loop3A_141 = tpu.vector_load %arg18[%parallel_loop3A_140] {strides = array<i32>} : memref<640xf32, #tpu.memory_space<vmem>>, vector<16xf32>,
      %parallel_loop3A_142 = arith.index_cast %parallel_loop3A_139 : i32 to index
      %parallel_loop3A_143 = tpu.vector_load %arg16[%parallel_loop3A_142] {strides = array<i32>} : memref<640xf32, #tpu.memory_space<vmem>>, vector<16xf32>,
      %parallel_loop3A_144 = arith.addf %parallel_loop3A_141, %parallel_loop3A_143 : vector<16xf32>
      %parallel_loop3A_145 = arith.index_cast %parallel_loop3A_139 : i32 to index
      %parallel_loop3A_146 = tpu.vector_load %arg18[%parallel_loop3A_145] {strides = array<i32>} : memref<640xf32, #tpu.memory_space<vmem>>, vector<16xf32>,
      tpu.vector_store %arg18[%parallel_loop3A_145], %parallel_loop3A_144 {strides = array<i32>} : memref<640xf32, #tpu.memory_space<vmem>>, vector<16xf32>,
    } {sc.loop_unroll_factor = 8 : i64, sc.parallel_access}
    %run_scoped3A_58 = arith.constant 7 : i32
    "tpu.region"() ({
      %run_scoped3A_137 = tpu.sem_alloc : memref<!tpu.dma_semaphore, #tpu.memory_space<semaphore_mem>>
      %dma_start3A = tpu.memref_slice %arg21[%run_scoped3A_58, %mul3A_8] : memref<16x10240xf32, #tpu.memory_space<vmem_shared>> -> memref<1x640xf32, #tpu.memory_space<vmem_shared>>
      %dma_start3A_138 = tpu.memref_squeeze %dma_start3A : memref<1x640xf32, #tpu.memory_space<vmem_shared>> -> memref<640xf32, #tpu.memory_space<vmem_shared>>
      %dma_start3A_139 = tpu.memref_slice %arg21[%run_scoped3A_58, %mul3A_8] : memref<16x10240xf32, #tpu.memory_space<vmem_shared>> -> memref<1x640xf32, #tpu.memory_space<vmem_shared>>
      %dma_start3A_140 = tpu.memref_squeeze %dma_start3A_139 : memref<1x640xf32, #tpu.memory_space<vmem_shared>> -> memref<640xf32, #tpu.memory_space<vmem_shared>>
      tpu.enqueue_dma source(%dma_start3A_140 : memref<640xf32, #tpu.memory_space<vmem_shared>>) target(%arg16 : memref<640xf32, #tpu.memory_space<vmem>>) target_semaphore(%run_scoped3A_137 : memref<!tpu.dma_semaphore, #tpu.memory_space<semaphore_mem>>)
      %dma_wait3A = tpu.memref_slice %arg21[%run_scoped3A_58, %mul3A_8] : memref<16x10240xf32, #tpu.memory_space<vmem_shared>> -> memref<1x640xf32, #tpu.memory_space<vmem_shared>>
      %dma_wait3A_141 = tpu.memref_squeeze %dma_wait3A : memref<1x640xf32, #tpu.memory_space<vmem_shared>> -> memref<640xf32, #tpu.memory_space<vmem_shared>>
      %dma_wait3A_142 = tpu.memref_slice %arg21[%run_scoped3A_58, %mul3A_8] : memref<16x10240xf32, #tpu.memory_space<vmem_shared>> -> memref<1x640xf32, #tpu.memory_space<vmem_shared>>
      %dma_wait3A_143 = tpu.memref_squeeze %dma_wait3A_142 : memref<1x640xf32, #tpu.memory_space<vmem_shared>> -> memref<640xf32, #tpu.memory_space<vmem_shared>>
      tpu.wait_dma2 semaphore(%run_scoped3A_137 : memref<!tpu.dma_semaphore, #tpu.memory_space<semaphore_mem>>) src(%dma_wait3A_143 : memref<640xf32, #tpu.memory_space<vmem_shared>>) dst(%arg16 : memref<640xf32, #tpu.memory_space<vmem>>)
      tpu.yield
    }) : () -> ()
    %parallel_loop3A_59 = arith.constant 0 : i32
    %parallel_loop3A_60 = arith.constant 40 : i32
    %parallel_loop3A_61 = arith.constant 1 : i32
    scf.for %parallel_loop3A_137 = %parallel_loop3A_59 to %parallel_loop3A_60 step %parallel_loop3A_61  : i32 {
      %parallel_loop3A_138 = arith.constant 16 : i32
      %parallel_loop3A_139 = arith.muli %parallel_loop3A_137, %parallel_loop3A_138 : i32
      %parallel_loop3A_140 = arith.index_cast %parallel_loop3A_139 : i32 to index
      %parallel_loop3A_141 = tpu.vector_load %arg17[%parallel_loop3A_140] {strides = array<i32>} : memref<640xf32, #tpu.memory_space<vmem>>, vector<16xf32>,
      %parallel_loop3A_142 = arith.index_cast %parallel_loop3A_139 : i32 to index
      %parallel_loop3A_143 = tpu.vector_load %arg16[%parallel_loop3A_142] {strides = array<i32>} : memref<640xf32, #tpu.memory_space<vmem>>, vector<16xf32>,
      %parallel_loop3A_144 = arith.addf %parallel_loop3A_141, %parallel_loop3A_143 : vector<16xf32>
      %parallel_loop3A_145 = arith.index_cast %parallel_loop3A_139 : i32 to index
      %parallel_loop3A_146 = tpu.vector_load %arg17[%parallel_loop3A_145] {strides = array<i32>} : memref<640xf32, #tpu.memory_space<vmem>>, vector<16xf32>,
      tpu.vector_store %arg17[%parallel_loop3A_145], %parallel_loop3A_144 {strides = array<i32>} : memref<640xf32, #tpu.memory_space<vmem>>, vector<16xf32>,
    } {sc.loop_unroll_factor = 8 : i64, sc.parallel_access}
    %run_scoped3A_62 = arith.constant 7 : i32
    "tpu.region"() ({
      %run_scoped3A_137 = tpu.sem_alloc : memref<!tpu.dma_semaphore, #tpu.memory_space<semaphore_mem>>
      %dma_start3A = tpu.memref_slice %arg22[%run_scoped3A_62, %mul3A_8] : memref<16x10240xf32, #tpu.memory_space<vmem_shared>> -> memref<1x640xf32, #tpu.memory_space<vmem_shared>>
      %dma_start3A_138 = tpu.memref_squeeze %dma_start3A : memref<1x640xf32, #tpu.memory_space<vmem_shared>> -> memref<640xf32, #tpu.memory_space<vmem_shared>>
      %dma_start3A_139 = tpu.memref_slice %arg22[%run_scoped3A_62, %mul3A_8] : memref<16x10240xf32, #tpu.memory_space<vmem_shared>> -> memref<1x640xf32, #tpu.memory_space<vmem_shared>>
      %dma_start3A_140 = tpu.memref_squeeze %dma_start3A_139 : memref<1x640xf32, #tpu.memory_space<vmem_shared>> -> memref<640xf32, #tpu.memory_space<vmem_shared>>
      tpu.enqueue_dma source(%dma_start3A_140 : memref<640xf32, #tpu.memory_space<vmem_shared>>) target(%arg16 : memref<640xf32, #tpu.memory_space<vmem>>) target_semaphore(%run_scoped3A_137 : memref<!tpu.dma_semaphore, #tpu.memory_space<semaphore_mem>>)
      %dma_wait3A = tpu.memref_slice %arg22[%run_scoped3A_62, %mul3A_8] : memref<16x10240xf32, #tpu.memory_space<vmem_shared>> -> memref<1x640xf32, #tpu.memory_space<vmem_shared>>
      %dma_wait3A_141 = tpu.memref_squeeze %dma_wait3A : memref<1x640xf32, #tpu.memory_space<vmem_shared>> -> memref<640xf32, #tpu.memory_space<vmem_shared>>
      %dma_wait3A_142 = tpu.memref_slice %arg22[%run_scoped3A_62, %mul3A_8] : memref<16x10240xf32, #tpu.memory_space<vmem_shared>> -> memref<1x640xf32, #tpu.memory_space<vmem_shared>>
      %dma_wait3A_143 = tpu.memref_squeeze %dma_wait3A_142 : memref<1x640xf32, #tpu.memory_space<vmem_shared>> -> memref<640xf32, #tpu.memory_space<vmem_shared>>
      tpu.wait_dma2 semaphore(%run_scoped3A_137 : memref<!tpu.dma_semaphore, #tpu.memory_space<semaphore_mem>>) src(%dma_wait3A_143 : memref<640xf32, #tpu.memory_space<vmem_shared>>) dst(%arg16 : memref<640xf32, #tpu.memory_space<vmem>>)
      tpu.yield
    }) : () -> ()
    %parallel_loop3A_63 = arith.constant 0 : i32
    %parallel_loop3A_64 = arith.constant 40 : i32
    %parallel_loop3A_65 = arith.constant 1 : i32
    scf.for %parallel_loop3A_137 = %parallel_loop3A_63 to %parallel_loop3A_64 step %parallel_loop3A_65  : i32 {
      %parallel_loop3A_138 = arith.constant 16 : i32
      %parallel_loop3A_139 = arith.muli %parallel_loop3A_137, %parallel_loop3A_138 : i32
      %parallel_loop3A_140 = arith.index_cast %parallel_loop3A_139 : i32 to index
      %parallel_loop3A_141 = tpu.vector_load %arg18[%parallel_loop3A_140] {strides = array<i32>} : memref<640xf32, #tpu.memory_space<vmem>>, vector<16xf32>,
      %parallel_loop3A_142 = arith.index_cast %parallel_loop3A_139 : i32 to index
      %parallel_loop3A_143 = tpu.vector_load %arg16[%parallel_loop3A_142] {strides = array<i32>} : memref<640xf32, #tpu.memory_space<vmem>>, vector<16xf32>,
      %parallel_loop3A_144 = arith.addf %parallel_loop3A_141, %parallel_loop3A_143 : vector<16xf32>
      %parallel_loop3A_145 = arith.index_cast %parallel_loop3A_139 : i32 to index
      %parallel_loop3A_146 = tpu.vector_load %arg18[%parallel_loop3A_145] {strides = array<i32>} : memref<640xf32, #tpu.memory_space<vmem>>, vector<16xf32>,
      tpu.vector_store %arg18[%parallel_loop3A_145], %parallel_loop3A_144 {strides = array<i32>} : memref<640xf32, #tpu.memory_space<vmem>>, vector<16xf32>,
    } {sc.loop_unroll_factor = 8 : i64, sc.parallel_access}
    %run_scoped3A_66 = arith.constant 8 : i32
    "tpu.region"() ({
      %run_scoped3A_137 = tpu.sem_alloc : memref<!tpu.dma_semaphore, #tpu.memory_space<semaphore_mem>>
      %dma_start3A = tpu.memref_slice %arg21[%run_scoped3A_66, %mul3A_8] : memref<16x10240xf32, #tpu.memory_space<vmem_shared>> -> memref<1x640xf32, #tpu.memory_space<vmem_shared>>
      %dma_start3A_138 = tpu.memref_squeeze %dma_start3A : memref<1x640xf32, #tpu.memory_space<vmem_shared>> -> memref<640xf32, #tpu.memory_space<vmem_shared>>
      %dma_start3A_139 = tpu.memref_slice %arg21[%run_scoped3A_66, %mul3A_8] : memref<16x10240xf32, #tpu.memory_space<vmem_shared>> -> memref<1x640xf32, #tpu.memory_space<vmem_shared>>
      %dma_start3A_140 = tpu.memref_squeeze %dma_start3A_139 : memref<1x640xf32, #tpu.memory_space<vmem_shared>> -> memref<640xf32, #tpu.memory_space<vmem_shared>>
      tpu.enqueue_dma source(%dma_start3A_140 : memref<640xf32, #tpu.memory_space<vmem_shared>>) target(%arg16 : memref<640xf32, #tpu.memory_space<vmem>>) target_semaphore(%run_scoped3A_137 : memref<!tpu.dma_semaphore, #tpu.memory_space<semaphore_mem>>)
      %dma_wait3A = tpu.memref_slice %arg21[%run_scoped3A_66, %mul3A_8] : memref<16x10240xf32, #tpu.memory_space<vmem_shared>> -> memref<1x640xf32, #tpu.memory_space<vmem_shared>>
      %dma_wait3A_141 = tpu.memref_squeeze %dma_wait3A : memref<1x640xf32, #tpu.memory_space<vmem_shared>> -> memref<640xf32, #tpu.memory_space<vmem_shared>>
      %dma_wait3A_142 = tpu.memref_slice %arg21[%run_scoped3A_66, %mul3A_8] : memref<16x10240xf32, #tpu.memory_space<vmem_shared>> -> memref<1x640xf32, #tpu.memory_space<vmem_shared>>
      %dma_wait3A_143 = tpu.memref_squeeze %dma_wait3A_142 : memref<1x640xf32, #tpu.memory_space<vmem_shared>> -> memref<640xf32, #tpu.memory_space<vmem_shared>>
      tpu.wait_dma2 semaphore(%run_scoped3A_137 : memref<!tpu.dma_semaphore, #tpu.memory_space<semaphore_mem>>) src(%dma_wait3A_143 : memref<640xf32, #tpu.memory_space<vmem_shared>>) dst(%arg16 : memref<640xf32, #tpu.memory_space<vmem>>)
      tpu.yield
    }) : () -> ()
    %parallel_loop3A_67 = arith.constant 0 : i32
    %parallel_loop3A_68 = arith.constant 40 : i32
    %parallel_loop3A_69 = arith.constant 1 : i32
    scf.for %parallel_loop3A_137 = %parallel_loop3A_67 to %parallel_loop3A_68 step %parallel_loop3A_69  : i32 {
      %parallel_loop3A_138 = arith.constant 16 : i32
      %parallel_loop3A_139 = arith.muli %parallel_loop3A_137, %parallel_loop3A_138 : i32
      %parallel_loop3A_140 = arith.index_cast %parallel_loop3A_139 : i32 to index
      %parallel_loop3A_141 = tpu.vector_load %arg17[%parallel_loop3A_140] {strides = array<i32>} : memref<640xf32, #tpu.memory_space<vmem>>, vector<16xf32>,
      %parallel_loop3A_142 = arith.index_cast %parallel_loop3A_139 : i32 to index
      %parallel_loop3A_143 = tpu.vector_load %arg16[%parallel_loop3A_142] {strides = array<i32>} : memref<640xf32, #tpu.memory_space<vmem>>, vector<16xf32>,
      %parallel_loop3A_144 = arith.addf %parallel_loop3A_141, %parallel_loop3A_143 : vector<16xf32>
      %parallel_loop3A_145 = arith.index_cast %parallel_loop3A_139 : i32 to index
      %parallel_loop3A_146 = tpu.vector_load %arg17[%parallel_loop3A_145] {strides = array<i32>} : memref<640xf32, #tpu.memory_space<vmem>>, vector<16xf32>,
      tpu.vector_store %arg17[%parallel_loop3A_145], %parallel_loop3A_144 {strides = array<i32>} : memref<640xf32, #tpu.memory_space<vmem>>, vector<16xf32>,
    } {sc.loop_unroll_factor = 8 : i64, sc.parallel_access}
    %run_scoped3A_70 = arith.constant 8 : i32
    "tpu.region"() ({
      %run_scoped3A_137 = tpu.sem_alloc : memref<!tpu.dma_semaphore, #tpu.memory_space<semaphore_mem>>
      %dma_start3A = tpu.memref_slice %arg22[%run_scoped3A_70, %mul3A_8] : memref<16x10240xf32, #tpu.memory_space<vmem_shared>> -> memref<1x640xf32, #tpu.memory_space<vmem_shared>>
      %dma_start3A_138 = tpu.memref_squeeze %dma_start3A : memref<1x640xf32, #tpu.memory_space<vmem_shared>> -> memref<640xf32, #tpu.memory_space<vmem_shared>>
      %dma_start3A_139 = tpu.memref_slice %arg22[%run_scoped3A_70, %mul3A_8] : memref<16x10240xf32, #tpu.memory_space<vmem_shared>> -> memref<1x640xf32, #tpu.memory_space<vmem_shared>>
      %dma_start3A_140 = tpu.memref_squeeze %dma_start3A_139 : memref<1x640xf32, #tpu.memory_space<vmem_shared>> -> memref<640xf32, #tpu.memory_space<vmem_shared>>
      tpu.enqueue_dma source(%dma_start3A_140 : memref<640xf32, #tpu.memory_space<vmem_shared>>) target(%arg16 : memref<640xf32, #tpu.memory_space<vmem>>) target_semaphore(%run_scoped3A_137 : memref<!tpu.dma_semaphore, #tpu.memory_space<semaphore_mem>>)
      %dma_wait3A = tpu.memref_slice %arg22[%run_scoped3A_70, %mul3A_8] : memref<16x10240xf32, #tpu.memory_space<vmem_shared>> -> memref<1x640xf32, #tpu.memory_space<vmem_shared>>
      %dma_wait3A_141 = tpu.memref_squeeze %dma_wait3A : memref<1x640xf32, #tpu.memory_space<vmem_shared>> -> memref<640xf32, #tpu.memory_space<vmem_shared>>
      %dma_wait3A_142 = tpu.memref_slice %arg22[%run_scoped3A_70, %mul3A_8] : memref<16x10240xf32, #tpu.memory_space<vmem_shared>> -> memref<1x640xf32, #tpu.memory_space<vmem_shared>>
      %dma_wait3A_143 = tpu.memref_squeeze %dma_wait3A_142 : memref<1x640xf32, #tpu.memory_space<vmem_shared>> -> memref<640xf32, #tpu.memory_space<vmem_shared>>
      tpu.wait_dma2 semaphore(%run_scoped3A_137 : memref<!tpu.dma_semaphore, #tpu.memory_space<semaphore_mem>>) src(%dma_wait3A_143 : memref<640xf32, #tpu.memory_space<vmem_shared>>) dst(%arg16 : memref<640xf32, #tpu.memory_space<vmem>>)
      tpu.yield
    }) : () -> ()
    %parallel_loop3A_71 = arith.constant 0 : i32
    %parallel_loop3A_72 = arith.constant 40 : i32
    %parallel_loop3A_73 = arith.constant 1 : i32
    scf.for %parallel_loop3A_137 = %parallel_loop3A_71 to %parallel_loop3A_72 step %parallel_loop3A_73  : i32 {
      %parallel_loop3A_138 = arith.constant 16 : i32
      %parallel_loop3A_139 = arith.muli %parallel_loop3A_137, %parallel_loop3A_138 : i32
      %parallel_loop3A_140 = arith.index_cast %parallel_loop3A_139 : i32 to index
      %parallel_loop3A_141 = tpu.vector_load %arg18[%parallel_loop3A_140] {strides = array<i32>} : memref<640xf32, #tpu.memory_space<vmem>>, vector<16xf32>,
      %parallel_loop3A_142 = arith.index_cast %parallel_loop3A_139 : i32 to index
      %parallel_loop3A_143 = tpu.vector_load %arg16[%parallel_loop3A_142] {strides = array<i32>} : memref<640xf32, #tpu.memory_space<vmem>>, vector<16xf32>,
      %parallel_loop3A_144 = arith.addf %parallel_loop3A_141, %parallel_loop3A_143 : vector<16xf32>
      %parallel_loop3A_145 = arith.index_cast %parallel_loop3A_139 : i32 to index
      %parallel_loop3A_146 = tpu.vector_load %arg18[%parallel_loop3A_145] {strides = array<i32>} : memref<640xf32, #tpu.memory_space<vmem>>, vector<16xf32>,
      tpu.vector_store %arg18[%parallel_loop3A_145], %parallel_loop3A_144 {strides = array<i32>} : memref<640xf32, #tpu.memory_space<vmem>>, vector<16xf32>,
    } {sc.loop_unroll_factor = 8 : i64, sc.parallel_access}
    %run_scoped3A_74 = arith.constant 9 : i32
    "tpu.region"() ({
      %run_scoped3A_137 = tpu.sem_alloc : memref<!tpu.dma_semaphore, #tpu.memory_space<semaphore_mem>>
      %dma_start3A = tpu.memref_slice %arg21[%run_scoped3A_74, %mul3A_8] : memref<16x10240xf32, #tpu.memory_space<vmem_shared>> -> memref<1x640xf32, #tpu.memory_space<vmem_shared>>
      %dma_start3A_138 = tpu.memref_squeeze %dma_start3A : memref<1x640xf32, #tpu.memory_space<vmem_shared>> -> memref<640xf32, #tpu.memory_space<vmem_shared>>
      %dma_start3A_139 = tpu.memref_slice %arg21[%run_scoped3A_74, %mul3A_8] : memref<16x10240xf32, #tpu.memory_space<vmem_shared>> -> memref<1x640xf32, #tpu.memory_space<vmem_shared>>
      %dma_start3A_140 = tpu.memref_squeeze %dma_start3A_139 : memref<1x640xf32, #tpu.memory_space<vmem_shared>> -> memref<640xf32, #tpu.memory_space<vmem_shared>>
      tpu.enqueue_dma source(%dma_start3A_140 : memref<640xf32, #tpu.memory_space<vmem_shared>>) target(%arg16 : memref<640xf32, #tpu.memory_space<vmem>>) target_semaphore(%run_scoped3A_137 : memref<!tpu.dma_semaphore, #tpu.memory_space<semaphore_mem>>)
      %dma_wait3A = tpu.memref_slice %arg21[%run_scoped3A_74, %mul3A_8] : memref<16x10240xf32, #tpu.memory_space<vmem_shared>> -> memref<1x640xf32, #tpu.memory_space<vmem_shared>>
      %dma_wait3A_141 = tpu.memref_squeeze %dma_wait3A : memref<1x640xf32, #tpu.memory_space<vmem_shared>> -> memref<640xf32, #tpu.memory_space<vmem_shared>>
      %dma_wait3A_142 = tpu.memref_slice %arg21[%run_scoped3A_74, %mul3A_8] : memref<16x10240xf32, #tpu.memory_space<vmem_shared>> -> memref<1x640xf32, #tpu.memory_space<vmem_shared>>
      %dma_wait3A_143 = tpu.memref_squeeze %dma_wait3A_142 : memref<1x640xf32, #tpu.memory_space<vmem_shared>> -> memref<640xf32, #tpu.memory_space<vmem_shared>>
      tpu.wait_dma2 semaphore(%run_scoped3A_137 : memref<!tpu.dma_semaphore, #tpu.memory_space<semaphore_mem>>) src(%dma_wait3A_143 : memref<640xf32, #tpu.memory_space<vmem_shared>>) dst(%arg16 : memref<640xf32, #tpu.memory_space<vmem>>)
      tpu.yield
    }) : () -> ()
    %parallel_loop3A_75 = arith.constant 0 : i32
    %parallel_loop3A_76 = arith.constant 40 : i32
    %parallel_loop3A_77 = arith.constant 1 : i32
    scf.for %parallel_loop3A_137 = %parallel_loop3A_75 to %parallel_loop3A_76 step %parallel_loop3A_77  : i32 {
      %parallel_loop3A_138 = arith.constant 16 : i32
      %parallel_loop3A_139 = arith.muli %parallel_loop3A_137, %parallel_loop3A_138 : i32
      %parallel_loop3A_140 = arith.index_cast %parallel_loop3A_139 : i32 to index
      %parallel_loop3A_141 = tpu.vector_load %arg17[%parallel_loop3A_140] {strides = array<i32>} : memref<640xf32, #tpu.memory_space<vmem>>, vector<16xf32>,
      %parallel_loop3A_142 = arith.index_cast %parallel_loop3A_139 : i32 to index
      %parallel_loop3A_143 = tpu.vector_load %arg16[%parallel_loop3A_142] {strides = array<i32>} : memref<640xf32, #tpu.memory_space<vmem>>, vector<16xf32>,
      %parallel_loop3A_144 = arith.addf %parallel_loop3A_141, %parallel_loop3A_143 : vector<16xf32>
      %parallel_loop3A_145 = arith.index_cast %parallel_loop3A_139 : i32 to index
      %parallel_loop3A_146 = tpu.vector_load %arg17[%parallel_loop3A_145] {strides = array<i32>} : memref<640xf32, #tpu.memory_space<vmem>>, vector<16xf32>,
      tpu.vector_store %arg17[%parallel_loop3A_145], %parallel_loop3A_144 {strides = array<i32>} : memref<640xf32, #tpu.memory_space<vmem>>, vector<16xf32>,
    } {sc.loop_unroll_factor = 8 : i64, sc.parallel_access}
    %run_scoped3A_78 = arith.constant 9 : i32
    "tpu.region"() ({
      %run_scoped3A_137 = tpu.sem_alloc : memref<!tpu.dma_semaphore, #tpu.memory_space<semaphore_mem>>
      %dma_start3A = tpu.memref_slice %arg22[%run_scoped3A_78, %mul3A_8] : memref<16x10240xf32, #tpu.memory_space<vmem_shared>> -> memref<1x640xf32, #tpu.memory_space<vmem_shared>>
      %dma_start3A_138 = tpu.memref_squeeze %dma_start3A : memref<1x640xf32, #tpu.memory_space<vmem_shared>> -> memref<640xf32, #tpu.memory_space<vmem_shared>>
      %dma_start3A_139 = tpu.memref_slice %arg22[%run_scoped3A_78, %mul3A_8] : memref<16x10240xf32, #tpu.memory_space<vmem_shared>> -> memref<1x640xf32, #tpu.memory_space<vmem_shared>>
      %dma_start3A_140 = tpu.memref_squeeze %dma_start3A_139 : memref<1x640xf32, #tpu.memory_space<vmem_shared>> -> memref<640xf32, #tpu.memory_space<vmem_shared>>
      tpu.enqueue_dma source(%dma_start3A_140 : memref<640xf32, #tpu.memory_space<vmem_shared>>) target(%arg16 : memref<640xf32, #tpu.memory_space<vmem>>) target_semaphore(%run_scoped3A_137 : memref<!tpu.dma_semaphore, #tpu.memory_space<semaphore_mem>>)
      %dma_wait3A = tpu.memref_slice %arg22[%run_scoped3A_78, %mul3A_8] : memref<16x10240xf32, #tpu.memory_space<vmem_shared>> -> memref<1x640xf32, #tpu.memory_space<vmem_shared>>
      %dma_wait3A_141 = tpu.memref_squeeze %dma_wait3A : memref<1x640xf32, #tpu.memory_space<vmem_shared>> -> memref<640xf32, #tpu.memory_space<vmem_shared>>
      %dma_wait3A_142 = tpu.memref_slice %arg22[%run_scoped3A_78, %mul3A_8] : memref<16x10240xf32, #tpu.memory_space<vmem_shared>> -> memref<1x640xf32, #tpu.memory_space<vmem_shared>>
      %dma_wait3A_143 = tpu.memref_squeeze %dma_wait3A_142 : memref<1x640xf32, #tpu.memory_space<vmem_shared>> -> memref<640xf32, #tpu.memory_space<vmem_shared>>
      tpu.wait_dma2 semaphore(%run_scoped3A_137 : memref<!tpu.dma_semaphore, #tpu.memory_space<semaphore_mem>>) src(%dma_wait3A_143 : memref<640xf32, #tpu.memory_space<vmem_shared>>) dst(%arg16 : memref<640xf32, #tpu.memory_space<vmem>>)
      tpu.yield
    }) : () -> ()
    %parallel_loop3A_79 = arith.constant 0 : i32
    %parallel_loop3A_80 = arith.constant 40 : i32
    %parallel_loop3A_81 = arith.constant 1 : i32
    scf.for %parallel_loop3A_137 = %parallel_loop3A_79 to %parallel_loop3A_80 step %parallel_loop3A_81  : i32 {
      %parallel_loop3A_138 = arith.constant 16 : i32
      %parallel_loop3A_139 = arith.muli %parallel_loop3A_137, %parallel_loop3A_138 : i32
      %parallel_loop3A_140 = arith.index_cast %parallel_loop3A_139 : i32 to index
      %parallel_loop3A_141 = tpu.vector_load %arg18[%parallel_loop3A_140] {strides = array<i32>} : memref<640xf32, #tpu.memory_space<vmem>>, vector<16xf32>,
      %parallel_loop3A_142 = arith.index_cast %parallel_loop3A_139 : i32 to index
      %parallel_loop3A_143 = tpu.vector_load %arg16[%parallel_loop3A_142] {strides = array<i32>} : memref<640xf32, #tpu.memory_space<vmem>>, vector<16xf32>,
      %parallel_loop3A_144 = arith.addf %parallel_loop3A_141, %parallel_loop3A_143 : vector<16xf32>
      %parallel_loop3A_145 = arith.index_cast %parallel_loop3A_139 : i32 to index
      %parallel_loop3A_146 = tpu.vector_load %arg18[%parallel_loop3A_145] {strides = array<i32>} : memref<640xf32, #tpu.memory_space<vmem>>, vector<16xf32>,
      tpu.vector_store %arg18[%parallel_loop3A_145], %parallel_loop3A_144 {strides = array<i32>} : memref<640xf32, #tpu.memory_space<vmem>>, vector<16xf32>,
    } {sc.loop_unroll_factor = 8 : i64, sc.parallel_access}
    %run_scoped3A_82 = arith.constant 10 : i32
    "tpu.region"() ({
      %run_scoped3A_137 = tpu.sem_alloc : memref<!tpu.dma_semaphore, #tpu.memory_space<semaphore_mem>>
      %dma_start3A = tpu.memref_slice %arg21[%run_scoped3A_82, %mul3A_8] : memref<16x10240xf32, #tpu.memory_space<vmem_shared>> -> memref<1x640xf32, #tpu.memory_space<vmem_shared>>
      %dma_start3A_138 = tpu.memref_squeeze %dma_start3A : memref<1x640xf32, #tpu.memory_space<vmem_shared>> -> memref<640xf32, #tpu.memory_space<vmem_shared>>
      %dma_start3A_139 = tpu.memref_slice %arg21[%run_scoped3A_82, %mul3A_8] : memref<16x10240xf32, #tpu.memory_space<vmem_shared>> -> memref<1x640xf32, #tpu.memory_space<vmem_shared>>
      %dma_start3A_140 = tpu.memref_squeeze %dma_start3A_139 : memref<1x640xf32, #tpu.memory_space<vmem_shared>> -> memref<640xf32, #tpu.memory_space<vmem_shared>>
      tpu.enqueue_dma source(%dma_start3A_140 : memref<640xf32, #tpu.memory_space<vmem_shared>>) target(%arg16 : memref<640xf32, #tpu.memory_space<vmem>>) target_semaphore(%run_scoped3A_137 : memref<!tpu.dma_semaphore, #tpu.memory_space<semaphore_mem>>)
      %dma_wait3A = tpu.memref_slice %arg21[%run_scoped3A_82, %mul3A_8] : memref<16x10240xf32, #tpu.memory_space<vmem_shared>> -> memref<1x640xf32, #tpu.memory_space<vmem_shared>>
      %dma_wait3A_141 = tpu.memref_squeeze %dma_wait3A : memref<1x640xf32, #tpu.memory_space<vmem_shared>> -> memref<640xf32, #tpu.memory_space<vmem_shared>>
      %dma_wait3A_142 = tpu.memref_slice %arg21[%run_scoped3A_82, %mul3A_8] : memref<16x10240xf32, #tpu.memory_space<vmem_shared>> -> memref<1x640xf32, #tpu.memory_space<vmem_shared>>
      %dma_wait3A_143 = tpu.memref_squeeze %dma_wait3A_142 : memref<1x640xf32, #tpu.memory_space<vmem_shared>> -> memref<640xf32, #tpu.memory_space<vmem_shared>>
      tpu.wait_dma2 semaphore(%run_scoped3A_137 : memref<!tpu.dma_semaphore, #tpu.memory_space<semaphore_mem>>) src(%dma_wait3A_143 : memref<640xf32, #tpu.memory_space<vmem_shared>>) dst(%arg16 : memref<640xf32, #tpu.memory_space<vmem>>)
      tpu.yield
    }) : () -> ()
    %parallel_loop3A_83 = arith.constant 0 : i32
    %parallel_loop3A_84 = arith.constant 40 : i32
    %parallel_loop3A_85 = arith.constant 1 : i32
    scf.for %parallel_loop3A_137 = %parallel_loop3A_83 to %parallel_loop3A_84 step %parallel_loop3A_85  : i32 {
      %parallel_loop3A_138 = arith.constant 16 : i32
      %parallel_loop3A_139 = arith.muli %parallel_loop3A_137, %parallel_loop3A_138 : i32
      %parallel_loop3A_140 = arith.index_cast %parallel_loop3A_139 : i32 to index
      %parallel_loop3A_141 = tpu.vector_load %arg17[%parallel_loop3A_140] {strides = array<i32>} : memref<640xf32, #tpu.memory_space<vmem>>, vector<16xf32>,
      %parallel_loop3A_142 = arith.index_cast %parallel_loop3A_139 : i32 to index
      %parallel_loop3A_143 = tpu.vector_load %arg16[%parallel_loop3A_142] {strides = array<i32>} : memref<640xf32, #tpu.memory_space<vmem>>, vector<16xf32>,
      %parallel_loop3A_144 = arith.addf %parallel_loop3A_141, %parallel_loop3A_143 : vector<16xf32>
      %parallel_loop3A_145 = arith.index_cast %parallel_loop3A_139 : i32 to index
      %parallel_loop3A_146 = tpu.vector_load %arg17[%parallel_loop3A_145] {strides = array<i32>} : memref<640xf32, #tpu.memory_space<vmem>>, vector<16xf32>,
      tpu.vector_store %arg17[%parallel_loop3A_145], %parallel_loop3A_144 {strides = array<i32>} : memref<640xf32, #tpu.memory_space<vmem>>, vector<16xf32>,
    } {sc.loop_unroll_factor = 8 : i64, sc.parallel_access}
    %run_scoped3A_86 = arith.constant 10 : i32
    "tpu.region"() ({
      %run_scoped3A_137 = tpu.sem_alloc : memref<!tpu.dma_semaphore, #tpu.memory_space<semaphore_mem>>
      %dma_start3A = tpu.memref_slice %arg22[%run_scoped3A_86, %mul3A_8] : memref<16x10240xf32, #tpu.memory_space<vmem_shared>> -> memref<1x640xf32, #tpu.memory_space<vmem_shared>>
      %dma_start3A_138 = tpu.memref_squeeze %dma_start3A : memref<1x640xf32, #tpu.memory_space<vmem_shared>> -> memref<640xf32, #tpu.memory_space<vmem_shared>>
      %dma_start3A_139 = tpu.memref_slice %arg22[%run_scoped3A_86, %mul3A_8] : memref<16x10240xf32, #tpu.memory_space<vmem_shared>> -> memref<1x640xf32, #tpu.memory_space<vmem_shared>>
      %dma_start3A_140 = tpu.memref_squeeze %dma_start3A_139 : memref<1x640xf32, #tpu.memory_space<vmem_shared>> -> memref<640xf32, #tpu.memory_space<vmem_shared>>
      tpu.enqueue_dma source(%dma_start3A_140 : memref<640xf32, #tpu.memory_space<vmem_shared>>) target(%arg16 : memref<640xf32, #tpu.memory_space<vmem>>) target_semaphore(%run_scoped3A_137 : memref<!tpu.dma_semaphore, #tpu.memory_space<semaphore_mem>>)
      %dma_wait3A = tpu.memref_slice %arg22[%run_scoped3A_86, %mul3A_8] : memref<16x10240xf32, #tpu.memory_space<vmem_shared>> -> memref<1x640xf32, #tpu.memory_space<vmem_shared>>
      %dma_wait3A_141 = tpu.memref_squeeze %dma_wait3A : memref<1x640xf32, #tpu.memory_space<vmem_shared>> -> memref<640xf32, #tpu.memory_space<vmem_shared>>
      %dma_wait3A_142 = tpu.memref_slice %arg22[%run_scoped3A_86, %mul3A_8] : memref<16x10240xf32, #tpu.memory_space<vmem_shared>> -> memref<1x640xf32, #tpu.memory_space<vmem_shared>>
      %dma_wait3A_143 = tpu.memref_squeeze %dma_wait3A_142 : memref<1x640xf32, #tpu.memory_space<vmem_shared>> -> memref<640xf32, #tpu.memory_space<vmem_shared>>
      tpu.wait_dma2 semaphore(%run_scoped3A_137 : memref<!tpu.dma_semaphore, #tpu.memory_space<semaphore_mem>>) src(%dma_wait3A_143 : memref<640xf32, #tpu.memory_space<vmem_shared>>) dst(%arg16 : memref<640xf32, #tpu.memory_space<vmem>>)
      tpu.yield
    }) : () -> ()
    %parallel_loop3A_87 = arith.constant 0 : i32
    %parallel_loop3A_88 = arith.constant 40 : i32
    %parallel_loop3A_89 = arith.constant 1 : i32
    scf.for %parallel_loop3A_137 = %parallel_loop3A_87 to %parallel_loop3A_88 step %parallel_loop3A_89  : i32 {
      %parallel_loop3A_138 = arith.constant 16 : i32
      %parallel_loop3A_139 = arith.muli %parallel_loop3A_137, %parallel_loop3A_138 : i32
      %parallel_loop3A_140 = arith.index_cast %parallel_loop3A_139 : i32 to index
      %parallel_loop3A_141 = tpu.vector_load %arg18[%parallel_loop3A_140] {strides = array<i32>} : memref<640xf32, #tpu.memory_space<vmem>>, vector<16xf32>,
      %parallel_loop3A_142 = arith.index_cast %parallel_loop3A_139 : i32 to index
      %parallel_loop3A_143 = tpu.vector_load %arg16[%parallel_loop3A_142] {strides = array<i32>} : memref<640xf32, #tpu.memory_space<vmem>>, vector<16xf32>,
      %parallel_loop3A_144 = arith.addf %parallel_loop3A_141, %parallel_loop3A_143 : vector<16xf32>
      %parallel_loop3A_145 = arith.index_cast %parallel_loop3A_139 : i32 to index
      %parallel_loop3A_146 = tpu.vector_load %arg18[%parallel_loop3A_145] {strides = array<i32>} : memref<640xf32, #tpu.memory_space<vmem>>, vector<16xf32>,
      tpu.vector_store %arg18[%parallel_loop3A_145], %parallel_loop3A_144 {strides = array<i32>} : memref<640xf32, #tpu.memory_space<vmem>>, vector<16xf32>,
    } {sc.loop_unroll_factor = 8 : i64, sc.parallel_access}
    %run_scoped3A_90 = arith.constant 11 : i32
    "tpu.region"() ({
      %run_scoped3A_137 = tpu.sem_alloc : memref<!tpu.dma_semaphore, #tpu.memory_space<semaphore_mem>>
      %dma_start3A = tpu.memref_slice %arg21[%run_scoped3A_90, %mul3A_8] : memref<16x10240xf32, #tpu.memory_space<vmem_shared>> -> memref<1x640xf32, #tpu.memory_space<vmem_shared>>
      %dma_start3A_138 = tpu.memref_squeeze %dma_start3A : memref<1x640xf32, #tpu.memory_space<vmem_shared>> -> memref<640xf32, #tpu.memory_space<vmem_shared>>
      %dma_start3A_139 = tpu.memref_slice %arg21[%run_scoped3A_90, %mul3A_8] : memref<16x10240xf32, #tpu.memory_space<vmem_shared>> -> memref<1x640xf32, #tpu.memory_space<vmem_shared>>
      %dma_start3A_140 = tpu.memref_squeeze %dma_start3A_139 : memref<1x640xf32, #tpu.memory_space<vmem_shared>> -> memref<640xf32, #tpu.memory_space<vmem_shared>>
      tpu.enqueue_dma source(%dma_start3A_140 : memref<640xf32, #tpu.memory_space<vmem_shared>>) target(%arg16 : memref<640xf32, #tpu.memory_space<vmem>>) target_semaphore(%run_scoped3A_137 : memref<!tpu.dma_semaphore, #tpu.memory_space<semaphore_mem>>)
      %dma_wait3A = tpu.memref_slice %arg21[%run_scoped3A_90, %mul3A_8] : memref<16x10240xf32, #tpu.memory_space<vmem_shared>> -> memref<1x640xf32, #tpu.memory_space<vmem_shared>>
      %dma_wait3A_141 = tpu.memref_squeeze %dma_wait3A : memref<1x640xf32, #tpu.memory_space<vmem_shared>> -> memref<640xf32, #tpu.memory_space<vmem_shared>>
      %dma_wait3A_142 = tpu.memref_slice %arg21[%run_scoped3A_90, %mul3A_8] : memref<16x10240xf32, #tpu.memory_space<vmem_shared>> -> memref<1x640xf32, #tpu.memory_space<vmem_shared>>
      %dma_wait3A_143 = tpu.memref_squeeze %dma_wait3A_142 : memref<1x640xf32, #tpu.memory_space<vmem_shared>> -> memref<640xf32, #tpu.memory_space<vmem_shared>>
      tpu.wait_dma2 semaphore(%run_scoped3A_137 : memref<!tpu.dma_semaphore, #tpu.memory_space<semaphore_mem>>) src(%dma_wait3A_143 : memref<640xf32, #tpu.memory_space<vmem_shared>>) dst(%arg16 : memref<640xf32, #tpu.memory_space<vmem>>)
      tpu.yield
    }) : () -> ()
    %parallel_loop3A_91 = arith.constant 0 : i32
    %parallel_loop3A_92 = arith.constant 40 : i32
    %parallel_loop3A_93 = arith.constant 1 : i32
    scf.for %parallel_loop3A_137 = %parallel_loop3A_91 to %parallel_loop3A_92 step %parallel_loop3A_93  : i32 {
      %parallel_loop3A_138 = arith.constant 16 : i32
      %parallel_loop3A_139 = arith.muli %parallel_loop3A_137, %parallel_loop3A_138 : i32
      %parallel_loop3A_140 = arith.index_cast %parallel_loop3A_139 : i32 to index
      %parallel_loop3A_141 = tpu.vector_load %arg17[%parallel_loop3A_140] {strides = array<i32>} : memref<640xf32, #tpu.memory_space<vmem>>, vector<16xf32>,
      %parallel_loop3A_142 = arith.index_cast %parallel_loop3A_139 : i32 to index
      %parallel_loop3A_143 = tpu.vector_load %arg16[%parallel_loop3A_142] {strides = array<i32>} : memref<640xf32, #tpu.memory_space<vmem>>, vector<16xf32>,
      %parallel_loop3A_144 = arith.addf %parallel_loop3A_141, %parallel_loop3A_143 : vector<16xf32>
      %parallel_loop3A_145 = arith.index_cast %parallel_loop3A_139 : i32 to index
      %parallel_loop3A_146 = tpu.vector_load %arg17[%parallel_loop3A_145] {strides = array<i32>} : memref<640xf32, #tpu.memory_space<vmem>>, vector<16xf32>,
      tpu.vector_store %arg17[%parallel_loop3A_145], %parallel_loop3A_144 {strides = array<i32>} : memref<640xf32, #tpu.memory_space<vmem>>, vector<16xf32>,
    } {sc.loop_unroll_factor = 8 : i64, sc.parallel_access}
    %run_scoped3A_94 = arith.constant 11 : i32
    "tpu.region"() ({
      %run_scoped3A_137 = tpu.sem_alloc : memref<!tpu.dma_semaphore, #tpu.memory_space<semaphore_mem>>
      %dma_start3A = tpu.memref_slice %arg22[%run_scoped3A_94, %mul3A_8] : memref<16x10240xf32, #tpu.memory_space<vmem_shared>> -> memref<1x640xf32, #tpu.memory_space<vmem_shared>>
      %dma_start3A_138 = tpu.memref_squeeze %dma_start3A : memref<1x640xf32, #tpu.memory_space<vmem_shared>> -> memref<640xf32, #tpu.memory_space<vmem_shared>>
      %dma_start3A_139 = tpu.memref_slice %arg22[%run_scoped3A_94, %mul3A_8] : memref<16x10240xf32, #tpu.memory_space<vmem_shared>> -> memref<1x640xf32, #tpu.memory_space<vmem_shared>>
      %dma_start3A_140 = tpu.memref_squeeze %dma_start3A_139 : memref<1x640xf32, #tpu.memory_space<vmem_shared>> -> memref<640xf32, #tpu.memory_space<vmem_shared>>
      tpu.enqueue_dma source(%dma_start3A_140 : memref<640xf32, #tpu.memory_space<vmem_shared>>) target(%arg16 : memref<640xf32, #tpu.memory_space<vmem>>) target_semaphore(%run_scoped3A_137 : memref<!tpu.dma_semaphore, #tpu.memory_space<semaphore_mem>>)
      %dma_wait3A = tpu.memref_slice %arg22[%run_scoped3A_94, %mul3A_8] : memref<16x10240xf32, #tpu.memory_space<vmem_shared>> -> memref<1x640xf32, #tpu.memory_space<vmem_shared>>
      %dma_wait3A_141 = tpu.memref_squeeze %dma_wait3A : memref<1x640xf32, #tpu.memory_space<vmem_shared>> -> memref<640xf32, #tpu.memory_space<vmem_shared>>
      %dma_wait3A_142 = tpu.memref_slice %arg22[%run_scoped3A_94, %mul3A_8] : memref<16x10240xf32, #tpu.memory_space<vmem_shared>> -> memref<1x640xf32, #tpu.memory_space<vmem_shared>>
      %dma_wait3A_143 = tpu.memref_squeeze %dma_wait3A_142 : memref<1x640xf32, #tpu.memory_space<vmem_shared>> -> memref<640xf32, #tpu.memory_space<vmem_shared>>
      tpu.wait_dma2 semaphore(%run_scoped3A_137 : memref<!tpu.dma_semaphore, #tpu.memory_space<semaphore_mem>>) src(%dma_wait3A_143 : memref<640xf32, #tpu.memory_space<vmem_shared>>) dst(%arg16 : memref<640xf32, #tpu.memory_space<vmem>>)
      tpu.yield
    }) : () -> ()
    %parallel_loop3A_95 = arith.constant 0 : i32
    %parallel_loop3A_96 = arith.constant 40 : i32
    %parallel_loop3A_97 = arith.constant 1 : i32
    scf.for %parallel_loop3A_137 = %parallel_loop3A_95 to %parallel_loop3A_96 step %parallel_loop3A_97  : i32 {
      %parallel_loop3A_138 = arith.constant 16 : i32
      %parallel_loop3A_139 = arith.muli %parallel_loop3A_137, %parallel_loop3A_138 : i32
      %parallel_loop3A_140 = arith.index_cast %parallel_loop3A_139 : i32 to index
      %parallel_loop3A_141 = tpu.vector_load %arg18[%parallel_loop3A_140] {strides = array<i32>} : memref<640xf32, #tpu.memory_space<vmem>>, vector<16xf32>,
      %parallel_loop3A_142 = arith.index_cast %parallel_loop3A_139 : i32 to index
      %parallel_loop3A_143 = tpu.vector_load %arg16[%parallel_loop3A_142] {strides = array<i32>} : memref<640xf32, #tpu.memory_space<vmem>>, vector<16xf32>,
      %parallel_loop3A_144 = arith.addf %parallel_loop3A_141, %parallel_loop3A_143 : vector<16xf32>
      %parallel_loop3A_145 = arith.index_cast %parallel_loop3A_139 : i32 to index
      %parallel_loop3A_146 = tpu.vector_load %arg18[%parallel_loop3A_145] {strides = array<i32>} : memref<640xf32, #tpu.memory_space<vmem>>, vector<16xf32>,
      tpu.vector_store %arg18[%parallel_loop3A_145], %parallel_loop3A_144 {strides = array<i32>} : memref<640xf32, #tpu.memory_space<vmem>>, vector<16xf32>,
    } {sc.loop_unroll_factor = 8 : i64, sc.parallel_access}
    %run_scoped3A_98 = arith.constant 12 : i32
    "tpu.region"() ({
      %run_scoped3A_137 = tpu.sem_alloc : memref<!tpu.dma_semaphore, #tpu.memory_space<semaphore_mem>>
      %dma_start3A = tpu.memref_slice %arg21[%run_scoped3A_98, %mul3A_8] : memref<16x10240xf32, #tpu.memory_space<vmem_shared>> -> memref<1x640xf32, #tpu.memory_space<vmem_shared>>
      %dma_start3A_138 = tpu.memref_squeeze %dma_start3A : memref<1x640xf32, #tpu.memory_space<vmem_shared>> -> memref<640xf32, #tpu.memory_space<vmem_shared>>
      %dma_start3A_139 = tpu.memref_slice %arg21[%run_scoped3A_98, %mul3A_8] : memref<16x10240xf32, #tpu.memory_space<vmem_shared>> -> memref<1x640xf32, #tpu.memory_space<vmem_shared>>
      %dma_start3A_140 = tpu.memref_squeeze %dma_start3A_139 : memref<1x640xf32, #tpu.memory_space<vmem_shared>> -> memref<640xf32, #tpu.memory_space<vmem_shared>>
      tpu.enqueue_dma source(%dma_start3A_140 : memref<640xf32, #tpu.memory_space<vmem_shared>>) target(%arg16 : memref<640xf32, #tpu.memory_space<vmem>>) target_semaphore(%run_scoped3A_137 : memref<!tpu.dma_semaphore, #tpu.memory_space<semaphore_mem>>)
      %dma_wait3A = tpu.memref_slice %arg21[%run_scoped3A_98, %mul3A_8] : memref<16x10240xf32, #tpu.memory_space<vmem_shared>> -> memref<1x640xf32, #tpu.memory_space<vmem_shared>>
      %dma_wait3A_141 = tpu.memref_squeeze %dma_wait3A : memref<1x640xf32, #tpu.memory_space<vmem_shared>> -> memref<640xf32, #tpu.memory_space<vmem_shared>>
      %dma_wait3A_142 = tpu.memref_slice %arg21[%run_scoped3A_98, %mul3A_8] : memref<16x10240xf32, #tpu.memory_space<vmem_shared>> -> memref<1x640xf32, #tpu.memory_space<vmem_shared>>
      %dma_wait3A_143 = tpu.memref_squeeze %dma_wait3A_142 : memref<1x640xf32, #tpu.memory_space<vmem_shared>> -> memref<640xf32, #tpu.memory_space<vmem_shared>>
      tpu.wait_dma2 semaphore(%run_scoped3A_137 : memref<!tpu.dma_semaphore, #tpu.memory_space<semaphore_mem>>) src(%dma_wait3A_143 : memref<640xf32, #tpu.memory_space<vmem_shared>>) dst(%arg16 : memref<640xf32, #tpu.memory_space<vmem>>)
      tpu.yield
    }) : () -> ()
    %parallel_loop3A_99 = arith.constant 0 : i32
    %parallel_loop3A_100 = arith.constant 40 : i32
    %parallel_loop3A_101 = arith.constant 1 : i32
    scf.for %parallel_loop3A_137 = %parallel_loop3A_99 to %parallel_loop3A_100 step %parallel_loop3A_101  : i32 {
      %parallel_loop3A_138 = arith.constant 16 : i32
      %parallel_loop3A_139 = arith.muli %parallel_loop3A_137, %parallel_loop3A_138 : i32
      %parallel_loop3A_140 = arith.index_cast %parallel_loop3A_139 : i32 to index
      %parallel_loop3A_141 = tpu.vector_load %arg17[%parallel_loop3A_140] {strides = array<i32>} : memref<640xf32, #tpu.memory_space<vmem>>, vector<16xf32>,
      %parallel_loop3A_142 = arith.index_cast %parallel_loop3A_139 : i32 to index
      %parallel_loop3A_143 = tpu.vector_load %arg16[%parallel_loop3A_142] {strides = array<i32>} : memref<640xf32, #tpu.memory_space<vmem>>, vector<16xf32>,
      %parallel_loop3A_144 = arith.addf %parallel_loop3A_141, %parallel_loop3A_143 : vector<16xf32>
      %parallel_loop3A_145 = arith.index_cast %parallel_loop3A_139 : i32 to index
      %parallel_loop3A_146 = tpu.vector_load %arg17[%parallel_loop3A_145] {strides = array<i32>} : memref<640xf32, #tpu.memory_space<vmem>>, vector<16xf32>,
      tpu.vector_store %arg17[%parallel_loop3A_145], %parallel_loop3A_144 {strides = array<i32>} : memref<640xf32, #tpu.memory_space<vmem>>, vector<16xf32>,
    } {sc.loop_unroll_factor = 8 : i64, sc.parallel_access}
    %run_scoped3A_102 = arith.constant 12 : i32
    "tpu.region"() ({
      %run_scoped3A_137 = tpu.sem_alloc : memref<!tpu.dma_semaphore, #tpu.memory_space<semaphore_mem>>
      %dma_start3A = tpu.memref_slice %arg22[%run_scoped3A_102, %mul3A_8] : memref<16x10240xf32, #tpu.memory_space<vmem_shared>> -> memref<1x640xf32, #tpu.memory_space<vmem_shared>>
      %dma_start3A_138 = tpu.memref_squeeze %dma_start3A : memref<1x640xf32, #tpu.memory_space<vmem_shared>> -> memref<640xf32, #tpu.memory_space<vmem_shared>>
      %dma_start3A_139 = tpu.memref_slice %arg22[%run_scoped3A_102, %mul3A_8] : memref<16x10240xf32, #tpu.memory_space<vmem_shared>> -> memref<1x640xf32, #tpu.memory_space<vmem_shared>>
      %dma_start3A_140 = tpu.memref_squeeze %dma_start3A_139 : memref<1x640xf32, #tpu.memory_space<vmem_shared>> -> memref<640xf32, #tpu.memory_space<vmem_shared>>
      tpu.enqueue_dma source(%dma_start3A_140 : memref<640xf32, #tpu.memory_space<vmem_shared>>) target(%arg16 : memref<640xf32, #tpu.memory_space<vmem>>) target_semaphore(%run_scoped3A_137 : memref<!tpu.dma_semaphore, #tpu.memory_space<semaphore_mem>>)
      %dma_wait3A = tpu.memref_slice %arg22[%run_scoped3A_102, %mul3A_8] : memref<16x10240xf32, #tpu.memory_space<vmem_shared>> -> memref<1x640xf32, #tpu.memory_space<vmem_shared>>
      %dma_wait3A_141 = tpu.memref_squeeze %dma_wait3A : memref<1x640xf32, #tpu.memory_space<vmem_shared>> -> memref<640xf32, #tpu.memory_space<vmem_shared>>
      %dma_wait3A_142 = tpu.memref_slice %arg22[%run_scoped3A_102, %mul3A_8] : memref<16x10240xf32, #tpu.memory_space<vmem_shared>> -> memref<1x640xf32, #tpu.memory_space<vmem_shared>>
      %dma_wait3A_143 = tpu.memref_squeeze %dma_wait3A_142 : memref<1x640xf32, #tpu.memory_space<vmem_shared>> -> memref<640xf32, #tpu.memory_space<vmem_shared>>
      tpu.wait_dma2 semaphore(%run_scoped3A_137 : memref<!tpu.dma_semaphore, #tpu.memory_space<semaphore_mem>>) src(%dma_wait3A_143 : memref<640xf32, #tpu.memory_space<vmem_shared>>) dst(%arg16 : memref<640xf32, #tpu.memory_space<vmem>>)
      tpu.yield
    }) : () -> ()
    %parallel_loop3A_103 = arith.constant 0 : i32
    %parallel_loop3A_104 = arith.constant 40 : i32
    %parallel_loop3A_105 = arith.constant 1 : i32
    scf.for %parallel_loop3A_137 = %parallel_loop3A_103 to %parallel_loop3A_104 step %parallel_loop3A_105  : i32 {
      %parallel_loop3A_138 = arith.constant 16 : i32
      %parallel_loop3A_139 = arith.muli %parallel_loop3A_137, %parallel_loop3A_138 : i32
      %parallel_loop3A_140 = arith.index_cast %parallel_loop3A_139 : i32 to index
      %parallel_loop3A_141 = tpu.vector_load %arg18[%parallel_loop3A_140] {strides = array<i32>} : memref<640xf32, #tpu.memory_space<vmem>>, vector<16xf32>,
      %parallel_loop3A_142 = arith.index_cast %parallel_loop3A_139 : i32 to index
      %parallel_loop3A_143 = tpu.vector_load %arg16[%parallel_loop3A_142] {strides = array<i32>} : memref<640xf32, #tpu.memory_space<vmem>>, vector<16xf32>,
      %parallel_loop3A_144 = arith.addf %parallel_loop3A_141, %parallel_loop3A_143 : vector<16xf32>
      %parallel_loop3A_145 = arith.index_cast %parallel_loop3A_139 : i32 to index
      %parallel_loop3A_146 = tpu.vector_load %arg18[%parallel_loop3A_145] {strides = array<i32>} : memref<640xf32, #tpu.memory_space<vmem>>, vector<16xf32>,
      tpu.vector_store %arg18[%parallel_loop3A_145], %parallel_loop3A_144 {strides = array<i32>} : memref<640xf32, #tpu.memory_space<vmem>>, vector<16xf32>,
    } {sc.loop_unroll_factor = 8 : i64, sc.parallel_access}
    %run_scoped3A_106 = arith.constant 13 : i32
    "tpu.region"() ({
      %run_scoped3A_137 = tpu.sem_alloc : memref<!tpu.dma_semaphore, #tpu.memory_space<semaphore_mem>>
      %dma_start3A = tpu.memref_slice %arg21[%run_scoped3A_106, %mul3A_8] : memref<16x10240xf32, #tpu.memory_space<vmem_shared>> -> memref<1x640xf32, #tpu.memory_space<vmem_shared>>
      %dma_start3A_138 = tpu.memref_squeeze %dma_start3A : memref<1x640xf32, #tpu.memory_space<vmem_shared>> -> memref<640xf32, #tpu.memory_space<vmem_shared>>
      %dma_start3A_139 = tpu.memref_slice %arg21[%run_scoped3A_106, %mul3A_8] : memref<16x10240xf32, #tpu.memory_space<vmem_shared>> -> memref<1x640xf32, #tpu.memory_space<vmem_shared>>
      %dma_start3A_140 = tpu.memref_squeeze %dma_start3A_139 : memref<1x640xf32, #tpu.memory_space<vmem_shared>> -> memref<640xf32, #tpu.memory_space<vmem_shared>>
      tpu.enqueue_dma source(%dma_start3A_140 : memref<640xf32, #tpu.memory_space<vmem_shared>>) target(%arg16 : memref<640xf32, #tpu.memory_space<vmem>>) target_semaphore(%run_scoped3A_137 : memref<!tpu.dma_semaphore, #tpu.memory_space<semaphore_mem>>)
      %dma_wait3A = tpu.memref_slice %arg21[%run_scoped3A_106, %mul3A_8] : memref<16x10240xf32, #tpu.memory_space<vmem_shared>> -> memref<1x640xf32, #tpu.memory_space<vmem_shared>>
      %dma_wait3A_141 = tpu.memref_squeeze %dma_wait3A : memref<1x640xf32, #tpu.memory_space<vmem_shared>> -> memref<640xf32, #tpu.memory_space<vmem_shared>>
      %dma_wait3A_142 = tpu.memref_slice %arg21[%run_scoped3A_106, %mul3A_8] : memref<16x10240xf32, #tpu.memory_space<vmem_shared>> -> memref<1x640xf32, #tpu.memory_space<vmem_shared>>
      %dma_wait3A_143 = tpu.memref_squeeze %dma_wait3A_142 : memref<1x640xf32, #tpu.memory_space<vmem_shared>> -> memref<640xf32, #tpu.memory_space<vmem_shared>>
      tpu.wait_dma2 semaphore(%run_scoped3A_137 : memref<!tpu.dma_semaphore, #tpu.memory_space<semaphore_mem>>) src(%dma_wait3A_143 : memref<640xf32, #tpu.memory_space<vmem_shared>>) dst(%arg16 : memref<640xf32, #tpu.memory_space<vmem>>)
      tpu.yield
    }) : () -> ()
    %parallel_loop3A_107 = arith.constant 0 : i32
    %parallel_loop3A_108 = arith.constant 40 : i32
    %parallel_loop3A_109 = arith.constant 1 : i32
    scf.for %parallel_loop3A_137 = %parallel_loop3A_107 to %parallel_loop3A_108 step %parallel_loop3A_109  : i32 {
      %parallel_loop3A_138 = arith.constant 16 : i32
      %parallel_loop3A_139 = arith.muli %parallel_loop3A_137, %parallel_loop3A_138 : i32
      %parallel_loop3A_140 = arith.index_cast %parallel_loop3A_139 : i32 to index
      %parallel_loop3A_141 = tpu.vector_load %arg17[%parallel_loop3A_140] {strides = array<i32>} : memref<640xf32, #tpu.memory_space<vmem>>, vector<16xf32>,
      %parallel_loop3A_142 = arith.index_cast %parallel_loop3A_139 : i32 to index
      %parallel_loop3A_143 = tpu.vector_load %arg16[%parallel_loop3A_142] {strides = array<i32>} : memref<640xf32, #tpu.memory_space<vmem>>, vector<16xf32>,
      %parallel_loop3A_144 = arith.addf %parallel_loop3A_141, %parallel_loop3A_143 : vector<16xf32>
      %parallel_loop3A_145 = arith.index_cast %parallel_loop3A_139 : i32 to index
      %parallel_loop3A_146 = tpu.vector_load %arg17[%parallel_loop3A_145] {strides = array<i32>} : memref<640xf32, #tpu.memory_space<vmem>>, vector<16xf32>,
      tpu.vector_store %arg17[%parallel_loop3A_145], %parallel_loop3A_144 {strides = array<i32>} : memref<640xf32, #tpu.memory_space<vmem>>, vector<16xf32>,
    } {sc.loop_unroll_factor = 8 : i64, sc.parallel_access}
    %run_scoped3A_110 = arith.constant 13 : i32
    "tpu.region"() ({
      %run_scoped3A_137 = tpu.sem_alloc : memref<!tpu.dma_semaphore, #tpu.memory_space<semaphore_mem>>
      %dma_start3A = tpu.memref_slice %arg22[%run_scoped3A_110, %mul3A_8] : memref<16x10240xf32, #tpu.memory_space<vmem_shared>> -> memref<1x640xf32, #tpu.memory_space<vmem_shared>>
      %dma_start3A_138 = tpu.memref_squeeze %dma_start3A : memref<1x640xf32, #tpu.memory_space<vmem_shared>> -> memref<640xf32, #tpu.memory_space<vmem_shared>>
      %dma_start3A_139 = tpu.memref_slice %arg22[%run_scoped3A_110, %mul3A_8] : memref<16x10240xf32, #tpu.memory_space<vmem_shared>> -> memref<1x640xf32, #tpu.memory_space<vmem_shared>>
      %dma_start3A_140 = tpu.memref_squeeze %dma_start3A_139 : memref<1x640xf32, #tpu.memory_space<vmem_shared>> -> memref<640xf32, #tpu.memory_space<vmem_shared>>
      tpu.enqueue_dma source(%dma_start3A_140 : memref<640xf32, #tpu.memory_space<vmem_shared>>) target(%arg16 : memref<640xf32, #tpu.memory_space<vmem>>) target_semaphore(%run_scoped3A_137 : memref<!tpu.dma_semaphore, #tpu.memory_space<semaphore_mem>>)
      %dma_wait3A = tpu.memref_slice %arg22[%run_scoped3A_110, %mul3A_8] : memref<16x10240xf32, #tpu.memory_space<vmem_shared>> -> memref<1x640xf32, #tpu.memory_space<vmem_shared>>
      %dma_wait3A_141 = tpu.memref_squeeze %dma_wait3A : memref<1x640xf32, #tpu.memory_space<vmem_shared>> -> memref<640xf32, #tpu.memory_space<vmem_shared>>
      %dma_wait3A_142 = tpu.memref_slice %arg22[%run_scoped3A_110, %mul3A_8] : memref<16x10240xf32, #tpu.memory_space<vmem_shared>> -> memref<1x640xf32, #tpu.memory_space<vmem_shared>>
      %dma_wait3A_143 = tpu.memref_squeeze %dma_wait3A_142 : memref<1x640xf32, #tpu.memory_space<vmem_shared>> -> memref<640xf32, #tpu.memory_space<vmem_shared>>
      tpu.wait_dma2 semaphore(%run_scoped3A_137 : memref<!tpu.dma_semaphore, #tpu.memory_space<semaphore_mem>>) src(%dma_wait3A_143 : memref<640xf32, #tpu.memory_space<vmem_shared>>) dst(%arg16 : memref<640xf32, #tpu.memory_space<vmem>>)
      tpu.yield
    }) : () -> ()
    %parallel_loop3A_111 = arith.constant 0 : i32
    %parallel_loop3A_112 = arith.constant 40 : i32
    %parallel_loop3A_113 = arith.constant 1 : i32
    scf.for %parallel_loop3A_137 = %parallel_loop3A_111 to %parallel_loop3A_112 step %parallel_loop3A_113  : i32 {
      %parallel_loop3A_138 = arith.constant 16 : i32
      %parallel_loop3A_139 = arith.muli %parallel_loop3A_137, %parallel_loop3A_138 : i32
      %parallel_loop3A_140 = arith.index_cast %parallel_loop3A_139 : i32 to index
      %parallel_loop3A_141 = tpu.vector_load %arg18[%parallel_loop3A_140] {strides = array<i32>} : memref<640xf32, #tpu.memory_space<vmem>>, vector<16xf32>,
      %parallel_loop3A_142 = arith.index_cast %parallel_loop3A_139 : i32 to index
      %parallel_loop3A_143 = tpu.vector_load %arg16[%parallel_loop3A_142] {strides = array<i32>} : memref<640xf32, #tpu.memory_space<vmem>>, vector<16xf32>,
      %parallel_loop3A_144 = arith.addf %parallel_loop3A_141, %parallel_loop3A_143 : vector<16xf32>
      %parallel_loop3A_145 = arith.index_cast %parallel_loop3A_139 : i32 to index
      %parallel_loop3A_146 = tpu.vector_load %arg18[%parallel_loop3A_145] {strides = array<i32>} : memref<640xf32, #tpu.memory_space<vmem>>, vector<16xf32>,
      tpu.vector_store %arg18[%parallel_loop3A_145], %parallel_loop3A_144 {strides = array<i32>} : memref<640xf32, #tpu.memory_space<vmem>>, vector<16xf32>,
    } {sc.loop_unroll_factor = 8 : i64, sc.parallel_access}
    %run_scoped3A_114 = arith.constant 14 : i32
    "tpu.region"() ({
      %run_scoped3A_137 = tpu.sem_alloc : memref<!tpu.dma_semaphore, #tpu.memory_space<semaphore_mem>>
      %dma_start3A = tpu.memref_slice %arg21[%run_scoped3A_114, %mul3A_8] : memref<16x10240xf32, #tpu.memory_space<vmem_shared>> -> memref<1x640xf32, #tpu.memory_space<vmem_shared>>
      %dma_start3A_138 = tpu.memref_squeeze %dma_start3A : memref<1x640xf32, #tpu.memory_space<vmem_shared>> -> memref<640xf32, #tpu.memory_space<vmem_shared>>
      %dma_start3A_139 = tpu.memref_slice %arg21[%run_scoped3A_114, %mul3A_8] : memref<16x10240xf32, #tpu.memory_space<vmem_shared>> -> memref<1x640xf32, #tpu.memory_space<vmem_shared>>
      %dma_start3A_140 = tpu.memref_squeeze %dma_start3A_139 : memref<1x640xf32, #tpu.memory_space<vmem_shared>> -> memref<640xf32, #tpu.memory_space<vmem_shared>>
      tpu.enqueue_dma source(%dma_start3A_140 : memref<640xf32, #tpu.memory_space<vmem_shared>>) target(%arg16 : memref<640xf32, #tpu.memory_space<vmem>>) target_semaphore(%run_scoped3A_137 : memref<!tpu.dma_semaphore, #tpu.memory_space<semaphore_mem>>)
      %dma_wait3A = tpu.memref_slice %arg21[%run_scoped3A_114, %mul3A_8] : memref<16x10240xf32, #tpu.memory_space<vmem_shared>> -> memref<1x640xf32, #tpu.memory_space<vmem_shared>>
      %dma_wait3A_141 = tpu.memref_squeeze %dma_wait3A : memref<1x640xf32, #tpu.memory_space<vmem_shared>> -> memref<640xf32, #tpu.memory_space<vmem_shared>>
      %dma_wait3A_142 = tpu.memref_slice %arg21[%run_scoped3A_114, %mul3A_8] : memref<16x10240xf32, #tpu.memory_space<vmem_shared>> -> memref<1x640xf32, #tpu.memory_space<vmem_shared>>
      %dma_wait3A_143 = tpu.memref_squeeze %dma_wait3A_142 : memref<1x640xf32, #tpu.memory_space<vmem_shared>> -> memref<640xf32, #tpu.memory_space<vmem_shared>>
      tpu.wait_dma2 semaphore(%run_scoped3A_137 : memref<!tpu.dma_semaphore, #tpu.memory_space<semaphore_mem>>) src(%dma_wait3A_143 : memref<640xf32, #tpu.memory_space<vmem_shared>>) dst(%arg16 : memref<640xf32, #tpu.memory_space<vmem>>)
      tpu.yield
    }) : () -> ()
    %parallel_loop3A_115 = arith.constant 0 : i32
    %parallel_loop3A_116 = arith.constant 40 : i32
    %parallel_loop3A_117 = arith.constant 1 : i32
    scf.for %parallel_loop3A_137 = %parallel_loop3A_115 to %parallel_loop3A_116 step %parallel_loop3A_117  : i32 {
      %parallel_loop3A_138 = arith.constant 16 : i32
      %parallel_loop3A_139 = arith.muli %parallel_loop3A_137, %parallel_loop3A_138 : i32
      %parallel_loop3A_140 = arith.index_cast %parallel_loop3A_139 : i32 to index
      %parallel_loop3A_141 = tpu.vector_load %arg17[%parallel_loop3A_140] {strides = array<i32>} : memref<640xf32, #tpu.memory_space<vmem>>, vector<16xf32>,
      %parallel_loop3A_142 = arith.index_cast %parallel_loop3A_139 : i32 to index
      %parallel_loop3A_143 = tpu.vector_load %arg16[%parallel_loop3A_142] {strides = array<i32>} : memref<640xf32, #tpu.memory_space<vmem>>, vector<16xf32>,
      %parallel_loop3A_144 = arith.addf %parallel_loop3A_141, %parallel_loop3A_143 : vector<16xf32>
      %parallel_loop3A_145 = arith.index_cast %parallel_loop3A_139 : i32 to index
      %parallel_loop3A_146 = tpu.vector_load %arg17[%parallel_loop3A_145] {strides = array<i32>} : memref<640xf32, #tpu.memory_space<vmem>>, vector<16xf32>,
      tpu.vector_store %arg17[%parallel_loop3A_145], %parallel_loop3A_144 {strides = array<i32>} : memref<640xf32, #tpu.memory_space<vmem>>, vector<16xf32>,
    } {sc.loop_unroll_factor = 8 : i64, sc.parallel_access}
    %run_scoped3A_118 = arith.constant 14 : i32
    "tpu.region"() ({
      %run_scoped3A_137 = tpu.sem_alloc : memref<!tpu.dma_semaphore, #tpu.memory_space<semaphore_mem>>
      %dma_start3A = tpu.memref_slice %arg22[%run_scoped3A_118, %mul3A_8] : memref<16x10240xf32, #tpu.memory_space<vmem_shared>> -> memref<1x640xf32, #tpu.memory_space<vmem_shared>>
      %dma_start3A_138 = tpu.memref_squeeze %dma_start3A : memref<1x640xf32, #tpu.memory_space<vmem_shared>> -> memref<640xf32, #tpu.memory_space<vmem_shared>>
      %dma_start3A_139 = tpu.memref_slice %arg22[%run_scoped3A_118, %mul3A_8] : memref<16x10240xf32, #tpu.memory_space<vmem_shared>> -> memref<1x640xf32, #tpu.memory_space<vmem_shared>>
      %dma_start3A_140 = tpu.memref_squeeze %dma_start3A_139 : memref<1x640xf32, #tpu.memory_space<vmem_shared>> -> memref<640xf32, #tpu.memory_space<vmem_shared>>
      tpu.enqueue_dma source(%dma_start3A_140 : memref<640xf32, #tpu.memory_space<vmem_shared>>) target(%arg16 : memref<640xf32, #tpu.memory_space<vmem>>) target_semaphore(%run_scoped3A_137 : memref<!tpu.dma_semaphore, #tpu.memory_space<semaphore_mem>>)
      %dma_wait3A = tpu.memref_slice %arg22[%run_scoped3A_118, %mul3A_8] : memref<16x10240xf32, #tpu.memory_space<vmem_shared>> -> memref<1x640xf32, #tpu.memory_space<vmem_shared>>
      %dma_wait3A_141 = tpu.memref_squeeze %dma_wait3A : memref<1x640xf32, #tpu.memory_space<vmem_shared>> -> memref<640xf32, #tpu.memory_space<vmem_shared>>
      %dma_wait3A_142 = tpu.memref_slice %arg22[%run_scoped3A_118, %mul3A_8] : memref<16x10240xf32, #tpu.memory_space<vmem_shared>> -> memref<1x640xf32, #tpu.memory_space<vmem_shared>>
      %dma_wait3A_143 = tpu.memref_squeeze %dma_wait3A_142 : memref<1x640xf32, #tpu.memory_space<vmem_shared>> -> memref<640xf32, #tpu.memory_space<vmem_shared>>
      tpu.wait_dma2 semaphore(%run_scoped3A_137 : memref<!tpu.dma_semaphore, #tpu.memory_space<semaphore_mem>>) src(%dma_wait3A_143 : memref<640xf32, #tpu.memory_space<vmem_shared>>) dst(%arg16 : memref<640xf32, #tpu.memory_space<vmem>>)
      tpu.yield
    }) : () -> ()
    %parallel_loop3A_119 = arith.constant 0 : i32
    %parallel_loop3A_120 = arith.constant 40 : i32
    %parallel_loop3A_121 = arith.constant 1 : i32
    scf.for %parallel_loop3A_137 = %parallel_loop3A_119 to %parallel_loop3A_120 step %parallel_loop3A_121  : i32 {
      %parallel_loop3A_138 = arith.constant 16 : i32
      %parallel_loop3A_139 = arith.muli %parallel_loop3A_137, %parallel_loop3A_138 : i32
      %parallel_loop3A_140 = arith.index_cast %parallel_loop3A_139 : i32 to index
      %parallel_loop3A_141 = tpu.vector_load %arg18[%parallel_loop3A_140] {strides = array<i32>} : memref<640xf32, #tpu.memory_space<vmem>>, vector<16xf32>,
      %parallel_loop3A_142 = arith.index_cast %parallel_loop3A_139 : i32 to index
      %parallel_loop3A_143 = tpu.vector_load %arg16[%parallel_loop3A_142] {strides = array<i32>} : memref<640xf32, #tpu.memory_space<vmem>>, vector<16xf32>,
      %parallel_loop3A_144 = arith.addf %parallel_loop3A_141, %parallel_loop3A_143 : vector<16xf32>
      %parallel_loop3A_145 = arith.index_cast %parallel_loop3A_139 : i32 to index
      %parallel_loop3A_146 = tpu.vector_load %arg18[%parallel_loop3A_145] {strides = array<i32>} : memref<640xf32, #tpu.memory_space<vmem>>, vector<16xf32>,
      tpu.vector_store %arg18[%parallel_loop3A_145], %parallel_loop3A_144 {strides = array<i32>} : memref<640xf32, #tpu.memory_space<vmem>>, vector<16xf32>,
    } {sc.loop_unroll_factor = 8 : i64, sc.parallel_access}
    %run_scoped3A_122 = arith.constant 15 : i32
    "tpu.region"() ({
      %run_scoped3A_137 = tpu.sem_alloc : memref<!tpu.dma_semaphore, #tpu.memory_space<semaphore_mem>>
      %dma_start3A = tpu.memref_slice %arg21[%run_scoped3A_122, %mul3A_8] : memref<16x10240xf32, #tpu.memory_space<vmem_shared>> -> memref<1x640xf32, #tpu.memory_space<vmem_shared>>
      %dma_start3A_138 = tpu.memref_squeeze %dma_start3A : memref<1x640xf32, #tpu.memory_space<vmem_shared>> -> memref<640xf32, #tpu.memory_space<vmem_shared>>
      %dma_start3A_139 = tpu.memref_slice %arg21[%run_scoped3A_122, %mul3A_8] : memref<16x10240xf32, #tpu.memory_space<vmem_shared>> -> memref<1x640xf32, #tpu.memory_space<vmem_shared>>
      %dma_start3A_140 = tpu.memref_squeeze %dma_start3A_139 : memref<1x640xf32, #tpu.memory_space<vmem_shared>> -> memref<640xf32, #tpu.memory_space<vmem_shared>>
      tpu.enqueue_dma source(%dma_start3A_140 : memref<640xf32, #tpu.memory_space<vmem_shared>>) target(%arg16 : memref<640xf32, #tpu.memory_space<vmem>>) target_semaphore(%run_scoped3A_137 : memref<!tpu.dma_semaphore, #tpu.memory_space<semaphore_mem>>)
      %dma_wait3A = tpu.memref_slice %arg21[%run_scoped3A_122, %mul3A_8] : memref<16x10240xf32, #tpu.memory_space<vmem_shared>> -> memref<1x640xf32, #tpu.memory_space<vmem_shared>>
      %dma_wait3A_141 = tpu.memref_squeeze %dma_wait3A : memref<1x640xf32, #tpu.memory_space<vmem_shared>> -> memref<640xf32, #tpu.memory_space<vmem_shared>>
      %dma_wait3A_142 = tpu.memref_slice %arg21[%run_scoped3A_122, %mul3A_8] : memref<16x10240xf32, #tpu.memory_space<vmem_shared>> -> memref<1x640xf32, #tpu.memory_space<vmem_shared>>
      %dma_wait3A_143 = tpu.memref_squeeze %dma_wait3A_142 : memref<1x640xf32, #tpu.memory_space<vmem_shared>> -> memref<640xf32, #tpu.memory_space<vmem_shared>>
      tpu.wait_dma2 semaphore(%run_scoped3A_137 : memref<!tpu.dma_semaphore, #tpu.memory_space<semaphore_mem>>) src(%dma_wait3A_143 : memref<640xf32, #tpu.memory_space<vmem_shared>>) dst(%arg16 : memref<640xf32, #tpu.memory_space<vmem>>)
      tpu.yield
    }) : () -> ()
    %parallel_loop3A_123 = arith.constant 0 : i32
    %parallel_loop3A_124 = arith.constant 40 : i32
    %parallel_loop3A_125 = arith.constant 1 : i32
    scf.for %parallel_loop3A_137 = %parallel_loop3A_123 to %parallel_loop3A_124 step %parallel_loop3A_125  : i32 {
      %parallel_loop3A_138 = arith.constant 16 : i32
      %parallel_loop3A_139 = arith.muli %parallel_loop3A_137, %parallel_loop3A_138 : i32
      %parallel_loop3A_140 = arith.index_cast %parallel_loop3A_139 : i32 to index
      %parallel_loop3A_141 = tpu.vector_load %arg17[%parallel_loop3A_140] {strides = array<i32>} : memref<640xf32, #tpu.memory_space<vmem>>, vector<16xf32>,
      %parallel_loop3A_142 = arith.index_cast %parallel_loop3A_139 : i32 to index
      %parallel_loop3A_143 = tpu.vector_load %arg16[%parallel_loop3A_142] {strides = array<i32>} : memref<640xf32, #tpu.memory_space<vmem>>, vector<16xf32>,
      %parallel_loop3A_144 = arith.addf %parallel_loop3A_141, %parallel_loop3A_143 : vector<16xf32>
      %parallel_loop3A_145 = arith.index_cast %parallel_loop3A_139 : i32 to index
      %parallel_loop3A_146 = tpu.vector_load %arg17[%parallel_loop3A_145] {strides = array<i32>} : memref<640xf32, #tpu.memory_space<vmem>>, vector<16xf32>,
      tpu.vector_store %arg17[%parallel_loop3A_145], %parallel_loop3A_144 {strides = array<i32>} : memref<640xf32, #tpu.memory_space<vmem>>, vector<16xf32>,
    } {sc.loop_unroll_factor = 8 : i64, sc.parallel_access}
    %run_scoped3A_126 = arith.constant 15 : i32
    "tpu.region"() ({
      %run_scoped3A_137 = tpu.sem_alloc : memref<!tpu.dma_semaphore, #tpu.memory_space<semaphore_mem>>
      %dma_start3A = tpu.memref_slice %arg22[%run_scoped3A_126, %mul3A_8] : memref<16x10240xf32, #tpu.memory_space<vmem_shared>> -> memref<1x640xf32, #tpu.memory_space<vmem_shared>>
      %dma_start3A_138 = tpu.memref_squeeze %dma_start3A : memref<1x640xf32, #tpu.memory_space<vmem_shared>> -> memref<640xf32, #tpu.memory_space<vmem_shared>>
      %dma_start3A_139 = tpu.memref_slice %arg22[%run_scoped3A_126, %mul3A_8] : memref<16x10240xf32, #tpu.memory_space<vmem_shared>> -> memref<1x640xf32, #tpu.memory_space<vmem_shared>>
      %dma_start3A_140 = tpu.memref_squeeze %dma_start3A_139 : memref<1x640xf32, #tpu.memory_space<vmem_shared>> -> memref<640xf32, #tpu.memory_space<vmem_shared>>
      tpu.enqueue_dma source(%dma_start3A_140 : memref<640xf32, #tpu.memory_space<vmem_shared>>) target(%arg16 : memref<640xf32, #tpu.memory_space<vmem>>) target_semaphore(%run_scoped3A_137 : memref<!tpu.dma_semaphore, #tpu.memory_space<semaphore_mem>>)
      %dma_wait3A = tpu.memref_slice %arg22[%run_scoped3A_126, %mul3A_8] : memref<16x10240xf32, #tpu.memory_space<vmem_shared>> -> memref<1x640xf32, #tpu.memory_space<vmem_shared>>
      %dma_wait3A_141 = tpu.memref_squeeze %dma_wait3A : memref<1x640xf32, #tpu.memory_space<vmem_shared>> -> memref<640xf32, #tpu.memory_space<vmem_shared>>
      %dma_wait3A_142 = tpu.memref_slice %arg22[%run_scoped3A_126, %mul3A_8] : memref<16x10240xf32, #tpu.memory_space<vmem_shared>> -> memref<1x640xf32, #tpu.memory_space<vmem_shared>>
      %dma_wait3A_143 = tpu.memref_squeeze %dma_wait3A_142 : memref<1x640xf32, #tpu.memory_space<vmem_shared>> -> memref<640xf32, #tpu.memory_space<vmem_shared>>
      tpu.wait_dma2 semaphore(%run_scoped3A_137 : memref<!tpu.dma_semaphore, #tpu.memory_space<semaphore_mem>>) src(%dma_wait3A_143 : memref<640xf32, #tpu.memory_space<vmem_shared>>) dst(%arg16 : memref<640xf32, #tpu.memory_space<vmem>>)
      tpu.yield
    }) : () -> ()
    %parallel_loop3A_127 = arith.constant 0 : i32
    %parallel_loop3A_128 = arith.constant 40 : i32
    %parallel_loop3A_129 = arith.constant 1 : i32
    scf.for %parallel_loop3A_137 = %parallel_loop3A_127 to %parallel_loop3A_128 step %parallel_loop3A_129  : i32 {
      %parallel_loop3A_138 = arith.constant 16 : i32
      %parallel_loop3A_139 = arith.muli %parallel_loop3A_137, %parallel_loop3A_138 : i32
      %parallel_loop3A_140 = arith.index_cast %parallel_loop3A_139 : i32 to index
      %parallel_loop3A_141 = tpu.vector_load %arg18[%parallel_loop3A_140] {strides = array<i32>} : memref<640xf32, #tpu.memory_space<vmem>>, vector<16xf32>,
      %parallel_loop3A_142 = arith.index_cast %parallel_loop3A_139 : i32 to index
      %parallel_loop3A_143 = tpu.vector_load %arg16[%parallel_loop3A_142] {strides = array<i32>} : memref<640xf32, #tpu.memory_space<vmem>>, vector<16xf32>,
      %parallel_loop3A_144 = arith.addf %parallel_loop3A_141, %parallel_loop3A_143 : vector<16xf32>
      %parallel_loop3A_145 = arith.index_cast %parallel_loop3A_139 : i32 to index
      %parallel_loop3A_146 = tpu.vector_load %arg18[%parallel_loop3A_145] {strides = array<i32>} : memref<640xf32, #tpu.memory_space<vmem>>, vector<16xf32>,
      tpu.vector_store %arg18[%parallel_loop3A_145], %parallel_loop3A_144 {strides = array<i32>} : memref<640xf32, #tpu.memory_space<vmem>>, vector<16xf32>,
    } {sc.loop_unroll_factor = 8 : i64, sc.parallel_access}
    %parallel_loop3A_130 = arith.constant 0 : i32
    %parallel_loop3A_131 = arith.constant 40 : i32
    %parallel_loop3A_132 = arith.constant 1 : i32
    scf.for %parallel_loop3A_137 = %parallel_loop3A_130 to %parallel_loop3A_131 step %parallel_loop3A_132  : i32 {
      %parallel_loop3A_138 = arith.constant 16 : i32
      %parallel_loop3A_139 = arith.muli %parallel_loop3A_137, %parallel_loop3A_138 : i32
      %parallel_loop3A_140 = arith.index_cast %parallel_loop3A_139 : i32 to index
      %parallel_loop3A_141 = tpu.vector_load %arg18[%parallel_loop3A_140] {strides = array<i32>} : memref<640xf32, #tpu.memory_space<vmem>>, vector<16xf32>,
      %parallel_loop3A_142 = arith.constant 0.000000e+00 : f32
      %parallel_loop3A_143 = vector.broadcast %parallel_loop3A_142 : f32 to vector<16xf32>
      %parallel_loop3A_144 = arith.cmpf ogt, %parallel_loop3A_141, %parallel_loop3A_143 : vector<16xf32>
      %parallel_loop3A_145 = arith.index_cast %parallel_loop3A_139 : i32 to index
      %parallel_loop3A_146 = tpu.vector_load %arg17[%parallel_loop3A_145] {strides = array<i32>} : memref<640xf32, #tpu.memory_space<vmem>>, vector<16xf32>,
      %parallel_loop3A_147 = arith.divf %parallel_loop3A_146, %parallel_loop3A_141 : vector<16xf32>
      %parallel_loop3A_148 = arith.constant 0 : index
      %parallel_loop3A_149 = tpu.vector_load %arg19[%parallel_loop3A_148] {strides = array<i32>} : memref<16xf32, #tpu.memory_space<vmem>>, vector<16xf32>,
      %parallel_loop3A_150 = arith.addf %parallel_loop3A_147, %parallel_loop3A_149 : vector<16xf32>
      %parallel_loop3A_151 = arith.constant 0 : index
      %parallel_loop3A_152 = tpu.vector_load %arg20[%parallel_loop3A_151] {strides = array<i32>} : memref<16xf32, #tpu.memory_space<vmem>>, vector<16xf32>,
      %parallel_loop3A_153 = arith.select %parallel_loop3A_144, %parallel_loop3A_150, %parallel_loop3A_152 : vector<16xi1>, vector<16xf32>
      %parallel_loop3A_154 = arith.index_cast %parallel_loop3A_139 : i32 to index
      %parallel_loop3A_155 = tpu.vector_load %arg17[%parallel_loop3A_154] {strides = array<i32>} : memref<640xf32, #tpu.memory_space<vmem>>, vector<16xf32>,
      tpu.vector_store %arg17[%parallel_loop3A_154], %parallel_loop3A_153 {strides = array<i32>} : memref<640xf32, #tpu.memory_space<vmem>>, vector<16xf32>,
    } {sc.loop_unroll_factor = 8 : i64, sc.parallel_access}
    "tpu.region"() ({
      %run_scoped3A_137 = tpu.sem_alloc : memref<!tpu.dma_semaphore, #tpu.memory_space<semaphore_mem>>
      %dma_start3A = tpu.memref_slice %arg7[%mul3A_8] : memref<10240xf32, #tpu.memory_space<hbm>> -> memref<640xf32, #tpu.memory_space<hbm>>
      %dma_start3A_138 = tpu.memref_slice %arg7[%mul3A_8] : memref<10240xf32, #tpu.memory_space<hbm>> -> memref<640xf32, #tpu.memory_space<hbm>>
      tpu.enqueue_dma source(%arg17 : memref<640xf32, #tpu.memory_space<vmem>>) target(%dma_start3A_138 : memref<640xf32, #tpu.memory_space<hbm>>) target_semaphore(%run_scoped3A_137 : memref<!tpu.dma_semaphore, #tpu.memory_space<semaphore_mem>>)
      %dma_wait3A = tpu.memref_slice %arg7[%mul3A_8] : memref<10240xf32, #tpu.memory_space<hbm>> -> memref<640xf32, #tpu.memory_space<hbm>>
      %dma_wait3A_139 = tpu.memref_slice %arg7[%mul3A_8] : memref<10240xf32, #tpu.memory_space<hbm>> -> memref<640xf32, #tpu.memory_space<hbm>>
      tpu.wait_dma2 semaphore(%run_scoped3A_137 : memref<!tpu.dma_semaphore, #tpu.memory_space<semaphore_mem>>) src(%arg17 : memref<640xf32, #tpu.memory_space<vmem>>) dst(%dma_wait3A_139 : memref<640xf32, #tpu.memory_space<hbm>>)
      tpu.yield
    }) : () -> ()
    "tpu.region"() ({
      %run_scoped3A_137 = tpu.sem_alloc : memref<!tpu.dma_semaphore, #tpu.memory_space<semaphore_mem>>
      %dma_start3A = tpu.memref_slice %arg8[%mul3A_8] : memref<10240xf32, #tpu.memory_space<hbm>> -> memref<640xf32, #tpu.memory_space<hbm>>
      %dma_start3A_138 = tpu.memref_slice %arg8[%mul3A_8] : memref<10240xf32, #tpu.memory_space<hbm>> -> memref<640xf32, #tpu.memory_space<hbm>>
      tpu.enqueue_dma source(%arg18 : memref<640xf32, #tpu.memory_space<vmem>>) target(%dma_start3A_138 : memref<640xf32, #tpu.memory_space<hbm>>) target_semaphore(%run_scoped3A_137 : memref<!tpu.dma_semaphore, #tpu.memory_space<semaphore_mem>>)
      %dma_wait3A = tpu.memref_slice %arg8[%mul3A_8] : memref<10240xf32, #tpu.memory_space<hbm>> -> memref<640xf32, #tpu.memory_space<hbm>>
      %dma_wait3A_139 = tpu.memref_slice %arg8[%mul3A_8] : memref<10240xf32, #tpu.memory_space<hbm>> -> memref<640xf32, #tpu.memory_space<hbm>>
      tpu.wait_dma2 semaphore(%run_scoped3A_137 : memref<!tpu.dma_semaphore, #tpu.memory_space<semaphore_mem>>) src(%arg18 : memref<640xf32, #tpu.memory_space<vmem>>) dst(%dma_wait3A_139 : memref<640xf32, #tpu.memory_space<hbm>>)
      tpu.yield
    }) : () -> ()
    "tpu.region"() ({
      %run_scoped3A_137 = tpu.sem_alloc : memref<!tpu.dma_semaphore, #tpu.memory_space<semaphore_mem>>
      %dma_start3A = tpu.memref_slice %arg23[%mul3A_8] : memref<10240xf32, #tpu.memory_space<vmem_shared>> -> memref<640xf32, #tpu.memory_space<vmem_shared>>
      %dma_start3A_138 = tpu.memref_slice %arg23[%mul3A_8] : memref<10240xf32, #tpu.memory_space<vmem_shared>> -> memref<640xf32, #tpu.memory_space<vmem_shared>>
      tpu.enqueue_dma source(%arg17 : memref<640xf32, #tpu.memory_space<vmem>>) target(%dma_start3A_138 : memref<640xf32, #tpu.memory_space<vmem_shared>>) target_semaphore(%run_scoped3A_137 : memref<!tpu.dma_semaphore, #tpu.memory_space<semaphore_mem>>)
      %dma_wait3A = tpu.memref_slice %arg23[%mul3A_8] : memref<10240xf32, #tpu.memory_space<vmem_shared>> -> memref<640xf32, #tpu.memory_space<vmem_shared>>
      %dma_wait3A_139 = tpu.memref_slice %arg23[%mul3A_8] : memref<10240xf32, #tpu.memory_space<vmem_shared>> -> memref<640xf32, #tpu.memory_space<vmem_shared>>
      tpu.wait_dma2 semaphore(%run_scoped3A_137 : memref<!tpu.dma_semaphore, #tpu.memory_space<semaphore_mem>>) src(%arg17 : memref<640xf32, #tpu.memory_space<vmem>>) dst(%dma_wait3A_139 : memref<640xf32, #tpu.memory_space<vmem_shared>>)
      tpu.yield
    }) : () -> ()
    %barrier3A_133 = arith.constant 0 : index
    tpu.barrier barrier_id(%barrier3A_133)
    "tpu.region"() ({
      %run_scoped3A_137 = tpu.sem_alloc : memref<!tpu.dma_semaphore, #tpu.memory_space<semaphore_mem>>
      tpu.enqueue_dma source(%arg23 : memref<10240xf32, #tpu.memory_space<vmem_shared>>) target(%arg15 : memref<10240xf32, #tpu.memory_space<vmem>>) target_semaphore(%run_scoped3A_137 : memref<!tpu.dma_semaphore, #tpu.memory_space<semaphore_mem>>)
      tpu.wait_dma2 semaphore(%run_scoped3A_137 : memref<!tpu.dma_semaphore, #tpu.memory_space<semaphore_mem>>) src(%arg23 : memref<10240xf32, #tpu.memory_space<vmem_shared>>) dst(%arg15 : memref<10240xf32, #tpu.memory_space<vmem>>)
      tpu.yield
    }) : () -> ()
    %parallel_loop3A_134 = arith.constant 0 : i32
    %parallel_loop3A_135 = arith.constant 1250 : i32
    %parallel_loop3A_136 = arith.constant 1 : i32
    scf.for %parallel_loop3A_137 = %parallel_loop3A_134 to %parallel_loop3A_135 step %parallel_loop3A_136  : i32 {
      %parallel_loop3A_138 = arith.constant 16 : i32
      %parallel_loop3A_139 = arith.muli %parallel_loop3A_137, %parallel_loop3A_138 : i32
      %parallel_loop3A_140 = arith.index_cast %parallel_loop3A_139 : i32 to index
      %parallel_loop3A_141 = tpu.vector_load %arg12[%parallel_loop3A_140] {strides = array<i32>} : memref<20000xi32, #tpu.memory_space<vmem>>, vector<16xi32>,
      %parallel_loop3A_142 = tpu.vector_load_idx %arg15[%parallel_loop3A_141] : memref<10240xf32, #tpu.memory_space<vmem>>[vector<16xi32>], vector<16xf32>,
      %parallel_loop3A_143 = arith.index_cast %parallel_loop3A_139 : i32 to index
      %parallel_loop3A_144 = tpu.vector_load %arg10[%parallel_loop3A_143] {strides = array<i32>} : memref<20000xf32, #tpu.memory_space<vmem>>, vector<16xf32>,
      tpu.vector_store %arg10[%parallel_loop3A_143], %parallel_loop3A_142 {strides = array<i32>} : memref<20000xf32, #tpu.memory_space<vmem>>, vector<16xf32>,
    } {sc.loop_unroll_factor = 4 : i64, sc.parallel_access}
    "tpu.region"() ({
      %run_scoped3A_137 = tpu.sem_alloc : memref<!tpu.dma_semaphore, #tpu.memory_space<semaphore_mem>>
      %dma_start3A = tpu.memref_slice %arg9[%mul3A_0] : memref<320000xf32, #tpu.memory_space<hbm>> -> memref<20000xf32, #tpu.memory_space<hbm>>
      %dma_start3A_138 = tpu.memref_slice %arg9[%mul3A_0] : memref<320000xf32, #tpu.memory_space<hbm>> -> memref<20000xf32, #tpu.memory_space<hbm>>
      tpu.enqueue_dma source(%arg10 : memref<20000xf32, #tpu.memory_space<vmem>>) target(%dma_start3A_138 : memref<20000xf32, #tpu.memory_space<hbm>>) target_semaphore(%run_scoped3A_137 : memref<!tpu.dma_semaphore, #tpu.memory_space<semaphore_mem>>)
      %dma_wait3A = tpu.memref_slice %arg9[%mul3A_0] : memref<320000xf32, #tpu.memory_space<hbm>> -> memref<20000xf32, #tpu.memory_space<hbm>>
      %dma_wait3A_139 = tpu.memref_slice %arg9[%mul3A_0] : memref<320000xf32, #tpu.memory_space<hbm>> -> memref<20000xf32, #tpu.memory_space<hbm>>
      tpu.wait_dma2 semaphore(%run_scoped3A_137 : memref<!tpu.dma_semaphore, #tpu.memory_space<semaphore_mem>>) src(%arg10 : memref<20000xf32, #tpu.memory_space<vmem>>) dst(%dma_wait3A_139 : memref<20000xf32, #tpu.memory_space<hbm>>)
      tpu.yield
    }) : () -> ()
    return
  }
}

module attributes {stable_mosaic.version = 14 : i64} {
  func.func @_tc_body(%arg0: i32, %arg1: memref<8192x128xf32, #tpu.memory_space<vmem>>, %arg2: memref<1x128xf32, #tpu.memory_space<vmem>>, %arg3: memref<128x128xf32, #tpu.memory_space<vmem>>, %arg4: memref<1x128xf32, #tpu.memory_space<vmem>>, %arg5: memref<8192xf32, #tpu.memory_space<vmem>>, %arg6: memref<8192xf32, #tpu.memory_space<vmem>>) attributes {dimension_semantics = [#tpu.dimension_semantics<arbitrary>], iteration_bounds = array<i64: 40>, scalar_prefetch = 0 : i64, scratch_operands = 0 : i64, tpu.core_type = #tpu.core_type<tc>, window_params = [{transform_indices = @transform_0, window_bounds = array<i64: 8192, 128>}, {pipeline_mode = #tpu.pipeline_mode<synchronous>, transform_indices = @transform_1, window_bounds = array<i64: 1, 128>}, {pipeline_mode = #tpu.pipeline_mode<synchronous>, transform_indices = @transform_2, window_bounds = array<i64: 128, 128>}, {pipeline_mode = #tpu.pipeline_mode<synchronous>, transform_indices = @transform_3, window_bounds = array<i64: 1, 128>}, {transform_indices = @transform_4, window_bounds = array<i64: 8192>}, {transform_indices = @transform_5, window_bounds = array<i64: 8192>}]} {
    %get3A = arith.constant 0 : index
    %get3A_0 = arith.constant 0 : index
    %get3A_1 = vector.load %arg1[%get3A, %get3A_0] : memref<8192x128xf32, #tpu.memory_space<vmem>>, vector<8192x128xf32>
    %get3A_2 = arith.constant 0 : index
    %get3A_3 = arith.constant 0 : index
    %get3A_4 = vector.load %arg2[%get3A_2, %get3A_3] : memref<1x128xf32, #tpu.memory_space<vmem>>, vector<1x128xf32>
    %get3A_5 = vector.shape_cast %get3A_4 : vector<1x128xf32> to vector<128xf32>
    %get3A_6 = arith.constant 0 : index
    %get3A_7 = arith.constant 0 : index
    %get3A_8 = vector.load %arg4[%get3A_6, %get3A_7] : memref<1x128xf32, #tpu.memory_space<vmem>>, vector<1x128xf32>
    %get3A_9 = vector.shape_cast %get3A_8 : vector<1x128xf32> to vector<128xf32>
    %broadcast_in_dim3A = vector.shape_cast %get3A_9 : vector<128xf32> to vector<128x1xf32>
    %get3A_10 = arith.constant 0 : index
    %get3A_11 = arith.constant 0 : index
    %get3A_12 = vector.load %arg3[%get3A_10, %get3A_11] : memref<128x128xf32, #tpu.memory_space<vmem>>, vector<128x128xf32>
    %mul3A = vector.broadcast %broadcast_in_dim3A : vector<128x1xf32> to vector<128x128xf32>
    %mul3A_13 = arith.mulf %mul3A, %get3A_12 : vector<128x128xf32>
    %reduce_sum3A = arith.constant dense<0.000000e+00> : vector<128xf32>
    %reduce_sum3A_14 = vector.multi_reduction <add>, %mul3A_13, %reduce_sum3A [0] : vector<128x128xf32> to vector<128xf32>
    %iota3A = tpu.iota {dimensions = array<i32: 0>} : vector<8x128xi32>
    %eq3A = arith.constant 0 : i32
    %eq3A_15 = vector.broadcast %eq3A : i32 to vector<8x128xi32>
    %eq3A_16 = arith.cmpi eq, %iota3A, %eq3A_15 : vector<8x128xi32>
    %broadcast_in_dim3A_17 = vector.shape_cast %get3A_5 : vector<128xf32> to vector<1x128xf32>
    %eq3A_18 = arith.constant 1 : i32
    %eq3A_19 = vector.broadcast %eq3A_18 : i32 to vector<8x128xi32>
    %eq3A_20 = arith.cmpi eq, %iota3A, %eq3A_19 : vector<8x128xi32>
    %broadcast_in_dim3A_21 = vector.shape_cast %reduce_sum3A_14 : vector<128xf32> to vector<1x128xf32>
    %jit3A = arith.constant 0.000000e+00 : f32
    %broadcast_in_dim3A_22 = vector.shape_cast %broadcast_in_dim3A_21 : vector<1x128xf32> to vector<1x128xf32>
    %broadcast_in_dim3A_23 = vector.broadcast %broadcast_in_dim3A_22 : vector<1x128xf32> to vector<8x128xf32>
    %broadcast_in_dim3A_24 = vector.broadcast %jit3A : f32 to vector<8x128xf32>
    %select_n3A = arith.select %eq3A_20, %broadcast_in_dim3A_23, %broadcast_in_dim3A_24 : vector<8x128xi1>, vector<8x128xf32>
    %broadcast_in_dim3A_25 = vector.shape_cast %broadcast_in_dim3A_17 : vector<1x128xf32> to vector<1x128xf32>
    %broadcast_in_dim3A_26 = vector.broadcast %broadcast_in_dim3A_25 : vector<1x128xf32> to vector<8x128xf32>
    %select_n3A_27 = arith.select %eq3A_16, %broadcast_in_dim3A_26, %select_n3A : vector<8x128xi1>, vector<8x128xf32>
    %dot_general3A = arith.constant dense<0.000000e+00> : vector<8x8192xf32>
    %dot_general3A_28 = tpu.matmul %select_n3A_27, %get3A_1, %dot_general3A {dimension_numbers = #tpu.dot_dimension_numbers<[1], [1], [0], [0], [0, 0, 1, 0], [], []>, transpose_lhs_hint = false} : vector<8x128xf32>, vector<8192x128xf32>, vector<8x8192xf32> -> vector<8x8192xf32>
    %slice3A = vector.extract_strided_slice %dot_general3A_28 {offsets = [0, 0], sizes = [1, 8192], strides = [1, 1]} : vector<8x8192xf32> to vector<1x8192xf32>
    %squeeze3A = vector.shape_cast %slice3A : vector<1x8192xf32> to vector<8192xf32>
    %swap3A = arith.constant 0 : index
    %swap3A_29 = vector.load %arg5[%swap3A] : memref<8192xf32, #tpu.memory_space<vmem>>, vector<8192xf32>
    tpu.vector_store %arg5[%swap3A], %squeeze3A {strides = array<i32>} : memref<8192xf32, #tpu.memory_space<vmem>>, vector<8192xf32>,
    %slice3A_30 = vector.extract_strided_slice %dot_general3A_28 {offsets = [1, 0], sizes = [1, 8192], strides = [1, 1]} : vector<8x8192xf32> to vector<1x8192xf32>
    %squeeze3A_31 = vector.shape_cast %slice3A_30 : vector<1x8192xf32> to vector<8192xf32>
    %swap3A_32 = arith.constant 0 : index
    %swap3A_33 = vector.load %arg6[%swap3A_32] : memref<8192xf32, #tpu.memory_space<vmem>>, vector<8192xf32>
    tpu.vector_store %arg6[%swap3A_32], %squeeze3A_31 {strides = array<i32>} : memref<8192xf32, #tpu.memory_space<vmem>>, vector<8192xf32>,
    return
  }
  func.func @transform_0(%arg0: i32) -> (i32, i32) {
    %c0_i32 = arith.constant 0 : i32
    %c0_i32_0 = arith.constant 0 : i32
    return %arg0, %c0_i32 : i32, i32
  }
  func.func @transform_1(%arg0: i32) -> (i32, i32) {
    %c0_i32 = arith.constant 0 : i32
    %c0_i32_0 = arith.constant 0 : i32
    %c0_i32_1 = arith.constant 0 : i32
    return %c0_i32, %c0_i32_0 : i32, i32
  }
  func.func @transform_2(%arg0: i32) -> (i32, i32) {
    %c0_i32 = arith.constant 0 : i32
    %c0_i32_0 = arith.constant 0 : i32
    %c0_i32_1 = arith.constant 0 : i32
    return %c0_i32, %c0_i32_0 : i32, i32
  }
  func.func @transform_3(%arg0: i32) -> (i32, i32) {
    %c0_i32 = arith.constant 0 : i32
    %c0_i32_0 = arith.constant 0 : i32
    %c0_i32_1 = arith.constant 0 : i32
    return %c0_i32, %c0_i32_0 : i32, i32
  }
  func.func @transform_4(%arg0: i32) -> i32 {
    %c0_i32 = arith.constant 0 : i32
    return %arg0 : i32
  }
  func.func @transform_5(%arg0: i32) -> i32 {
    %c0_i32 = arith.constant 0 : i32
    return %arg0 : i32
  }
}

</mosaic_0001>

<sc_bundles>
// kernel: kernel.4.cloned.1.call-start
scs
__scs_entry_jumppad:
0x0: {  	(pc) =	sbr.rel $0x88, $3  }
0x1: {  	(tag) =	ssettag $0x0;
	lr =	simm.s32 $0x1  }
0x2: {  	[smem:$0x3F9A] =	sst lr;
	_ =	strace $0xD0000000  }
0x3: {  	_ = 	snop  }
0x4: {  	_ = 	snop  }
0x5: {  	_ = 	snop  }
0x6: {  	_ = 	snop  }
0x7: {  	_ = 	snop  }
__scs_overlays_trampoline_lowered:
0x8: {  	[smem:$0x3FA9] =	sst s0  }
0x9: {  	[smem:$0x3FAA] =	sst s1  }
0xa: {  	[smem:$0x3FAB] =	sst s2  }
0xb: {  	[smem:$0x3FAC] =	sst s3  }
0xc: {  	[smem:$0x3FAD] =	sst s4  }
0xd: {  	[smem:$0x3FAE] =	sst s5  }
0xe: {  	[smem:$0x3FAF] =	sst s6  }
0xf: {  	[smem:$0x3FB0] =	sst s7  }
0x10: {  	[smem:$0x3FB1] =	sst s8  }
0x11: {  	[smem:$0x3FB2] =	sst s9;
	s0 =	simm.s32 @!p0 $0x0  }
0x12: {  	s1 =	sld [smem:$0x3F98];
	s0 =	simm.s32 @p0 $0x1  }
0x13: {  	[smem:$0x3FB3] =	sst s0;
	s0 =	simm.s32 @!p1 $0x0  }
0x14: {  	s2 =	sld [smem:$0x3F97];
	s0 =	simm.s32 @p1 $0x1  }
0x15: {  	[smem:$0x3FB4] =	sst s0;
	s0 =	simm.s32 @!p2 $0x0  }
0x16: {  	s3 =	sld [smem:$0x3FDB];
	s0 =	simm.s32 @p2 $0x1  }
0x17: {  	s4 =	simm.s32 $0x1BF5;
	[smem:$0x3FB6] =	sst s0  }
0x18: {  	s0 =	sld [smem:$0x3F99];
	_ =	swait.ge [sflag:s4], $0x0  }
0x19: {  	s7 =	sld [smem:$0x3F9A]  }
0x1a: {  	s8 =	sadd.s32 $0xFFFFE003, lr  }
0x1b: {  	s9 =	sadd.s32 $0xFFFFFEF7, lr;
	s5 =	simm.s32 $0xFFFFFFFF;
	p2 =	slt.u32 s8, $0xFFFFF086  }
0x1c: {  	p1 =	slt.u32 s9, $0xF7A;
	s5 =	simm.s32 @!p2 $0x0  }
0x1d: {  	s5 =	simm.s32 @p1 $0x1;
	p0 =	seq.s32 s7, s2  }
0x1e: {  	s7 =	smul.u32 @!p0 $0xF7A, s2;
	p2 =	seq.s32 @!p0 s5, $0x0  }
0x1f: {  	s9 =	smul.u32 $0xF7A, s1;
	s8 =	simm.s32 @!p0 $0x1BF5;
	p2 =	por !p2, p0  }
0x20: {  	[sflag:s8] =	ssyncset.s32 @!p0 $0xFFFFF086;
	s6 =	sadd.s32 @!p0 s3, s7;
	s7 =	simm.s32 @!p0 $0x108  }
0x21: {  	s3 =	sadd.s32 s3, s9;
	s6 =	sadd.s32 @!p0 $0x88, s6;
	s7 =	simm.s32 @p2 $0x1082  }
0x22: {  	[simem:s7], [sflag:s8] =	dma.local @!p0 [hbm:s6], $0xF7A  }
0x23: {  	s9 =	sor.u32 $0xD0000000, s2;
	s6 =	simm.s32 $0x108;
	_ =	swait.ge @!p0 [sflag:s8], $0x0  }
0x24: {  	s3 =	sadd.s32 $0x88, s3;
	s6 =	simm.s32 @!p1 $0x1082;
	[sflag:s4] =	ssyncset.s32 $0xFFFFF086  }
0x25: {  	[simem:s6], [sflag:s4] =	dma.local [hbm:s3], $0xF7A  }
0x26: {  	[smem:$0x3F9A] =	sst s1;
	(tag) =	ssettag s2;
	_ =	strace s9  }
0x27: {  	s1 =	sld [smem:$0x3FAA]  }
0x28: {  	s2 =	sld [smem:$0x3FAB]  }
0x29: {  	s4 =	sld [smem:$0x3FAD]  }
0x2a: {  	p0 =	seq.s32 s5, $0x0;
	s5 =	sld [smem:$0x3FAE]  }
0x2b: {  	s6 =	sld [smem:$0x3FAF]  }
0x2c: {  	s7 =	sld [smem:$0x3FB0]  }
0x2d: {  	s3 =	simm.s32 $0x108;
	s8 =	sld [smem:$0x3FB1]  }
0x2e: {  	s3 =	simm.s32 @!p0 $0x1082;
	s9 =	sld [smem:$0x3FB2]  }
0x2f: {  	lr =	sadd.s32 s0, s3;
	s0 =	sld [smem:$0x3FA9]  }
0x30: {  	s3 =	sld [smem:$0x3FAC]  }
0x31: {  	[smem:$0x3FB5] =	sst s10  }
0x32: {  	s10 =	sld [smem:$0x3FB3];
	_ =	sdelay $0x3  }
0x33: {  	p0 =	seq.s32 s10, $0x1;
	s10 =	sld [smem:$0x3FB5];
	_ =	sdelay $0x3  }
0x34: {  	[smem:$0x3FB5] =	sst s10  }
0x35: {  	s10 =	sld [smem:$0x3FB4];
	_ =	sdelay $0x3  }
0x36: {  	p1 =	seq.s32 s10, $0x1;
	s10 =	sld [smem:$0x3FB5];
	_ =	sdelay $0x3  }
0x37: {  	[smem:$0x3FB5] =	sst s10  }
0x38: {  	s10 =	sld [smem:$0x3FB6]  }
0x39: {  	_ = 	snop;
	(pc) =	sbr.ind lr, $3  }
0x3a: {  	_ = 	snop  }
0x3b: {  	_ = 	snop  }
0x3c: {  	p2 =	seq.s32 s10, $0x1;
	s10 =	sld [smem:$0x3FB5]  }
0x3d: {  	_ =	shalt  }
0x3e: {  	_ =	shalt  }
0x3f: {  	_ =	shalt  }
0x40: {  	_ =	shalt  }
0x41: {  	_ =	shalt  }
0x42: {  	_ =	shalt  }
0x43: {  	_ =	shalt  }
0x44: {  	_ =	shalt  }
0x45: {  	_ =	shalt  }
0x46: {  	_ =	shalt  }
0x47: {  	_ =	shalt  }
0x48: {  	_ =	shalt  }
0x49: {  	_ =	shalt  }
0x4a: {  	_ =	shalt  }
0x4b: {  	_ =	shalt  }
0x4c: {  	_ =	shalt  }
0x4d: {  	_ =	shalt  }
0x4e: {  	_ =	shalt  }
0x4f: {  	_ =	shalt  }
0x50: {  	_ =	shalt  }
0x51: {  	_ =	shalt  }
0x52: {  	_ =	shalt  }
0x53: {  	_ =	shalt  }
0x54: {  	_ =	shalt  }
0x55: {  	_ =	shalt  }
0x56: {  	_ =	shalt  }
0x57: {  	_ =	shalt  }
0x58: {  	_ =	shalt  }
0x59: {  	_ =	shalt  }
0x5a: {  	_ =	shalt  }
0x5b: {  	_ =	shalt  }
0x5c: {  	_ =	shalt  }
0x5d: {  	_ =	shalt  }
0x5e: {  	_ =	shalt  }
0x5f: {  	_ =	shalt  }
0x60: {  	_ =	shalt  }
0x61: {  	_ =	shalt  }
0x62: {  	_ =	shalt  }
0x63: {  	_ =	shalt  }
0x64: {  	_ =	shalt  }
0x65: {  	_ =	shalt  }
0x66: {  	_ =	shalt  }
0x67: {  	_ =	shalt  }
0x68: {  	_ =	shalt  }
0x69: {  	_ =	shalt  }
0x6a: {  	_ =	shalt  }
0x6b: {  	_ =	shalt  }
0x6c: {  	_ =	shalt  }
0x6d: {  	_ =	shalt  }
0x6e: {  	_ =	shalt  }
0x6f: {  	_ =	shalt  }
0x70: {  	_ =	shalt  }
0x71: {  	_ =	shalt  }
0x72: {  	_ =	shalt  }
0x73: {  	_ =	shalt  }
0x74: {  	_ =	shalt  }
0x75: {  	_ =	shalt  }
0x76: {  	_ =	shalt  }
0x77: {  	_ =	shalt  }
0x78: {  	_ =	shalt  }
0x79: {  	_ =	shalt  }
0x7a: {  	_ =	shalt  }
0x7b: {  	_ =	shalt  }
0x7c: {  	_ =	shalt  }
0x7d: {  	_ =	shalt  }
0x7e: {  	_ =	shalt  }
0x7f: {  	_ =	shalt  }
0x80: {  	_ =	shalt  }
0x81: {  	_ =	shalt  }
0x82: {  	_ =	shalt  }
0x83: {  	_ =	shalt  }
0x84: {  	_ =	shalt  }
0x85: {  	_ =	shalt  }
0x86: {  	_ =	shalt  }
0x87: {  	_ =	shalt  }
.Lfunc_end0:
.L_simem_size_0:
called_computation.1_lowered:
.L_overlay_start_0:
0x88: {  	s0 =	sld [smem:$0x3FD9]  }
0x89: {  	s1 =	sld [smem:$0x3FFE];
	_ =	sdelay $0x3  }
0x8a: {  	s0 =	sadd.s32 s1, s0  }
0x8b: {  	[smem:$0x3FC1] =	sst s0  }
0x8c: {  	_ = 	snop  }
0x8d: {  	s0 =	sld [smem:$0x3FD0];
	_ =	sdelay $0x2  }
0x8e: {  	s2 =	simm.s32 $0xA;
	s3 =	simm.s32 $0x10;
	s13 =	sld [smem:$0x3FC8]  }
0x8f: {  	[smem:s3], [sflag:s2] =	dma.local [hbm:s0], $0x1  }
0x90: {  	_ =	swait.eq [sflag:s2], $0x1  }
0x91: {  	s14 =	sld [smem:$0x10];
	[sflag:s2] =	ssyncset.done $0x0  }
0x92: {  	s15 =	sld [smem:$0x11];
	[sflag:s2] =	ssyncadd.s32 $0xFFFFFFFF  }
0x93: {  	s16 =	sld [smem:$0x12];
	(tm) =	ssettm $0x1  }
0x94: {  	s4 =	sld [smem:$0x3FFB];
	_ =	sdelay $0x3  }
0x95: {  	_ =	strace s4  }
0x96: {  	s4 =	sld [smem:$0x3FFC];
	_ =	sdelay $0x3  }
0x97: {  	_ =	strace s4  }
0x98: {  	s4 =	sld [smem:$0x3FFD];
	_ =	sdelay $0x3  }
0x99: {  	_ =	strace s4  }
0x9a: {  	_ =	strace $0x8FFFFFFF  }
0x9b: {  	s17 =	sld [smem:$0x3FDB];
	_ =	sdelay $0x1  }
0x9c: {  	s5 =	simm.s32 $_scs_section_size  }
0x9d: {  	s6 =	simm.s32 $_size__tile_overlayer_lowered;
	s7 =	simm.s32 $_tile_overlayer_lowered  }
0x9e: {  	s20 =	simm.s32 $0x1BFF;
	s19 =	sshll.u32 s7, $0x1;
	s4 =	sadd.s32 s5, s17  }
0x9f: {  	s8 =	simm.s32 $0x0;
	s18 =	sshll.u32 s6, $0x1;
	s6 =	sadd.s32 s19, s4  }
0xa0: {  	[timem:s8], [sflag:s20] =	dma.local [hbm:s6], s18  }
0xa1: {  	_ =	swait.ge [sflag:s20], s18  }
0xa2: {  	s5 =	ssub.s32 $0x0, s18;
	[sflag:s20] =	ssyncset.done $0x0  }
0xa3: {  	[sflag:s20] =	ssyncadd.s32 s5;
	_ =	sdelay $0x1  }
0xa4: {  	s21 =	simm.s32 $0x1B8B  }
0xa5: {  	_ =	swait.ge [sflag:s21], $0x1  }
0xa6: {  	[sflag:s21] =	ssyncset.done $0x0  }
0xa7: {  	s23 =	simm.s32 $0x1B8E;
	s22 =	sld [smem:$0x3FFE];
	[sflag:s21] =	ssyncadd.s32 $0xFFFFFFFF  }
0xa8: {  	s24 =	simm.s32 $execute0_lowered;
	[smem:$0x3FD2] =	sst s23  }
0xa9: {  	s6 =	sshll.u32 s24, $0x1;
	_ =	strace $0x80000046;
	[dreg:$0x1] =	wrdreg $0xFFFFFFFF  }
0xaa: {  	s25 =	simm.s32 $_size_execute0_lowered;
	s4 =	sadd.s32 s4, s6;
	[dreg:$0x0] =	wrdreg $0x0  }
0xab: {  	s6 =	sshll.u32 s25, $0x1;
	[dreg:$0x2] =	wrdreg s4  }
0xac: {  	[dreg:$0x3] =	wrdreg s6  }
0xad: {  	[dreg:$0x4] =	wrdreg $0xC0  }
0xae: {  	_ =	task [dreg:s8], $0x5FFFF  }
0xaf: {  	[dreg:$0x1] =	wrdreg $0xFFFFFFFF  }
0xb0: {  	[dreg:$0x0] =	wrdreg $0x60  }
0xb1: {  	[dreg:$0x2] =	wrdreg s22  }
0xb2: {  	[dreg:$0x3] =	wrdreg s13  }
0xb3: {  	[dreg:$0x4] =	wrdreg s15  }
0xb4: {  	[dreg:$0x5] =	wrdreg s16  }
0xb5: {  	[dreg:$0x6] =	wrdreg s14  }
0xb6: {  	[dreg:$0x7] =	wrdreg $0x16C000  }
0xb7: {  	[dreg:$0x8] =	wrdreg $0x194000  }
0xb8: {  	[dreg:$0x9] =	wrdreg $0x1BC000  }
0xb9: {  	[dreg:$0xa] =	wrdreg $0x9  }
0xba: {  	_ =	task.clear_ibuf [dreg:s8], $0xBFFFF;
	_ =	strace $0x90000046  }
0xbb: {  	s26 =	simm.s32 $0x9;
	_ =	strace $0x80000048  }
0xbc: {  	_ =	swait.ge [sflag:s26], $0x1  }
0xbd: {  	[sflag:s26] =	ssyncadd.s32 $0xFFFFFFFF  }
0xbe: {  	_ =	strace $0x90000048  }
0xbf: {  	_ =	sfence  }
0xc0: {  	s28 =	sld [smem:$0x0];
	_ =	sdelay $0x1  }
0xc1: {  	s29 =	srdreg.scid  }
0xc2: {  	s30 =	sshll.u32 s29, $0xD;
	s31 =	sshrl.u32 s29, $0x2  }
0xc3: {  	s1 =	sand.u32 $0x1, s29;
	s2 =	sand.u32 $0x4000, s30;
	s0 =	sadd.s32 s31, s28  }
0xc4: {  	s1 =	sor.u32 s2, s1;
	s0 =	sshll.u32 s0, $0x11  }
0xc5: {  	s0 =	sor.u32 s0, s1  }
0xc6: {  	s0 =	sadd.s32 $0x8F2B, s0  }
0xc7: {  	[sflag:s0] =	ssyncadd.remote.s32 $0x1  }
0xc8: {  	_ =	sfence.sel $0xFFFF  }
0xc9: {  	[dreg:$0x0] =	wrdreg $0xFFFFFFFF;
	(pc) =	sbr.abs _section_cstart, $3  }
0xca: {  	[dreg:$0x1] =	wrdreg $0xFFFFFFFF  }
0xcb: {  	_ =	task.clear_ibuf [dreg:s8], $0x2FFFF;
	_ =	strace $0x9FFFFFFF  }
0xcc: {  	(tm) =	ssettm $0x7FFFFFFF  }
0xcd: {  	_ =	shalt  }
tec
execute0_lowered:
.L_overlay_start_1:
0x0: {  	(tag) =	ssettag $0x1  }
0x1: {  	s3 =	rddreg [dreg:$0x0]  }
0x2: {  	s9 =	rddreg [dreg:$0x1]  }
0x3: {  	s10 =	rddreg [dreg:$0x2]  }
0x4: {  	s6 =	rddreg [dreg:$0x3]  }
0x5: {  	s5 =	rddreg [dreg:$0x4]  }
0x6: {  	s8 =	rddreg [dreg:$0x5]  }
0x7: {  	s7 =	rddreg [dreg:$0x6]  }
0x8: {  	s4 =	rddreg [dreg:$0x7];
	s1 =	stileid.u32  }
0x9: {  	s0 =	rddreg [dreg:$0x8];
	s11 =	simm.s32 $0x0;
	s2 =	smul.u32 $0x9C4, s1  }
0xa: {  	[smem:$0x7FF] =	sst s11  }
0xb: {  	s13 =	simm.s32 $0x1;
	_ =	strace $0x80000047;
	s12 =	sadd.s32 s3, s2  }
0xc: {  	[tilespmem:s11], [sflag:$0x1] =	stream.linear.gather [hbm4b:s12+s11], $0x4E20, $0x38;
	[tilespmem:$0x1BE80] =	vst v63  }
0xd: {  	_ =	swait.ge [sflag:s13], $0x4E20  }
0xe: {  	[sflag:s13] =	ssyncset.done $0x0  }
0xf: {  	s14 =	simm.s32 $0x4E80;
	s12 =	sadd.s32 $0x9E00, s12;
	[sflag:s13] =	ssyncadd.s32 $0xFFFFB1E0  }
0x10: {  	[tilespmem:s14], [sflag:$0x1] =	stream.linear.gather [hbm4b:s12+s11], $0x4E20, $0x38;
	[tilespmem:$0x1BE80] =	vst v63  }
0x11: {  	_ =	swait.ge [sflag:s13], $0x4E20  }
0x12: {  	[sflag:s13] =	ssyncset.done $0x0  }
0x13: {  	s28 =	simm.s32 $0x9D00;
	s9 =	sadd.s32 s9, s2;
	[sflag:s13] =	ssyncadd.s32 $0xFFFFB1E0  }
0x14: {  	[tilespmem:s28], [sflag:$0x1] =	stream.linear.gather [hbm4b:s9+s11], $0x4E20, $0x38;
	[tilespmem:$0x1BE80] =	vst v63  }
0x15: {  	_ =	swait.ge [sflag:s13], $0x4E20  }
0x16: {  	[sflag:s13] =	ssyncset.done $0x0  }
0x17: {  	s29 =	simm.s32 $0x16B00;
	[sflag:s13] =	ssyncadd.s32 $0xFFFFB1E0  }
0x18: {  	[tilespmem:s29], [sflag:$0x1] =	stream.linear.gather [hbm4b:s10+s11], $0x80, $0x38;
	[tilespmem:$0x1BE80] =	vst v63  }
0x19: {  	_ =	swait.ge [sflag:s13], $0x80  }
0x1a: {  	[sflag:s13] =	ssyncset.done $0x0  }
0x1b: {  	s31 =	simm.s32 $0x16B80;
	s30 =	sadd.s32 $0x13C00, s3;
	[sflag:s13] =	ssyncadd.s32 $0xFFFFFF80  }
0x1c: {  	[tilespmem:s31], [sflag:$0x1] =	stream.linear.gather [hbm4b:s30+s11], $0x80, $0x38;
	[tilespmem:$0x1BE80] =	vst v63  }
0x1d: {  	_ =	swait.ge [sflag:s13], $0x80  }
0x1e: {  	[sflag:s13] =	ssyncset.done $0x0  }
0x1f: {  	v0 =	vimm.f32 $0.0e+00;
	s9 =	simm.s32 $0xEBC0;
	[sflag:s13] =	ssyncadd.s32 $0xFFFFFF80  }
0x20: {  	[tilespmem:s9+$0x30] =	vst v0  }
0x21: {  	[tilespmem:s9+$0xFFFFFFF0] =	vst v0  }
0x22: {  	[tilespmem:s9+$0xFFFFFFC0] =	vst v0  }
0x23: {  	[tilespmem:s9+$0xFFFFFFE0] =	vst v0  }
0x24: {  	[tilespmem:s9+$0x10] =	vst v0  }
0x25: {  	[tilespmem:s9+$0x20] =	vst v0  }
0x26: {  	[tilespmem:s9+$0x0] =	vst v0  }
0x27: {  	s10 =	simm.s32 $0x113C0;
	[tilespmem:s9+$0xFFFFFFD0] =	vst v0  }
0x28: {  	[tilespmem:s10+$0xFFFFFFC0] =	vst v0  }
0x29: {  	[tilespmem:s10+$0x30] =	vst v0  }
0x2a: {  	[tilespmem:s10+$0x20] =	vst v0  }
0x2b: {  	[tilespmem:s10+$0x10] =	vst v0  }
0x2c: {  	[tilespmem:s10+$0xFFFFFFE0] =	vst v0  }
0x2d: {  	[tilespmem:s10+$0x0] =	vst v0  }
0x2e: {  	s3 =	sadd.s32 $0x13E00, s3;
	s11 =	simm.s32 $0x0;
	[tilespmem:s10+$0xFFFFFFF0] =	vst v0  }
.LBB2_1:
0x2f: {  	s11 =	sadd.s32 $0x8, s11;
	[tilespmem:s10+$0xFFFFFFD0] =	vst v0;
	s9 =	sadd.s32 $0x80, s9;
	s10 =	sadd.s32 $0x80, s10  }
0x30: {  	[tilespmem:s9+$0x30] =	vst v0;
	p0 =	slt.u32 s11, $0x278  }
0x31: {  	[tilespmem:s9+$0xFFFFFFF0] =	vst v0  }
0x32: {  	[tilespmem:s9+$0xFFFFFFC0] =	vst v0  }
0x33: {  	[tilespmem:s10+$0xFFFFFFC0] =	vst v0  }
0x34: {  	[tilespmem:s10+$0x30] =	vst v0  }
0x35: {  	[tilespmem:s9+$0xFFFFFFE0] =	vst v0  }
0x36: {  	[tilespmem:s9+$0x10] =	vst v0  }
0x37: {  	[tilespmem:s9+$0x20] =	vst v0  }
0x38: {  	[tilespmem:s10+$0x20] =	vst v0  }
0x39: {  	[tilespmem:s10+$0x10] =	vst v0  }
.Ltmp0:
0x3a: {  	[tilespmem:s10+$0xFFFFFFE0] =	vst v0;
	(pc) =	sbr.rel @p0 .LBB2_1-.Ltmp0, $4  }
0x3b: {  	[tilespmem:s9+$0x0] =	vst v0  }
0x3c: {  	[tilespmem:s10+$0x0] =	vst v0  }
0x3d: {  	[tilespmem:s10+$0xFFFFFFF0] =	vst v0  }
0x3e: {  	[tilespmem:s9+$0xFFFFFFD0] =	vst v0  }
0x3f: {  	[tilespmem:s10+$0xFFFFFFD0] =	vst v0;
	s9 =	simm.s32 $0x20  }
0x40: {  	v0 =	vld [tilespmem:s9+$0x10];
	_ =	sdelay $0x4  }
0x41: {  	v1 =	vld [tilespmem:s9+$0xFFFFFFF0];
	v0 =	vmul.f32 $1.442695020e+00, v0  }
0x42: {  	v2 =	vld [tilespmem:s9+$0x0]  }
0x43: {  	v3 =	vld [tilespmem:s9+$0xFFFFFFE0];
	(erf) = vpow2.f32 v0  }
0x44: {  	s30 =	simm.s32 $0x9D20  }
0x45: {  	v4 =	vld [tilespmem:s30+$0x10]  }
0x46: {  	v0 =	vmul.f32 $1.442695020e+00, v1  }
0x47: {  	v1 =	vmul.f32 $1.442695020e+00, v2  }
0x48: {  	v2 =	vmul.f32 $1.442695020e+00, v3;
	(erf) = vpow2.f32 v0  }
0x49: {  	(erf) = vpow2.f32 v1  }
0x4a: {  	v5 =	vld [tilespmem:s30+$0xFFFFFFE0];
	(erf) = vpow2.f32 v2  }
0x4b: {  	s31 =	simm.s32 $0x60;
	v6 =	vld [tilespmem:s30+$0xFFFFFFF0]  }
0x4c: {  	s9 =	simm.s32 $0x11380;
	v7 =	vld [tilespmem:s31+$0xFFFFFFF0];
	v1 =	vpop (erf)  }
0x4d: {  	s12 =	simm.s32 $0x4EA0;
	[tilespmem:v4+s9+$0x0] =	vst.idx.add.f32.msk $0xffff, v1  }
0x4e: {  	v2 =	vld [tilespmem:s12+$0x10]  }
0x4f: {  	v3 =	vld [tilespmem:s31+$0x10]  }
0x50: {  	v9 =	vld [tilespmem:s31+$0x0]  }
0x51: {  	v0 =	vld [tilespmem:s30+$0x0];
	v8 =	vpop (erf)  }
0x52: {  	v10 =	vld [tilespmem:s31+$0xFFFFFFE0];
	v11 =	vpop (erf)  }
0x53: {  	[tilespmem:v6+s9+$0x0] =	vst.idx.add.f32.msk $0xffff, v8;
	v12 =	vpop (erf);
	v1 =	vmul.f32 v2, v1  }
0x54: {  	s10 =	simm.s32 $0xEB80;
	[tilespmem:v5+s9+$0x0] =	vst.idx.add.f32.msk $0xffff, v12;
	v2 =	vmul.f32 $1.442695020e+00, v3  }
0x55: {  	[tilespmem:v4+s10+$0x0] =	vst.idx.add.f32.msk $0xffff, v1;
	v1 =	vmul.f32 $1.442695020e+00, v7  }
0x56: {  	v3 =	vmul.f32 $1.442695020e+00, v9;
	v9 =	vld [tilespmem:s12+$0xFFFFFFF0];
	(erf) = vpow2.f32 v2  }
0x57: {  	s11 =	simm.s32 $0x9D60;
	v7 =	vld [tilespmem:s12+$0xFFFFFFE0];
	v2 =	vmul.f32 $1.442695020e+00, v10;
	(erf) = vpow2.f32 v1  }
0x58: {  	v4 =	vld [tilespmem:s11+$0x10];
	(erf) = vpow2.f32 v3  }
0x59: {  	[tilespmem:v0+s9+$0x0] =	vst.idx.add.f32.msk $0xffff, v11;
	(erf) = vpow2.f32 v2  }
0x5a: {  	v3 =	vld [tilespmem:s11+$0xFFFFFFF0]  }
0x5b: {  	v63 =	vld [tilespmem:s12+$0x0]  }
0x5c: {  	v1 =	vld [tilespmem:s11+$0x0];
	v8 =	vmul.f32 v9, v8;
	v7 =	vmul.f32 v7, v12  }
0x5d: {  	v2 =	vld [tilespmem:s11+$0xFFFFFFE0]  }
0x5e: {  	[tilespmem:v6+s10+$0x0] =	vst.idx.add.f32.msk $0xffff, v8  }
0x5f: {  	[tilespmem:v5+s10+$0x0] =	vst.idx.add.f32.msk $0xffff, v7;
	v9 =	vpop (erf)  }
0x60: {  	s12 =	simm.s32 $0x4EE0;
	[tilespmem:v4+s9+$0x0] =	vst.idx.add.f32.msk $0xffff, v9;
	v7 =	vpop (erf)  }
0x61: {  	v10 =	vld [tilespmem:s12+$0x10];
	v5 =	vpop (erf)  }
0x62: {  	s13 =	simm.s32 $0x4;
	s14 =	simm.s32 $0xA0;
	v6 =	vmul.f32 v63, v11;
	[tilespmem:v3+s9+$0x0] =	vst.idx.add.f32.msk $0xffff, v7;
	v8 =	vpop (erf)  }
.LBB2_3:
0x63: {  	v11 =	vld [tilespmem:s14+$0x10];
	s13 =	sadd.s32 $0x4, s13  }
0x64: {  	v12 =	vld [tilespmem:s14+$0xFFFFFFF0];
	p0 =	slt.u32 s13, $0x4DC  }
0x65: {  	v13 =	vld [tilespmem:s14+$0x0]  }
0x66: {  	v14 =	vld [tilespmem:s14+$0xFFFFFFE0];
	v9 =	vmul.f32 v10, v9  }
0x67: {  	[tilespmem:v2+s9+$0x0] =	vst.idx.add.f32.msk $0xffff, v8  }
0x68: {  	v10 =	vmul.f32 $1.442695020e+00, v11;
	[tilespmem:v4+s10+$0x0] =	vst.idx.add.f32.msk $0xffff, v9  }
0x69: {  	v4 =	vmul.f32 $1.442695020e+00, v12;
	[tilespmem:v1+s9+$0x0] =	vst.idx.add.f32.msk $0xffff, v5  }
0x6a: {  	v9 =	vmul.f32 $1.442695020e+00, v13;
	(erf) = vpow2.f32 v10;
	v10 =	vld [tilespmem:s12+$0xFFFFFFE0]  }
0x6b: {  	s11 =	sadd.s32 $0x40, s11;
	v11 =	vmul.f32 $1.442695020e+00, v14;
	(erf) = vpow2.f32 v4;
	v12 =	vld [tilespmem:s12+$0xFFFFFFF0]  }
0x6c: {  	v4 =	vld [tilespmem:s11+$0x10];
	(erf) = vpow2.f32 v9  }
0x6d: {  	v9 =	vld [tilespmem:s11+$0xFFFFFFE0];
	(erf) = vpow2.f32 v11  }
0x6e: {  	v11 =	vld [tilespmem:s11+$0xFFFFFFF0]  }
0x6f: {  	v13 =	vld [tilespmem:s11+$0x0];
	v8 =	vmul.f32 v10, v8  }
0x70: {  	v7 =	vmul.f32 v12, v7;
	v12 =	vld [tilespmem:s12+$0x0]  }
0x71: {  	[tilespmem:v2+s10+$0x0] =	vst.idx.add.f32.msk $0xffff, v8  }
.Ltmp1:
0x72: {  	[tilespmem:v3+s10+$0x0] =	vst.idx.add.f32.msk $0xffff, v7;
	v2 =	vmov v9;
	(pc) =	sbr.rel @p0 .LBB2_3-.Ltmp1, $4  }
0x73: {  	v9 =	vpop (erf);
	[tilespmem:v0+s10+$0x0] =	vst.idx.add.f32.msk $0xffff, v6;
	v3 =	vmov v11;
	v0 =	vmov v1  }
0x74: {  	s12 =	sadd.s32 $0x40, s12;
	[tilespmem:v4+s9+$0x0] =	vst.idx.add.f32.msk $0xffff, v9;
	v7 =	vpop (erf);
	v1 =	vmov v13  }
0x75: {  	v10 =	vld [tilespmem:s12+$0x10];
	v6 =	vmul.f32 v12, v5;
	v5 =	vpop (erf)  }
0x76: {  	s14 =	sadd.s32 $0x40, s14;
	[tilespmem:v11+s9+$0x0] =	vst.idx.add.f32.msk $0xffff, v7;
	v8 =	vpop (erf)  }
0x77: {  	_ =	sdelay $0x3  }
0x78: {  	[tilespmem:v2+s9+$0x0] =	vst.idx.add.f32.msk $0xffff, v8  }
0x79: {  	v12 =	vld [tilespmem:s12+$0xFFFFFFF0]  }
0x7a: {  	[tilespmem:v1+s9+$0x0] =	vst.idx.add.f32.msk $0xffff, v5  }
0x7b: {  	v11 =	vld [tilespmem:s12+$0xFFFFFFE0]  }
0x7c: {  	v13 =	vld [tilespmem:s12+$0x0];
	_ =	sdelay $0x1  }
0x7d: {  	v9 =	vmul.f32 v10, v9  }
0x7e: {  	[tilespmem:v0+s10+$0x0] =	vst.idx.add.f32.msk $0xffff, v6;
	v62 =	vmul.f32 v12, v7  }
0x7f: {  	[tilespmem:v4+s10+$0x0] =	vst.idx.add.f32.msk $0xffff, v9;
	v61 =	vmul.f32 v11, v8  }
0x80: {  	v63 =	vmul.f32 v13, v5;
	[tilespmem:v3+s10+$0x0] =	vst.idx.add.f32.msk $0xffff, v62  }
0x81: {  	[tilespmem:v2+s10+$0x0] =	vst.idx.add.f32.msk $0xffff, v61  }
0x82: {  	s9 =	simm.s32 $0x0;
	s11 =	simm.s32 $0xEB80;
	[tilespmem:v1+s10+$0x0] =	vst.idx.add.f32.msk $0xffff, v63;
	s10 =	simm.s32 $0x11380  }
.LBB2_5:
0x83: {  	s12 =	sshra.s32 s9, $0x2  }
0x84: {  	v0 =	vld [tilespmem:s12+$0x4E00];
	_ =	sdelay $0x4  }
0x85: {  	v0 =	vmul.f32 $1.442695020e+00, v0;
	_ =	sdelay $0x1  }
0x86: {  	(erf) = vpow2.f32 v0;
	_ =	sdelay $0x1  }
0x87: {  	v63 =	vld [tilespmem:s12+$0xEB00];
	_ =	sdelay $0x6  }
0x88: {  	v1 =	vpop (erf)  }
0x89: {  	[tilespmem:v63+s10+$0x0] =	vst.idx.add.f32.msk $0xffff, v1  }
0x8a: {  	v2 =	vld [tilespmem:s12+$0x9C80];
	_ =	sdelay $0x1  }
0x8b: {  	p0 =	sne.s32 s9, $0x40  }
.Ltmp2:
0x8c: {  	_ = 	snop;
	(pc) =	sbr.rel @p0 .LBB2_5-.Ltmp2, $3  }
0x8d: {  	_ = 	snop  }
0x8e: {  	v1 =	vmul.f32 v2, v1;
	_ =	sdelay $0x1  }
0x8f: {  	s9 =	sadd.s32 $0x40, s9;
	[tilespmem:v63+s11+$0x0] =	vst.idx.add.f32.msk $0xffff, v1  }
0x90: {  	s9 =	sshrl.u32 s1, $0x3  }
0x91: {  	s10 =	sshll.u32 s1, $0x7;
	s9 =	smul.u32 $0x14000, s9  }
0x92: {  	s10 =	sand.u32 $0x380, s10  }
0x93: {  	s11 =	simm.s32 $0x80;
	s12 =	simm.s32 $0x400;
	s9 =	sor.u32 s10, s9  }
0x94: {  	s13 =	simm.s32 $0xEB80;
	s25 =	simm.s32 $0x1;
	s10 =	sadd.s32 s9, s8  }
0x95: {  	[spmem:s10] =	stream.strided.scatter [tilespmem:s13], [sflag:$0x1], $0x2800, s12, s11, $0x38;
	[tilespmem:$0x1BE80] =	vst v63  }
0x96: {  	_ =	swait.ge [sflag:s25], $0x2800  }
0x97: {  	[sflag:s25] =	ssyncset.done $0x0  }
0x98: {  	s26 =	simm.s32 $0x11380;
	s9 =	sadd.s32 s9, s7;
	[sflag:s25] =	ssyncadd.s32 $0xFFFFD800  }
0x99: {  	[spmem:s9] =	stream.strided.scatter [tilespmem:s26], [sflag:$0x1], $0x2800, s12, s11, $0x38;
	[tilespmem:$0x1BE80] =	vst v63  }
0x9a: {  	_ =	swait.ge [sflag:s25], $0x2800  }
0x9b: {  	s9 =	smul.u32 $0x1400, s1;
	[sflag:s25] =	ssyncset.done $0x0  }
0x9c: {  	[sflag:s25] =	ssyncadd.s32 $0xFFFFD800  }
0x9d: {  	s14 =	simm.s32 $0x16600;
	s28 =	sadd.s32 s9, s8;
	[bflag:$0x0] =	sbarrier.arrive $0xFFFF  }
0x9e: {  	[tilespmem:s14], [sflag:$0x1] =	stream.strided.gather [spmem:s28], $0x280, s12, s11, $0x38;
	[tilespmem:$0x1BE80] =	vst v63  }
0x9f: {  	_ =	swait.ge [sflag:s25], $0x280  }
0xa0: {  	[sflag:s25] =	ssyncset.done $0x0  }
0xa1: {  	s30 =	simm.s32 $0x16880;
	s29 =	sadd.s32 s9, s7;
	[sflag:s25] =	ssyncadd.s32 $0xFFFFFD80  }
0xa2: {  	[tilespmem:s30], [sflag:$0x1] =	stream.strided.gather [spmem:s29], $0x280, s12, s11, $0x38;
	[tilespmem:$0x1BE80] =	vst v63  }
0xa3: {  	_ =	swait.ge [sflag:s25], $0x280  }
0xa4: {  	s10 =	sor.u32 $0x80, s9;
	[sflag:s25] =	ssyncset.done $0x0  }
0xa5: {  	s15 =	simm.s32 $0x16380;
	s31 =	sadd.s32 s10, s8;
	[sflag:s25] =	ssyncadd.s32 $0xFFFFFD80  }
0xa6: {  	[tilespmem:s15], [sflag:$0x1] =	stream.strided.gather [spmem:s31], $0x280, s12, s11, $0x38;
	[tilespmem:$0x1BE80] =	vst v63  }
0xa7: {  	_ =	swait.ge [sflag:s25], $0x280  }
0xa8: {  	[sflag:s25] =	ssyncset.done $0x0  }
0xa9: {  	s11 =	simm.s32 $0x16640;
	[sflag:s25] =	ssyncadd.s32 $0xFFFFFD80  }
0xaa: {  	s12 =	simm.s32 $0x163C0;
	v1 =	vld [tilespmem:s11+$0x30]  }
0xab: {  	v2 =	vld [tilespmem:s12+$0x30]  }
0xac: {  	v0 =	vld [tilespmem:s12+$0xFFFFFFC0]  }
0xad: {  	v3 =	vld [tilespmem:s11+$0xFFFFFFD0]  }
0xae: {  	v4 =	vld [tilespmem:s12+$0xFFFFFFD0]  }
0xaf: {  	v5 =	vld [tilespmem:s11+$0xFFFFFFE0]  }
0xb0: {  	v6 =	vld [tilespmem:s12+$0xFFFFFFE0]  }
0xb1: {  	v7 =	vld [tilespmem:s11+$0xFFFFFFF0]  }
0xb2: {  	v8 =	vld [tilespmem:s12+$0xFFFFFFF0]  }
0xb3: {  	v9 =	vld [tilespmem:s11+$0x0]  }
0xb4: {  	v10 =	vld [tilespmem:s12+$0x0];
	v2 =	vadd.f32 v2, v1  }
0xb5: {  	v4 =	vadd.f32 v4, v3;
	v1 =	vld [tilespmem:s11+$0x10]  }
0xb6: {  	v5 =	vadd.f32 v6, v5;
	v3 =	vld [tilespmem:s12+$0x10];
	[tilespmem:s11+$0x30] =	vst v2  }
0xb7: {  	v6 =	vadd.f32 v8, v7;
	[tilespmem:s11+$0xFFFFFFD0] =	vst v4;
	v2 =	vld [tilespmem:s11+$0x20]  }
0xb8: {  	[tilespmem:s11+$0xFFFFFFE0] =	vst v5;
	v5 =	vld [tilespmem:s12+$0x20]  }
0xb9: {  	s13 =	simm.s32 $0x0;
	s14 =	simm.s32 $0x166C0;
	v4 =	vld [tilespmem:s11+$0xFFFFFFC0];
	[tilespmem:s11+$0xFFFFFFF0] =	vst v6;
	v6 =	vadd.f32 v10, v9  }
.LBB2_7:
0xba: {  	v7 =	vld [tilespmem:s14+$0x30];
	s12 =	sadd.s32 $0x80, s12  }
0xbb: {  	s13 =	sadd.s32 $0x8, s13;
	v8 =	vld [tilespmem:s12+$0x30];
	[tilespmem:s11+$0x0] =	vst v6;
	v1 =	vadd.f32 v3, v1  }
0xbc: {  	p0 =	slt.u32 s13, $0x20;
	v3 =	vld [tilespmem:s12+$0xFFFFFFC0]  }
0xbd: {  	v6 =	vld [tilespmem:s14+$0xFFFFFFD0];
	[tilespmem:s11+$0x10] =	vst v1;
	v1 =	vadd.f32 v5, v2  }
0xbe: {  	v2 =	vld [tilespmem:s12+$0xFFFFFFD0];
	v9 =	vadd.f32 v0, v4  }
0xbf: {  	v4 =	vld [tilespmem:s14+$0xFFFFFFE0];
	[tilespmem:s11+$0x20] =	vst v1  }
0xc0: {  	v1 =	vld [tilespmem:s12+$0xFFFFFFE0];
	v5 =	vadd.f32 v8, v7;
	[tilespmem:s11+$0xFFFFFFC0] =	vst v9;
	s11 =	smov.u32 s14  }
0xc1: {  	v7 =	vld [tilespmem:s14+$0xFFFFFFF0];
	v0 =	vmov v3  }
0xc2: {  	v8 =	vld [tilespmem:s12+$0xFFFFFFF0];
	[tilespmem:s14+$0x30] =	vst v5  }
0xc3: {  	v2 =	vadd.f32 v2, v6;
	v6 =	vld [tilespmem:s14+$0x0]  }
0xc4: {  	v9 =	vld [tilespmem:s12+$0x0]  }
.Ltmp3:
0xc5: {  	[tilespmem:s14+$0xFFFFFFD0] =	vst v2;
	v2 =	vadd.f32 v1, v4;
	v1 =	vld [tilespmem:s14+$0x10];
	(pc) =	sbr.rel @p0 .LBB2_7-.Ltmp3, $4  }
0xc6: {  	v3 =	vld [tilespmem:s12+$0x10]  }
0xc7: {  	[tilespmem:s14+$0xFFFFFFE0] =	vst v2;
	v7 =	vadd.f32 v8, v7;
	v2 =	vld [tilespmem:s14+$0x20]  }
0xc8: {  	v5 =	vld [tilespmem:s12+$0x20]  }
0xc9: {  	s14 =	sadd.s32 $0x80, s14;
	v4 =	vld [tilespmem:s11+$0xFFFFFFC0];
	[tilespmem:s11+$0xFFFFFFF0] =	vst v7;
	v6 =	vadd.f32 v9, v6  }
0xca: {  	_ =	sdelay $0x1  }
0xcb: {  	v1 =	vadd.f32 v3, v1  }
0xcc: {  	[tilespmem:s11+$0x0] =	vst v6;
	v2 =	vadd.f32 v5, v2  }
0xcd: {  	[tilespmem:s11+$0x10] =	vst v1;
	v0 =	vadd.f32 v0, v4  }
0xce: {  	s10 =	sadd.s32 s10, s7;
	s30 =	simm.s32 $0x80;
	[tilespmem:s11+$0x20] =	vst v2  }
0xcf: {  	s12 =	simm.s32 $0x400;
	s13 =	simm.s32 $0x16380;
	s31 =	simm.s32 $0x1;
	[tilespmem:s11+$0xFFFFFFC0] =	vst v0  }
0xd0: {  	[tilespmem:s13], [sflag:$0x1] =	stream.strided.gather [spmem:s10], $0x280, s12, s30, $0x38;
	[tilespmem:$0x1BE80] =	vst v63  }
0xd1: {  	_ =	swait.ge [sflag:s31], $0x280  }
0xd2: {  	[sflag:s31] =	ssyncset.done $0x0  }
0xd3: {  	s11 =	simm.s32 $0x168C0;
	[sflag:s31] =	ssyncadd.s32 $0xFFFFFD80  }
0xd4: {  	s10 =	simm.s32 $0x163C0;
	v1 =	vld [tilespmem:s11+$0x30]  }
0xd5: {  	v2 =	vld [tilespmem:s10+$0x30]  }
0xd6: {  	v0 =	vld [tilespmem:s10+$0xFFFFFFC0]  }
0xd7: {  	v3 =	vld [tilespmem:s11+$0xFFFFFFD0]  }
0xd8: {  	v4 =	vld [tilespmem:s10+$0xFFFFFFD0]  }
0xd9: {  	v5 =	vld [tilespmem:s11+$0xFFFFFFE0]  }
0xda: {  	v6 =	vld [tilespmem:s10+$0xFFFFFFE0]  }
0xdb: {  	v7 =	vld [tilespmem:s11+$0xFFFFFFF0]  }
0xdc: {  	v8 =	vld [tilespmem:s10+$0xFFFFFFF0]  }
0xdd: {  	v9 =	vld [tilespmem:s11+$0x0]  }
0xde: {  	v10 =	vld [tilespmem:s10+$0x0];
	v2 =	vadd.f32 v2, v1  }
0xdf: {  	v4 =	vadd.f32 v4, v3;
	v1 =	vld [tilespmem:s11+$0x10]  }
0xe0: {  	v5 =	vadd.f32 v6, v5;
	v3 =	vld [tilespmem:s10+$0x10];
	[tilespmem:s11+$0x30] =	vst v2  }
0xe1: {  	v6 =	vadd.f32 v8, v7;
	[tilespmem:s11+$0xFFFFFFD0] =	vst v4;
	v2 =	vld [tilespmem:s11+$0x20]  }
0xe2: {  	[tilespmem:s11+$0xFFFFFFE0] =	vst v5;
	v5 =	vld [tilespmem:s10+$0x20]  }
0xe3: {  	s12 =	simm.s32 $0x0;
	s13 =	simm.s32 $0x16940;
	v4 =	vld [tilespmem:s11+$0xFFFFFFC0];
	[tilespmem:s11+$0xFFFFFFF0] =	vst v6;
	v6 =	vadd.f32 v10, v9  }
.LBB2_9:
0xe4: {  	v7 =	vld [tilespmem:s13+$0x30];
	s10 =	sadd.s32 $0x80, s10  }
0xe5: {  	s12 =	sadd.s32 $0x8, s12;
	v8 =	vld [tilespmem:s10+$0x30];
	[tilespmem:s11+$0x0] =	vst v6;
	v1 =	vadd.f32 v3, v1  }
0xe6: {  	p0 =	slt.u32 s12, $0x20;
	v3 =	vld [tilespmem:s10+$0xFFFFFFC0]  }
0xe7: {  	v6 =	vld [tilespmem:s13+$0xFFFFFFD0];
	[tilespmem:s11+$0x10] =	vst v1;
	v1 =	vadd.f32 v5, v2  }
0xe8: {  	v2 =	vld [tilespmem:s10+$0xFFFFFFD0];
	v9 =	vadd.f32 v0, v4  }
0xe9: {  	v4 =	vld [tilespmem:s13+$0xFFFFFFE0];
	[tilespmem:s11+$0x20] =	vst v1  }
0xea: {  	v1 =	vld [tilespmem:s10+$0xFFFFFFE0];
	v5 =	vadd.f32 v8, v7;
	[tilespmem:s11+$0xFFFFFFC0] =	vst v9;
	s11 =	smov.u32 s13  }
0xeb: {  	v7 =	vld [tilespmem:s13+$0xFFFFFFF0];
	v0 =	vmov v3  }
0xec: {  	v8 =	vld [tilespmem:s10+$0xFFFFFFF0];
	[tilespmem:s13+$0x30] =	vst v5  }
0xed: {  	v2 =	vadd.f32 v2, v6;
	v6 =	vld [tilespmem:s13+$0x0]  }
0xee: {  	v9 =	vld [tilespmem:s10+$0x0]  }
.Ltmp4:
0xef: {  	[tilespmem:s13+$0xFFFFFFD0] =	vst v2;
	v2 =	vadd.f32 v1, v4;
	v1 =	vld [tilespmem:s13+$0x10];
	(pc) =	sbr.rel @p0 .LBB2_9-.Ltmp4, $4  }
0xf0: {  	v3 =	vld [tilespmem:s10+$0x10]  }
0xf1: {  	[tilespmem:s13+$0xFFFFFFE0] =	vst v2;
	v7 =	vadd.f32 v8, v7;
	v2 =	vld [tilespmem:s13+$0x20]  }
0xf2: {  	v5 =	vld [tilespmem:s10+$0x20]  }
0xf3: {  	s13 =	sadd.s32 $0x80, s13;
	v4 =	vld [tilespmem:s11+$0xFFFFFFC0];
	[tilespmem:s11+$0xFFFFFFF0] =	vst v7;
	v6 =	vadd.f32 v9, v6  }
0xf4: {  	_ =	sdelay $0x1  }
0xf5: {  	v1 =	vadd.f32 v3, v1  }
0xf6: {  	[tilespmem:s11+$0x0] =	vst v6;
	v2 =	vadd.f32 v5, v2  }
0xf7: {  	[tilespmem:s11+$0x10] =	vst v1;
	v0 =	vadd.f32 v0, v4  }
0xf8: {  	s10 =	sor.u32 $0x100, s9;
	s30 =	simm.s32 $0x80;
	s13 =	simm.s32 $0x400;
	[tilespmem:s11+$0x20] =	vst v2  }
0xf9: {  	s14 =	simm.s32 $0x16380;
	s31 =	simm.s32 $0x1;
	s12 =	sadd.s32 s10, s8;
	[tilespmem:s11+$0xFFFFFFC0] =	vst v0  }
0xfa: {  	[tilespmem:s14], [sflag:$0x1] =	stream.strided.gather [spmem:s12], $0x280, s13, s30, $0x38;
	[tilespmem:$0x1BE80] =	vst v63  }
0xfb: {  	_ =	swait.ge [sflag:s31], $0x280  }
0xfc: {  	[sflag:s31] =	ssyncset.done $0x0  }
0xfd: {  	s11 =	simm.s32 $0x16640;
	[sflag:s31] =	ssyncadd.s32 $0xFFFFFD80  }
0xfe: {  	s12 =	simm.s32 $0x163C0;
	v1 =	vld [tilespmem:s11+$0x30]  }
0xff: {  	v2 =	vld [tilespmem:s12+$0x30]  }
0x100: {  	v0 =	vld [tilespmem:s12+$0xFFFFFFC0]  }
0x101: {  	v3 =	vld [tilespmem:s11+$0xFFFFFFD0]  }
0x102: {  	v4 =	vld [tilespmem:s12+$0xFFFFFFD0]  }
0x103: {  	v5 =	vld [tilespmem:s11+$0xFFFFFFE0]  }
0x104: {  	v6 =	vld [tilespmem:s12+$0xFFFFFFE0]  }
0x105: {  	v7 =	vld [tilespmem:s11+$0xFFFFFFF0]  }
0x106: {  	v8 =	vld [tilespmem:s12+$0xFFFFFFF0]  }
0x107: {  	v9 =	vld [tilespmem:s11+$0x0]  }
0x108: {  	v10 =	vld [tilespmem:s12+$0x0];
	v2 =	vadd.f32 v2, v1  }
0x109: {  	v4 =	vadd.f32 v4, v3;
	v1 =	vld [tilespmem:s11+$0x10]  }
0x10a: {  	v5 =	vadd.f32 v6, v5;
	v3 =	vld [tilespmem:s12+$0x10];
	[tilespmem:s11+$0x30] =	vst v2  }
0x10b: {  	v6 =	vadd.f32 v8, v7;
	[tilespmem:s11+$0xFFFFFFD0] =	vst v4;
	v2 =	vld [tilespmem:s11+$0x20]  }
0x10c: {  	[tilespmem:s11+$0xFFFFFFE0] =	vst v5;
	v5 =	vld [tilespmem:s12+$0x20]  }
0x10d: {  	s13 =	simm.s32 $0x0;
	s14 =	simm.s32 $0x166C0;
	v4 =	vld [tilespmem:s11+$0xFFFFFFC0];
	[tilespmem:s11+$0xFFFFFFF0] =	vst v6;
	v6 =	vadd.f32 v10, v9  }
.LBB2_11:
0x10e: {  	v7 =	vld [tilespmem:s14+$0x30];
	s12 =	sadd.s32 $0x80, s12  }
0x10f: {  	s13 =	sadd.s32 $0x8, s13;
	v8 =	vld [tilespmem:s12+$0x30];
	[tilespmem:s11+$0x0] =	vst v6;
	v1 =	vadd.f32 v3, v1  }
0x110: {  	p0 =	slt.u32 s13, $0x20;
	v3 =	vld [tilespmem:s12+$0xFFFFFFC0]  }
0x111: {  	v6 =	vld [tilespmem:s14+$0xFFFFFFD0];
	[tilespmem:s11+$0x10] =	vst v1;
	v1 =	vadd.f32 v5, v2  }
0x112: {  	v2 =	vld [tilespmem:s12+$0xFFFFFFD0];
	v9 =	vadd.f32 v0, v4  }
0x113: {  	v4 =	vld [tilespmem:s14+$0xFFFFFFE0];
	[tilespmem:s11+$0x20] =	vst v1  }
0x114: {  	v1 =	vld [tilespmem:s12+$0xFFFFFFE0];
	v5 =	vadd.f32 v8, v7;
	[tilespmem:s11+$0xFFFFFFC0] =	vst v9;
	s11 =	smov.u32 s14  }
0x115: {  	v7 =	vld [tilespmem:s14+$0xFFFFFFF0];
	v0 =	vmov v3  }
0x116: {  	v8 =	vld [tilespmem:s12+$0xFFFFFFF0];
	[tilespmem:s14+$0x30] =	vst v5  }
0x117: {  	v2 =	vadd.f32 v2, v6;
	v6 =	vld [tilespmem:s14+$0x0]  }
0x118: {  	v9 =	vld [tilespmem:s12+$0x0]  }
.Ltmp5:
0x119: {  	[tilespmem:s14+$0xFFFFFFD0] =	vst v2;
	v2 =	vadd.f32 v1, v4;
	v1 =	vld [tilespmem:s14+$0x10];
	(pc) =	sbr.rel @p0 .LBB2_11-.Ltmp5, $4  }
0x11a: {  	v3 =	vld [tilespmem:s12+$0x10]  }
0x11b: {  	[tilespmem:s14+$0xFFFFFFE0] =	vst v2;
	v7 =	vadd.f32 v8, v7;
	v2 =	vld [tilespmem:s14+$0x20]  }
0x11c: {  	v5 =	vld [tilespmem:s12+$0x20]  }
0x11d: {  	s14 =	sadd.s32 $0x80, s14;
	v4 =	vld [tilespmem:s11+$0xFFFFFFC0];
	[tilespmem:s11+$0xFFFFFFF0] =	vst v7;
	v6 =	vadd.f32 v9, v6  }
0x11e: {  	_ =	sdelay $0x1  }
0x11f: {  	v1 =	vadd.f32 v3, v1  }
0x120: {  	[tilespmem:s11+$0x0] =	vst v6;
	v2 =	vadd.f32 v5, v2  }
0x121: {  	[tilespmem:s11+$0x10] =	vst v1;
	v0 =	vadd.f32 v0, v4  }
0x122: {  	s10 =	sadd.s32 s10, s7;
	s30 =	simm.s32 $0x80;
	[tilespmem:s11+$0x20] =	vst v2  }
0x123: {  	s12 =	simm.s32 $0x400;
	s13 =	simm.s32 $0x16380;
	s31 =	simm.s32 $0x1;
	[tilespmem:s11+$0xFFFFFFC0] =	vst v0  }
0x124: {  	[tilespmem:s13], [sflag:$0x1] =	stream.strided.gather [spmem:s10], $0x280, s12, s30, $0x38;
	[tilespmem:$0x1BE80] =	vst v63  }
0x125: {  	_ =	swait.ge [sflag:s31], $0x280  }
0x126: {  	[sflag:s31] =	ssyncset.done $0x0  }
0x127: {  	s11 =	simm.s32 $0x168C0;
	[sflag:s31] =	ssyncadd.s32 $0xFFFFFD80  }
0x128: {  	s10 =	simm.s32 $0x163C0;
	v1 =	vld [tilespmem:s11+$0x30]  }
0x129: {  	v2 =	vld [tilespmem:s10+$0x30]  }
0x12a: {  	v0 =	vld [tilespmem:s10+$0xFFFFFFC0]  }
0x12b: {  	v3 =	vld [tilespmem:s11+$0xFFFFFFD0]  }
0x12c: {  	v4 =	vld [tilespmem:s10+$0xFFFFFFD0]  }
0x12d: {  	v5 =	vld [tilespmem:s11+$0xFFFFFFE0]  }
0x12e: {  	v6 =	vld [tilespmem:s10+$0xFFFFFFE0]  }
0x12f: {  	v7 =	vld [tilespmem:s11+$0xFFFFFFF0]  }
0x130: {  	v8 =	vld [tilespmem:s10+$0xFFFFFFF0]  }
0x131: {  	v9 =	vld [tilespmem:s11+$0x0]  }
0x132: {  	v10 =	vld [tilespmem:s10+$0x0];
	v2 =	vadd.f32 v2, v1  }
0x133: {  	v4 =	vadd.f32 v4, v3;
	v1 =	vld [tilespmem:s11+$0x10]  }
0x134: {  	v5 =	vadd.f32 v6, v5;
	v3 =	vld [tilespmem:s10+$0x10];
	[tilespmem:s11+$0x30] =	vst v2  }
0x135: {  	v6 =	vadd.f32 v8, v7;
	[tilespmem:s11+$0xFFFFFFD0] =	vst v4;
	v2 =	vld [tilespmem:s11+$0x20]  }
0x136: {  	[tilespmem:s11+$0xFFFFFFE0] =	vst v5;
	v5 =	vld [tilespmem:s10+$0x20]  }
0x137: {  	s12 =	simm.s32 $0x0;
	s13 =	simm.s32 $0x16940;
	v4 =	vld [tilespmem:s11+$0xFFFFFFC0];
	[tilespmem:s11+$0xFFFFFFF0] =	vst v6;
	v6 =	vadd.f32 v10, v9  }
.LBB2_13:
0x138: {  	v7 =	vld [tilespmem:s13+$0x30];
	s10 =	sadd.s32 $0x80, s10  }
0x139: {  	s12 =	sadd.s32 $0x8, s12;
	v8 =	vld [tilespmem:s10+$0x30];
	[tilespmem:s11+$0x0] =	vst v6;
	v1 =	vadd.f32 v3, v1  }
0x13a: {  	p0 =	slt.u32 s12, $0x20;
	v3 =	vld [tilespmem:s10+$0xFFFFFFC0]  }
0x13b: {  	v6 =	vld [tilespmem:s13+$0xFFFFFFD0];
	[tilespmem:s11+$0x10] =	vst v1;
	v1 =	vadd.f32 v5, v2  }
0x13c: {  	v2 =	vld [tilespmem:s10+$0xFFFFFFD0];
	v9 =	vadd.f32 v0, v4  }
0x13d: {  	v4 =	vld [tilespmem:s13+$0xFFFFFFE0];
	[tilespmem:s11+$0x20] =	vst v1  }
0x13e: {  	v1 =	vld [tilespmem:s10+$0xFFFFFFE0];
	v5 =	vadd.f32 v8, v7;
	[tilespmem:s11+$0xFFFFFFC0] =	vst v9;
	s11 =	smov.u32 s13  }
0x13f: {  	v7 =	vld [tilespmem:s13+$0xFFFFFFF0];
	v0 =	vmov v3  }
0x140: {  	v8 =	vld [tilespmem:s10+$0xFFFFFFF0];
	[tilespmem:s13+$0x30] =	vst v5  }
0x141: {  	v2 =	vadd.f32 v2, v6;
	v6 =	vld [tilespmem:s13+$0x0]  }
0x142: {  	v9 =	vld [tilespmem:s10+$0x0]  }
.Ltmp6:
0x143: {  	[tilespmem:s13+$0xFFFFFFD0] =	vst v2;
	v2 =	vadd.f32 v1, v4;
	v1 =	vld [tilespmem:s13+$0x10];
	(pc) =	sbr.rel @p0 .LBB2_13-.Ltmp6, $4  }
0x144: {  	v3 =	vld [tilespmem:s10+$0x10]  }
0x145: {  	[tilespmem:s13+$0xFFFFFFE0] =	vst v2;
	v7 =	vadd.f32 v8, v7;
	v2 =	vld [tilespmem:s13+$0x20]  }
0x146: {  	v5 =	vld [tilespmem:s10+$0x20]  }
0x147: {  	s13 =	sadd.s32 $0x80, s13;
	v4 =	vld [tilespmem:s11+$0xFFFFFFC0];
	[tilespmem:s11+$0xFFFFFFF0] =	vst v7;
	v6 =	vadd.f32 v9, v6  }
0x148: {  	_ =	sdelay $0x1  }
0x149: {  	v1 =	vadd.f32 v3, v1  }
0x14a: {  	[tilespmem:s11+$0x0] =	vst v6;
	v2 =	vadd.f32 v5, v2  }
0x14b: {  	[tilespmem:s11+$0x10] =	vst v1;
	v0 =	vadd.f32 v0, v4  }
0x14c: {  	s10 =	sor.u32 $0x180, s9;
	s30 =	simm.s32 $0x80;
	s13 =	simm.s32 $0x400;
	[tilespmem:s11+$0x20] =	vst v2  }
0x14d: {  	s14 =	simm.s32 $0x16380;
	s31 =	simm.s32 $0x1;
	s12 =	sadd.s32 s10, s8;
	[tilespmem:s11+$0xFFFFFFC0] =	vst v0  }
0x14e: {  	[tilespmem:s14], [sflag:$0x1] =	stream.strided.gather [spmem:s12], $0x280, s13, s30, $0x38;
	[tilespmem:$0x1BE80] =	vst v63  }
0x14f: {  	_ =	swait.ge [sflag:s31], $0x280  }
0x150: {  	[sflag:s31] =	ssyncset.done $0x0  }
0x151: {  	s11 =	simm.s32 $0x16640;
	[sflag:s31] =	ssyncadd.s32 $0xFFFFFD80  }
0x152: {  	s12 =	simm.s32 $0x163C0;
	v1 =	vld [tilespmem:s11+$0x30]  }
0x153: {  	v2 =	vld [tilespmem:s12+$0x30]  }
0x154: {  	v0 =	vld [tilespmem:s12+$0xFFFFFFC0]  }
0x155: {  	v3 =	vld [tilespmem:s11+$0xFFFFFFD0]  }
0x156: {  	v4 =	vld [tilespmem:s12+$0xFFFFFFD0]  }
0x157: {  	v5 =	vld [tilespmem:s11+$0xFFFFFFE0]  }
0x158: {  	v6 =	vld [tilespmem:s12+$0xFFFFFFE0]  }
0x159: {  	v7 =	vld [tilespmem:s11+$0xFFFFFFF0]  }
0x15a: {  	v8 =	vld [tilespmem:s12+$0xFFFFFFF0]  }
0x15b: {  	v9 =	vld [tilespmem:s11+$0x0]  }
0x15c: {  	v10 =	vld [tilespmem:s12+$0x0];
	v2 =	vadd.f32 v2, v1  }
0x15d: {  	v4 =	vadd.f32 v4, v3;
	v1 =	vld [tilespmem:s11+$0x10]  }
0x15e: {  	v5 =	vadd.f32 v6, v5;
	v3 =	vld [tilespmem:s12+$0x10];
	[tilespmem:s11+$0x30] =	vst v2  }
0x15f: {  	v6 =	vadd.f32 v8, v7;
	[tilespmem:s11+$0xFFFFFFD0] =	vst v4;
	v2 =	vld [tilespmem:s11+$0x20]  }
0x160: {  	[tilespmem:s11+$0xFFFFFFE0] =	vst v5;
	v5 =	vld [tilespmem:s12+$0x20]  }
0x161: {  	s13 =	simm.s32 $0x0;
	s14 =	simm.s32 $0x166C0;
	v4 =	vld [tilespmem:s11+$0xFFFFFFC0];
	[tilespmem:s11+$0xFFFFFFF0] =	vst v6;
	v6 =	vadd.f32 v10, v9  }
.LBB2_15:
0x162: {  	v7 =	vld [tilespmem:s14+$0x30];
	s12 =	sadd.s32 $0x80, s12  }
0x163: {  	s13 =	sadd.s32 $0x8, s13;
	v8 =	vld [tilespmem:s12+$0x30];
	[tilespmem:s11+$0x0] =	vst v6;
	v1 =	vadd.f32 v3, v1  }
0x164: {  	p0 =	slt.u32 s13, $0x20;
	v3 =	vld [tilespmem:s12+$0xFFFFFFC0]  }
0x165: {  	v6 =	vld [tilespmem:s14+$0xFFFFFFD0];
	[tilespmem:s11+$0x10] =	vst v1;
	v1 =	vadd.f32 v5, v2  }
0x166: {  	v2 =	vld [tilespmem:s12+$0xFFFFFFD0];
	v9 =	vadd.f32 v0, v4  }
0x167: {  	v4 =	vld [tilespmem:s14+$0xFFFFFFE0];
	[tilespmem:s11+$0x20] =	vst v1  }
0x168: {  	v1 =	vld [tilespmem:s12+$0xFFFFFFE0];
	v5 =	vadd.f32 v8, v7;
	[tilespmem:s11+$0xFFFFFFC0] =	vst v9;
	s11 =	smov.u32 s14  }
0x169: {  	v7 =	vld [tilespmem:s14+$0xFFFFFFF0];
	v0 =	vmov v3  }
0x16a: {  	v8 =	vld [tilespmem:s12+$0xFFFFFFF0];
	[tilespmem:s14+$0x30] =	vst v5  }
0x16b: {  	v2 =	vadd.f32 v2, v6;
	v6 =	vld [tilespmem:s14+$0x0]  }
0x16c: {  	v9 =	vld [tilespmem:s12+$0x0]  }
.Ltmp7:
0x16d: {  	[tilespmem:s14+$0xFFFFFFD0] =	vst v2;
	v2 =	vadd.f32 v1, v4;
	v1 =	vld [tilespmem:s14+$0x10];
	(pc) =	sbr.rel @p0 .LBB2_15-.Ltmp7, $4  }
0x16e: {  	v3 =	vld [tilespmem:s12+$0x10]  }
0x16f: {  	[tilespmem:s14+$0xFFFFFFE0] =	vst v2;
	v7 =	vadd.f32 v8, v7;
	v2 =	vld [tilespmem:s14+$0x20]  }
0x170: {  	v5 =	vld [tilespmem:s12+$0x20]  }
0x171: {  	s14 =	sadd.s32 $0x80, s14;
	v4 =	vld [tilespmem:s11+$0xFFFFFFC0];
	[tilespmem:s11+$0xFFFFFFF0] =	vst v7;
	v6 =	vadd.f32 v9, v6  }
0x172: {  	_ =	sdelay $0x1  }
0x173: {  	v1 =	vadd.f32 v3, v1  }
0x174: {  	[tilespmem:s11+$0x0] =	vst v6;
	v2 =	vadd.f32 v5, v2  }
0x175: {  	[tilespmem:s11+$0x10] =	vst v1;
	v0 =	vadd.f32 v0, v4  }
0x176: {  	s10 =	sadd.s32 s10, s7;
	s30 =	simm.s32 $0x80;
	[tilespmem:s11+$0x20] =	vst v2  }
0x177: {  	s12 =	simm.s32 $0x400;
	s13 =	simm.s32 $0x16380;
	s31 =	simm.s32 $0x1;
	[tilespmem:s11+$0xFFFFFFC0] =	vst v0  }
0x178: {  	[tilespmem:s13], [sflag:$0x1] =	stream.strided.gather [spmem:s10], $0x280, s12, s30, $0x38;
	[tilespmem:$0x1BE80] =	vst v63  }
0x179: {  	_ =	swait.ge [sflag:s31], $0x280  }
0x17a: {  	[sflag:s31] =	ssyncset.done $0x0  }
0x17b: {  	s11 =	simm.s32 $0x168C0;
	[sflag:s31] =	ssyncadd.s32 $0xFFFFFD80  }
0x17c: {  	s10 =	simm.s32 $0x163C0;
	v1 =	vld [tilespmem:s11+$0x30]  }
0x17d: {  	v2 =	vld [tilespmem:s10+$0x30]  }
0x17e: {  	v0 =	vld [tilespmem:s10+$0xFFFFFFC0]  }
0x17f: {  	v3 =	vld [tilespmem:s11+$0xFFFFFFD0]  }
0x180: {  	v4 =	vld [tilespmem:s10+$0xFFFFFFD0]  }
0x181: {  	v5 =	vld [tilespmem:s11+$0xFFFFFFE0]  }
0x182: {  	v6 =	vld [tilespmem:s10+$0xFFFFFFE0]  }
0x183: {  	v7 =	vld [tilespmem:s11+$0xFFFFFFF0]  }
0x184: {  	v8 =	vld [tilespmem:s10+$0xFFFFFFF0]  }
0x185: {  	v9 =	vld [tilespmem:s11+$0x0]  }
0x186: {  	v10 =	vld [tilespmem:s10+$0x0];
	v2 =	vadd.f32 v2, v1  }
0x187: {  	v4 =	vadd.f32 v4, v3;
	v1 =	vld [tilespmem:s11+$0x10]  }
0x188: {  	v5 =	vadd.f32 v6, v5;
	v3 =	vld [tilespmem:s10+$0x10];
	[tilespmem:s11+$0x30] =	vst v2  }
0x189: {  	v6 =	vadd.f32 v8, v7;
	[tilespmem:s11+$0xFFFFFFD0] =	vst v4;
	v2 =	vld [tilespmem:s11+$0x20]  }
0x18a: {  	[tilespmem:s11+$0xFFFFFFE0] =	vst v5;
	v5 =	vld [tilespmem:s10+$0x20]  }
0x18b: {  	s12 =	simm.s32 $0x0;
	s13 =	simm.s32 $0x16940;
	v4 =	vld [tilespmem:s11+$0xFFFFFFC0];
	[tilespmem:s11+$0xFFFFFFF0] =	vst v6;
	v6 =	vadd.f32 v10, v9  }
.LBB2_17:
0x18c: {  	v7 =	vld [tilespmem:s13+$0x30];
	s10 =	sadd.s32 $0x80, s10  }
0x18d: {  	s12 =	sadd.s32 $0x8, s12;
	v8 =	vld [tilespmem:s10+$0x30];
	[tilespmem:s11+$0x0] =	vst v6;
	v1 =	vadd.f32 v3, v1  }
0x18e: {  	p0 =	slt.u32 s12, $0x20;
	v3 =	vld [tilespmem:s10+$0xFFFFFFC0]  }
0x18f: {  	v6 =	vld [tilespmem:s13+$0xFFFFFFD0];
	[tilespmem:s11+$0x10] =	vst v1;
	v1 =	vadd.f32 v5, v2  }
0x190: {  	v2 =	vld [tilespmem:s10+$0xFFFFFFD0];
	v9 =	vadd.f32 v0, v4  }
0x191: {  	v4 =	vld [tilespmem:s13+$0xFFFFFFE0];
	[tilespmem:s11+$0x20] =	vst v1  }
0x192: {  	v1 =	vld [tilespmem:s10+$0xFFFFFFE0];
	v5 =	vadd.f32 v8, v7;
	[tilespmem:s11+$0xFFFFFFC0] =	vst v9;
	s11 =	smov.u32 s13  }
0x193: {  	v7 =	vld [tilespmem:s13+$0xFFFFFFF0];
	v0 =	vmov v3  }
0x194: {  	v8 =	vld [tilespmem:s10+$0xFFFFFFF0];
	[tilespmem:s13+$0x30] =	vst v5  }
0x195: {  	v2 =	vadd.f32 v2, v6;
	v6 =	vld [tilespmem:s13+$0x0]  }
0x196: {  	v9 =	vld [tilespmem:s10+$0x0]  }
.Ltmp8:
0x197: {  	[tilespmem:s13+$0xFFFFFFD0] =	vst v2;
	v2 =	vadd.f32 v1, v4;
	v1 =	vld [tilespmem:s13+$0x10];
	(pc) =	sbr.rel @p0 .LBB2_17-.Ltmp8, $4  }
0x198: {  	v3 =	vld [tilespmem:s10+$0x10]  }
0x199: {  	[tilespmem:s13+$0xFFFFFFE0] =	vst v2;
	v7 =	vadd.f32 v8, v7;
	v2 =	vld [tilespmem:s13+$0x20]  }
0x19a: {  	v5 =	vld [tilespmem:s10+$0x20]  }
0x19b: {  	s13 =	sadd.s32 $0x80, s13;
	v4 =	vld [tilespmem:s11+$0xFFFFFFC0];
	[tilespmem:s11+$0xFFFFFFF0] =	vst v7;
	v6 =	vadd.f32 v9, v6  }
0x19c: {  	_ =	sdelay $0x1  }
0x19d: {  	v1 =	vadd.f32 v3, v1  }
0x19e: {  	[tilespmem:s11+$0x0] =	vst v6;
	v2 =	vadd.f32 v5, v2  }
0x19f: {  	[tilespmem:s11+$0x10] =	vst v1;
	v0 =	vadd.f32 v0, v4  }
0x1a0: {  	s10 =	sor.u32 $0x200, s9;
	s30 =	simm.s32 $0x80;
	s13 =	simm.s32 $0x400;
	[tilespmem:s11+$0x20] =	vst v2  }
0x1a1: {  	s14 =	simm.s32 $0x16380;
	s31 =	simm.s32 $0x1;
	s12 =	sadd.s32 s10, s8;
	[tilespmem:s11+$0xFFFFFFC0] =	vst v0  }
0x1a2: {  	[tilespmem:s14], [sflag:$0x1] =	stream.strided.gather [spmem:s12], $0x280, s13, s30, $0x38;
	[tilespmem:$0x1BE80] =	vst v63  }
0x1a3: {  	_ =	swait.ge [sflag:s31], $0x280  }
0x1a4: {  	[sflag:s31] =	ssyncset.done $0x0  }
0x1a5: {  	s11 =	simm.s32 $0x16640;
	[sflag:s31] =	ssyncadd.s32 $0xFFFFFD80  }
0x1a6: {  	s12 =	simm.s32 $0x163C0;
	v1 =	vld [tilespmem:s11+$0x30]  }
0x1a7: {  	v2 =	vld [tilespmem:s12+$0x30]  }
0x1a8: {  	v0 =	vld [tilespmem:s12+$0xFFFFFFC0]  }
0x1a9: {  	v3 =	vld [tilespmem:s11+$0xFFFFFFD0]  }
0x1aa: {  	v4 =	vld [tilespmem:s12+$0xFFFFFFD0]  }
0x1ab: {  	v5 =	vld [tilespmem:s11+$0xFFFFFFE0]  }
0x1ac: {  	v6 =	vld [tilespmem:s12+$0xFFFFFFE0]  }
0x1ad: {  	v7 =	vld [tilespmem:s11+$0xFFFFFFF0]  }
0x1ae: {  	v8 =	vld [tilespmem:s12+$0xFFFFFFF0]  }
0x1af: {  	v9 =	vld [tilespmem:s11+$0x0]  }
0x1b0: {  	v10 =	vld [tilespmem:s12+$0x0];
	v2 =	vadd.f32 v2, v1  }
0x1b1: {  	v4 =	vadd.f32 v4, v3;
	v1 =	vld [tilespmem:s11+$0x10]  }
0x1b2: {  	v5 =	vadd.f32 v6, v5;
	v3 =	vld [tilespmem:s12+$0x10];
	[tilespmem:s11+$0x30] =	vst v2  }
0x1b3: {  	v6 =	vadd.f32 v8, v7;
	[tilespmem:s11+$0xFFFFFFD0] =	vst v4;
	v2 =	vld [tilespmem:s11+$0x20]  }
0x1b4: {  	[tilespmem:s11+$0xFFFFFFE0] =	vst v5;
	v5 =	vld [tilespmem:s12+$0x20]  }
0x1b5: {  	s13 =	simm.s32 $0x0;
	s14 =	simm.s32 $0x166C0;
	v4 =	vld [tilespmem:s11+$0xFFFFFFC0];
	[tilespmem:s11+$0xFFFFFFF0] =	vst v6;
	v6 =	vadd.f32 v10, v9  }
.LBB2_19:
0x1b6: {  	v7 =	vld [tilespmem:s14+$0x30];
	s12 =	sadd.s32 $0x80, s12  }
0x1b7: {  	s13 =	sadd.s32 $0x8, s13;
	v8 =	vld [tilespmem:s12+$0x30];
	[tilespmem:s11+$0x0] =	vst v6;
	v1 =	vadd.f32 v3, v1  }
0x1b8: {  	p0 =	slt.u32 s13, $0x20;
	v3 =	vld [tilespmem:s12+$0xFFFFFFC0]  }
0x1b9: {  	v6 =	vld [tilespmem:s14+$0xFFFFFFD0];
	[tilespmem:s11+$0x10] =	vst v1;
	v1 =	vadd.f32 v5, v2  }
0x1ba: {  	v2 =	vld [tilespmem:s12+$0xFFFFFFD0];
	v9 =	vadd.f32 v0, v4  }
0x1bb: {  	v4 =	vld [tilespmem:s14+$0xFFFFFFE0];
	[tilespmem:s11+$0x20] =	vst v1  }
0x1bc: {  	v1 =	vld [tilespmem:s12+$0xFFFFFFE0];
	v5 =	vadd.f32 v8, v7;
	[tilespmem:s11+$0xFFFFFFC0] =	vst v9;
	s11 =	smov.u32 s14  }
0x1bd: {  	v7 =	vld [tilespmem:s14+$0xFFFFFFF0];
	v0 =	vmov v3  }
0x1be: {  	v8 =	vld [tilespmem:s12+$0xFFFFFFF0];
	[tilespmem:s14+$0x30] =	vst v5  }
0x1bf: {  	v2 =	vadd.f32 v2, v6;
	v6 =	vld [tilespmem:s14+$0x0]  }
0x1c0: {  	v9 =	vld [tilespmem:s12+$0x0]  }
.Ltmp9:
0x1c1: {  	[tilespmem:s14+$0xFFFFFFD0] =	vst v2;
	v2 =	vadd.f32 v1, v4;
	v1 =	vld [tilespmem:s14+$0x10];
	(pc) =	sbr.rel @p0 .LBB2_19-.Ltmp9, $4  }
0x1c2: {  	v3 =	vld [tilespmem:s12+$0x10]  }
0x1c3: {  	[tilespmem:s14+$0xFFFFFFE0] =	vst v2;
	v7 =	vadd.f32 v8, v7;
	v2 =	vld [tilespmem:s14+$0x20]  }
0x1c4: {  	v5 =	vld [tilespmem:s12+$0x20]  }
0x1c5: {  	s14 =	sadd.s32 $0x80, s14;
	v4 =	vld [tilespmem:s11+$0xFFFFFFC0];
	[tilespmem:s11+$0xFFFFFFF0] =	vst v7;
	v6 =	vadd.f32 v9, v6  }
0x1c6: {  	_ =	sdelay $0x1  }
0x1c7: {  	v1 =	vadd.f32 v3, v1  }
0x1c8: {  	[tilespmem:s11+$0x0] =	vst v6;
	v2 =	vadd.f32 v5, v2  }
0x1c9: {  	[tilespmem:s11+$0x10] =	vst v1;
	v0 =	vadd.f32 v0, v4  }
0x1ca: {  	s10 =	sadd.s32 s10, s7;
	s30 =	simm.s32 $0x80;
	[tilespmem:s11+$0x20] =	vst v2  }
0x1cb: {  	s12 =	simm.s32 $0x400;
	s13 =	simm.s32 $0x16380;
	s31 =	simm.s32 $0x1;
	[tilespmem:s11+$0xFFFFFFC0] =	vst v0  }
0x1cc: {  	[tilespmem:s13], [sflag:$0x1] =	stream.strided.gather [spmem:s10], $0x280, s12, s30, $0x38;
	[tilespmem:$0x1BE80] =	vst v63  }
0x1cd: {  	_ =	swait.ge [sflag:s31], $0x280  }
0x1ce: {  	[sflag:s31] =	ssyncset.done $0x0  }
0x1cf: {  	s11 =	simm.s32 $0x168C0;
	[sflag:s31] =	ssyncadd.s32 $0xFFFFFD80  }
0x1d0: {  	s10 =	simm.s32 $0x163C0;
	v1 =	vld [tilespmem:s11+$0x30]  }
0x1d1: {  	v2 =	vld [tilespmem:s10+$0x30]  }
0x1d2: {  	v0 =	vld [tilespmem:s10+$0xFFFFFFC0]  }
0x1d3: {  	v3 =	vld [tilespmem:s11+$0xFFFFFFD0]  }
0x1d4: {  	v4 =	vld [tilespmem:s10+$0xFFFFFFD0]  }
0x1d5: {  	v5 =	vld [tilespmem:s11+$0xFFFFFFE0]  }
0x1d6: {  	v6 =	vld [tilespmem:s10+$0xFFFFFFE0]  }
0x1d7: {  	v7 =	vld [tilespmem:s11+$0xFFFFFFF0]  }
0x1d8: {  	v8 =	vld [tilespmem:s10+$0xFFFFFFF0]  }
0x1d9: {  	v9 =	vld [tilespmem:s11+$0x0]  }
0x1da: {  	v10 =	vld [tilespmem:s10+$0x0];
	v2 =	vadd.f32 v2, v1  }
0x1db: {  	v4 =	vadd.f32 v4, v3;
	v1 =	vld [tilespmem:s11+$0x10]  }
0x1dc: {  	v5 =	vadd.f32 v6, v5;
	v3 =	vld [tilespmem:s10+$0x10];
	[tilespmem:s11+$0x30] =	vst v2  }
0x1dd: {  	v6 =	vadd.f32 v8, v7;
	[tilespmem:s11+$0xFFFFFFD0] =	vst v4;
	v2 =	vld [tilespmem:s11+$0x20]  }
0x1de: {  	[tilespmem:s11+$0xFFFFFFE0] =	vst v5;
	v5 =	vld [tilespmem:s10+$0x20]  }
0x1df: {  	s12 =	simm.s32 $0x0;
	s13 =	simm.s32 $0x16940;
	v4 =	vld [tilespmem:s11+$0xFFFFFFC0];
	[tilespmem:s11+$0xFFFFFFF0] =	vst v6;
	v6 =	vadd.f32 v10, v9  }
.LBB2_21:
0x1e0: {  	v7 =	vld [tilespmem:s13+$0x30];
	s10 =	sadd.s32 $0x80, s10  }
0x1e1: {  	s12 =	sadd.s32 $0x8, s12;
	v8 =	vld [tilespmem:s10+$0x30];
	[tilespmem:s11+$0x0] =	vst v6;
	v1 =	vadd.f32 v3, v1  }
0x1e2: {  	p0 =	slt.u32 s12, $0x20;
	v3 =	vld [tilespmem:s10+$0xFFFFFFC0]  }
0x1e3: {  	v6 =	vld [tilespmem:s13+$0xFFFFFFD0];
	[tilespmem:s11+$0x10] =	vst v1;
	v1 =	vadd.f32 v5, v2  }
0x1e4: {  	v2 =	vld [tilespmem:s10+$0xFFFFFFD0];
	v9 =	vadd.f32 v0, v4  }
0x1e5: {  	v4 =	vld [tilespmem:s13+$0xFFFFFFE0];
	[tilespmem:s11+$0x20] =	vst v1  }
0x1e6: {  	v1 =	vld [tilespmem:s10+$0xFFFFFFE0];
	v5 =	vadd.f32 v8, v7;
	[tilespmem:s11+$0xFFFFFFC0] =	vst v9;
	s11 =	smov.u32 s13  }
0x1e7: {  	v7 =	vld [tilespmem:s13+$0xFFFFFFF0];
	v0 =	vmov v3  }
0x1e8: {  	v8 =	vld [tilespmem:s10+$0xFFFFFFF0];
	[tilespmem:s13+$0x30] =	vst v5  }
0x1e9: {  	v2 =	vadd.f32 v2, v6;
	v6 =	vld [tilespmem:s13+$0x0]  }
0x1ea: {  	v9 =	vld [tilespmem:s10+$0x0]  }
.Ltmp10:
0x1eb: {  	[tilespmem:s13+$0xFFFFFFD0] =	vst v2;
	v2 =	vadd.f32 v1, v4;
	v1 =	vld [tilespmem:s13+$0x10];
	(pc) =	sbr.rel @p0 .LBB2_21-.Ltmp10, $4  }
0x1ec: {  	v3 =	vld [tilespmem:s10+$0x10]  }
0x1ed: {  	[tilespmem:s13+$0xFFFFFFE0] =	vst v2;
	v7 =	vadd.f32 v8, v7;
	v2 =	vld [tilespmem:s13+$0x20]  }
0x1ee: {  	v5 =	vld [tilespmem:s10+$0x20]  }
0x1ef: {  	s13 =	sadd.s32 $0x80, s13;
	v4 =	vld [tilespmem:s11+$0xFFFFFFC0];
	[tilespmem:s11+$0xFFFFFFF0] =	vst v7;
	v6 =	vadd.f32 v9, v6  }
0x1f0: {  	_ =	sdelay $0x1  }
0x1f1: {  	v1 =	vadd.f32 v3, v1  }
0x1f2: {  	[tilespmem:s11+$0x0] =	vst v6;
	v2 =	vadd.f32 v5, v2  }
0x1f3: {  	[tilespmem:s11+$0x10] =	vst v1;
	v0 =	vadd.f32 v0, v4  }
0x1f4: {  	s10 =	sor.u32 $0x280, s9;
	s30 =	simm.s32 $0x80;
	s13 =	simm.s32 $0x400;
	[tilespmem:s11+$0x20] =	vst v2  }
0x1f5: {  	s14 =	simm.s32 $0x16380;
	s31 =	simm.s32 $0x1;
	s12 =	sadd.s32 s10, s8;
	[tilespmem:s11+$0xFFFFFFC0] =	vst v0  }
0x1f6: {  	[tilespmem:s14], [sflag:$0x1] =	stream.strided.gather [spmem:s12], $0x280, s13, s30, $0x38;
	[tilespmem:$0x1BE80] =	vst v63  }
0x1f7: {  	_ =	swait.ge [sflag:s31], $0x280  }
0x1f8: {  	[sflag:s31] =	ssyncset.done $0x0  }
0x1f9: {  	s11 =	simm.s32 $0x16640;
	[sflag:s31] =	ssyncadd.s32 $0xFFFFFD80  }
0x1fa: {  	s12 =	simm.s32 $0x163C0;
	v1 =	vld [tilespmem:s11+$0x30]  }
0x1fb: {  	v2 =	vld [tilespmem:s12+$0x30]  }
0x1fc: {  	v0 =	vld [tilespmem:s12+$0xFFFFFFC0]  }
0x1fd: {  	v3 =	vld [tilespmem:s11+$0xFFFFFFD0]  }
0x1fe: {  	v4 =	vld [tilespmem:s12+$0xFFFFFFD0]  }
0x1ff: {  	v5 =	vld [tilespmem:s11+$0xFFFFFFE0]  }
0x200: {  	v6 =	vld [tilespmem:s12+$0xFFFFFFE0]  }
0x201: {  	v7 =	vld [tilespmem:s11+$0xFFFFFFF0]  }
0x202: {  	v8 =	vld [tilespmem:s12+$0xFFFFFFF0]  }
0x203: {  	v9 =	vld [tilespmem:s11+$0x0]  }
0x204: {  	v10 =	vld [tilespmem:s12+$0x0];
	v2 =	vadd.f32 v2, v1  }
0x205: {  	v4 =	vadd.f32 v4, v3;
	v1 =	vld [tilespmem:s11+$0x10]  }
0x206: {  	v5 =	vadd.f32 v6, v5;
	v3 =	vld [tilespmem:s12+$0x10];
	[tilespmem:s11+$0x30] =	vst v2  }
0x207: {  	v6 =	vadd.f32 v8, v7;
	[tilespmem:s11+$0xFFFFFFD0] =	vst v4;
	v2 =	vld [tilespmem:s11+$0x20]  }
0x208: {  	[tilespmem:s11+$0xFFFFFFE0] =	vst v5;
	v5 =	vld [tilespmem:s12+$0x20]  }
0x209: {  	s13 =	simm.s32 $0x0;
	s14 =	simm.s32 $0x166C0;
	v4 =	vld [tilespmem:s11+$0xFFFFFFC0];
	[tilespmem:s11+$0xFFFFFFF0] =	vst v6;
	v6 =	vadd.f32 v10, v9  }
.LBB2_23:
0x20a: {  	v7 =	vld [tilespmem:s14+$0x30];
	s12 =	sadd.s32 $0x80, s12  }
0x20b: {  	s13 =	sadd.s32 $0x8, s13;
	v8 =	vld [tilespmem:s12+$0x30];
	[tilespmem:s11+$0x0] =	vst v6;
	v1 =	vadd.f32 v3, v1  }
0x20c: {  	p0 =	slt.u32 s13, $0x20;
	v3 =	vld [tilespmem:s12+$0xFFFFFFC0]  }
0x20d: {  	v6 =	vld [tilespmem:s14+$0xFFFFFFD0];
	[tilespmem:s11+$0x10] =	vst v1;
	v1 =	vadd.f32 v5, v2  }
0x20e: {  	v2 =	vld [tilespmem:s12+$0xFFFFFFD0];
	v9 =	vadd.f32 v0, v4  }
0x20f: {  	v4 =	vld [tilespmem:s14+$0xFFFFFFE0];
	[tilespmem:s11+$0x20] =	vst v1  }
0x210: {  	v1 =	vld [tilespmem:s12+$0xFFFFFFE0];
	v5 =	vadd.f32 v8, v7;
	[tilespmem:s11+$0xFFFFFFC0] =	vst v9;
	s11 =	smov.u32 s14  }
0x211: {  	v7 =	vld [tilespmem:s14+$0xFFFFFFF0];
	v0 =	vmov v3  }
0x212: {  	v8 =	vld [tilespmem:s12+$0xFFFFFFF0];
	[tilespmem:s14+$0x30] =	vst v5  }
0x213: {  	v2 =	vadd.f32 v2, v6;
	v6 =	vld [tilespmem:s14+$0x0]  }
0x214: {  	v9 =	vld [tilespmem:s12+$0x0]  }
.Ltmp11:
0x215: {  	[tilespmem:s14+$0xFFFFFFD0] =	vst v2;
	v2 =	vadd.f32 v1, v4;
	v1 =	vld [tilespmem:s14+$0x10];
	(pc) =	sbr.rel @p0 .LBB2_23-.Ltmp11, $4  }
0x216: {  	v3 =	vld [tilespmem:s12+$0x10]  }
0x217: {  	[tilespmem:s14+$0xFFFFFFE0] =	vst v2;
	v7 =	vadd.f32 v8, v7;
	v2 =	vld [tilespmem:s14+$0x20]  }
0x218: {  	v5 =	vld [tilespmem:s12+$0x20]  }
0x219: {  	s14 =	sadd.s32 $0x80, s14;
	v4 =	vld [tilespmem:s11+$0xFFFFFFC0];
	[tilespmem:s11+$0xFFFFFFF0] =	vst v7;
	v6 =	vadd.f32 v9, v6  }
0x21a: {  	_ =	sdelay $0x1  }
0x21b: {  	v1 =	vadd.f32 v3, v1  }
0x21c: {  	[tilespmem:s11+$0x0] =	vst v6;
	v2 =	vadd.f32 v5, v2  }
0x21d: {  	[tilespmem:s11+$0x10] =	vst v1;
	v0 =	vadd.f32 v0, v4  }
0x21e: {  	s10 =	sadd.s32 s10, s7;
	s30 =	simm.s32 $0x80;
	[tilespmem:s11+$0x20] =	vst v2  }
0x21f: {  	s12 =	simm.s32 $0x400;
	s13 =	simm.s32 $0x16380;
	s31 =	simm.s32 $0x1;
	[tilespmem:s11+$0xFFFFFFC0] =	vst v0  }
0x220: {  	[tilespmem:s13], [sflag:$0x1] =	stream.strided.gather [spmem:s10], $0x280, s12, s30, $0x38;
	[tilespmem:$0x1BE80] =	vst v63  }
0x221: {  	_ =	swait.ge [sflag:s31], $0x280  }
0x222: {  	[sflag:s31] =	ssyncset.done $0x0  }
0x223: {  	s11 =	simm.s32 $0x168C0;
	[sflag:s31] =	ssyncadd.s32 $0xFFFFFD80  }
0x224: {  	s10 =	simm.s32 $0x163C0;
	v1 =	vld [tilespmem:s11+$0x30]  }
0x225: {  	v2 =	vld [tilespmem:s10+$0x30]  }
0x226: {  	v0 =	vld [tilespmem:s10+$0xFFFFFFC0]  }
0x227: {  	v3 =	vld [tilespmem:s11+$0xFFFFFFD0]  }
0x228: {  	v4 =	vld [tilespmem:s10+$0xFFFFFFD0]  }
0x229: {  	v5 =	vld [tilespmem:s11+$0xFFFFFFE0]  }
0x22a: {  	v6 =	vld [tilespmem:s10+$0xFFFFFFE0]  }
0x22b: {  	v7 =	vld [tilespmem:s11+$0xFFFFFFF0]  }
0x22c: {  	v8 =	vld [tilespmem:s10+$0xFFFFFFF0]  }
0x22d: {  	v9 =	vld [tilespmem:s11+$0x0]  }
0x22e: {  	v10 =	vld [tilespmem:s10+$0x0];
	v2 =	vadd.f32 v2, v1  }
0x22f: {  	v4 =	vadd.f32 v4, v3;
	v1 =	vld [tilespmem:s11+$0x10]  }
0x230: {  	v5 =	vadd.f32 v6, v5;
	v3 =	vld [tilespmem:s10+$0x10];
	[tilespmem:s11+$0x30] =	vst v2  }
0x231: {  	v6 =	vadd.f32 v8, v7;
	[tilespmem:s11+$0xFFFFFFD0] =	vst v4;
	v2 =	vld [tilespmem:s11+$0x20]  }
0x232: {  	[tilespmem:s11+$0xFFFFFFE0] =	vst v5;
	v5 =	vld [tilespmem:s10+$0x20]  }
0x233: {  	s12 =	simm.s32 $0x0;
	s13 =	simm.s32 $0x16940;
	v4 =	vld [tilespmem:s11+$0xFFFFFFC0];
	[tilespmem:s11+$0xFFFFFFF0] =	vst v6;
	v6 =	vadd.f32 v10, v9  }
.LBB2_25:
0x234: {  	v7 =	vld [tilespmem:s13+$0x30];
	s10 =	sadd.s32 $0x80, s10  }
0x235: {  	s12 =	sadd.s32 $0x8, s12;
	v8 =	vld [tilespmem:s10+$0x30];
	[tilespmem:s11+$0x0] =	vst v6;
	v1 =	vadd.f32 v3, v1  }
0x236: {  	p0 =	slt.u32 s12, $0x20;
	v3 =	vld [tilespmem:s10+$0xFFFFFFC0]  }
0x237: {  	v6 =	vld [tilespmem:s13+$0xFFFFFFD0];
	[tilespmem:s11+$0x10] =	vst v1;
	v1 =	vadd.f32 v5, v2  }
0x238: {  	v2 =	vld [tilespmem:s10+$0xFFFFFFD0];
	v9 =	vadd.f32 v0, v4  }
0x239: {  	v4 =	vld [tilespmem:s13+$0xFFFFFFE0];
	[tilespmem:s11+$0x20] =	vst v1  }
0x23a: {  	v1 =	vld [tilespmem:s10+$0xFFFFFFE0];
	v5 =	vadd.f32 v8, v7;
	[tilespmem:s11+$0xFFFFFFC0] =	vst v9;
	s11 =	smov.u32 s13  }
0x23b: {  	v7 =	vld [tilespmem:s13+$0xFFFFFFF0];
	v0 =	vmov v3  }
0x23c: {  	v8 =	vld [tilespmem:s10+$0xFFFFFFF0];
	[tilespmem:s13+$0x30] =	vst v5  }
0x23d: {  	v2 =	vadd.f32 v2, v6;
	v6 =	vld [tilespmem:s13+$0x0]  }
0x23e: {  	v9 =	vld [tilespmem:s10+$0x0]  }
.Ltmp12:
0x23f: {  	[tilespmem:s13+$0xFFFFFFD0] =	vst v2;
	v2 =	vadd.f32 v1, v4;
	v1 =	vld [tilespmem:s13+$0x10];
	(pc) =	sbr.rel @p0 .LBB2_25-.Ltmp12, $4  }
0x240: {  	v3 =	vld [tilespmem:s10+$0x10]  }
0x241: {  	[tilespmem:s13+$0xFFFFFFE0] =	vst v2;
	v7 =	vadd.f32 v8, v7;
	v2 =	vld [tilespmem:s13+$0x20]  }
0x242: {  	v5 =	vld [tilespmem:s10+$0x20]  }
0x243: {  	s13 =	sadd.s32 $0x80, s13;
	v4 =	vld [tilespmem:s11+$0xFFFFFFC0];
	[tilespmem:s11+$0xFFFFFFF0] =	vst v7;
	v6 =	vadd.f32 v9, v6  }
0x244: {  	_ =	sdelay $0x1  }
0x245: {  	v1 =	vadd.f32 v3, v1  }
0x246: {  	[tilespmem:s11+$0x0] =	vst v6;
	v2 =	vadd.f32 v5, v2  }
0x247: {  	[tilespmem:s11+$0x10] =	vst v1;
	v0 =	vadd.f32 v0, v4  }
0x248: {  	s10 =	sor.u32 $0x300, s9;
	s30 =	simm.s32 $0x80;
	s13 =	simm.s32 $0x400;
	[tilespmem:s11+$0x20] =	vst v2  }
0x249: {  	s14 =	simm.s32 $0x16380;
	s31 =	simm.s32 $0x1;
	s12 =	sadd.s32 s10, s8;
	[tilespmem:s11+$0xFFFFFFC0] =	vst v0  }
0x24a: {  	[tilespmem:s14], [sflag:$0x1] =	stream.strided.gather [spmem:s12], $0x280, s13, s30, $0x38;
	[tilespmem:$0x1BE80] =	vst v63  }
0x24b: {  	_ =	swait.ge [sflag:s31], $0x280  }
0x24c: {  	[sflag:s31] =	ssyncset.done $0x0  }
0x24d: {  	s11 =	simm.s32 $0x16640;
	[sflag:s31] =	ssyncadd.s32 $0xFFFFFD80  }
0x24e: {  	s12 =	simm.s32 $0x163C0;
	v1 =	vld [tilespmem:s11+$0x30]  }
0x24f: {  	v2 =	vld [tilespmem:s12+$0x30]  }
0x250: {  	v0 =	vld [tilespmem:s12+$0xFFFFFFC0]  }
0x251: {  	v3 =	vld [tilespmem:s11+$0xFFFFFFD0]  }
0x252: {  	v4 =	vld [tilespmem:s12+$0xFFFFFFD0]  }
0x253: {  	v5 =	vld [tilespmem:s11+$0xFFFFFFE0]  }
0x254: {  	v6 =	vld [tilespmem:s12+$0xFFFFFFE0]  }
0x255: {  	v7 =	vld [tilespmem:s11+$0xFFFFFFF0]  }
0x256: {  	v8 =	vld [tilespmem:s12+$0xFFFFFFF0]  }
0x257: {  	v9 =	vld [tilespmem:s11+$0x0]  }
0x258: {  	v10 =	vld [tilespmem:s12+$0x0];
	v2 =	vadd.f32 v2, v1  }
0x259: {  	v4 =	vadd.f32 v4, v3;
	v1 =	vld [tilespmem:s11+$0x10]  }
0x25a: {  	v5 =	vadd.f32 v6, v5;
	v3 =	vld [tilespmem:s12+$0x10];
	[tilespmem:s11+$0x30] =	vst v2  }
0x25b: {  	v6 =	vadd.f32 v8, v7;
	[tilespmem:s11+$0xFFFFFFD0] =	vst v4;
	v2 =	vld [tilespmem:s11+$0x20]  }
0x25c: {  	[tilespmem:s11+$0xFFFFFFE0] =	vst v5;
	v5 =	vld [tilespmem:s12+$0x20]  }
0x25d: {  	s13 =	simm.s32 $0x0;
	s14 =	simm.s32 $0x166C0;
	v4 =	vld [tilespmem:s11+$0xFFFFFFC0];
	[tilespmem:s11+$0xFFFFFFF0] =	vst v6;
	v6 =	vadd.f32 v10, v9  }
.LBB2_27:
0x25e: {  	v7 =	vld [tilespmem:s14+$0x30];
	s12 =	sadd.s32 $0x80, s12  }
0x25f: {  	s13 =	sadd.s32 $0x8, s13;
	v8 =	vld [tilespmem:s12+$0x30];
	[tilespmem:s11+$0x0] =	vst v6;
	v1 =	vadd.f32 v3, v1  }
0x260: {  	p0 =	slt.u32 s13, $0x20;
	v3 =	vld [tilespmem:s12+$0xFFFFFFC0]  }
0x261: {  	v6 =	vld [tilespmem:s14+$0xFFFFFFD0];
	[tilespmem:s11+$0x10] =	vst v1;
	v1 =	vadd.f32 v5, v2  }
0x262: {  	v2 =	vld [tilespmem:s12+$0xFFFFFFD0];
	v9 =	vadd.f32 v0, v4  }
0x263: {  	v4 =	vld [tilespmem:s14+$0xFFFFFFE0];
	[tilespmem:s11+$0x20] =	vst v1  }
0x264: {  	v1 =	vld [tilespmem:s12+$0xFFFFFFE0];
	v5 =	vadd.f32 v8, v7;
	[tilespmem:s11+$0xFFFFFFC0] =	vst v9;
	s11 =	smov.u32 s14  }
0x265: {  	v7 =	vld [tilespmem:s14+$0xFFFFFFF0];
	v0 =	vmov v3  }
0x266: {  	v8 =	vld [tilespmem:s12+$0xFFFFFFF0];
	[tilespmem:s14+$0x30] =	vst v5  }
0x267: {  	v2 =	vadd.f32 v2, v6;
	v6 =	vld [tilespmem:s14+$0x0]  }
0x268: {  	v9 =	vld [tilespmem:s12+$0x0]  }
.Ltmp13:
0x269: {  	[tilespmem:s14+$0xFFFFFFD0] =	vst v2;
	v2 =	vadd.f32 v1, v4;
	v1 =	vld [tilespmem:s14+$0x10];
	(pc) =	sbr.rel @p0 .LBB2_27-.Ltmp13, $4  }
0x26a: {  	v3 =	vld [tilespmem:s12+$0x10]  }
0x26b: {  	[tilespmem:s14+$0xFFFFFFE0] =	vst v2;
	v7 =	vadd.f32 v8, v7;
	v2 =	vld [tilespmem:s14+$0x20]  }
0x26c: {  	v5 =	vld [tilespmem:s12+$0x20]  }
0x26d: {  	s14 =	sadd.s32 $0x80, s14;
	v4 =	vld [tilespmem:s11+$0xFFFFFFC0];
	[tilespmem:s11+$0xFFFFFFF0] =	vst v7;
	v6 =	vadd.f32 v9, v6  }
0x26e: {  	_ =	sdelay $0x1  }
0x26f: {  	v1 =	vadd.f32 v3, v1  }
0x270: {  	[tilespmem:s11+$0x0] =	vst v6;
	v2 =	vadd.f32 v5, v2  }
0x271: {  	[tilespmem:s11+$0x10] =	vst v1;
	v0 =	vadd.f32 v0, v4  }
0x272: {  	s10 =	sadd.s32 s10, s7;
	s30 =	simm.s32 $0x80;
	[tilespmem:s11+$0x20] =	vst v2  }
0x273: {  	s12 =	simm.s32 $0x400;
	s13 =	simm.s32 $0x16380;
	s31 =	simm.s32 $0x1;
	[tilespmem:s11+$0xFFFFFFC0] =	vst v0  }
0x274: {  	[tilespmem:s13], [sflag:$0x1] =	stream.strided.gather [spmem:s10], $0x280, s12, s30, $0x38;
	[tilespmem:$0x1BE80] =	vst v63  }
0x275: {  	_ =	swait.ge [sflag:s31], $0x280  }
0x276: {  	[sflag:s31] =	ssyncset.done $0x0  }
0x277: {  	s11 =	simm.s32 $0x168C0;
	[sflag:s31] =	ssyncadd.s32 $0xFFFFFD80  }
0x278: {  	s10 =	simm.s32 $0x163C0;
	v1 =	vld [tilespmem:s11+$0x30]  }
0x279: {  	v2 =	vld [tilespmem:s10+$0x30]  }
0x27a: {  	v0 =	vld [tilespmem:s10+$0xFFFFFFC0]  }
0x27b: {  	v3 =	vld [tilespmem:s11+$0xFFFFFFD0]  }
0x27c: {  	v4 =	vld [tilespmem:s10+$0xFFFFFFD0]  }
0x27d: {  	v5 =	vld [tilespmem:s11+$0xFFFFFFE0]  }
0x27e: {  	v6 =	vld [tilespmem:s10+$0xFFFFFFE0]  }
0x27f: {  	v7 =	vld [tilespmem:s11+$0xFFFFFFF0]  }
0x280: {  	v8 =	vld [tilespmem:s10+$0xFFFFFFF0]  }
0x281: {  	v9 =	vld [tilespmem:s11+$0x0]  }
0x282: {  	v10 =	vld [tilespmem:s10+$0x0];
	v2 =	vadd.f32 v2, v1  }
0x283: {  	v4 =	vadd.f32 v4, v3;
	v1 =	vld [tilespmem:s11+$0x10]  }
0x284: {  	v5 =	vadd.f32 v6, v5;
	v3 =	vld [tilespmem:s10+$0x10];
	[tilespmem:s11+$0x30] =	vst v2  }
0x285: {  	v6 =	vadd.f32 v8, v7;
	[tilespmem:s11+$0xFFFFFFD0] =	vst v4;
	v2 =	vld [tilespmem:s11+$0x20]  }
0x286: {  	[tilespmem:s11+$0xFFFFFFE0] =	vst v5;
	v5 =	vld [tilespmem:s10+$0x20]  }
0x287: {  	s12 =	simm.s32 $0x0;
	s13 =	simm.s32 $0x16940;
	v4 =	vld [tilespmem:s11+$0xFFFFFFC0];
	[tilespmem:s11+$0xFFFFFFF0] =	vst v6;
	v6 =	vadd.f32 v10, v9  }
.LBB2_29:
0x288: {  	v7 =	vld [tilespmem:s13+$0x30];
	s10 =	sadd.s32 $0x80, s10  }
0x289: {  	s12 =	sadd.s32 $0x8, s12;
	v8 =	vld [tilespmem:s10+$0x30];
	[tilespmem:s11+$0x0] =	vst v6;
	v1 =	vadd.f32 v3, v1  }
0x28a: {  	p0 =	slt.u32 s12, $0x20;
	v3 =	vld [tilespmem:s10+$0xFFFFFFC0]  }
0x28b: {  	v6 =	vld [tilespmem:s13+$0xFFFFFFD0];
	[tilespmem:s11+$0x10] =	vst v1;
	v1 =	vadd.f32 v5, v2  }
0x28c: {  	v2 =	vld [tilespmem:s10+$0xFFFFFFD0];
	v9 =	vadd.f32 v0, v4  }
0x28d: {  	v4 =	vld [tilespmem:s13+$0xFFFFFFE0];
	[tilespmem:s11+$0x20] =	vst v1  }
0x28e: {  	v1 =	vld [tilespmem:s10+$0xFFFFFFE0];
	v5 =	vadd.f32 v8, v7;
	[tilespmem:s11+$0xFFFFFFC0] =	vst v9;
	s11 =	smov.u32 s13  }
0x28f: {  	v7 =	vld [tilespmem:s13+$0xFFFFFFF0];
	v0 =	vmov v3  }
0x290: {  	v8 =	vld [tilespmem:s10+$0xFFFFFFF0];
	[tilespmem:s13+$0x30] =	vst v5  }
0x291: {  	v2 =	vadd.f32 v2, v6;
	v6 =	vld [tilespmem:s13+$0x0]  }
0x292: {  	v9 =	vld [tilespmem:s10+$0x0]  }
.Ltmp14:
0x293: {  	[tilespmem:s13+$0xFFFFFFD0] =	vst v2;
	v2 =	vadd.f32 v1, v4;
	v1 =	vld [tilespmem:s13+$0x10];
	(pc) =	sbr.rel @p0 .LBB2_29-.Ltmp14, $4  }
0x294: {  	v3 =	vld [tilespmem:s10+$0x10]  }
0x295: {  	[tilespmem:s13+$0xFFFFFFE0] =	vst v2;
	v7 =	vadd.f32 v8, v7;
	v2 =	vld [tilespmem:s13+$0x20]  }
0x296: {  	v5 =	vld [tilespmem:s10+$0x20]  }
0x297: {  	s13 =	sadd.s32 $0x80, s13;
	v4 =	vld [tilespmem:s11+$0xFFFFFFC0];
	[tilespmem:s11+$0xFFFFFFF0] =	vst v7;
	v6 =	vadd.f32 v9, v6  }
0x298: {  	_ =	sdelay $0x1  }
0x299: {  	v1 =	vadd.f32 v3, v1  }
0x29a: {  	[tilespmem:s11+$0x0] =	vst v6;
	v2 =	vadd.f32 v5, v2  }
0x29b: {  	[tilespmem:s11+$0x10] =	vst v1;
	v0 =	vadd.f32 v0, v4  }
0x29c: {  	s10 =	sor.u32 $0x380, s9;
	s30 =	simm.s32 $0x80;
	s13 =	simm.s32 $0x400;
	[tilespmem:s11+$0x20] =	vst v2  }
0x29d: {  	s14 =	simm.s32 $0x16380;
	s31 =	simm.s32 $0x1;
	s12 =	sadd.s32 s10, s8;
	[tilespmem:s11+$0xFFFFFFC0] =	vst v0  }
0x29e: {  	[tilespmem:s14], [sflag:$0x1] =	stream.strided.gather [spmem:s12], $0x280, s13, s30, $0x38;
	[tilespmem:$0x1BE80] =	vst v63  }
0x29f: {  	_ =	swait.ge [sflag:s31], $0x280  }
0x2a0: {  	[sflag:s31] =	ssyncset.done $0x0  }
0x2a1: {  	s11 =	simm.s32 $0x16640;
	[sflag:s31] =	ssyncadd.s32 $0xFFFFFD80  }
0x2a2: {  	s12 =	simm.s32 $0x163C0;
	v1 =	vld [tilespmem:s11+$0x30]  }
0x2a3: {  	v2 =	vld [tilespmem:s12+$0x30]  }
0x2a4: {  	v0 =	vld [tilespmem:s12+$0xFFFFFFC0]  }
0x2a5: {  	v3 =	vld [tilespmem:s11+$0xFFFFFFD0]  }
0x2a6: {  	v4 =	vld [tilespmem:s12+$0xFFFFFFD0]  }
0x2a7: {  	v5 =	vld [tilespmem:s11+$0xFFFFFFE0]  }
0x2a8: {  	v6 =	vld [tilespmem:s12+$0xFFFFFFE0]  }
0x2a9: {  	v7 =	vld [tilespmem:s11+$0xFFFFFFF0]  }
0x2aa: {  	v8 =	vld [tilespmem:s12+$0xFFFFFFF0]  }
0x2ab: {  	v9 =	vld [tilespmem:s11+$0x0]  }
0x2ac: {  	v10 =	vld [tilespmem:s12+$0x0];
	v2 =	vadd.f32 v2, v1  }
0x2ad: {  	v4 =	vadd.f32 v4, v3;
	v1 =	vld [tilespmem:s11+$0x10]  }
0x2ae: {  	v5 =	vadd.f32 v6, v5;
	v3 =	vld [tilespmem:s12+$0x10];
	[tilespmem:s11+$0x30] =	vst v2  }
0x2af: {  	v6 =	vadd.f32 v8, v7;
	[tilespmem:s11+$0xFFFFFFD0] =	vst v4;
	v2 =	vld [tilespmem:s11+$0x20]  }
0x2b0: {  	[tilespmem:s11+$0xFFFFFFE0] =	vst v5;
	v5 =	vld [tilespmem:s12+$0x20]  }
0x2b1: {  	s13 =	simm.s32 $0x0;
	s14 =	simm.s32 $0x166C0;
	v4 =	vld [tilespmem:s11+$0xFFFFFFC0];
	[tilespmem:s11+$0xFFFFFFF0] =	vst v6;
	v6 =	vadd.f32 v10, v9  }
.LBB2_31:
0x2b2: {  	v7 =	vld [tilespmem:s14+$0x30];
	s12 =	sadd.s32 $0x80, s12  }
0x2b3: {  	s13 =	sadd.s32 $0x8, s13;
	v8 =	vld [tilespmem:s12+$0x30];
	[tilespmem:s11+$0x0] =	vst v6;
	v1 =	vadd.f32 v3, v1  }
0x2b4: {  	p0 =	slt.u32 s13, $0x20;
	v3 =	vld [tilespmem:s12+$0xFFFFFFC0]  }
0x2b5: {  	v6 =	vld [tilespmem:s14+$0xFFFFFFD0];
	[tilespmem:s11+$0x10] =	vst v1;
	v1 =	vadd.f32 v5, v2  }
0x2b6: {  	v2 =	vld [tilespmem:s12+$0xFFFFFFD0];
	v9 =	vadd.f32 v0, v4  }
0x2b7: {  	v4 =	vld [tilespmem:s14+$0xFFFFFFE0];
	[tilespmem:s11+$0x20] =	vst v1  }
0x2b8: {  	v1 =	vld [tilespmem:s12+$0xFFFFFFE0];
	v5 =	vadd.f32 v8, v7;
	[tilespmem:s11+$0xFFFFFFC0] =	vst v9;
	s11 =	smov.u32 s14  }
0x2b9: {  	v7 =	vld [tilespmem:s14+$0xFFFFFFF0];
	v0 =	vmov v3  }
0x2ba: {  	v8 =	vld [tilespmem:s12+$0xFFFFFFF0];
	[tilespmem:s14+$0x30] =	vst v5  }
0x2bb: {  	v2 =	vadd.f32 v2, v6;
	v6 =	vld [tilespmem:s14+$0x0]  }
0x2bc: {  	v9 =	vld [tilespmem:s12+$0x0]  }
.Ltmp15:
0x2bd: {  	[tilespmem:s14+$0xFFFFFFD0] =	vst v2;
	v2 =	vadd.f32 v1, v4;
	v1 =	vld [tilespmem:s14+$0x10];
	(pc) =	sbr.rel @p0 .LBB2_31-.Ltmp15, $4  }
0x2be: {  	v3 =	vld [tilespmem:s12+$0x10]  }
0x2bf: {  	[tilespmem:s14+$0xFFFFFFE0] =	vst v2;
	v7 =	vadd.f32 v8, v7;
	v2 =	vld [tilespmem:s14+$0x20]  }
0x2c0: {  	v5 =	vld [tilespmem:s12+$0x20]  }
0x2c1: {  	s14 =	sadd.s32 $0x80, s14;
	v4 =	vld [tilespmem:s11+$0xFFFFFFC0];
	[tilespmem:s11+$0xFFFFFFF0] =	vst v7;
	v6 =	vadd.f32 v9, v6  }
0x2c2: {  	_ =	sdelay $0x1  }
0x2c3: {  	v1 =	vadd.f32 v3, v1  }
0x2c4: {  	[tilespmem:s11+$0x0] =	vst v6;
	v2 =	vadd.f32 v5, v2  }
0x2c5: {  	[tilespmem:s11+$0x10] =	vst v1;
	v0 =	vadd.f32 v0, v4  }
0x2c6: {  	s10 =	sadd.s32 s10, s7;
	s30 =	simm.s32 $0x80;
	[tilespmem:s11+$0x20] =	vst v2  }
0x2c7: {  	s12 =	simm.s32 $0x400;
	s13 =	simm.s32 $0x16380;
	s31 =	simm.s32 $0x1;
	[tilespmem:s11+$0xFFFFFFC0] =	vst v0  }
0x2c8: {  	[tilespmem:s13], [sflag:$0x1] =	stream.strided.gather [spmem:s10], $0x280, s12, s30, $0x38;
	[tilespmem:$0x1BE80] =	vst v63  }
0x2c9: {  	_ =	swait.ge [sflag:s31], $0x280  }
0x2ca: {  	[sflag:s31] =	ssyncset.done $0x0  }
0x2cb: {  	s11 =	simm.s32 $0x168C0;
	[sflag:s31] =	ssyncadd.s32 $0xFFFFFD80  }
0x2cc: {  	s10 =	simm.s32 $0x163C0;
	v1 =	vld [tilespmem:s11+$0x30]  }
0x2cd: {  	v2 =	vld [tilespmem:s10+$0x30]  }
0x2ce: {  	v0 =	vld [tilespmem:s10+$0xFFFFFFC0]  }
0x2cf: {  	v3 =	vld [tilespmem:s11+$0xFFFFFFD0]  }
0x2d0: {  	v4 =	vld [tilespmem:s10+$0xFFFFFFD0]  }
0x2d1: {  	v5 =	vld [tilespmem:s11+$0xFFFFFFE0]  }
0x2d2: {  	v6 =	vld [tilespmem:s10+$0xFFFFFFE0]  }
0x2d3: {  	v7 =	vld [tilespmem:s11+$0xFFFFFFF0]  }
0x2d4: {  	v8 =	vld [tilespmem:s10+$0xFFFFFFF0]  }
0x2d5: {  	v9 =	vld [tilespmem:s11+$0x0]  }
0x2d6: {  	v10 =	vld [tilespmem:s10+$0x0];
	v2 =	vadd.f32 v2, v1  }
0x2d7: {  	v4 =	vadd.f32 v4, v3;
	v1 =	vld [tilespmem:s11+$0x10]  }
0x2d8: {  	v5 =	vadd.f32 v6, v5;
	v3 =	vld [tilespmem:s10+$0x10];
	[tilespmem:s11+$0x30] =	vst v2  }
0x2d9: {  	v6 =	vadd.f32 v8, v7;
	[tilespmem:s11+$0xFFFFFFD0] =	vst v4;
	v2 =	vld [tilespmem:s11+$0x20]  }
0x2da: {  	[tilespmem:s11+$0xFFFFFFE0] =	vst v5;
	v5 =	vld [tilespmem:s10+$0x20]  }
0x2db: {  	s12 =	simm.s32 $0x0;
	s13 =	simm.s32 $0x16940;
	v4 =	vld [tilespmem:s11+$0xFFFFFFC0];
	[tilespmem:s11+$0xFFFFFFF0] =	vst v6;
	v6 =	vadd.f32 v10, v9  }
.LBB2_33:
0x2dc: {  	v7 =	vld [tilespmem:s13+$0x30];
	s10 =	sadd.s32 $0x80, s10  }
0x2dd: {  	s12 =	sadd.s32 $0x8, s12;
	v8 =	vld [tilespmem:s10+$0x30];
	[tilespmem:s11+$0x0] =	vst v6;
	v1 =	vadd.f32 v3, v1  }
0x2de: {  	p0 =	slt.u32 s12, $0x20;
	v3 =	vld [tilespmem:s10+$0xFFFFFFC0]  }
0x2df: {  	v6 =	vld [tilespmem:s13+$0xFFFFFFD0];
	[tilespmem:s11+$0x10] =	vst v1;
	v1 =	vadd.f32 v5, v2  }
0x2e0: {  	v2 =	vld [tilespmem:s10+$0xFFFFFFD0];
	v9 =	vadd.f32 v0, v4  }
0x2e1: {  	v4 =	vld [tilespmem:s13+$0xFFFFFFE0];
	[tilespmem:s11+$0x20] =	vst v1  }
0x2e2: {  	v1 =	vld [tilespmem:s10+$0xFFFFFFE0];
	v5 =	vadd.f32 v8, v7;
	[tilespmem:s11+$0xFFFFFFC0] =	vst v9;
	s11 =	smov.u32 s13  }
0x2e3: {  	v7 =	vld [tilespmem:s13+$0xFFFFFFF0];
	v0 =	vmov v3  }
0x2e4: {  	v8 =	vld [tilespmem:s10+$0xFFFFFFF0];
	[tilespmem:s13+$0x30] =	vst v5  }
0x2e5: {  	v2 =	vadd.f32 v2, v6;
	v6 =	vld [tilespmem:s13+$0x0]  }
0x2e6: {  	v9 =	vld [tilespmem:s10+$0x0]  }
.Ltmp16:
0x2e7: {  	[tilespmem:s13+$0xFFFFFFD0] =	vst v2;
	v2 =	vadd.f32 v1, v4;
	v1 =	vld [tilespmem:s13+$0x10];
	(pc) =	sbr.rel @p0 .LBB2_33-.Ltmp16, $4  }
0x2e8: {  	v3 =	vld [tilespmem:s10+$0x10]  }
0x2e9: {  	[tilespmem:s13+$0xFFFFFFE0] =	vst v2;
	v7 =	vadd.f32 v8, v7;
	v2 =	vld [tilespmem:s13+$0x20]  }
0x2ea: {  	v5 =	vld [tilespmem:s10+$0x20]  }
0x2eb: {  	s13 =	sadd.s32 $0x80, s13;
	v4 =	vld [tilespmem:s11+$0xFFFFFFC0];
	[tilespmem:s11+$0xFFFFFFF0] =	vst v7;
	v6 =	vadd.f32 v9, v6  }
0x2ec: {  	_ =	sdelay $0x1  }
0x2ed: {  	v1 =	vadd.f32 v3, v1  }
0x2ee: {  	[tilespmem:s11+$0x0] =	vst v6;
	v2 =	vadd.f32 v5, v2  }
0x2ef: {  	[tilespmem:s11+$0x10] =	vst v1;
	v0 =	vadd.f32 v0, v4  }
0x2f0: {  	s10 =	sadd.s32 $0x14000, s9;
	s30 =	simm.s32 $0x80;
	s13 =	simm.s32 $0x400;
	[tilespmem:s11+$0x20] =	vst v2  }
0x2f1: {  	s14 =	simm.s32 $0x16380;
	s31 =	simm.s32 $0x1;
	s12 =	sadd.s32 s10, s8;
	[tilespmem:s11+$0xFFFFFFC0] =	vst v0  }
0x2f2: {  	[tilespmem:s14], [sflag:$0x1] =	stream.strided.gather [spmem:s12], $0x280, s13, s30, $0x38;
	[tilespmem:$0x1BE80] =	vst v63  }
0x2f3: {  	_ =	swait.ge [sflag:s31], $0x280  }
0x2f4: {  	[sflag:s31] =	ssyncset.done $0x0  }
0x2f5: {  	s11 =	simm.s32 $0x16640;
	[sflag:s31] =	ssyncadd.s32 $0xFFFFFD80  }
0x2f6: {  	s12 =	simm.s32 $0x163C0;
	v1 =	vld [tilespmem:s11+$0x30]  }
0x2f7: {  	v2 =	vld [tilespmem:s12+$0x30]  }
0x2f8: {  	v0 =	vld [tilespmem:s12+$0xFFFFFFC0]  }
0x2f9: {  	v3 =	vld [tilespmem:s11+$0xFFFFFFD0]  }
0x2fa: {  	v4 =	vld [tilespmem:s12+$0xFFFFFFD0]  }
0x2fb: {  	v5 =	vld [tilespmem:s11+$0xFFFFFFE0]  }
0x2fc: {  	v6 =	vld [tilespmem:s12+$0xFFFFFFE0]  }
0x2fd: {  	v7 =	vld [tilespmem:s11+$0xFFFFFFF0]  }
0x2fe: {  	v8 =	vld [tilespmem:s12+$0xFFFFFFF0]  }
0x2ff: {  	v9 =	vld [tilespmem:s11+$0x0]  }
0x300: {  	v10 =	vld [tilespmem:s12+$0x0];
	v2 =	vadd.f32 v2, v1  }
0x301: {  	v4 =	vadd.f32 v4, v3;
	v1 =	vld [tilespmem:s11+$0x10]  }
0x302: {  	v5 =	vadd.f32 v6, v5;
	v3 =	vld [tilespmem:s12+$0x10];
	[tilespmem:s11+$0x30] =	vst v2  }
0x303: {  	v6 =	vadd.f32 v8, v7;
	[tilespmem:s11+$0xFFFFFFD0] =	vst v4;
	v2 =	vld [tilespmem:s11+$0x20]  }
0x304: {  	[tilespmem:s11+$0xFFFFFFE0] =	vst v5;
	v5 =	vld [tilespmem:s12+$0x20]  }
0x305: {  	s13 =	simm.s32 $0x0;
	s14 =	simm.s32 $0x166C0;
	v4 =	vld [tilespmem:s11+$0xFFFFFFC0];
	[tilespmem:s11+$0xFFFFFFF0] =	vst v6;
	v6 =	vadd.f32 v10, v9  }
.LBB2_35:
0x306: {  	v7 =	vld [tilespmem:s14+$0x30];
	s12 =	sadd.s32 $0x80, s12  }
0x307: {  	s13 =	sadd.s32 $0x8, s13;
	v8 =	vld [tilespmem:s12+$0x30];
	[tilespmem:s11+$0x0] =	vst v6;
	v1 =	vadd.f32 v3, v1  }
0x308: {  	p0 =	slt.u32 s13, $0x20;
	v3 =	vld [tilespmem:s12+$0xFFFFFFC0]  }
0x309: {  	v6 =	vld [tilespmem:s14+$0xFFFFFFD0];
	[tilespmem:s11+$0x10] =	vst v1;
	v1 =	vadd.f32 v5, v2  }
0x30a: {  	v2 =	vld [tilespmem:s12+$0xFFFFFFD0];
	v9 =	vadd.f32 v0, v4  }
0x30b: {  	v4 =	vld [tilespmem:s14+$0xFFFFFFE0];
	[tilespmem:s11+$0x20] =	vst v1  }
0x30c: {  	v1 =	vld [tilespmem:s12+$0xFFFFFFE0];
	v5 =	vadd.f32 v8, v7;
	[tilespmem:s11+$0xFFFFFFC0] =	vst v9;
	s11 =	smov.u32 s14  }
0x30d: {  	v7 =	vld [tilespmem:s14+$0xFFFFFFF0];
	v0 =	vmov v3  }
0x30e: {  	v8 =	vld [tilespmem:s12+$0xFFFFFFF0];
	[tilespmem:s14+$0x30] =	vst v5  }
0x30f: {  	v2 =	vadd.f32 v2, v6;
	v6 =	vld [tilespmem:s14+$0x0]  }
0x310: {  	v9 =	vld [tilespmem:s12+$0x0]  }
.Ltmp17:
0x311: {  	[tilespmem:s14+$0xFFFFFFD0] =	vst v2;
	v2 =	vadd.f32 v1, v4;
	v1 =	vld [tilespmem:s14+$0x10];
	(pc) =	sbr.rel @p0 .LBB2_35-.Ltmp17, $4  }
0x312: {  	v3 =	vld [tilespmem:s12+$0x10]  }
0x313: {  	[tilespmem:s14+$0xFFFFFFE0] =	vst v2;
	v7 =	vadd.f32 v8, v7;
	v2 =	vld [tilespmem:s14+$0x20]  }
0x314: {  	v5 =	vld [tilespmem:s12+$0x20]  }
0x315: {  	s14 =	sadd.s32 $0x80, s14;
	v4 =	vld [tilespmem:s11+$0xFFFFFFC0];
	[tilespmem:s11+$0xFFFFFFF0] =	vst v7;
	v6 =	vadd.f32 v9, v6  }
0x316: {  	_ =	sdelay $0x1  }
0x317: {  	v1 =	vadd.f32 v3, v1  }
0x318: {  	[tilespmem:s11+$0x0] =	vst v6;
	v2 =	vadd.f32 v5, v2  }
0x319: {  	[tilespmem:s11+$0x10] =	vst v1;
	v0 =	vadd.f32 v0, v4  }
0x31a: {  	s10 =	sadd.s32 s10, s7;
	s30 =	simm.s32 $0x80;
	[tilespmem:s11+$0x20] =	vst v2  }
0x31b: {  	s12 =	simm.s32 $0x400;
	s13 =	simm.s32 $0x16380;
	s31 =	simm.s32 $0x1;
	[tilespmem:s11+$0xFFFFFFC0] =	vst v0  }
0x31c: {  	[tilespmem:s13], [sflag:$0x1] =	stream.strided.gather [spmem:s10], $0x280, s12, s30, $0x38;
	[tilespmem:$0x1BE80] =	vst v63  }
0x31d: {  	_ =	swait.ge [sflag:s31], $0x280  }
0x31e: {  	[sflag:s31] =	ssyncset.done $0x0  }
0x31f: {  	s11 =	simm.s32 $0x168C0;
	[sflag:s31] =	ssyncadd.s32 $0xFFFFFD80  }
0x320: {  	s10 =	simm.s32 $0x163C0;
	v1 =	vld [tilespmem:s11+$0x30]  }
0x321: {  	v2 =	vld [tilespmem:s10+$0x30]  }
0x322: {  	v0 =	vld [tilespmem:s10+$0xFFFFFFC0]  }
0x323: {  	v3 =	vld [tilespmem:s11+$0xFFFFFFD0]  }
0x324: {  	v4 =	vld [tilespmem:s10+$0xFFFFFFD0]  }
0x325: {  	v5 =	vld [tilespmem:s11+$0xFFFFFFE0]  }
0x326: {  	v6 =	vld [tilespmem:s10+$0xFFFFFFE0]  }
0x327: {  	v7 =	vld [tilespmem:s11+$0xFFFFFFF0]  }
0x328: {  	v8 =	vld [tilespmem:s10+$0xFFFFFFF0]  }
0x329: {  	v9 =	vld [tilespmem:s11+$0x0]  }
0x32a: {  	v10 =	vld [tilespmem:s10+$0x0];
	v2 =	vadd.f32 v2, v1  }
0x32b: {  	v4 =	vadd.f32 v4, v3;
	v1 =	vld [tilespmem:s11+$0x10]  }
0x32c: {  	v5 =	vadd.f32 v6, v5;
	v3 =	vld [tilespmem:s10+$0x10];
	[tilespmem:s11+$0x30] =	vst v2  }
0x32d: {  	v6 =	vadd.f32 v8, v7;
	[tilespmem:s11+$0xFFFFFFD0] =	vst v4;
	v2 =	vld [tilespmem:s11+$0x20]  }
0x32e: {  	[tilespmem:s11+$0xFFFFFFE0] =	vst v5;
	v5 =	vld [tilespmem:s10+$0x20]  }
0x32f: {  	s12 =	simm.s32 $0x0;
	s13 =	simm.s32 $0x16940;
	v4 =	vld [tilespmem:s11+$0xFFFFFFC0];
	[tilespmem:s11+$0xFFFFFFF0] =	vst v6;
	v6 =	vadd.f32 v10, v9  }
.LBB2_37:
0x330: {  	v7 =	vld [tilespmem:s13+$0x30];
	s10 =	sadd.s32 $0x80, s10  }
0x331: {  	s12 =	sadd.s32 $0x8, s12;
	v8 =	vld [tilespmem:s10+$0x30];
	[tilespmem:s11+$0x0] =	vst v6;
	v1 =	vadd.f32 v3, v1  }
0x332: {  	p0 =	slt.u32 s12, $0x20;
	v3 =	vld [tilespmem:s10+$0xFFFFFFC0]  }
0x333: {  	v6 =	vld [tilespmem:s13+$0xFFFFFFD0];
	[tilespmem:s11+$0x10] =	vst v1;
	v1 =	vadd.f32 v5, v2  }
0x334: {  	v2 =	vld [tilespmem:s10+$0xFFFFFFD0];
	v9 =	vadd.f32 v0, v4  }
0x335: {  	v4 =	vld [tilespmem:s13+$0xFFFFFFE0];
	[tilespmem:s11+$0x20] =	vst v1  }
0x336: {  	v1 =	vld [tilespmem:s10+$0xFFFFFFE0];
	v5 =	vadd.f32 v8, v7;
	[tilespmem:s11+$0xFFFFFFC0] =	vst v9;
	s11 =	smov.u32 s13  }
0x337: {  	v7 =	vld [tilespmem:s13+$0xFFFFFFF0];
	v0 =	vmov v3  }
0x338: {  	v8 =	vld [tilespmem:s10+$0xFFFFFFF0];
	[tilespmem:s13+$0x30] =	vst v5  }
0x339: {  	v2 =	vadd.f32 v2, v6;
	v6 =	vld [tilespmem:s13+$0x0]  }
0x33a: {  	v9 =	vld [tilespmem:s10+$0x0]  }
.Ltmp18:
0x33b: {  	[tilespmem:s13+$0xFFFFFFD0] =	vst v2;
	v2 =	vadd.f32 v1, v4;
	v1 =	vld [tilespmem:s13+$0x10];
	(pc) =	sbr.rel @p0 .LBB2_37-.Ltmp18, $4  }
0x33c: {  	v3 =	vld [tilespmem:s10+$0x10]  }
0x33d: {  	[tilespmem:s13+$0xFFFFFFE0] =	vst v2;
	v7 =	vadd.f32 v8, v7;
	v2 =	vld [tilespmem:s13+$0x20]  }
0x33e: {  	v5 =	vld [tilespmem:s10+$0x20]  }
0x33f: {  	s13 =	sadd.s32 $0x80, s13;
	v4 =	vld [tilespmem:s11+$0xFFFFFFC0];
	[tilespmem:s11+$0xFFFFFFF0] =	vst v7;
	v6 =	vadd.f32 v9, v6  }
0x340: {  	_ =	sdelay $0x1  }
0x341: {  	v1 =	vadd.f32 v3, v1  }
0x342: {  	[tilespmem:s11+$0x0] =	vst v6;
	v2 =	vadd.f32 v5, v2  }
0x343: {  	[tilespmem:s11+$0x10] =	vst v1;
	v0 =	vadd.f32 v0, v4  }
0x344: {  	s10 =	sadd.s32 $0x14080, s9;
	s30 =	simm.s32 $0x80;
	s13 =	simm.s32 $0x400;
	[tilespmem:s11+$0x20] =	vst v2  }
0x345: {  	s14 =	simm.s32 $0x16380;
	s31 =	simm.s32 $0x1;
	s12 =	sadd.s32 s10, s8;
	[tilespmem:s11+$0xFFFFFFC0] =	vst v0  }
0x346: {  	[tilespmem:s14], [sflag:$0x1] =	stream.strided.gather [spmem:s12], $0x280, s13, s30, $0x38;
	[tilespmem:$0x1BE80] =	vst v63  }
0x347: {  	_ =	swait.ge [sflag:s31], $0x280  }
0x348: {  	[sflag:s31] =	ssyncset.done $0x0  }
0x349: {  	s11 =	simm.s32 $0x16640;
	[sflag:s31] =	ssyncadd.s32 $0xFFFFFD80  }
0x34a: {  	s12 =	simm.s32 $0x163C0;
	v1 =	vld [tilespmem:s11+$0x30]  }
0x34b: {  	v2 =	vld [tilespmem:s12+$0x30]  }
0x34c: {  	v0 =	vld [tilespmem:s12+$0xFFFFFFC0]  }
0x34d: {  	v3 =	vld [tilespmem:s11+$0xFFFFFFD0]  }
0x34e: {  	v4 =	vld [tilespmem:s12+$0xFFFFFFD0]  }
0x34f: {  	v5 =	vld [tilespmem:s11+$0xFFFFFFE0]  }
0x350: {  	v6 =	vld [tilespmem:s12+$0xFFFFFFE0]  }
0x351: {  	v7 =	vld [tilespmem:s11+$0xFFFFFFF0]  }
0x352: {  	v8 =	vld [tilespmem:s12+$0xFFFFFFF0]  }
0x353: {  	v9 =	vld [tilespmem:s11+$0x0]  }
0x354: {  	v10 =	vld [tilespmem:s12+$0x0];
	v2 =	vadd.f32 v2, v1  }
0x355: {  	v4 =	vadd.f32 v4, v3;
	v1 =	vld [tilespmem:s11+$0x10]  }
0x356: {  	v5 =	vadd.f32 v6, v5;
	v3 =	vld [tilespmem:s12+$0x10];
	[tilespmem:s11+$0x30] =	vst v2  }
0x357: {  	v6 =	vadd.f32 v8, v7;
	[tilespmem:s11+$0xFFFFFFD0] =	vst v4;
	v2 =	vld [tilespmem:s11+$0x20]  }
0x358: {  	[tilespmem:s11+$0xFFFFFFE0] =	vst v5;
	v5 =	vld [tilespmem:s12+$0x20]  }
0x359: {  	s13 =	simm.s32 $0x0;
	s14 =	simm.s32 $0x166C0;
	v4 =	vld [tilespmem:s11+$0xFFFFFFC0];
	[tilespmem:s11+$0xFFFFFFF0] =	vst v6;
	v6 =	vadd.f32 v10, v9  }
.LBB2_39:
0x35a: {  	v7 =	vld [tilespmem:s14+$0x30];
	s12 =	sadd.s32 $0x80, s12  }
0x35b: {  	s13 =	sadd.s32 $0x8, s13;
	v8 =	vld [tilespmem:s12+$0x30];
	[tilespmem:s11+$0x0] =	vst v6;
	v1 =	vadd.f32 v3, v1  }
0x35c: {  	p0 =	slt.u32 s13, $0x20;
	v3 =	vld [tilespmem:s12+$0xFFFFFFC0]  }
0x35d: {  	v6 =	vld [tilespmem:s14+$0xFFFFFFD0];
	[tilespmem:s11+$0x10] =	vst v1;
	v1 =	vadd.f32 v5, v2  }
0x35e: {  	v2 =	vld [tilespmem:s12+$0xFFFFFFD0];
	v9 =	vadd.f32 v0, v4  }
0x35f: {  	v4 =	vld [tilespmem:s14+$0xFFFFFFE0];
	[tilespmem:s11+$0x20] =	vst v1  }
0x360: {  	v1 =	vld [tilespmem:s12+$0xFFFFFFE0];
	v5 =	vadd.f32 v8, v7;
	[tilespmem:s11+$0xFFFFFFC0] =	vst v9;
	s11 =	smov.u32 s14  }
0x361: {  	v7 =	vld [tilespmem:s14+$0xFFFFFFF0];
	v0 =	vmov v3  }
0x362: {  	v8 =	vld [tilespmem:s12+$0xFFFFFFF0];
	[tilespmem:s14+$0x30] =	vst v5  }
0x363: {  	v2 =	vadd.f32 v2, v6;
	v6 =	vld [tilespmem:s14+$0x0]  }
0x364: {  	v9 =	vld [tilespmem:s12+$0x0]  }
.Ltmp19:
0x365: {  	[tilespmem:s14+$0xFFFFFFD0] =	vst v2;
	v2 =	vadd.f32 v1, v4;
	v1 =	vld [tilespmem:s14+$0x10];
	(pc) =	sbr.rel @p0 .LBB2_39-.Ltmp19, $4  }
0x366: {  	v3 =	vld [tilespmem:s12+$0x10]  }
0x367: {  	[tilespmem:s14+$0xFFFFFFE0] =	vst v2;
	v7 =	vadd.f32 v8, v7;
	v2 =	vld [tilespmem:s14+$0x20]  }
0x368: {  	v5 =	vld [tilespmem:s12+$0x20]  }
0x369: {  	s14 =	sadd.s32 $0x80, s14;
	v4 =	vld [tilespmem:s11+$0xFFFFFFC0];
	[tilespmem:s11+$0xFFFFFFF0] =	vst v7;
	v6 =	vadd.f32 v9, v6  }
0x36a: {  	_ =	sdelay $0x1  }
0x36b: {  	v1 =	vadd.f32 v3, v1  }
0x36c: {  	[tilespmem:s11+$0x0] =	vst v6;
	v2 =	vadd.f32 v5, v2  }
0x36d: {  	[tilespmem:s11+$0x10] =	vst v1;
	v0 =	vadd.f32 v0, v4  }
0x36e: {  	s10 =	sadd.s32 s10, s7;
	s30 =	simm.s32 $0x80;
	[tilespmem:s11+$0x20] =	vst v2  }
0x36f: {  	s12 =	simm.s32 $0x400;
	s13 =	simm.s32 $0x16380;
	s31 =	simm.s32 $0x1;
	[tilespmem:s11+$0xFFFFFFC0] =	vst v0  }
0x370: {  	[tilespmem:s13], [sflag:$0x1] =	stream.strided.gather [spmem:s10], $0x280, s12, s30, $0x38;
	[tilespmem:$0x1BE80] =	vst v63  }
0x371: {  	_ =	swait.ge [sflag:s31], $0x280  }
0x372: {  	[sflag:s31] =	ssyncset.done $0x0  }
0x373: {  	s11 =	simm.s32 $0x168C0;
	[sflag:s31] =	ssyncadd.s32 $0xFFFFFD80  }
0x374: {  	s10 =	simm.s32 $0x163C0;
	v1 =	vld [tilespmem:s11+$0x30]  }
0x375: {  	v2 =	vld [tilespmem:s10+$0x30]  }
0x376: {  	v0 =	vld [tilespmem:s10+$0xFFFFFFC0]  }
0x377: {  	v3 =	vld [tilespmem:s11+$0xFFFFFFD0]  }
0x378: {  	v4 =	vld [tilespmem:s10+$0xFFFFFFD0]  }
0x379: {  	v5 =	vld [tilespmem:s11+$0xFFFFFFE0]  }
0x37a: {  	v6 =	vld [tilespmem:s10+$0xFFFFFFE0]  }
0x37b: {  	v7 =	vld [tilespmem:s11+$0xFFFFFFF0]  }
0x37c: {  	v8 =	vld [tilespmem:s10+$0xFFFFFFF0]  }
0x37d: {  	v9 =	vld [tilespmem:s11+$0x0]  }
0x37e: {  	v10 =	vld [tilespmem:s10+$0x0];
	v2 =	vadd.f32 v2, v1  }
0x37f: {  	v4 =	vadd.f32 v4, v3;
	v1 =	vld [tilespmem:s11+$0x10]  }
0x380: {  	v5 =	vadd.f32 v6, v5;
	v3 =	vld [tilespmem:s10+$0x10];
	[tilespmem:s11+$0x30] =	vst v2  }
0x381: {  	v6 =	vadd.f32 v8, v7;
	[tilespmem:s11+$0xFFFFFFD0] =	vst v4;
	v2 =	vld [tilespmem:s11+$0x20]  }
0x382: {  	[tilespmem:s11+$0xFFFFFFE0] =	vst v5;
	v5 =	vld [tilespmem:s10+$0x20]  }
0x383: {  	s12 =	simm.s32 $0x0;
	s13 =	simm.s32 $0x16940;
	v4 =	vld [tilespmem:s11+$0xFFFFFFC0];
	[tilespmem:s11+$0xFFFFFFF0] =	vst v6;
	v6 =	vadd.f32 v10, v9  }
.LBB2_41:
0x384: {  	v7 =	vld [tilespmem:s13+$0x30];
	s10 =	sadd.s32 $0x80, s10  }
0x385: {  	s12 =	sadd.s32 $0x8, s12;
	v8 =	vld [tilespmem:s10+$0x30];
	[tilespmem:s11+$0x0] =	vst v6;
	v1 =	vadd.f32 v3, v1  }
0x386: {  	p0 =	slt.u32 s12, $0x20;
	v3 =	vld [tilespmem:s10+$0xFFFFFFC0]  }
0x387: {  	v6 =	vld [tilespmem:s13+$0xFFFFFFD0];
	[tilespmem:s11+$0x10] =	vst v1;
	v1 =	vadd.f32 v5, v2  }
0x388: {  	v2 =	vld [tilespmem:s10+$0xFFFFFFD0];
	v9 =	vadd.f32 v0, v4  }
0x389: {  	v4 =	vld [tilespmem:s13+$0xFFFFFFE0];
	[tilespmem:s11+$0x20] =	vst v1  }
0x38a: {  	v1 =	vld [tilespmem:s10+$0xFFFFFFE0];
	v5 =	vadd.f32 v8, v7;
	[tilespmem:s11+$0xFFFFFFC0] =	vst v9;
	s11 =	smov.u32 s13  }
0x38b: {  	v7 =	vld [tilespmem:s13+$0xFFFFFFF0];
	v0 =	vmov v3  }
0x38c: {  	v8 =	vld [tilespmem:s10+$0xFFFFFFF0];
	[tilespmem:s13+$0x30] =	vst v5  }
0x38d: {  	v2 =	vadd.f32 v2, v6;
	v6 =	vld [tilespmem:s13+$0x0]  }
0x38e: {  	v9 =	vld [tilespmem:s10+$0x0]  }
.Ltmp20:
0x38f: {  	[tilespmem:s13+$0xFFFFFFD0] =	vst v2;
	v2 =	vadd.f32 v1, v4;
	v1 =	vld [tilespmem:s13+$0x10];
	(pc) =	sbr.rel @p0 .LBB2_41-.Ltmp20, $4  }
0x390: {  	v3 =	vld [tilespmem:s10+$0x10]  }
0x391: {  	[tilespmem:s13+$0xFFFFFFE0] =	vst v2;
	v7 =	vadd.f32 v8, v7;
	v2 =	vld [tilespmem:s13+$0x20]  }
0x392: {  	v5 =	vld [tilespmem:s10+$0x20]  }
0x393: {  	s13 =	sadd.s32 $0x80, s13;
	v4 =	vld [tilespmem:s11+$0xFFFFFFC0];
	[tilespmem:s11+$0xFFFFFFF0] =	vst v7;
	v6 =	vadd.f32 v9, v6  }
0x394: {  	_ =	sdelay $0x1  }
0x395: {  	v1 =	vadd.f32 v3, v1  }
0x396: {  	[tilespmem:s11+$0x0] =	vst v6;
	v2 =	vadd.f32 v5, v2  }
0x397: {  	[tilespmem:s11+$0x10] =	vst v1;
	v0 =	vadd.f32 v0, v4  }
0x398: {  	s10 =	sadd.s32 $0x14100, s9;
	s30 =	simm.s32 $0x80;
	s13 =	simm.s32 $0x400;
	[tilespmem:s11+$0x20] =	vst v2  }
0x399: {  	s14 =	simm.s32 $0x16380;
	s31 =	simm.s32 $0x1;
	s12 =	sadd.s32 s10, s8;
	[tilespmem:s11+$0xFFFFFFC0] =	vst v0  }
0x39a: {  	[tilespmem:s14], [sflag:$0x1] =	stream.strided.gather [spmem:s12], $0x280, s13, s30, $0x38;
	[tilespmem:$0x1BE80] =	vst v63  }
0x39b: {  	_ =	swait.ge [sflag:s31], $0x280  }
0x39c: {  	[sflag:s31] =	ssyncset.done $0x0  }
0x39d: {  	s11 =	simm.s32 $0x16640;
	[sflag:s31] =	ssyncadd.s32 $0xFFFFFD80  }
0x39e: {  	s12 =	simm.s32 $0x163C0;
	v1 =	vld [tilespmem:s11+$0x30]  }
0x39f: {  	v2 =	vld [tilespmem:s12+$0x30]  }
0x3a0: {  	v0 =	vld [tilespmem:s12+$0xFFFFFFC0]  }
0x3a1: {  	v3 =	vld [tilespmem:s11+$0xFFFFFFD0]  }
0x3a2: {  	v4 =	vld [tilespmem:s12+$0xFFFFFFD0]  }
0x3a3: {  	v5 =	vld [tilespmem:s11+$0xFFFFFFE0]  }
0x3a4: {  	v6 =	vld [tilespmem:s12+$0xFFFFFFE0]  }
0x3a5: {  	v7 =	vld [tilespmem:s11+$0xFFFFFFF0]  }
0x3a6: {  	v8 =	vld [tilespmem:s12+$0xFFFFFFF0]  }
0x3a7: {  	v9 =	vld [tilespmem:s11+$0x0]  }
0x3a8: {  	v10 =	vld [tilespmem:s12+$0x0];
	v2 =	vadd.f32 v2, v1  }
0x3a9: {  	v4 =	vadd.f32 v4, v3;
	v1 =	vld [tilespmem:s11+$0x10]  }
0x3aa: {  	v5 =	vadd.f32 v6, v5;
	v3 =	vld [tilespmem:s12+$0x10];
	[tilespmem:s11+$0x30] =	vst v2  }
0x3ab: {  	v6 =	vadd.f32 v8, v7;
	[tilespmem:s11+$0xFFFFFFD0] =	vst v4;
	v2 =	vld [tilespmem:s11+$0x20]  }
0x3ac: {  	[tilespmem:s11+$0xFFFFFFE0] =	vst v5;
	v5 =	vld [tilespmem:s12+$0x20]  }
0x3ad: {  	s13 =	simm.s32 $0x0;
	s14 =	simm.s32 $0x166C0;
	v4 =	vld [tilespmem:s11+$0xFFFFFFC0];
	[tilespmem:s11+$0xFFFFFFF0] =	vst v6;
	v6 =	vadd.f32 v10, v9  }
.LBB2_43:
0x3ae: {  	v7 =	vld [tilespmem:s14+$0x30];
	s12 =	sadd.s32 $0x80, s12  }
0x3af: {  	s13 =	sadd.s32 $0x8, s13;
	v8 =	vld [tilespmem:s12+$0x30];
	[tilespmem:s11+$0x0] =	vst v6;
	v1 =	vadd.f32 v3, v1  }
0x3b0: {  	p0 =	slt.u32 s13, $0x20;
	v3 =	vld [tilespmem:s12+$0xFFFFFFC0]  }
0x3b1: {  	v6 =	vld [tilespmem:s14+$0xFFFFFFD0];
	[tilespmem:s11+$0x10] =	vst v1;
	v1 =	vadd.f32 v5, v2  }
0x3b2: {  	v2 =	vld [tilespmem:s12+$0xFFFFFFD0];
	v9 =	vadd.f32 v0, v4  }
0x3b3: {  	v4 =	vld [tilespmem:s14+$0xFFFFFFE0];
	[tilespmem:s11+$0x20] =	vst v1  }
0x3b4: {  	v1 =	vld [tilespmem:s12+$0xFFFFFFE0];
	v5 =	vadd.f32 v8, v7;
	[tilespmem:s11+$0xFFFFFFC0] =	vst v9;
	s11 =	smov.u32 s14  }
0x3b5: {  	v7 =	vld [tilespmem:s14+$0xFFFFFFF0];
	v0 =	vmov v3  }
0x3b6: {  	v8 =	vld [tilespmem:s12+$0xFFFFFFF0];
	[tilespmem:s14+$0x30] =	vst v5  }
0x3b7: {  	v2 =	vadd.f32 v2, v6;
	v6 =	vld [tilespmem:s14+$0x0]  }
0x3b8: {  	v9 =	vld [tilespmem:s12+$0x0]  }
.Ltmp21:
0x3b9: {  	[tilespmem:s14+$0xFFFFFFD0] =	vst v2;
	v2 =	vadd.f32 v1, v4;
	v1 =	vld [tilespmem:s14+$0x10];
	(pc) =	sbr.rel @p0 .LBB2_43-.Ltmp21, $4  }
0x3ba: {  	v3 =	vld [tilespmem:s12+$0x10]  }
0x3bb: {  	[tilespmem:s14+$0xFFFFFFE0] =	vst v2;
	v7 =	vadd.f32 v8, v7;
	v2 =	vld [tilespmem:s14+$0x20]  }
0x3bc: {  	v5 =	vld [tilespmem:s12+$0x20]  }
0x3bd: {  	s14 =	sadd.s32 $0x80, s14;
	v4 =	vld [tilespmem:s11+$0xFFFFFFC0];
	[tilespmem:s11+$0xFFFFFFF0] =	vst v7;
	v6 =	vadd.f32 v9, v6  }
0x3be: {  	_ =	sdelay $0x1  }
0x3bf: {  	v1 =	vadd.f32 v3, v1  }
0x3c0: {  	[tilespmem:s11+$0x0] =	vst v6;
	v2 =	vadd.f32 v5, v2  }
0x3c1: {  	[tilespmem:s11+$0x10] =	vst v1;
	v0 =	vadd.f32 v0, v4  }
0x3c2: {  	s10 =	sadd.s32 s10, s7;
	s30 =	simm.s32 $0x80;
	[tilespmem:s11+$0x20] =	vst v2  }
0x3c3: {  	s12 =	simm.s32 $0x400;
	s13 =	simm.s32 $0x16380;
	s31 =	simm.s32 $0x1;
	[tilespmem:s11+$0xFFFFFFC0] =	vst v0  }
0x3c4: {  	[tilespmem:s13], [sflag:$0x1] =	stream.strided.gather [spmem:s10], $0x280, s12, s30, $0x38;
	[tilespmem:$0x1BE80] =	vst v63  }
0x3c5: {  	_ =	swait.ge [sflag:s31], $0x280  }
0x3c6: {  	[sflag:s31] =	ssyncset.done $0x0  }
0x3c7: {  	s11 =	simm.s32 $0x168C0;
	[sflag:s31] =	ssyncadd.s32 $0xFFFFFD80  }
0x3c8: {  	s10 =	simm.s32 $0x163C0;
	v1 =	vld [tilespmem:s11+$0x30]  }
0x3c9: {  	v2 =	vld [tilespmem:s10+$0x30]  }
0x3ca: {  	v0 =	vld [tilespmem:s10+$0xFFFFFFC0]  }
0x3cb: {  	v3 =	vld [tilespmem:s11+$0xFFFFFFD0]  }
0x3cc: {  	v4 =	vld [tilespmem:s10+$0xFFFFFFD0]  }
0x3cd: {  	v5 =	vld [tilespmem:s11+$0xFFFFFFE0]  }
0x3ce: {  	v6 =	vld [tilespmem:s10+$0xFFFFFFE0]  }
0x3cf: {  	v7 =	vld [tilespmem:s11+$0xFFFFFFF0]  }
0x3d0: {  	v8 =	vld [tilespmem:s10+$0xFFFFFFF0]  }
0x3d1: {  	v9 =	vld [tilespmem:s11+$0x0]  }
0x3d2: {  	v10 =	vld [tilespmem:s10+$0x0];
	v2 =	vadd.f32 v2, v1  }
0x3d3: {  	v4 =	vadd.f32 v4, v3;
	v1 =	vld [tilespmem:s11+$0x10]  }
0x3d4: {  	v5 =	vadd.f32 v6, v5;
	v3 =	vld [tilespmem:s10+$0x10];
	[tilespmem:s11+$0x30] =	vst v2  }
0x3d5: {  	v6 =	vadd.f32 v8, v7;
	[tilespmem:s11+$0xFFFFFFD0] =	vst v4;
	v2 =	vld [tilespmem:s11+$0x20]  }
0x3d6: {  	[tilespmem:s11+$0xFFFFFFE0] =	vst v5;
	v5 =	vld [tilespmem:s10+$0x20]  }
0x3d7: {  	s12 =	simm.s32 $0x0;
	s13 =	simm.s32 $0x16940;
	v4 =	vld [tilespmem:s11+$0xFFFFFFC0];
	[tilespmem:s11+$0xFFFFFFF0] =	vst v6;
	v6 =	vadd.f32 v10, v9  }
.LBB2_45:
0x3d8: {  	v7 =	vld [tilespmem:s13+$0x30];
	s10 =	sadd.s32 $0x80, s10  }
0x3d9: {  	s12 =	sadd.s32 $0x8, s12;
	v8 =	vld [tilespmem:s10+$0x30];
	[tilespmem:s11+$0x0] =	vst v6;
	v1 =	vadd.f32 v3, v1  }
0x3da: {  	p0 =	slt.u32 s12, $0x20;
	v3 =	vld [tilespmem:s10+$0xFFFFFFC0]  }
0x3db: {  	v6 =	vld [tilespmem:s13+$0xFFFFFFD0];
	[tilespmem:s11+$0x10] =	vst v1;
	v1 =	vadd.f32 v5, v2  }
0x3dc: {  	v2 =	vld [tilespmem:s10+$0xFFFFFFD0];
	v9 =	vadd.f32 v0, v4  }
0x3dd: {  	v4 =	vld [tilespmem:s13+$0xFFFFFFE0];
	[tilespmem:s11+$0x20] =	vst v1  }
0x3de: {  	v1 =	vld [tilespmem:s10+$0xFFFFFFE0];
	v5 =	vadd.f32 v8, v7;
	[tilespmem:s11+$0xFFFFFFC0] =	vst v9;
	s11 =	smov.u32 s13  }
0x3df: {  	v7 =	vld [tilespmem:s13+$0xFFFFFFF0];
	v0 =	vmov v3  }
0x3e0: {  	v8 =	vld [tilespmem:s10+$0xFFFFFFF0];
	[tilespmem:s13+$0x30] =	vst v5  }
0x3e1: {  	v2 =	vadd.f32 v2, v6;
	v6 =	vld [tilespmem:s13+$0x0]  }
0x3e2: {  	v9 =	vld [tilespmem:s10+$0x0]  }
.Ltmp22:
0x3e3: {  	[tilespmem:s13+$0xFFFFFFD0] =	vst v2;
	v2 =	vadd.f32 v1, v4;
	v1 =	vld [tilespmem:s13+$0x10];
	(pc) =	sbr.rel @p0 .LBB2_45-.Ltmp22, $4  }
0x3e4: {  	v3 =	vld [tilespmem:s10+$0x10]  }
0x3e5: {  	[tilespmem:s13+$0xFFFFFFE0] =	vst v2;
	v7 =	vadd.f32 v8, v7;
	v2 =	vld [tilespmem:s13+$0x20]  }
0x3e6: {  	v5 =	vld [tilespmem:s10+$0x20]  }
0x3e7: {  	s13 =	sadd.s32 $0x80, s13;
	v4 =	vld [tilespmem:s11+$0xFFFFFFC0];
	[tilespmem:s11+$0xFFFFFFF0] =	vst v7;
	v6 =	vadd.f32 v9, v6  }
0x3e8: {  	_ =	sdelay $0x1  }
0x3e9: {  	v1 =	vadd.f32 v3, v1  }
0x3ea: {  	[tilespmem:s11+$0x0] =	vst v6;
	v2 =	vadd.f32 v5, v2  }
0x3eb: {  	[tilespmem:s11+$0x10] =	vst v1;
	v0 =	vadd.f32 v0, v4  }
0x3ec: {  	s10 =	sadd.s32 $0x14180, s9;
	s30 =	simm.s32 $0x80;
	s13 =	simm.s32 $0x400;
	[tilespmem:s11+$0x20] =	vst v2  }
0x3ed: {  	s14 =	simm.s32 $0x16380;
	s31 =	simm.s32 $0x1;
	s12 =	sadd.s32 s10, s8;
	[tilespmem:s11+$0xFFFFFFC0] =	vst v0  }
0x3ee: {  	[tilespmem:s14], [sflag:$0x1] =	stream.strided.gather [spmem:s12], $0x280, s13, s30, $0x38;
	[tilespmem:$0x1BE80] =	vst v63  }
0x3ef: {  	_ =	swait.ge [sflag:s31], $0x280  }
0x3f0: {  	[sflag:s31] =	ssyncset.done $0x0  }
0x3f1: {  	s11 =	simm.s32 $0x16640;
	[sflag:s31] =	ssyncadd.s32 $0xFFFFFD80  }
0x3f2: {  	s12 =	simm.s32 $0x163C0;
	v1 =	vld [tilespmem:s11+$0x30]  }
0x3f3: {  	v2 =	vld [tilespmem:s12+$0x30]  }
0x3f4: {  	v0 =	vld [tilespmem:s12+$0xFFFFFFC0]  }
0x3f5: {  	v3 =	vld [tilespmem:s11+$0xFFFFFFD0]  }
0x3f6: {  	v4 =	vld [tilespmem:s12+$0xFFFFFFD0]  }
0x3f7: {  	v5 =	vld [tilespmem:s11+$0xFFFFFFE0]  }
0x3f8: {  	v6 =	vld [tilespmem:s12+$0xFFFFFFE0]  }
0x3f9: {  	v7 =	vld [tilespmem:s11+$0xFFFFFFF0]  }
0x3fa: {  	v8 =	vld [tilespmem:s12+$0xFFFFFFF0]  }
0x3fb: {  	v9 =	vld [tilespmem:s11+$0x0]  }
0x3fc: {  	v10 =	vld [tilespmem:s12+$0x0];
	v2 =	vadd.f32 v2, v1  }
0x3fd: {  	v4 =	vadd.f32 v4, v3;
	v1 =	vld [tilespmem:s11+$0x10]  }
0x3fe: {  	v5 =	vadd.f32 v6, v5;
	v3 =	vld [tilespmem:s12+$0x10];
	[tilespmem:s11+$0x30] =	vst v2  }
0x3ff: {  	v6 =	vadd.f32 v8, v7;
	[tilespmem:s11+$0xFFFFFFD0] =	vst v4;
	v2 =	vld [tilespmem:s11+$0x20]  }
0x400: {  	[tilespmem:s11+$0xFFFFFFE0] =	vst v5;
	v5 =	vld [tilespmem:s12+$0x20]  }
0x401: {  	s13 =	simm.s32 $0x0;
	s14 =	simm.s32 $0x166C0;
	v4 =	vld [tilespmem:s11+$0xFFFFFFC0];
	[tilespmem:s11+$0xFFFFFFF0] =	vst v6;
	v6 =	vadd.f32 v10, v9  }
.LBB2_47:
0x402: {  	v7 =	vld [tilespmem:s14+$0x30];
	s12 =	sadd.s32 $0x80, s12  }
0x403: {  	s13 =	sadd.s32 $0x8, s13;
	v8 =	vld [tilespmem:s12+$0x30];
	[tilespmem:s11+$0x0] =	vst v6;
	v1 =	vadd.f32 v3, v1  }
0x404: {  	p0 =	slt.u32 s13, $0x20;
	v3 =	vld [tilespmem:s12+$0xFFFFFFC0]  }
0x405: {  	v6 =	vld [tilespmem:s14+$0xFFFFFFD0];
	[tilespmem:s11+$0x10] =	vst v1;
	v1 =	vadd.f32 v5, v2  }
0x406: {  	v2 =	vld [tilespmem:s12+$0xFFFFFFD0];
	v9 =	vadd.f32 v0, v4  }
0x407: {  	v4 =	vld [tilespmem:s14+$0xFFFFFFE0];
	[tilespmem:s11+$0x20] =	vst v1  }
0x408: {  	v1 =	vld [tilespmem:s12+$0xFFFFFFE0];
	v5 =	vadd.f32 v8, v7;
	[tilespmem:s11+$0xFFFFFFC0] =	vst v9;
	s11 =	smov.u32 s14  }
0x409: {  	v7 =	vld [tilespmem:s14+$0xFFFFFFF0];
	v0 =	vmov v3  }
0x40a: {  	v8 =	vld [tilespmem:s12+$0xFFFFFFF0];
	[tilespmem:s14+$0x30] =	vst v5  }
0x40b: {  	v2 =	vadd.f32 v2, v6;
	v6 =	vld [tilespmem:s14+$0x0]  }
0x40c: {  	v9 =	vld [tilespmem:s12+$0x0]  }
.Ltmp23:
0x40d: {  	[tilespmem:s14+$0xFFFFFFD0] =	vst v2;
	v2 =	vadd.f32 v1, v4;
	v1 =	vld [tilespmem:s14+$0x10];
	(pc) =	sbr.rel @p0 .LBB2_47-.Ltmp23, $4  }
0x40e: {  	v3 =	vld [tilespmem:s12+$0x10]  }
0x40f: {  	[tilespmem:s14+$0xFFFFFFE0] =	vst v2;
	v7 =	vadd.f32 v8, v7;
	v2 =	vld [tilespmem:s14+$0x20]  }
0x410: {  	v5 =	vld [tilespmem:s12+$0x20]  }
0x411: {  	s14 =	sadd.s32 $0x80, s14;
	v4 =	vld [tilespmem:s11+$0xFFFFFFC0];
	[tilespmem:s11+$0xFFFFFFF0] =	vst v7;
	v6 =	vadd.f32 v9, v6  }
0x412: {  	_ =	sdelay $0x1  }
0x413: {  	v1 =	vadd.f32 v3, v1  }
0x414: {  	[tilespmem:s11+$0x0] =	vst v6;
	v2 =	vadd.f32 v5, v2  }
0x415: {  	[tilespmem:s11+$0x10] =	vst v1;
	v0 =	vadd.f32 v0, v4  }
0x416: {  	s10 =	sadd.s32 s10, s7;
	s30 =	simm.s32 $0x80;
	[tilespmem:s11+$0x20] =	vst v2  }
0x417: {  	s12 =	simm.s32 $0x400;
	s13 =	simm.s32 $0x16380;
	s31 =	simm.s32 $0x1;
	[tilespmem:s11+$0xFFFFFFC0] =	vst v0  }
0x418: {  	[tilespmem:s13], [sflag:$0x1] =	stream.strided.gather [spmem:s10], $0x280, s12, s30, $0x38;
	[tilespmem:$0x1BE80] =	vst v63  }
0x419: {  	_ =	swait.ge [sflag:s31], $0x280  }
0x41a: {  	[sflag:s31] =	ssyncset.done $0x0  }
0x41b: {  	s11 =	simm.s32 $0x168C0;
	[sflag:s31] =	ssyncadd.s32 $0xFFFFFD80  }
0x41c: {  	s10 =	simm.s32 $0x163C0;
	v1 =	vld [tilespmem:s11+$0x30]  }
0x41d: {  	v2 =	vld [tilespmem:s10+$0x30]  }
0x41e: {  	v0 =	vld [tilespmem:s10+$0xFFFFFFC0]  }
0x41f: {  	v3 =	vld [tilespmem:s11+$0xFFFFFFD0]  }
0x420: {  	v4 =	vld [tilespmem:s10+$0xFFFFFFD0]  }
0x421: {  	v5 =	vld [tilespmem:s11+$0xFFFFFFE0]  }
0x422: {  	v6 =	vld [tilespmem:s10+$0xFFFFFFE0]  }
0x423: {  	v7 =	vld [tilespmem:s11+$0xFFFFFFF0]  }
0x424: {  	v8 =	vld [tilespmem:s10+$0xFFFFFFF0]  }
0x425: {  	v9 =	vld [tilespmem:s11+$0x0]  }
0x426: {  	v10 =	vld [tilespmem:s10+$0x0];
	v2 =	vadd.f32 v2, v1  }
0x427: {  	v4 =	vadd.f32 v4, v3;
	v1 =	vld [tilespmem:s11+$0x10]  }
0x428: {  	v5 =	vadd.f32 v6, v5;
	v3 =	vld [tilespmem:s10+$0x10];
	[tilespmem:s11+$0x30] =	vst v2  }
0x429: {  	v6 =	vadd.f32 v8, v7;
	[tilespmem:s11+$0xFFFFFFD0] =	vst v4;
	v2 =	vld [tilespmem:s11+$0x20]  }
0x42a: {  	[tilespmem:s11+$0xFFFFFFE0] =	vst v5;
	v5 =	vld [tilespmem:s10+$0x20]  }
0x42b: {  	s12 =	simm.s32 $0x0;
	s13 =	simm.s32 $0x16940;
	v4 =	vld [tilespmem:s11+$0xFFFFFFC0];
	[tilespmem:s11+$0xFFFFFFF0] =	vst v6;
	v6 =	vadd.f32 v10, v9  }
.LBB2_49:
0x42c: {  	v7 =	vld [tilespmem:s13+$0x30];
	s10 =	sadd.s32 $0x80, s10  }
0x42d: {  	s12 =	sadd.s32 $0x8, s12;
	v8 =	vld [tilespmem:s10+$0x30];
	[tilespmem:s11+$0x0] =	vst v6;
	v1 =	vadd.f32 v3, v1  }
0x42e: {  	p0 =	slt.u32 s12, $0x20;
	v3 =	vld [tilespmem:s10+$0xFFFFFFC0]  }
0x42f: {  	v6 =	vld [tilespmem:s13+$0xFFFFFFD0];
	[tilespmem:s11+$0x10] =	vst v1;
	v1 =	vadd.f32 v5, v2  }
0x430: {  	v2 =	vld [tilespmem:s10+$0xFFFFFFD0];
	v9 =	vadd.f32 v0, v4  }
0x431: {  	v4 =	vld [tilespmem:s13+$0xFFFFFFE0];
	[tilespmem:s11+$0x20] =	vst v1  }
0x432: {  	v1 =	vld [tilespmem:s10+$0xFFFFFFE0];
	v5 =	vadd.f32 v8, v7;
	[tilespmem:s11+$0xFFFFFFC0] =	vst v9;
	s11 =	smov.u32 s13  }
0x433: {  	v7 =	vld [tilespmem:s13+$0xFFFFFFF0];
	v0 =	vmov v3  }
0x434: {  	v8 =	vld [tilespmem:s10+$0xFFFFFFF0];
	[tilespmem:s13+$0x30] =	vst v5  }
0x435: {  	v2 =	vadd.f32 v2, v6;
	v6 =	vld [tilespmem:s13+$0x0]  }
0x436: {  	v9 =	vld [tilespmem:s10+$0x0]  }
.Ltmp24:
0x437: {  	[tilespmem:s13+$0xFFFFFFD0] =	vst v2;
	v2 =	vadd.f32 v1, v4;
	v1 =	vld [tilespmem:s13+$0x10];
	(pc) =	sbr.rel @p0 .LBB2_49-.Ltmp24, $4  }
0x438: {  	v3 =	vld [tilespmem:s10+$0x10]  }
0x439: {  	[tilespmem:s13+$0xFFFFFFE0] =	vst v2;
	v7 =	vadd.f32 v8, v7;
	v2 =	vld [tilespmem:s13+$0x20]  }
0x43a: {  	v5 =	vld [tilespmem:s10+$0x20]  }
0x43b: {  	s13 =	sadd.s32 $0x80, s13;
	v4 =	vld [tilespmem:s11+$0xFFFFFFC0];
	[tilespmem:s11+$0xFFFFFFF0] =	vst v7;
	v6 =	vadd.f32 v9, v6  }
0x43c: {  	_ =	sdelay $0x1  }
0x43d: {  	v1 =	vadd.f32 v3, v1  }
0x43e: {  	[tilespmem:s11+$0x0] =	vst v6;
	v2 =	vadd.f32 v5, v2  }
0x43f: {  	[tilespmem:s11+$0x10] =	vst v1;
	v0 =	vadd.f32 v0, v4  }
0x440: {  	s10 =	sadd.s32 $0x14200, s9;
	s30 =	simm.s32 $0x80;
	s13 =	simm.s32 $0x400;
	[tilespmem:s11+$0x20] =	vst v2  }
0x441: {  	s14 =	simm.s32 $0x16380;
	s31 =	simm.s32 $0x1;
	s12 =	sadd.s32 s10, s8;
	[tilespmem:s11+$0xFFFFFFC0] =	vst v0  }
0x442: {  	[tilespmem:s14], [sflag:$0x1] =	stream.strided.gather [spmem:s12], $0x280, s13, s30, $0x38;
	[tilespmem:$0x1BE80] =	vst v63  }
0x443: {  	_ =	swait.ge [sflag:s31], $0x280  }
0x444: {  	[sflag:s31] =	ssyncset.done $0x0  }
0x445: {  	s11 =	simm.s32 $0x16640;
	[sflag:s31] =	ssyncadd.s32 $0xFFFFFD80  }
0x446: {  	s12 =	simm.s32 $0x163C0;
	v1 =	vld [tilespmem:s11+$0x30]  }
0x447: {  	v2 =	vld [tilespmem:s12+$0x30]  }
0x448: {  	v0 =	vld [tilespmem:s12+$0xFFFFFFC0]  }
0x449: {  	v3 =	vld [tilespmem:s11+$0xFFFFFFD0]  }
0x44a: {  	v4 =	vld [tilespmem:s12+$0xFFFFFFD0]  }
0x44b: {  	v5 =	vld [tilespmem:s11+$0xFFFFFFE0]  }
0x44c: {  	v6 =	vld [tilespmem:s12+$0xFFFFFFE0]  }
0x44d: {  	v7 =	vld [tilespmem:s11+$0xFFFFFFF0]  }
0x44e: {  	v8 =	vld [tilespmem:s12+$0xFFFFFFF0]  }
0x44f: {  	v9 =	vld [tilespmem:s11+$0x0]  }
0x450: {  	v10 =	vld [tilespmem:s12+$0x0];
	v2 =	vadd.f32 v2, v1  }
0x451: {  	v4 =	vadd.f32 v4, v3;
	v1 =	vld [tilespmem:s11+$0x10]  }
0x452: {  	v5 =	vadd.f32 v6, v5;
	v3 =	vld [tilespmem:s12+$0x10];
	[tilespmem:s11+$0x30] =	vst v2  }
0x453: {  	v6 =	vadd.f32 v8, v7;
	[tilespmem:s11+$0xFFFFFFD0] =	vst v4;
	v2 =	vld [tilespmem:s11+$0x20]  }
0x454: {  	[tilespmem:s11+$0xFFFFFFE0] =	vst v5;
	v5 =	vld [tilespmem:s12+$0x20]  }
0x455: {  	s13 =	simm.s32 $0x0;
	s14 =	simm.s32 $0x166C0;
	v4 =	vld [tilespmem:s11+$0xFFFFFFC0];
	[tilespmem:s11+$0xFFFFFFF0] =	vst v6;
	v6 =	vadd.f32 v10, v9  }
.LBB2_51:
0x456: {  	v7 =	vld [tilespmem:s14+$0x30];
	s12 =	sadd.s32 $0x80, s12  }
0x457: {  	s13 =	sadd.s32 $0x8, s13;
	v8 =	vld [tilespmem:s12+$0x30];
	[tilespmem:s11+$0x0] =	vst v6;
	v1 =	vadd.f32 v3, v1  }
0x458: {  	p0 =	slt.u32 s13, $0x20;
	v3 =	vld [tilespmem:s12+$0xFFFFFFC0]  }
0x459: {  	v6 =	vld [tilespmem:s14+$0xFFFFFFD0];
	[tilespmem:s11+$0x10] =	vst v1;
	v1 =	vadd.f32 v5, v2  }
0x45a: {  	v2 =	vld [tilespmem:s12+$0xFFFFFFD0];
	v9 =	vadd.f32 v0, v4  }
0x45b: {  	v4 =	vld [tilespmem:s14+$0xFFFFFFE0];
	[tilespmem:s11+$0x20] =	vst v1  }
0x45c: {  	v1 =	vld [tilespmem:s12+$0xFFFFFFE0];
	v5 =	vadd.f32 v8, v7;
	[tilespmem:s11+$0xFFFFFFC0] =	vst v9;
	s11 =	smov.u32 s14  }
0x45d: {  	v7 =	vld [tilespmem:s14+$0xFFFFFFF0];
	v0 =	vmov v3  }
0x45e: {  	v8 =	vld [tilespmem:s12+$0xFFFFFFF0];
	[tilespmem:s14+$0x30] =	vst v5  }
0x45f: {  	v2 =	vadd.f32 v2, v6;
	v6 =	vld [tilespmem:s14+$0x0]  }
0x460: {  	v9 =	vld [tilespmem:s12+$0x0]  }
.Ltmp25:
0x461: {  	[tilespmem:s14+$0xFFFFFFD0] =	vst v2;
	v2 =	vadd.f32 v1, v4;
	v1 =	vld [tilespmem:s14+$0x10];
	(pc) =	sbr.rel @p0 .LBB2_51-.Ltmp25, $4  }
0x462: {  	v3 =	vld [tilespmem:s12+$0x10]  }
0x463: {  	[tilespmem:s14+$0xFFFFFFE0] =	vst v2;
	v7 =	vadd.f32 v8, v7;
	v2 =	vld [tilespmem:s14+$0x20]  }
0x464: {  	v5 =	vld [tilespmem:s12+$0x20]  }
0x465: {  	s14 =	sadd.s32 $0x80, s14;
	v4 =	vld [tilespmem:s11+$0xFFFFFFC0];
	[tilespmem:s11+$0xFFFFFFF0] =	vst v7;
	v6 =	vadd.f32 v9, v6  }
0x466: {  	_ =	sdelay $0x1  }
0x467: {  	v1 =	vadd.f32 v3, v1  }
0x468: {  	[tilespmem:s11+$0x0] =	vst v6;
	v2 =	vadd.f32 v5, v2  }
0x469: {  	[tilespmem:s11+$0x10] =	vst v1;
	v0 =	vadd.f32 v0, v4  }
0x46a: {  	s10 =	sadd.s32 s10, s7;
	s30 =	simm.s32 $0x80;
	[tilespmem:s11+$0x20] =	vst v2  }
0x46b: {  	s12 =	simm.s32 $0x400;
	s13 =	simm.s32 $0x16380;
	s31 =	simm.s32 $0x1;
	[tilespmem:s11+$0xFFFFFFC0] =	vst v0  }
0x46c: {  	[tilespmem:s13], [sflag:$0x1] =	stream.strided.gather [spmem:s10], $0x280, s12, s30, $0x38;
	[tilespmem:$0x1BE80] =	vst v63  }
0x46d: {  	_ =	swait.ge [sflag:s31], $0x280  }
0x46e: {  	[sflag:s31] =	ssyncset.done $0x0  }
0x46f: {  	s11 =	simm.s32 $0x168C0;
	[sflag:s31] =	ssyncadd.s32 $0xFFFFFD80  }
0x470: {  	s10 =	simm.s32 $0x163C0;
	v1 =	vld [tilespmem:s11+$0x30]  }
0x471: {  	v2 =	vld [tilespmem:s10+$0x30]  }
0x472: {  	v0 =	vld [tilespmem:s10+$0xFFFFFFC0]  }
0x473: {  	v3 =	vld [tilespmem:s11+$0xFFFFFFD0]  }
0x474: {  	v4 =	vld [tilespmem:s10+$0xFFFFFFD0]  }
0x475: {  	v5 =	vld [tilespmem:s11+$0xFFFFFFE0]  }
0x476: {  	v6 =	vld [tilespmem:s10+$0xFFFFFFE0]  }
0x477: {  	v7 =	vld [tilespmem:s11+$0xFFFFFFF0]  }
0x478: {  	v8 =	vld [tilespmem:s10+$0xFFFFFFF0]  }
0x479: {  	v9 =	vld [tilespmem:s11+$0x0]  }
0x47a: {  	v10 =	vld [tilespmem:s10+$0x0];
	v2 =	vadd.f32 v2, v1  }
0x47b: {  	v4 =	vadd.f32 v4, v3;
	v1 =	vld [tilespmem:s11+$0x10]  }
0x47c: {  	v5 =	vadd.f32 v6, v5;
	v3 =	vld [tilespmem:s10+$0x10];
	[tilespmem:s11+$0x30] =	vst v2  }
0x47d: {  	v6 =	vadd.f32 v8, v7;
	[tilespmem:s11+$0xFFFFFFD0] =	vst v4;
	v2 =	vld [tilespmem:s11+$0x20]  }
0x47e: {  	[tilespmem:s11+$0xFFFFFFE0] =	vst v5;
	v5 =	vld [tilespmem:s10+$0x20]  }
0x47f: {  	s12 =	simm.s32 $0x0;
	s13 =	simm.s32 $0x16940;
	v4 =	vld [tilespmem:s11+$0xFFFFFFC0];
	[tilespmem:s11+$0xFFFFFFF0] =	vst v6;
	v6 =	vadd.f32 v10, v9  }
.LBB2_53:
0x480: {  	v7 =	vld [tilespmem:s13+$0x30];
	s10 =	sadd.s32 $0x80, s10  }
0x481: {  	s12 =	sadd.s32 $0x8, s12;
	v8 =	vld [tilespmem:s10+$0x30];
	[tilespmem:s11+$0x0] =	vst v6;
	v1 =	vadd.f32 v3, v1  }
0x482: {  	p0 =	slt.u32 s12, $0x20;
	v3 =	vld [tilespmem:s10+$0xFFFFFFC0]  }
0x483: {  	v6 =	vld [tilespmem:s13+$0xFFFFFFD0];
	[tilespmem:s11+$0x10] =	vst v1;
	v1 =	vadd.f32 v5, v2  }
0x484: {  	v2 =	vld [tilespmem:s10+$0xFFFFFFD0];
	v9 =	vadd.f32 v0, v4  }
0x485: {  	v4 =	vld [tilespmem:s13+$0xFFFFFFE0];
	[tilespmem:s11+$0x20] =	vst v1  }
0x486: {  	v1 =	vld [tilespmem:s10+$0xFFFFFFE0];
	v5 =	vadd.f32 v8, v7;
	[tilespmem:s11+$0xFFFFFFC0] =	vst v9;
	s11 =	smov.u32 s13  }
0x487: {  	v7 =	vld [tilespmem:s13+$0xFFFFFFF0];
	v0 =	vmov v3  }
0x488: {  	v8 =	vld [tilespmem:s10+$0xFFFFFFF0];
	[tilespmem:s13+$0x30] =	vst v5  }
0x489: {  	v2 =	vadd.f32 v2, v6;
	v6 =	vld [tilespmem:s13+$0x0]  }
0x48a: {  	v9 =	vld [tilespmem:s10+$0x0]  }
.Ltmp26:
0x48b: {  	[tilespmem:s13+$0xFFFFFFD0] =	vst v2;
	v2 =	vadd.f32 v1, v4;
	v1 =	vld [tilespmem:s13+$0x10];
	(pc) =	sbr.rel @p0 .LBB2_53-.Ltmp26, $4  }
0x48c: {  	v3 =	vld [tilespmem:s10+$0x10]  }
0x48d: {  	[tilespmem:s13+$0xFFFFFFE0] =	vst v2;
	v7 =	vadd.f32 v8, v7;
	v2 =	vld [tilespmem:s13+$0x20]  }
0x48e: {  	v5 =	vld [tilespmem:s10+$0x20]  }
0x48f: {  	s13 =	sadd.s32 $0x80, s13;
	v4 =	vld [tilespmem:s11+$0xFFFFFFC0];
	[tilespmem:s11+$0xFFFFFFF0] =	vst v7;
	v6 =	vadd.f32 v9, v6  }
0x490: {  	_ =	sdelay $0x1  }
0x491: {  	v1 =	vadd.f32 v3, v1  }
0x492: {  	[tilespmem:s11+$0x0] =	vst v6;
	v2 =	vadd.f32 v5, v2  }
0x493: {  	[tilespmem:s11+$0x10] =	vst v1;
	v0 =	vadd.f32 v0, v4  }
0x494: {  	s10 =	sadd.s32 $0x14280, s9;
	s30 =	simm.s32 $0x80;
	s13 =	simm.s32 $0x400;
	[tilespmem:s11+$0x20] =	vst v2  }
0x495: {  	s14 =	simm.s32 $0x16380;
	s31 =	simm.s32 $0x1;
	s12 =	sadd.s32 s10, s8;
	[tilespmem:s11+$0xFFFFFFC0] =	vst v0  }
0x496: {  	[tilespmem:s14], [sflag:$0x1] =	stream.strided.gather [spmem:s12], $0x280, s13, s30, $0x38;
	[tilespmem:$0x1BE80] =	vst v63  }
0x497: {  	_ =	swait.ge [sflag:s31], $0x280  }
0x498: {  	[sflag:s31] =	ssyncset.done $0x0  }
0x499: {  	s11 =	simm.s32 $0x16640;
	[sflag:s31] =	ssyncadd.s32 $0xFFFFFD80  }
0x49a: {  	s12 =	simm.s32 $0x163C0;
	v1 =	vld [tilespmem:s11+$0x30]  }
0x49b: {  	v2 =	vld [tilespmem:s12+$0x30]  }
0x49c: {  	v0 =	vld [tilespmem:s12+$0xFFFFFFC0]  }
0x49d: {  	v3 =	vld [tilespmem:s11+$0xFFFFFFD0]  }
0x49e: {  	v4 =	vld [tilespmem:s12+$0xFFFFFFD0]  }
0x49f: {  	v5 =	vld [tilespmem:s11+$0xFFFFFFE0]  }
0x4a0: {  	v6 =	vld [tilespmem:s12+$0xFFFFFFE0]  }
0x4a1: {  	v7 =	vld [tilespmem:s11+$0xFFFFFFF0]  }
0x4a2: {  	v8 =	vld [tilespmem:s12+$0xFFFFFFF0]  }
0x4a3: {  	v9 =	vld [tilespmem:s11+$0x0]  }
0x4a4: {  	v10 =	vld [tilespmem:s12+$0x0];
	v2 =	vadd.f32 v2, v1  }
0x4a5: {  	v4 =	vadd.f32 v4, v3;
	v1 =	vld [tilespmem:s11+$0x10]  }
0x4a6: {  	v5 =	vadd.f32 v6, v5;
	v3 =	vld [tilespmem:s12+$0x10];
	[tilespmem:s11+$0x30] =	vst v2  }
0x4a7: {  	v6 =	vadd.f32 v8, v7;
	[tilespmem:s11+$0xFFFFFFD0] =	vst v4;
	v2 =	vld [tilespmem:s11+$0x20]  }
0x4a8: {  	[tilespmem:s11+$0xFFFFFFE0] =	vst v5;
	v5 =	vld [tilespmem:s12+$0x20]  }
0x4a9: {  	s13 =	simm.s32 $0x0;
	s14 =	simm.s32 $0x166C0;
	v4 =	vld [tilespmem:s11+$0xFFFFFFC0];
	[tilespmem:s11+$0xFFFFFFF0] =	vst v6;
	v6 =	vadd.f32 v10, v9  }
.LBB2_55:
0x4aa: {  	v7 =	vld [tilespmem:s14+$0x30];
	s12 =	sadd.s32 $0x80, s12  }
0x4ab: {  	s13 =	sadd.s32 $0x8, s13;
	v8 =	vld [tilespmem:s12+$0x30];
	[tilespmem:s11+$0x0] =	vst v6;
	v1 =	vadd.f32 v3, v1  }
0x4ac: {  	p0 =	slt.u32 s13, $0x20;
	v3 =	vld [tilespmem:s12+$0xFFFFFFC0]  }
0x4ad: {  	v6 =	vld [tilespmem:s14+$0xFFFFFFD0];
	[tilespmem:s11+$0x10] =	vst v1;
	v1 =	vadd.f32 v5, v2  }
0x4ae: {  	v2 =	vld [tilespmem:s12+$0xFFFFFFD0];
	v9 =	vadd.f32 v0, v4  }
0x4af: {  	v4 =	vld [tilespmem:s14+$0xFFFFFFE0];
	[tilespmem:s11+$0x20] =	vst v1  }
0x4b0: {  	v1 =	vld [tilespmem:s12+$0xFFFFFFE0];
	v5 =	vadd.f32 v8, v7;
	[tilespmem:s11+$0xFFFFFFC0] =	vst v9;
	s11 =	smov.u32 s14  }
0x4b1: {  	v7 =	vld [tilespmem:s14+$0xFFFFFFF0];
	v0 =	vmov v3  }
0x4b2: {  	v8 =	vld [tilespmem:s12+$0xFFFFFFF0];
	[tilespmem:s14+$0x30] =	vst v5  }
0x4b3: {  	v2 =	vadd.f32 v2, v6;
	v6 =	vld [tilespmem:s14+$0x0]  }
0x4b4: {  	v9 =	vld [tilespmem:s12+$0x0]  }
.Ltmp27:
0x4b5: {  	[tilespmem:s14+$0xFFFFFFD0] =	vst v2;
	v2 =	vadd.f32 v1, v4;
	v1 =	vld [tilespmem:s14+$0x10];
	(pc) =	sbr.rel @p0 .LBB2_55-.Ltmp27, $4  }
0x4b6: {  	v3 =	vld [tilespmem:s12+$0x10]  }
0x4b7: {  	[tilespmem:s14+$0xFFFFFFE0] =	vst v2;
	v7 =	vadd.f32 v8, v7;
	v2 =	vld [tilespmem:s14+$0x20]  }
0x4b8: {  	v5 =	vld [tilespmem:s12+$0x20]  }
0x4b9: {  	s14 =	sadd.s32 $0x80, s14;
	v4 =	vld [tilespmem:s11+$0xFFFFFFC0];
	[tilespmem:s11+$0xFFFFFFF0] =	vst v7;
	v6 =	vadd.f32 v9, v6  }
0x4ba: {  	_ =	sdelay $0x1  }
0x4bb: {  	v1 =	vadd.f32 v3, v1  }
0x4bc: {  	[tilespmem:s11+$0x0] =	vst v6;
	v2 =	vadd.f32 v5, v2  }
0x4bd: {  	[tilespmem:s11+$0x10] =	vst v1;
	v0 =	vadd.f32 v0, v4  }
0x4be: {  	s10 =	sadd.s32 s10, s7;
	s30 =	simm.s32 $0x80;
	[tilespmem:s11+$0x20] =	vst v2  }
0x4bf: {  	s12 =	simm.s32 $0x400;
	s13 =	simm.s32 $0x16380;
	s31 =	simm.s32 $0x1;
	[tilespmem:s11+$0xFFFFFFC0] =	vst v0  }
0x4c0: {  	[tilespmem:s13], [sflag:$0x1] =	stream.strided.gather [spmem:s10], $0x280, s12, s30, $0x38;
	[tilespmem:$0x1BE80] =	vst v63  }
0x4c1: {  	_ =	swait.ge [sflag:s31], $0x280  }
0x4c2: {  	[sflag:s31] =	ssyncset.done $0x0  }
0x4c3: {  	s11 =	simm.s32 $0x168C0;
	[sflag:s31] =	ssyncadd.s32 $0xFFFFFD80  }
0x4c4: {  	s10 =	simm.s32 $0x163C0;
	v1 =	vld [tilespmem:s11+$0x30]  }
0x4c5: {  	v2 =	vld [tilespmem:s10+$0x30]  }
0x4c6: {  	v0 =	vld [tilespmem:s10+$0xFFFFFFC0]  }
0x4c7: {  	v3 =	vld [tilespmem:s11+$0xFFFFFFD0]  }
0x4c8: {  	v4 =	vld [tilespmem:s10+$0xFFFFFFD0]  }
0x4c9: {  	v5 =	vld [tilespmem:s11+$0xFFFFFFE0]  }
0x4ca: {  	v6 =	vld [tilespmem:s10+$0xFFFFFFE0]  }
0x4cb: {  	v7 =	vld [tilespmem:s11+$0xFFFFFFF0]  }
0x4cc: {  	v8 =	vld [tilespmem:s10+$0xFFFFFFF0]  }
0x4cd: {  	v9 =	vld [tilespmem:s11+$0x0]  }
0x4ce: {  	v10 =	vld [tilespmem:s10+$0x0];
	v2 =	vadd.f32 v2, v1  }
0x4cf: {  	v4 =	vadd.f32 v4, v3;
	v1 =	vld [tilespmem:s11+$0x10]  }
0x4d0: {  	v5 =	vadd.f32 v6, v5;
	v3 =	vld [tilespmem:s10+$0x10];
	[tilespmem:s11+$0x30] =	vst v2  }
0x4d1: {  	v6 =	vadd.f32 v8, v7;
	[tilespmem:s11+$0xFFFFFFD0] =	vst v4;
	v2 =	vld [tilespmem:s11+$0x20]  }
0x4d2: {  	[tilespmem:s11+$0xFFFFFFE0] =	vst v5;
	v5 =	vld [tilespmem:s10+$0x20]  }
0x4d3: {  	s12 =	simm.s32 $0x0;
	s13 =	simm.s32 $0x16940;
	v4 =	vld [tilespmem:s11+$0xFFFFFFC0];
	[tilespmem:s11+$0xFFFFFFF0] =	vst v6;
	v6 =	vadd.f32 v10, v9  }
.LBB2_57:
0x4d4: {  	v7 =	vld [tilespmem:s13+$0x30];
	s10 =	sadd.s32 $0x80, s10  }
0x4d5: {  	s12 =	sadd.s32 $0x8, s12;
	v8 =	vld [tilespmem:s10+$0x30];
	[tilespmem:s11+$0x0] =	vst v6;
	v1 =	vadd.f32 v3, v1  }
0x4d6: {  	p0 =	slt.u32 s12, $0x20;
	v3 =	vld [tilespmem:s10+$0xFFFFFFC0]  }
0x4d7: {  	v6 =	vld [tilespmem:s13+$0xFFFFFFD0];
	[tilespmem:s11+$0x10] =	vst v1;
	v1 =	vadd.f32 v5, v2  }
0x4d8: {  	v2 =	vld [tilespmem:s10+$0xFFFFFFD0];
	v9 =	vadd.f32 v0, v4  }
0x4d9: {  	v4 =	vld [tilespmem:s13+$0xFFFFFFE0];
	[tilespmem:s11+$0x20] =	vst v1  }
0x4da: {  	v1 =	vld [tilespmem:s10+$0xFFFFFFE0];
	v5 =	vadd.f32 v8, v7;
	[tilespmem:s11+$0xFFFFFFC0] =	vst v9;
	s11 =	smov.u32 s13  }
0x4db: {  	v7 =	vld [tilespmem:s13+$0xFFFFFFF0];
	v0 =	vmov v3  }
0x4dc: {  	v8 =	vld [tilespmem:s10+$0xFFFFFFF0];
	[tilespmem:s13+$0x30] =	vst v5  }
0x4dd: {  	v2 =	vadd.f32 v2, v6;
	v6 =	vld [tilespmem:s13+$0x0]  }
0x4de: {  	v9 =	vld [tilespmem:s10+$0x0]  }
.Ltmp28:
0x4df: {  	[tilespmem:s13+$0xFFFFFFD0] =	vst v2;
	v2 =	vadd.f32 v1, v4;
	v1 =	vld [tilespmem:s13+$0x10];
	(pc) =	sbr.rel @p0 .LBB2_57-.Ltmp28, $4  }
0x4e0: {  	v3 =	vld [tilespmem:s10+$0x10]  }
0x4e1: {  	[tilespmem:s13+$0xFFFFFFE0] =	vst v2;
	v7 =	vadd.f32 v8, v7;
	v2 =	vld [tilespmem:s13+$0x20]  }
0x4e2: {  	v5 =	vld [tilespmem:s10+$0x20]  }
0x4e3: {  	s13 =	sadd.s32 $0x80, s13;
	v4 =	vld [tilespmem:s11+$0xFFFFFFC0];
	[tilespmem:s11+$0xFFFFFFF0] =	vst v7;
	v6 =	vadd.f32 v9, v6  }
0x4e4: {  	_ =	sdelay $0x1  }
0x4e5: {  	v1 =	vadd.f32 v3, v1  }
0x4e6: {  	[tilespmem:s11+$0x0] =	vst v6;
	v2 =	vadd.f32 v5, v2  }
0x4e7: {  	[tilespmem:s11+$0x10] =	vst v1;
	v0 =	vadd.f32 v0, v4  }
0x4e8: {  	s10 =	sadd.s32 $0x14300, s9;
	s30 =	simm.s32 $0x80;
	s13 =	simm.s32 $0x400;
	[tilespmem:s11+$0x20] =	vst v2  }
0x4e9: {  	s14 =	simm.s32 $0x16380;
	s31 =	simm.s32 $0x1;
	s12 =	sadd.s32 s10, s8;
	[tilespmem:s11+$0xFFFFFFC0] =	vst v0  }
0x4ea: {  	[tilespmem:s14], [sflag:$0x1] =	stream.strided.gather [spmem:s12], $0x280, s13, s30, $0x38;
	[tilespmem:$0x1BE80] =	vst v63  }
0x4eb: {  	_ =	swait.ge [sflag:s31], $0x280  }
0x4ec: {  	[sflag:s31] =	ssyncset.done $0x0  }
0x4ed: {  	s11 =	simm.s32 $0x16640;
	[sflag:s31] =	ssyncadd.s32 $0xFFFFFD80  }
0x4ee: {  	s12 =	simm.s32 $0x163C0;
	v1 =	vld [tilespmem:s11+$0x30]  }
0x4ef: {  	v2 =	vld [tilespmem:s12+$0x30]  }
0x4f0: {  	v0 =	vld [tilespmem:s12+$0xFFFFFFC0]  }
0x4f1: {  	v3 =	vld [tilespmem:s11+$0xFFFFFFD0]  }
0x4f2: {  	v4 =	vld [tilespmem:s12+$0xFFFFFFD0]  }
0x4f3: {  	v5 =	vld [tilespmem:s11+$0xFFFFFFE0]  }
0x4f4: {  	v6 =	vld [tilespmem:s12+$0xFFFFFFE0]  }
0x4f5: {  	v7 =	vld [tilespmem:s11+$0xFFFFFFF0]  }
0x4f6: {  	v8 =	vld [tilespmem:s12+$0xFFFFFFF0]  }
0x4f7: {  	v9 =	vld [tilespmem:s11+$0x0]  }
0x4f8: {  	v10 =	vld [tilespmem:s12+$0x0];
	v2 =	vadd.f32 v2, v1  }
0x4f9: {  	v4 =	vadd.f32 v4, v3;
	v1 =	vld [tilespmem:s11+$0x10]  }
0x4fa: {  	v5 =	vadd.f32 v6, v5;
	v3 =	vld [tilespmem:s12+$0x10];
	[tilespmem:s11+$0x30] =	vst v2  }
0x4fb: {  	v6 =	vadd.f32 v8, v7;
	[tilespmem:s11+$0xFFFFFFD0] =	vst v4;
	v2 =	vld [tilespmem:s11+$0x20]  }
0x4fc: {  	[tilespmem:s11+$0xFFFFFFE0] =	vst v5;
	v5 =	vld [tilespmem:s12+$0x20]  }
0x4fd: {  	s13 =	simm.s32 $0x0;
	s14 =	simm.s32 $0x166C0;
	v4 =	vld [tilespmem:s11+$0xFFFFFFC0];
	[tilespmem:s11+$0xFFFFFFF0] =	vst v6;
	v6 =	vadd.f32 v10, v9  }
.LBB2_59:
0x4fe: {  	v7 =	vld [tilespmem:s14+$0x30];
	s12 =	sadd.s32 $0x80, s12  }
0x4ff: {  	s13 =	sadd.s32 $0x8, s13;
	v8 =	vld [tilespmem:s12+$0x30];
	[tilespmem:s11+$0x0] =	vst v6;
	v1 =	vadd.f32 v3, v1  }
0x500: {  	p0 =	slt.u32 s13, $0x20;
	v3 =	vld [tilespmem:s12+$0xFFFFFFC0]  }
0x501: {  	v6 =	vld [tilespmem:s14+$0xFFFFFFD0];
	[tilespmem:s11+$0x10] =	vst v1;
	v1 =	vadd.f32 v5, v2  }
0x502: {  	v2 =	vld [tilespmem:s12+$0xFFFFFFD0];
	v9 =	vadd.f32 v0, v4  }
0x503: {  	v4 =	vld [tilespmem:s14+$0xFFFFFFE0];
	[tilespmem:s11+$0x20] =	vst v1  }
0x504: {  	v1 =	vld [tilespmem:s12+$0xFFFFFFE0];
	v5 =	vadd.f32 v8, v7;
	[tilespmem:s11+$0xFFFFFFC0] =	vst v9;
	s11 =	smov.u32 s14  }
0x505: {  	v7 =	vld [tilespmem:s14+$0xFFFFFFF0];
	v0 =	vmov v3  }
0x506: {  	v8 =	vld [tilespmem:s12+$0xFFFFFFF0];
	[tilespmem:s14+$0x30] =	vst v5  }
0x507: {  	v2 =	vadd.f32 v2, v6;
	v6 =	vld [tilespmem:s14+$0x0]  }
0x508: {  	v9 =	vld [tilespmem:s12+$0x0]  }
.Ltmp29:
0x509: {  	[tilespmem:s14+$0xFFFFFFD0] =	vst v2;
	v2 =	vadd.f32 v1, v4;
	v1 =	vld [tilespmem:s14+$0x10];
	(pc) =	sbr.rel @p0 .LBB2_59-.Ltmp29, $4  }
0x50a: {  	v3 =	vld [tilespmem:s12+$0x10]  }
0x50b: {  	[tilespmem:s14+$0xFFFFFFE0] =	vst v2;
	v7 =	vadd.f32 v8, v7;
	v2 =	vld [tilespmem:s14+$0x20]  }
0x50c: {  	v5 =	vld [tilespmem:s12+$0x20]  }
0x50d: {  	s14 =	sadd.s32 $0x80, s14;
	v4 =	vld [tilespmem:s11+$0xFFFFFFC0];
	[tilespmem:s11+$0xFFFFFFF0] =	vst v7;
	v6 =	vadd.f32 v9, v6  }
0x50e: {  	_ =	sdelay $0x1  }
0x50f: {  	v1 =	vadd.f32 v3, v1  }
0x510: {  	[tilespmem:s11+$0x0] =	vst v6;
	v2 =	vadd.f32 v5, v2  }
0x511: {  	[tilespmem:s11+$0x10] =	vst v1;
	v0 =	vadd.f32 v0, v4  }
0x512: {  	s10 =	sadd.s32 s10, s7;
	s30 =	simm.s32 $0x80;
	[tilespmem:s11+$0x20] =	vst v2  }
0x513: {  	s12 =	simm.s32 $0x400;
	s13 =	simm.s32 $0x16380;
	s31 =	simm.s32 $0x1;
	[tilespmem:s11+$0xFFFFFFC0] =	vst v0  }
0x514: {  	[tilespmem:s13], [sflag:$0x1] =	stream.strided.gather [spmem:s10], $0x280, s12, s30, $0x38;
	[tilespmem:$0x1BE80] =	vst v63  }
0x515: {  	_ =	swait.ge [sflag:s31], $0x280  }
0x516: {  	[sflag:s31] =	ssyncset.done $0x0  }
0x517: {  	s10 =	simm.s32 $0x168C0;
	[sflag:s31] =	ssyncadd.s32 $0xFFFFFD80  }
0x518: {  	s11 =	simm.s32 $0x163C0;
	v1 =	vld [tilespmem:s10+$0x30]  }
0x519: {  	v2 =	vld [tilespmem:s11+$0x30]  }
0x51a: {  	v0 =	vld [tilespmem:s11+$0xFFFFFFC0]  }
0x51b: {  	v3 =	vld [tilespmem:s10+$0xFFFFFFD0]  }
0x51c: {  	v4 =	vld [tilespmem:s11+$0xFFFFFFD0]  }
0x51d: {  	v5 =	vld [tilespmem:s10+$0xFFFFFFE0]  }
0x51e: {  	v6 =	vld [tilespmem:s11+$0xFFFFFFE0]  }
0x51f: {  	v7 =	vld [tilespmem:s10+$0xFFFFFFF0]  }
0x520: {  	v8 =	vld [tilespmem:s11+$0xFFFFFFF0]  }
0x521: {  	v9 =	vld [tilespmem:s10+$0x0]  }
0x522: {  	v10 =	vld [tilespmem:s11+$0x0];
	v2 =	vadd.f32 v2, v1  }
0x523: {  	v4 =	vadd.f32 v4, v3;
	v1 =	vld [tilespmem:s10+$0x10]  }
0x524: {  	v5 =	vadd.f32 v6, v5;
	v3 =	vld [tilespmem:s11+$0x10];
	[tilespmem:s10+$0x30] =	vst v2  }
0x525: {  	v6 =	vadd.f32 v8, v7;
	[tilespmem:s10+$0xFFFFFFD0] =	vst v4;
	v2 =	vld [tilespmem:s10+$0x20]  }
0x526: {  	[tilespmem:s10+$0xFFFFFFE0] =	vst v5;
	v5 =	vld [tilespmem:s11+$0x20]  }
0x527: {  	s12 =	simm.s32 $0x0;
	s13 =	simm.s32 $0x16940;
	v4 =	vld [tilespmem:s10+$0xFFFFFFC0];
	[tilespmem:s10+$0xFFFFFFF0] =	vst v6;
	v6 =	vadd.f32 v10, v9  }
.LBB2_61:
0x528: {  	v7 =	vld [tilespmem:s13+$0x30];
	s11 =	sadd.s32 $0x80, s11  }
0x529: {  	s12 =	sadd.s32 $0x8, s12;
	v8 =	vld [tilespmem:s11+$0x30];
	[tilespmem:s10+$0x0] =	vst v6;
	v1 =	vadd.f32 v3, v1  }
0x52a: {  	p0 =	slt.u32 s12, $0x20;
	v3 =	vld [tilespmem:s11+$0xFFFFFFC0]  }
0x52b: {  	v6 =	vld [tilespmem:s13+$0xFFFFFFD0];
	[tilespmem:s10+$0x10] =	vst v1;
	v1 =	vadd.f32 v5, v2  }
0x52c: {  	v2 =	vld [tilespmem:s11+$0xFFFFFFD0];
	v9 =	vadd.f32 v0, v4  }
0x52d: {  	v4 =	vld [tilespmem:s13+$0xFFFFFFE0];
	[tilespmem:s10+$0x20] =	vst v1  }
0x52e: {  	v1 =	vld [tilespmem:s11+$0xFFFFFFE0];
	v5 =	vadd.f32 v8, v7;
	[tilespmem:s10+$0xFFFFFFC0] =	vst v9;
	s10 =	smov.u32 s13  }
0x52f: {  	v7 =	vld [tilespmem:s13+$0xFFFFFFF0];
	v0 =	vmov v3  }
0x530: {  	v8 =	vld [tilespmem:s11+$0xFFFFFFF0];
	[tilespmem:s13+$0x30] =	vst v5  }
0x531: {  	v2 =	vadd.f32 v2, v6;
	v6 =	vld [tilespmem:s13+$0x0]  }
0x532: {  	v9 =	vld [tilespmem:s11+$0x0]  }
.Ltmp30:
0x533: {  	[tilespmem:s13+$0xFFFFFFD0] =	vst v2;
	v2 =	vadd.f32 v1, v4;
	v1 =	vld [tilespmem:s13+$0x10];
	(pc) =	sbr.rel @p0 .LBB2_61-.Ltmp30, $4  }
0x534: {  	v3 =	vld [tilespmem:s11+$0x10]  }
0x535: {  	[tilespmem:s13+$0xFFFFFFE0] =	vst v2;
	v7 =	vadd.f32 v8, v7;
	v2 =	vld [tilespmem:s13+$0x20]  }
0x536: {  	v5 =	vld [tilespmem:s11+$0x20]  }
0x537: {  	s13 =	sadd.s32 $0x80, s13;
	v4 =	vld [tilespmem:s10+$0xFFFFFFC0];
	[tilespmem:s10+$0xFFFFFFF0] =	vst v7;
	v6 =	vadd.f32 v9, v6  }
0x538: {  	_ =	sdelay $0x1  }
0x539: {  	v1 =	vadd.f32 v3, v1  }
0x53a: {  	[tilespmem:s10+$0x0] =	vst v6;
	v2 =	vadd.f32 v5, v2  }
0x53b: {  	[tilespmem:s10+$0x10] =	vst v1;
	v0 =	vadd.f32 v0, v4  }
0x53c: {  	s9 =	sadd.s32 $0x14380, s9;
	s30 =	simm.s32 $0x80;
	s11 =	simm.s32 $0x400;
	[tilespmem:s10+$0x20] =	vst v2  }
0x53d: {  	s12 =	simm.s32 $0x16380;
	s31 =	simm.s32 $0x1;
	s8 =	sadd.s32 s9, s8;
	[tilespmem:s10+$0xFFFFFFC0] =	vst v0  }
0x53e: {  	[tilespmem:s12], [sflag:$0x1] =	stream.strided.gather [spmem:s8], $0x280, s11, s30, $0x38;
	[tilespmem:$0x1BE80] =	vst v63  }
0x53f: {  	_ =	swait.ge [sflag:s31], $0x280  }
0x540: {  	[sflag:s31] =	ssyncset.done $0x0  }
0x541: {  	s8 =	simm.s32 $0x16640;
	[sflag:s31] =	ssyncadd.s32 $0xFFFFFD80  }
0x542: {  	s10 =	simm.s32 $0x163C0;
	v1 =	vld [tilespmem:s8+$0x30]  }
0x543: {  	v2 =	vld [tilespmem:s10+$0x30]  }
0x544: {  	v0 =	vld [tilespmem:s10+$0xFFFFFFC0]  }
0x545: {  	v3 =	vld [tilespmem:s8+$0xFFFFFFD0]  }
0x546: {  	v4 =	vld [tilespmem:s10+$0xFFFFFFD0]  }
0x547: {  	v5 =	vld [tilespmem:s8+$0xFFFFFFE0]  }
0x548: {  	v6 =	vld [tilespmem:s10+$0xFFFFFFE0]  }
0x549: {  	v7 =	vld [tilespmem:s8+$0xFFFFFFF0]  }
0x54a: {  	v8 =	vld [tilespmem:s10+$0xFFFFFFF0]  }
0x54b: {  	v9 =	vld [tilespmem:s8+$0x0]  }
0x54c: {  	v10 =	vld [tilespmem:s10+$0x0];
	v2 =	vadd.f32 v2, v1  }
0x54d: {  	v4 =	vadd.f32 v4, v3;
	v1 =	vld [tilespmem:s8+$0x10]  }
0x54e: {  	v5 =	vadd.f32 v6, v5;
	v3 =	vld [tilespmem:s10+$0x10];
	[tilespmem:s8+$0x30] =	vst v2  }
0x54f: {  	v6 =	vadd.f32 v8, v7;
	[tilespmem:s8+$0xFFFFFFD0] =	vst v4;
	v2 =	vld [tilespmem:s8+$0x20]  }
0x550: {  	[tilespmem:s8+$0xFFFFFFE0] =	vst v5;
	v5 =	vld [tilespmem:s10+$0x20]  }
0x551: {  	s11 =	simm.s32 $0x0;
	s12 =	simm.s32 $0x166C0;
	v4 =	vld [tilespmem:s8+$0xFFFFFFC0];
	[tilespmem:s8+$0xFFFFFFF0] =	vst v6;
	v6 =	vadd.f32 v10, v9  }
.LBB2_63:
0x552: {  	v7 =	vld [tilespmem:s12+$0x30];
	s10 =	sadd.s32 $0x80, s10  }
0x553: {  	s11 =	sadd.s32 $0x8, s11;
	v8 =	vld [tilespmem:s10+$0x30];
	[tilespmem:s8+$0x0] =	vst v6;
	v1 =	vadd.f32 v3, v1  }
0x554: {  	p0 =	slt.u32 s11, $0x20;
	v3 =	vld [tilespmem:s10+$0xFFFFFFC0]  }
0x555: {  	v6 =	vld [tilespmem:s12+$0xFFFFFFD0];
	[tilespmem:s8+$0x10] =	vst v1;
	v1 =	vadd.f32 v5, v2  }
0x556: {  	v2 =	vld [tilespmem:s10+$0xFFFFFFD0];
	v9 =	vadd.f32 v0, v4  }
0x557: {  	v4 =	vld [tilespmem:s12+$0xFFFFFFE0];
	[tilespmem:s8+$0x20] =	vst v1  }
0x558: {  	v1 =	vld [tilespmem:s10+$0xFFFFFFE0];
	v5 =	vadd.f32 v8, v7;
	[tilespmem:s8+$0xFFFFFFC0] =	vst v9;
	s8 =	smov.u32 s12  }
0x559: {  	v7 =	vld [tilespmem:s12+$0xFFFFFFF0];
	v0 =	vmov v3  }
0x55a: {  	v8 =	vld [tilespmem:s10+$0xFFFFFFF0];
	[tilespmem:s12+$0x30] =	vst v5  }
0x55b: {  	v2 =	vadd.f32 v2, v6;
	v6 =	vld [tilespmem:s12+$0x0]  }
0x55c: {  	v9 =	vld [tilespmem:s10+$0x0]  }
.Ltmp31:
0x55d: {  	[tilespmem:s12+$0xFFFFFFD0] =	vst v2;
	v2 =	vadd.f32 v1, v4;
	v1 =	vld [tilespmem:s12+$0x10];
	(pc) =	sbr.rel @p0 .LBB2_63-.Ltmp31, $4  }
0x55e: {  	v3 =	vld [tilespmem:s10+$0x10]  }
0x55f: {  	[tilespmem:s12+$0xFFFFFFE0] =	vst v2;
	v7 =	vadd.f32 v8, v7;
	v2 =	vld [tilespmem:s12+$0x20]  }
0x560: {  	v5 =	vld [tilespmem:s10+$0x20]  }
0x561: {  	s12 =	sadd.s32 $0x80, s12;
	v4 =	vld [tilespmem:s8+$0xFFFFFFC0];
	[tilespmem:s8+$0xFFFFFFF0] =	vst v7;
	v6 =	vadd.f32 v9, v6  }
0x562: {  	_ =	sdelay $0x1  }
0x563: {  	v1 =	vadd.f32 v3, v1  }
0x564: {  	[tilespmem:s8+$0x0] =	vst v6;
	v2 =	vadd.f32 v5, v2  }
0x565: {  	[tilespmem:s8+$0x10] =	vst v1;
	v0 =	vadd.f32 v0, v4  }
0x566: {  	s7 =	sadd.s32 s9, s7;
	s29 =	simm.s32 $0x80;
	[tilespmem:s8+$0x20] =	vst v2  }
0x567: {  	s30 =	simm.s32 $0x400;
	s10 =	simm.s32 $0x16380;
	s31 =	simm.s32 $0x1;
	[tilespmem:s8+$0xFFFFFFC0] =	vst v0  }
0x568: {  	[tilespmem:s10], [sflag:$0x1] =	stream.strided.gather [spmem:s7], $0x280, s30, s29, $0x38;
	[tilespmem:$0x1BE80] =	vst v63  }
0x569: {  	_ =	swait.ge [sflag:s31], $0x280  }
0x56a: {  	[sflag:s31] =	ssyncset.done $0x0  }
0x56b: {  	s7 =	simm.s32 $0x168C0;
	[sflag:s31] =	ssyncadd.s32 $0xFFFFFD80  }
0x56c: {  	s8 =	simm.s32 $0x163C0;
	v1 =	vld [tilespmem:s7+$0x30]  }
0x56d: {  	v2 =	vld [tilespmem:s8+$0x30]  }
0x56e: {  	v0 =	vld [tilespmem:s8+$0xFFFFFFC0]  }
0x56f: {  	v3 =	vld [tilespmem:s7+$0xFFFFFFD0]  }
0x570: {  	v4 =	vld [tilespmem:s8+$0xFFFFFFD0]  }
0x571: {  	v5 =	vld [tilespmem:s7+$0xFFFFFFE0]  }
0x572: {  	v6 =	vld [tilespmem:s8+$0xFFFFFFE0]  }
0x573: {  	v7 =	vld [tilespmem:s7+$0xFFFFFFF0]  }
0x574: {  	v8 =	vld [tilespmem:s8+$0xFFFFFFF0]  }
0x575: {  	v9 =	vld [tilespmem:s7+$0x0]  }
0x576: {  	v10 =	vld [tilespmem:s8+$0x0];
	v2 =	vadd.f32 v2, v1  }
0x577: {  	v4 =	vadd.f32 v4, v3;
	v1 =	vld [tilespmem:s7+$0x10]  }
0x578: {  	v5 =	vadd.f32 v6, v5;
	v3 =	vld [tilespmem:s8+$0x10];
	[tilespmem:s7+$0x30] =	vst v2  }
0x579: {  	v6 =	vadd.f32 v8, v7;
	[tilespmem:s7+$0xFFFFFFD0] =	vst v4;
	v2 =	vld [tilespmem:s7+$0x20]  }
0x57a: {  	[tilespmem:s7+$0xFFFFFFE0] =	vst v5;
	v5 =	vld [tilespmem:s8+$0x20]  }
0x57b: {  	s9 =	simm.s32 $0x0;
	s10 =	simm.s32 $0x16940;
	v4 =	vld [tilespmem:s7+$0xFFFFFFC0];
	[tilespmem:s7+$0xFFFFFFF0] =	vst v6;
	v6 =	vadd.f32 v10, v9  }
.LBB2_65:
0x57c: {  	v7 =	vld [tilespmem:s10+$0x30];
	s8 =	sadd.s32 $0x80, s8  }
0x57d: {  	s9 =	sadd.s32 $0x8, s9;
	v8 =	vld [tilespmem:s8+$0x30];
	[tilespmem:s7+$0x0] =	vst v6;
	v1 =	vadd.f32 v3, v1  }
0x57e: {  	p0 =	slt.u32 s9, $0x20;
	v3 =	vld [tilespmem:s8+$0xFFFFFFC0]  }
0x57f: {  	v6 =	vld [tilespmem:s10+$0xFFFFFFD0];
	[tilespmem:s7+$0x10] =	vst v1;
	v1 =	vadd.f32 v5, v2  }
0x580: {  	v2 =	vld [tilespmem:s8+$0xFFFFFFD0];
	v9 =	vadd.f32 v0, v4  }
0x581: {  	v4 =	vld [tilespmem:s10+$0xFFFFFFE0];
	[tilespmem:s7+$0x20] =	vst v1  }
0x582: {  	v1 =	vld [tilespmem:s8+$0xFFFFFFE0];
	v5 =	vadd.f32 v8, v7;
	[tilespmem:s7+$0xFFFFFFC0] =	vst v9;
	s7 =	smov.u32 s10  }
0x583: {  	v7 =	vld [tilespmem:s10+$0xFFFFFFF0];
	v0 =	vmov v3  }
0x584: {  	v8 =	vld [tilespmem:s8+$0xFFFFFFF0];
	[tilespmem:s10+$0x30] =	vst v5  }
0x585: {  	v2 =	vadd.f32 v2, v6;
	v6 =	vld [tilespmem:s10+$0x0]  }
0x586: {  	v9 =	vld [tilespmem:s8+$0x0]  }
.Ltmp32:
0x587: {  	[tilespmem:s10+$0xFFFFFFD0] =	vst v2;
	v2 =	vadd.f32 v1, v4;
	v1 =	vld [tilespmem:s10+$0x10];
	(pc) =	sbr.rel @p0 .LBB2_65-.Ltmp32, $4  }
0x588: {  	v3 =	vld [tilespmem:s8+$0x10]  }
0x589: {  	[tilespmem:s10+$0xFFFFFFE0] =	vst v2;
	v7 =	vadd.f32 v8, v7;
	v2 =	vld [tilespmem:s10+$0x20]  }
0x58a: {  	v5 =	vld [tilespmem:s8+$0x20]  }
0x58b: {  	s10 =	sadd.s32 $0x80, s10;
	v4 =	vld [tilespmem:s7+$0xFFFFFFC0];
	[tilespmem:s7+$0xFFFFFFF0] =	vst v7;
	v6 =	vadd.f32 v9, v6  }
0x58c: {  	_ =	sdelay $0x1  }
0x58d: {  	v1 =	vadd.f32 v3, v1  }
0x58e: {  	[tilespmem:s7+$0x0] =	vst v6;
	v2 =	vadd.f32 v5, v2  }
0x58f: {  	[tilespmem:s7+$0x10] =	vst v1;
	v0 =	vadd.f32 v0, v4  }
0x590: {  	[tilespmem:s7+$0x20] =	vst v2  }
0x591: {  	s8 =	simm.s32 $0x168C0;
	[tilespmem:s7+$0xFFFFFFC0] =	vst v0  }
0x592: {  	v2 =	vld [tilespmem:s8+$0x30]  }
0x593: {  	v1 =	vld [tilespmem:s8+$0xFFFFFFD0]  }
0x594: {  	v3 =	vld [tilespmem:s8+$0xFFFFFFE0]  }
0x595: {  	v4 =	vld [tilespmem:s8+$0xFFFFFFF0]  }
0x596: {  	v5 =	vld [tilespmem:s8+$0x0]  }
0x597: {  	v6 =	vld [tilespmem:s8+$0x10]  }
0x598: {  	v7 =	vld [tilespmem:s8+$0x20];
	(erf) = vrcp.f32 v2  }
0x599: {  	s7 =	simm.s32 $0x16640;
	v8 =	vld [tilespmem:s8+$0xFFFFFFC0];
	(erf) = vrcp.f32 v1  }
0x59a: {  	v9 =	vld [tilespmem:s7+$0x30];
	(erf) = vrcp.f32 v3  }
0x59b: {  	v10 =	vld [tilespmem:s7+$0xFFFFFFC0];
	(erf) = vrcp.f32 v4  }
0x59c: {  	v12 =	vld [tilespmem:$0x16B00];
	(erf) = vrcp.f32 v5  }
0x59d: {  	v11 =	vld [tilespmem:s7+$0xFFFFFFD0];
	(erf) = vrcp.f32 v6  }
0x59e: {  	v0 =	vld [tilespmem:$0x16B80];
	(erf) = vrcp.f32 v7  }
0x59f: {  	v13 =	vld [tilespmem:s7+$0xFFFFFFE0];
	(erf) = vrcp.f32 v8  }
0x5a0: {  	s31 =	simm.s32 $0x16940;
	v15 =	vld [tilespmem:s7+$0xFFFFFFF0]  }
0x5a1: {  	v17 =	vld [tilespmem:s31+$0x10];
	v14 =	vpop (erf)  }
0x5a2: {  	vm3 =	vgt.f32 v1, $0.0e+00;
	vm0 =	vgt.f32 v3, $0.0e+00;
	v1 =	vld [tilespmem:s31+$0x30];
	v3 =	vpop (erf)  }
0x5a3: {  	vm2 =	vgt.f32 v5, $0.0e+00;
	vm5 =	vmmov vm0;
	vm0 =	vgt.f32 v2, $0.0e+00;
	v2 =	vld [tilespmem:s31+$0xFFFFFFF0];
	v5 =	vpop (erf)  }
0x5a4: {  	vm1 =	vgt.f32 v4, $0.0e+00;
	vm7 =	vgt.f32 v6, $0.0e+00;
	vm9 =	vgt.f32 v7, $0.0e+00;
	v7 =	vld [tilespmem:s31+$0xFFFFFFD0];
	v6 =	vpop (erf)  }
0x5a5: {  	vm6 =	vgt.f32 v8, $0.0e+00;
	vm4 =	vmmov vm1;
	v4 =	vmul.f32 v14, v9;
	v9 =	vld [tilespmem:s31+$0xFFFFFFE0];
	v8 =	vpop (erf)  }
0x5a6: {  	vm2 =	vmmov vm2;
	vm8 =	vmmov vm7;
	v3 =	vmul.f32 v3, v11;
	v11 =	vpop (erf)  }
0x5a7: {  	vm1 =	vmmov vm9;
	vm7 =	vgt.f32 v17, $0.0e+00;
	v14 =	vld [tilespmem:s31+$0x0];
	v5 =	vmul.f32 v5, v13;
	v13 =	vpop (erf)  }
0x5a8: {  	v16 =	vld [tilespmem:s7+$0x0];
	v4 =	vadd.f32 v4, v12;
	v6 =	vmul.f32 v6, v15;
	(erf) = vrcp.f32 v1;
	v15 =	vpop (erf)  }
0x5a9: {  	vm15 =	vgt.f32 v2, $0.0e+00;
	(erf) = vrcp.f32 v7;
	v10 =	vmul.f32 v15, v10;
	v15 =	vld [tilespmem:s31+$0x20]  }
0x5aa: {  	v63 =	vld [tilespmem:s31+$0xFFFFFFC0];
	v3 =	vadd.f32 v3, v12;
	v4 =	vsel vm0, v4, v0;
	(erf) = vrcp.f32 v9  }
0x5ab: {  	v5 =	vadd.f32 v5, v12;
	vm0 =	vgt.f32 v7, $0.0e+00;
	v7 =	vld [tilespmem:s7+$0x10];
	(erf) = vrcp.f32 v2  }
0x5ac: {  	s8 =	simm.s32 $0x166C0;
	v18 =	vsel vm3, v3, v0;
	vm3 =	vgt.f32 v9, $0.0e+00;
	v9 =	vld [tilespmem:s7+$0x20];
	(erf) = vrcp.f32 v14  }
0x5ad: {  	v20 =	vld [tilespmem:s8+$0x30];
	v8 =	vmul.f32 v8, v16;
	v6 =	vadd.f32 v6, v12;
	(erf) = vrcp.f32 v17  }
0x5ae: {  	vm10 =	vgt.f32 v14, $0.0e+00;
	v3 =	vld [tilespmem:s8+$0xFFFFFFC0];
	v10 =	vadd.f32 v12, v10;
	(erf) = vrcp.f32 v15  }
0x5af: {  	[tilespmem:s7+$0x30] =	vst v4;
	v19 =	vadd.f32 v8, v12;
	v5 =	vsel vm5, v5, v0;
	v2 =	vld [tilespmem:$0x16B00];
	(erf) = vrcp.f32 v63  }
0x5b0: {  	[tilespmem:s7+$0xFFFFFFD0] =	vst v18;
	v8 =	vld [tilespmem:s8+$0xFFFFFFD0];
	vm5 =	vmmov vm3;
	v7 =	vmul.f32 v11, v7;
	v10 =	vsel vm6, v10, v0  }
0x5b1: {  	v4 =	vld [tilespmem:$0x16B80];
	v6 =	vsel vm4, v6, v0;
	v13 =	vmul.f32 v13, v9;
	[tilespmem:s7+$0xFFFFFFC0] =	vst v10;
	v10 =	vsel vm2, v19, v0;
	v11 =	vpop (erf)  }
0x5b2: {  	[tilespmem:s7+$0xFFFFFFE0] =	vst v5;
	v5 =	vld [tilespmem:s8+$0xFFFFFFE0];
	vm6 =	vgt.f32 v15, $0.0e+00;
	v15 =	vadd.f32 v7, v12;
	v14 =	vmul.f32 v11, v20;
	v11 =	vpop (erf)  }
0x5b3: {  	vm3 =	vmmov vm15;
	vm4 =	vgt.f32 v63, $0.0e+00;
	[tilespmem:s7+$0xFFFFFFF0] =	vst v6;
	v7 =	vld [tilespmem:s8+$0xFFFFFFF0];
	v13 =	vadd.f32 v13, v12;
	v9 =	vpop (erf)  }
0x5b4: {  	s9 =	simm.s32 $0x8;
	s10 =	simm.s32 $0x169C0;
	v6 =	vld [tilespmem:s8+$0x0];
	vm2 =	vmmov vm10;
	[tilespmem:s7+$0x0] =	vst v10;
	v12 =	vadd.f32 v14, v2;
	v10 =	vpop (erf);
	v14 =	vsel vm8, v15, v0  }
.LBB2_67:
0x5b5: {  	s9 =	sadd.s32 $0x8, s9;
	v8 =	vmul.f32 v11, v8;
	vm8 =	vgt.f32 v1, $0.0e+00;
	v1 =	vld [tilespmem:s10+$0x30];
	v11 =	vpop (erf);
	[tilespmem:s7+$0x10] =	vst v14;
	v15 =	vsel vm1, v13, v0  }
0x5b6: {  	v13 =	vld [tilespmem:s10+$0xFFFFFFD0];
	p0 =	slt.u32 s9, $0x20;
	v12 =	vsel vm8, v12, v4;
	v14 =	vpop (erf);
	[tilespmem:s7+$0x20] =	vst v15;
	v0 =	vmov v4;
	vm8 =	vmmov vm7;
	s7 =	smov.u32 s8  }
0x5b7: {  	vm1 =	vmmov vm6;
	v4 =	vld [tilespmem:s10+$0xFFFFFFE0];
	v8 =	vadd.f32 v8, v2;
	v5 =	vmul.f32 v9, v5;
	[tilespmem:s8+$0x30] =	vst v12;
	v9 =	vpop (erf)  }
0x5b8: {  	v12 =	vld [tilespmem:s10+$0xFFFFFFF0];
	v7 =	vmul.f32 v10, v7;
	v10 =	vpop (erf)  }
0x5b9: {  	v15 =	vld [tilespmem:s10+$0x0];
	v3 =	vmul.f32 v10, v3;
	v5 =	vadd.f32 v5, v2;
	v6 =	vmul.f32 v11, v6  }
0x5ba: {  	v8 =	vsel vm0, v8, v0;
	v10 =	vld [tilespmem:s10+$0x10];
	(erf) = vrcp.f32 v1;
	v7 =	vadd.f32 v7, v2  }
0x5bb: {  	v11 =	vld [tilespmem:s10+$0x20];
	(erf) = vrcp.f32 v13;
	v3 =	vadd.f32 v2, v3;
	[tilespmem:s8+$0xFFFFFFD0] =	vst v8;
	v6 =	vadd.f32 v6, v2  }
0x5bc: {  	vm0 =	vgt.f32 v13, $0.0e+00;
	v8 =	vld [tilespmem:s10+$0xFFFFFFC0];
	vm9 =	vgt.f32 v4, $0.0e+00;
	(erf) = vrcp.f32 v4  }
0x5bd: {  	vm10 =	vgt.f32 v12, $0.0e+00;
	(erf) = vrcp.f32 v12;
	v3 =	vsel vm4, v3, v0;
	v4 =	vld [tilespmem:s8+$0x10]  }
0x5be: {  	s8 =	sadd.s32 $0x80, s8;
	vm11 =	vgt.f32 v15, $0.0e+00;
	(erf) = vrcp.f32 v15;
	[tilespmem:s7+$0xFFFFFFC0] =	vst v3;
	v3 =	vsel vm5, v5, v0;
	v5 =	vld [tilespmem:s7+$0x20]  }
0x5bf: {  	v7 =	vsel vm3, v7, v0;
	vm7 =	vgt.f32 v10, $0.0e+00;
	v12 =	vld [tilespmem:s8+$0x30];
	(erf) = vrcp.f32 v10;
	[tilespmem:s7+$0xFFFFFFE0] =	vst v3  }
0x5c0: {  	v6 =	vsel vm2, v6, v0;
	v3 =	vld [tilespmem:s8+$0xFFFFFFC0];
	vm6 =	vgt.f32 v11, $0.0e+00;
	(erf) = vrcp.f32 v11;
	[tilespmem:s7+$0xFFFFFFF0] =	vst v7  }
0x5c1: {  	vm5 =	vmmov vm9;
	vm4 =	vgt.f32 v8, $0.0e+00;
	v15 =	vld [tilespmem:$0x16B00];
	(erf) = vrcp.f32 v8;
	[tilespmem:s7+$0x0] =	vst v6  }
.Ltmp33:
0x5c2: {  	vm3 =	vmmov vm10;
	vm2 =	vmmov vm11;
	v8 =	vld [tilespmem:s8+$0xFFFFFFD0];
	v6 =	vmul.f32 v14, v4;
	(pc) =	sbr.rel @p0 .LBB2_67-.Ltmp33, $4  }
0x5c3: {  	v4 =	vld [tilespmem:$0x16B80];
	v7 =	vpop (erf);
	v16 =	vmul.f32 v9, v5  }
0x5c4: {  	v5 =	vld [tilespmem:s8+$0xFFFFFFE0];
	v12 =	vmul.f32 v7, v12;
	v11 =	vpop (erf);
	v14 =	vadd.f32 v6, v2  }
0x5c5: {  	v7 =	vld [tilespmem:s8+$0xFFFFFFF0];
	v9 =	vpop (erf);
	v13 =	vadd.f32 v16, v2  }
0x5c6: {  	s10 =	sadd.s32 $0x80, s10;
	v6 =	vld [tilespmem:s8+$0x0];
	v12 =	vadd.f32 v12, v15;
	v10 =	vpop (erf);
	v14 =	vsel vm8, v14, v0;
	v2 =	vmov v15  }
0x5c7: {  	v15 =	vpop (erf)  }
0x5c8: {  	v16 =	vpop (erf)  }
0x5c9: {  	v17 =	vpop (erf)  }
0x5ca: {  	v8 =	vmul.f32 v11, v8;
	v18 =	vld [tilespmem:s8+$0x10];
	v62 =	vpop (erf)  }
0x5cb: {  	vm8 =	vgt.f32 v1, $0.0e+00;
	v1 =	vmul.f32 v62, v3;
	v3 =	vld [tilespmem:s8+$0x20]  }
0x5cc: {  	[tilespmem:s7+$0x10] =	vst v14;
	v0 =	vsel vm1, v13, v0;
	v5 =	vmul.f32 v9, v5;
	v8 =	vadd.f32 v8, v2  }
0x5cd: {  	v63 =	vsel vm8, v12, v4;
	[tilespmem:s7+$0x20] =	vst v0;
	v0 =	vmul.f32 v10, v7;
	v1 =	vadd.f32 v2, v1  }
0x5ce: {  	[tilespmem:s8+$0x30] =	vst v63;
	v5 =	vadd.f32 v5, v2;
	v6 =	vmul.f32 v15, v6;
	v7 =	vsel vm0, v8, v4  }
0x5cf: {  	v0 =	vadd.f32 v0, v2;
	[tilespmem:s8+$0xFFFFFFD0] =	vst v7;
	v7 =	vmul.f32 v16, v18;
	v1 =	vsel vm4, v1, v4  }
0x5d0: {  	v6 =	vadd.f32 v6, v2;
	[tilespmem:s8+$0xFFFFFFC0] =	vst v1;
	v1 =	vsel vm5, v5, v4;
	v3 =	vmul.f32 v17, v3  }
0x5d1: {  	v0 =	vsel vm3, v0, v4;
	[tilespmem:s8+$0xFFFFFFE0] =	vst v1;
	v1 =	vadd.f32 v7, v2  }
0x5d2: {  	vm14 =	vmmov vm7;
	s24 =	smul.u32 $0x280, s1;
	[tilespmem:s8+$0xFFFFFFF0] =	vst v0;
	v0 =	vsel vm2, v6, v4;
	v2 =	vadd.f32 v3, v2  }
0x5d3: {  	vm15 =	vmmov vm6;
	[tilespmem:s8+$0x0] =	vst v0;
	v0 =	vsel vm14, v1, v4  }
0x5d4: {  	s25 =	simm.s32 $0x0;
	s9 =	sshrl.u32 s24, $0x3;
	[tilespmem:s8+$0x10] =	vst v0;
	v0 =	vsel vm15, v2, v4  }
0x5d5: {  	s10 =	simm.s32 $0x16600;
	s26 =	simm.s32 $0x1;
	s6 =	sadd.s32 s6, s9;
	[tilespmem:s8+$0x20] =	vst v0  }
0x5d6: {  	[hbm4b:s6+s25] =	stream.linear.scatter [tilespmem:s10], [sflag:$0x1], $0x280, $0x38;
	[tilespmem:$0x1BE80] =	vst v63  }
0x5d7: {  	_ =	swait.ge [sflag:s26], $0x280  }
0x5d8: {  	[sflag:s26] =	ssyncset.done $0x0  }
0x5d9: {  	s28 =	simm.s32 $0x16880;
	s5 =	sadd.s32 s5, s9;
	[sflag:s26] =	ssyncadd.s32 $0xFFFFFD80  }
0x5da: {  	[hbm4b:s5+s25] =	stream.linear.scatter [tilespmem:s28], [sflag:$0x1], $0x280, $0x38;
	[tilespmem:$0x1BE80] =	vst v63  }
0x5db: {  	_ =	swait.ge [sflag:s26], $0x280  }
0x5dc: {  	[sflag:s26] =	ssyncset.done $0x0  }
0x5dd: {  	s29 =	sadd.s32 s24, s4;
	[sflag:s26] =	ssyncadd.s32 $0xFFFFFD80  }
0x5de: {  	[spmem:s29] =	stream.linear.scatter [tilespmem:s10], [sflag:$0x1], $0x280, $0x38;
	[tilespmem:$0x1BE80] =	vst v63  }
0x5df: {  	_ =	swait.ge [sflag:s26], $0x280  }
0x5e0: {  	[sflag:s26] =	ssyncset.done $0x0  }
0x5e1: {  	[sflag:s26] =	ssyncadd.s32 $0xFFFFFD80  }
0x5e2: {  	s5 =	simm.s32 $0x13B80;
	[bflag:$0x0] =	sbarrier.arrive $0xFFFF  }
0x5e3: {  	[tilespmem:s5], [sflag:$0x1] =	stream.linear.gather [spmem:s4], $0x2800, $0x38;
	[tilespmem:$0x1BE80] =	vst v63  }
0x5e4: {  	_ =	swait.ge [sflag:s26], $0x2800  }
0x5e5: {  	[sflag:s26] =	ssyncset.done $0x0  }
0x5e6: {  	s30 =	simm.s32 $0x9D20;
	[sflag:s26] =	ssyncadd.s32 $0xFFFFD800  }
0x5e7: {  	v0 =	vld [tilespmem:s30+$0x10];
	_ =	sdelay $0x1  }
0x5e8: {  	v2 =	vld [tilespmem:s30+$0xFFFFFFE0]  }
0x5e9: {  	v3 =	vld [tilespmem:s30+$0xFFFFFFF0]  }
0x5ea: {  	s31 =	simm.s32 $0x9D60;
	v4 =	vld [tilespmem:s30+$0x0]  }
0x5eb: {  	v7 =	vld [tilespmem:s31+$0x10]  }
0x5ec: {  	v1 =	vld [tilespmem:s31+$0xFFFFFFF0]  }
0x5ed: {  	v6 =	vld [tilespmem:s31+$0xFFFFFFE0]  }
0x5ee: {  	v8 =	vld.idx.msk [tilespmem:v0+s5+$0x0], $0xffff  }
0x5ef: {  	v0 =	vld [tilespmem:s31+$0x0]  }
0x5f0: {  	v5 =	vld.idx.msk [tilespmem:v2+s5+$0x0], $0xffff  }
0x5f1: {  	v2 =	vld.idx.msk [tilespmem:v3+s5+$0x0], $0xffff  }
0x5f2: {  	s4 =	simm.s32 $0x20;
	v3 =	vld.idx.msk [tilespmem:v4+s5+$0x0], $0xffff  }
0x5f3: {  	s7 =	simm.s32 $0x9DA0;
	s6 =	simm.s32 $0x4;
	v4 =	vld.idx.msk [tilespmem:v7+s5+$0x0], $0xffff;
	[tilespmem:s4+$0x10] =	vst v8  }
.LBB2_69:
0x5f4: {  	v7 =	vld [tilespmem:s7+$0x10];
	s6 =	sadd.s32 $0x4, s6  }
0x5f5: {  	v8 =	vld [tilespmem:s7+$0xFFFFFFF0];
	p0 =	slt.u32 s6, $0x4DC;
	[tilespmem:s4+$0xFFFFFFE0] =	vst v5  }
0x5f6: {  	v9 =	vld [tilespmem:s7+$0x0];
	[tilespmem:s4+$0xFFFFFFF0] =	vst v2  }
0x5f7: {  	v10 =	vld [tilespmem:s7+$0xFFFFFFE0];
	[tilespmem:s4+$0x0] =	vst v3  }
.Ltmp34:
0x5f8: {  	s4 =	sadd.s32 $0x40, s4;
	v5 =	vld.idx.msk [tilespmem:v6+s5+$0x0], $0xffff;
	(pc) =	sbr.rel @p0 .LBB2_69-.Ltmp34, $4  }
0x5f9: {  	v2 =	vld.idx.msk [tilespmem:v1+s5+$0x0], $0xffff;
	[tilespmem:s4+$0x10] =	vst v4  }
0x5fa: {  	v3 =	vld.idx.msk [tilespmem:v0+s5+$0x0], $0xffff;
	v1 =	vmov v8  }
0x5fb: {  	v0 =	vmov v9  }
0x5fc: {  	s7 =	sadd.s32 $0x40, s7;
	v4 =	vld.idx.msk [tilespmem:v7+s5+$0x0], $0xffff;
	v6 =	vmov v10  }
0x5fd: {  	_ =	sdelay $0x3  }
0x5fe: {  	v6 =	vld.idx.msk [tilespmem:v6+s5+$0x0], $0xffff  }
0x5ff: {  	[tilespmem:s4+$0xFFFFFFE0] =	vst v5;
	v1 =	vld.idx.msk [tilespmem:v1+s5+$0x0], $0xffff  }
0x600: {  	v0 =	vld.idx.msk [tilespmem:v0+s5+$0x0], $0xffff;
	[tilespmem:s4+$0xFFFFFFF0] =	vst v2  }
0x601: {  	s31 =	sadd.s32 $0x40, s4;
	[tilespmem:s4+$0x0] =	vst v3  }
0x602: {  	[tilespmem:s31+$0x10] =	vst v4  }
0x603: {  	[tilespmem:s31+$0xFFFFFFE0] =	vst v6  }
0x604: {  	[tilespmem:s31+$0xFFFFFFF0] =	vst v1  }
0x605: {  	s5 =	simm.s32 $0x13B80;
	s4 =	simm.s32 $0x0;
	[tilespmem:s31+$0x0] =	vst v0  }
.LBB2_71:
0x606: {  	s6 =	sshra.s32 s4, $0x2  }
0x607: {  	v0 =	vld [tilespmem:s6+$0xEB00];
	_ =	sdelay $0x7  }
0x608: {  	p0 =	sne.s32 s4, $0x40;
	v0 =	vld.idx.msk [tilespmem:v0+s5+$0x0], $0xffff  }
.Ltmp35:
0x609: {  	_ = 	snop;
	(pc) =	sbr.rel @p0 .LBB2_71-.Ltmp35, $2  }
0x60a: {  	_ =	sdelay $0x2  }
0x60b: {  	s4 =	sadd.s32 $0x40, s4;
	[tilespmem:s6+$0x4E00] =	vst v0  }
0x60c: {  	s2 =	sadd.s32 s3, s2;
	s30 =	simm.s32 $0x0;
	s31 =	simm.s32 $0x1  }
0x60d: {  	[hbm4b:s2+s30] =	stream.linear.scatter [tilespmem:s30], [sflag:$0x1], $0x4E20, $0x38;
	[tilespmem:$0x1BE80] =	vst v63  }
0x60e: {  	_ =	swait.ge [sflag:s31], $0x4E20  }
0x60f: {  	[sflag:s31] =	ssyncset.done $0x0  }
0x610: {  	[sflag:s31] =	ssyncadd.s32 $0xFFFFB1E0  }
0x611: {  	_ =	sfence.sel $0x180000  }
0x612: {  	[bflag:$0x0] =	sbarrier.arrive $0xFFFF  }
0x613: {  	p0 =	sne.s32 s1, $0x0;
	_ =	strace $0x90000047  }
0x614: {  	s0 =	sadd.s32 @!p0 $0x100000, s0;
	[bflag:$0x2] =	sbarrier.arrive $0xFFFF  }
0x615: {  	[sflag:s0] =	ssyncadd.tile.s32 @!p0 $0x1;
	_ =	shalt  }
.Lfunc_end2:
_tile_overlayer_lowered:
.L_overlay_start_2:
0x616: {  	(tag) =	ssettag $0x2  }
0x617: {  	s0 =	rddreg [dreg:$0x0];
	s2 =	stileid.u32  }
0x618: {  	s1 =	rddreg [dreg:$0x1];
	p0 =	sne.s32 s2, $0x0  }
0x619: {  	s3 =	rddreg [dreg:$0x2];
	[bflag:$0x3] =	sbarrier.arrive $0xFFFF;
	s2 =	simm.s32 @!p0 $0x1C01  }
0x61a: {  	[timem:s3], [sflag:s2] =	dma.local @!p0 [hbm:s0], s1  }
0x61b: {  	s0 =	simm.s32 @!p0 $0x1  }
0x61c: {  	_ =	swait.ge @!p0 [sflag:s0], s1  }
0x61d: {  	s1 =	ssub.s32 @!p0 $0x0, s1;
	[sflag:s0] =	ssyncset.done @!p0 $0x0  }
0x61e: {  	[sflag:s0] =	ssyncadd.s32 @!p0 s1  }
0x61f: {  	[bflag:$0x3] =	sbarrier.arrive $0xFFFF  }
0x620: {  	_ =	shalt  }

// kernel: scatter_offload_async_start
scs
__scs_entry_jumppad:
0x0: {  	(pc) =	sbr.rel $0x88, $3  }
0x1: {  	(tag) =	ssettag $0x0;
	lr =	simm.s32 $0x1  }
0x2: {  	[smem:$0x3F9A] =	sst lr;
	_ =	strace $0xD0000000  }
0x3: {  	_ = 	snop  }
0x4: {  	_ = 	snop  }
0x5: {  	_ = 	snop  }
0x6: {  	_ = 	snop  }
0x7: {  	_ = 	snop  }
__scs_overlays_trampoline_lowered:
0x8: {  	[smem:$0x3FA9] =	sst s0  }
0x9: {  	[smem:$0x3FAA] =	sst s1  }
0xa: {  	[smem:$0x3FAB] =	sst s2  }
0xb: {  	[smem:$0x3FAC] =	sst s3  }
0xc: {  	[smem:$0x3FAD] =	sst s4  }
0xd: {  	[smem:$0x3FAE] =	sst s5  }
0xe: {  	[smem:$0x3FAF] =	sst s6  }
0xf: {  	[smem:$0x3FB0] =	sst s7  }
0x10: {  	[smem:$0x3FB1] =	sst s8  }
0x11: {  	[smem:$0x3FB2] =	sst s9;
	s0 =	simm.s32 @!p0 $0x0  }
0x12: {  	s1 =	sld [smem:$0x3F98];
	s0 =	simm.s32 @p0 $0x1  }
0x13: {  	[smem:$0x3FB3] =	sst s0;
	s0 =	simm.s32 @!p1 $0x0  }
0x14: {  	s2 =	sld [smem:$0x3F97];
	s0 =	simm.s32 @p1 $0x1  }
0x15: {  	[smem:$0x3FB4] =	sst s0;
	s0 =	simm.s32 @!p2 $0x0  }
0x16: {  	s3 =	sld [smem:$0x3FDB];
	s0 =	simm.s32 @p2 $0x1  }
0x17: {  	s4 =	simm.s32 $0x1BF5;
	[smem:$0x3FB6] =	sst s0  }
0x18: {  	s0 =	sld [smem:$0x3F99];
	_ =	swait.ge [sflag:s4], $0x0  }
0x19: {  	s7 =	sld [smem:$0x3F9A]  }
0x1a: {  	s8 =	sadd.s32 $0xFFFFE003, lr  }
0x1b: {  	s9 =	sadd.s32 $0xFFFFFEF7, lr;
	s5 =	simm.s32 $0xFFFFFFFF;
	p2 =	slt.u32 s8, $0xFFFFF086  }
0x1c: {  	p1 =	slt.u32 s9, $0xF7A;
	s5 =	simm.s32 @!p2 $0x0  }
0x1d: {  	s5 =	simm.s32 @p1 $0x1;
	p0 =	seq.s32 s7, s2  }
0x1e: {  	s7 =	smul.u32 @!p0 $0xF7A, s2;
	p2 =	seq.s32 @!p0 s5, $0x0  }
0x1f: {  	s9 =	smul.u32 $0xF7A, s1;
	s8 =	simm.s32 @!p0 $0x1BF5;
	p2 =	por !p2, p0  }
0x20: {  	[sflag:s8] =	ssyncset.s32 @!p0 $0xFFFFF086;
	s6 =	sadd.s32 @!p0 s3, s7;
	s7 =	simm.s32 @!p0 $0x108  }
0x21: {  	s3 =	sadd.s32 s3, s9;
	s6 =	sadd.s32 @!p0 $0x88, s6;
	s7 =	simm.s32 @p2 $0x1082  }
0x22: {  	[simem:s7], [sflag:s8] =	dma.local @!p0 [hbm:s6], $0xF7A  }
0x23: {  	s9 =	sor.u32 $0xD0000000, s2;
	s6 =	simm.s32 $0x108;
	_ =	swait.ge @!p0 [sflag:s8], $0x0  }
0x24: {  	s3 =	sadd.s32 $0x88, s3;
	s6 =	simm.s32 @!p1 $0x1082;
	[sflag:s4] =	ssyncset.s32 $0xFFFFF086  }
0x25: {  	[simem:s6], [sflag:s4] =	dma.local [hbm:s3], $0xF7A  }
0x26: {  	[smem:$0x3F9A] =	sst s1;
	(tag) =	ssettag s2;
	_ =	strace s9  }
0x27: {  	s1 =	sld [smem:$0x3FAA]  }
0x28: {  	s2 =	sld [smem:$0x3FAB]  }
0x29: {  	s4 =	sld [smem:$0x3FAD]  }
0x2a: {  	p0 =	seq.s32 s5, $0x0;
	s5 =	sld [smem:$0x3FAE]  }
0x2b: {  	s6 =	sld [smem:$0x3FAF]  }
0x2c: {  	s7 =	sld [smem:$0x3FB0]  }
0x2d: {  	s3 =	simm.s32 $0x108;
	s8 =	sld [smem:$0x3FB1]  }
0x2e: {  	s3 =	simm.s32 @!p0 $0x1082;
	s9 =	sld [smem:$0x3FB2]  }
0x2f: {  	lr =	sadd.s32 s0, s3;
	s0 =	sld [smem:$0x3FA9]  }
0x30: {  	s3 =	sld [smem:$0x3FAC]  }
0x31: {  	[smem:$0x3FB5] =	sst s10  }
0x32: {  	s10 =	sld [smem:$0x3FB3];
	_ =	sdelay $0x3  }
0x33: {  	p0 =	seq.s32 s10, $0x1;
	s10 =	sld [smem:$0x3FB5];
	_ =	sdelay $0x3  }
0x34: {  	[smem:$0x3FB5] =	sst s10  }
0x35: {  	s10 =	sld [smem:$0x3FB4];
	_ =	sdelay $0x3  }
0x36: {  	p1 =	seq.s32 s10, $0x1;
	s10 =	sld [smem:$0x3FB5];
	_ =	sdelay $0x3  }
0x37: {  	[smem:$0x3FB5] =	sst s10  }
0x38: {  	s10 =	sld [smem:$0x3FB6]  }
0x39: {  	_ = 	snop;
	(pc) =	sbr.ind lr, $3  }
0x3a: {  	_ = 	snop  }
0x3b: {  	_ = 	snop  }
0x3c: {  	p2 =	seq.s32 s10, $0x1;
	s10 =	sld [smem:$0x3FB5]  }
0x3d: {  	_ =	shalt  }
0x3e: {  	_ =	shalt  }
0x3f: {  	_ =	shalt  }
0x40: {  	_ =	shalt  }
0x41: {  	_ =	shalt  }
0x42: {  	_ =	shalt  }
0x43: {  	_ =	shalt  }
0x44: {  	_ =	shalt  }
0x45: {  	_ =	shalt  }
0x46: {  	_ =	shalt  }
0x47: {  	_ =	shalt  }
0x48: {  	_ =	shalt  }
0x49: {  	_ =	shalt  }
0x4a: {  	_ =	shalt  }
0x4b: {  	_ =	shalt  }
0x4c: {  	_ =	shalt  }
0x4d: {  	_ =	shalt  }
0x4e: {  	_ =	shalt  }
0x4f: {  	_ =	shalt  }
0x50: {  	_ =	shalt  }
0x51: {  	_ =	shalt  }
0x52: {  	_ =	shalt  }
0x53: {  	_ =	shalt  }
0x54: {  	_ =	shalt  }
0x55: {  	_ =	shalt  }
0x56: {  	_ =	shalt  }
0x57: {  	_ =	shalt  }
0x58: {  	_ =	shalt  }
0x59: {  	_ =	shalt  }
0x5a: {  	_ =	shalt  }
0x5b: {  	_ =	shalt  }
0x5c: {  	_ =	shalt  }
0x5d: {  	_ =	shalt  }
0x5e: {  	_ =	shalt  }
0x5f: {  	_ =	shalt  }
0x60: {  	_ =	shalt  }
0x61: {  	_ =	shalt  }
0x62: {  	_ =	shalt  }
0x63: {  	_ =	shalt  }
0x64: {  	_ =	shalt  }
0x65: {  	_ =	shalt  }
0x66: {  	_ =	shalt  }
0x67: {  	_ =	shalt  }
0x68: {  	_ =	shalt  }
0x69: {  	_ =	shalt  }
0x6a: {  	_ =	shalt  }
0x6b: {  	_ =	shalt  }
0x6c: {  	_ =	shalt  }
0x6d: {  	_ =	shalt  }
0x6e: {  	_ =	shalt  }
0x6f: {  	_ =	shalt  }
0x70: {  	_ =	shalt  }
0x71: {  	_ =	shalt  }
0x72: {  	_ =	shalt  }
0x73: {  	_ =	shalt  }
0x74: {  	_ =	shalt  }
0x75: {  	_ =	shalt  }
0x76: {  	_ =	shalt  }
0x77: {  	_ =	shalt  }
0x78: {  	_ =	shalt  }
0x79: {  	_ =	shalt  }
0x7a: {  	_ =	shalt  }
0x7b: {  	_ =	shalt  }
0x7c: {  	_ =	shalt  }
0x7d: {  	_ =	shalt  }
0x7e: {  	_ =	shalt  }
0x7f: {  	_ =	shalt  }
0x80: {  	_ =	shalt  }
0x81: {  	_ =	shalt  }
0x82: {  	_ =	shalt  }
0x83: {  	_ =	shalt  }
0x84: {  	_ =	shalt  }
0x85: {  	_ =	shalt  }
0x86: {  	_ =	shalt  }
0x87: {  	_ =	shalt  }
.Lfunc_end0:
.L_simem_size_0:
called_computation_lowered:
.L_overlay_start_0:
0x88: {  	s0 =	sld [smem:$0x3FD9]  }
0x89: {  	s1 =	sld [smem:$0x3FFE];
	_ =	sdelay $0x3  }
0x8a: {  	s0 =	sadd.s32 s1, s0  }
0x8b: {  	[smem:$0x3FC1] =	sst s0  }
0x8c: {  	_ = 	snop  }
0x8d: {  	s0 =	sld [smem:$0x3FD0];
	_ =	sdelay $0x2  }
0x8e: {  	s13 =	simm.s32 $0xA;
	s2 =	simm.s32 $0x10  }
0x8f: {  	[smem:s2], [sflag:s13] =	dma.local [hbm:s0], $0x1  }
0x90: {  	_ =	swait.eq [sflag:s13], $0x1  }
0x91: {  	[sflag:s13] =	ssyncset.done $0x0  }
0x92: {  	[sflag:s13] =	ssyncadd.s32 $0xFFFFFFFF  }
0x93: {  	s14 =	sld [smem:$0x12];
	(tm) =	ssettm $0x1  }
0x94: {  	s15 =	sld [smem:$0x3FFB];
	_ =	sdelay $0x3  }
0x95: {  	_ =	strace s15  }
0x96: {  	s1 =	sld [smem:$0x3FFC];
	_ =	sdelay $0x3  }
0x97: {  	_ =	strace s1  }
0x98: {  	s1 =	sld [smem:$0x3FFD];
	_ =	sdelay $0x3  }
0x99: {  	_ =	strace s1  }
0x9a: {  	_ =	strace $0x8FFFFFFF  }
0x9b: {  	s16 =	sld [smem:$0x3FDB];
	_ =	sdelay $0x1  }
0x9c: {  	s17 =	simm.s32 $_scs_section_size  }
0x9d: {  	s3 =	simm.s32 $_size__tile_overlayer_lowered;
	s4 =	simm.s32 $_tile_overlayer_lowered  }
0x9e: {  	s20 =	simm.s32 $0x1BFF;
	s19 =	sshll.u32 s4, $0x1;
	s1 =	sadd.s32 s17, s16  }
0x9f: {  	s5 =	simm.s32 $0x0;
	s18 =	sshll.u32 s3, $0x1;
	s3 =	sadd.s32 s19, s1  }
0xa0: {  	[timem:s5], [sflag:s20] =	dma.local [hbm:s3], s18  }
0xa1: {  	_ =	swait.ge [sflag:s20], s18  }
0xa2: {  	s2 =	ssub.s32 $0x0, s18;
	[sflag:s20] =	ssyncset.done $0x0  }
0xa3: {  	[sflag:s20] =	ssyncadd.s32 s2;
	_ =	sdelay $0x1  }
0xa4: {  	s21 =	simm.s32 $0x1B8B  }
0xa5: {  	_ =	swait.ge [sflag:s21], $0x1  }
0xa6: {  	[sflag:s21] =	ssyncset.done $0x0  }
0xa7: {  	s23 =	simm.s32 $0x1B8E;
	s22 =	sld [smem:$0x3FFE];
	[sflag:s21] =	ssyncadd.s32 $0xFFFFFFFF  }
0xa8: {  	s24 =	simm.s32 $execute0_lowered;
	[smem:$0x3FD2] =	sst s23  }
0xa9: {  	s3 =	sshll.u32 s24, $0x1;
	_ =	strace $0x80000049;
	[dreg:$0x1] =	wrdreg $0xFFFFFFFF  }
0xaa: {  	s25 =	simm.s32 $_size_execute0_lowered;
	s1 =	sadd.s32 s1, s3;
	[dreg:$0x0] =	wrdreg $0x0  }
0xab: {  	s3 =	sshll.u32 s25, $0x1;
	[dreg:$0x2] =	wrdreg s1  }
0xac: {  	[dreg:$0x3] =	wrdreg s3  }
0xad: {  	[dreg:$0x4] =	wrdreg $0xC0  }
0xae: {  	_ =	task [dreg:s5], $0x5FFFF  }
0xaf: {  	[dreg:$0x1] =	wrdreg $0xFFFFFFFF  }
0xb0: {  	[dreg:$0x0] =	wrdreg $0x60  }
0xb1: {  	[dreg:$0x2] =	wrdreg s14  }
0xb2: {  	[dreg:$0x3] =	wrdreg s22  }
0xb3: {  	[dreg:$0x4] =	wrdreg $0x9  }
0xb4: {  	_ =	task.clear_ibuf [dreg:s5], $0x5FFFF;
	_ =	strace $0x90000049  }
0xb5: {  	s26 =	simm.s32 $0x9;
	_ =	strace $0x8000004B  }
0xb6: {  	_ =	swait.ge [sflag:s26], $0x1  }
0xb7: {  	[sflag:s26] =	ssyncadd.s32 $0xFFFFFFFF  }
0xb8: {  	_ =	strace $0x9000004B  }
0xb9: {  	_ =	sfence  }
0xba: {  	s28 =	sld [smem:$0x0];
	_ =	sdelay $0x1  }
0xbb: {  	s29 =	srdreg.scid  }
0xbc: {  	s30 =	sshll.u32 s29, $0xD;
	s31 =	sshrl.u32 s29, $0x2  }
0xbd: {  	s2 =	sand.u32 $0x4000, s30;
	s1 =	sand.u32 $0x1, s29;
	s0 =	sadd.s32 s31, s28  }
0xbe: {  	s1 =	sor.u32 s2, s1;
	s0 =	sshll.u32 s0, $0x11  }
0xbf: {  	s0 =	sor.u32 s0, s1  }
0xc0: {  	s0 =	sadd.s32 $0x8F2B, s0  }
0xc1: {  	[sflag:s0] =	ssyncadd.remote.s32 $0x1  }
0xc2: {  	_ =	sfence.sel $0xFFFF  }
0xc3: {  	[dreg:$0x0] =	wrdreg $0xFFFFFFFF;
	(pc) =	sbr.abs _section_cstart, $3  }
0xc4: {  	[dreg:$0x1] =	wrdreg $0xFFFFFFFF  }
0xc5: {  	_ =	task.clear_ibuf [dreg:s5], $0x2FFFF;
	_ =	strace $0x9FFFFFFF  }
0xc6: {  	(tm) =	ssettm $0x7FFFFFFF  }
0xc7: {  	_ =	shalt  }
tec
execute0_lowered:
.L_overlay_start_1:
0x0: {  	(tag) =	ssettag $0x1  }
0x1: {  	s1 =	rddreg [dreg:$0x0]  }
0x2: {  	s7 =	rddreg [dreg:$0x1]  }
0x3: {  	s0 =	rddreg [dreg:$0x2]  }
0x4: {  	s3 =	stileid.u32;
	_ =	strace $0x8000004A;
	s4 =	simm.s32 $0x3E  }
0x5: {  	p0 =	sne.s32 s3, $0x0;
	[sflag:s4] =	ssyncpa.u1 $0x0  }
0x6: {  	s30 =	smin.u32 s3, $0x9;
	s2 =	simm.s32 @!p0 $0x1C3E;
	s5 =	simm.s32 @!p0 $0x0  }
0x7: {  	[spmem:s5], [sflag:s2] =	dma.local @!p0 [hbm:s1], $0x500  }
0x8: {  	s2 =	sadd.s32 s3, s30  }
0x9: {  	p1 =	slt.u32 s3, $0x9;
	s3 =	simm.s32 $0x320;
	s2 =	smul.u32 $0x190, s2  }
0xa: {  	s3 =	simm.s32 @!p1 $0x190  }
0xb: {  	s3 =	sadd.s32 s3, s2  }
0xc: {  	s3 =	smin.u32 s3, $0x2710  }
0xd: {  	s8 =	ssub.s32 s3, s2  }
0xe: {  	p1 =	sgt.s32 s8, $0x0  }
0xf: {  	s8 =	simm.s32 @!p1 $0x0  }
0x10: {  	s6 =	sand.u32 $0xFFF0, s8  }
0x11: {  	s5 =	simm.s32 @!p0 $0x3E;
	s6 =	sshrl.u32 s6, $0x4  }
0x12: {  	_ =	swait.ge @!p0 [sflag:s5], $0x500;
	s31 =	smul.u32 $0xA3E, s6  }
0x13: {  	[sflag:s5] =	ssyncset.done @!p0 $0x0  }
0x14: {  	[sflag:s5] =	ssyncadd.s32 @!p0 $0xFFFFFB00;
	s9 =	sshrl.u32 s31, $0x10  }
0x15: {  	s11 =	simm.s32 $0x0;
	[bflag:$0x0] =	sbarrier.arrive $0xFFFF;
	s10 =	smul.u32 $0x190, s9  }
.Ltmp0:
0x16: {  	[sflag:s4] =	ssyncpa.u1 $0x1;
	s4 =	simm.s32 $0x1;
	(pc) =	sbr.rel .LBB2_1-.Ltmp0, $4  }
0x17: {  	s5 =	sadd.s32 $0x200, s7;
	s7 =	sadd.s32 $0x800, s7;
	[sflag:s4] =	ssyncpa.u1 $0x0  }
0x18: {  	s6 =	simm.s32 $0x2;
	p1 =	sne.s32 s8, s10;
	s8 =	simm.s32 $0x1  }
0x19: {  	(ifvalue) =	ssetifvalue $0x2800;
	[sflag:s6] =	ssyncpa.u1 $0x0;
	s8 =	simm.s32 @!p1 $0x0  }
0x1a: {  	vm0 =	vmmov $0xffff;
	s10 =	smov.u32 s2;
	s8 =	sadd.s32 s9, s8;
	s9 =	simm.s32 $0x0  }
.LBB2_5:
0x1b: {  	p2 =	sne.s32 s11, s8  }
.Ltmp1:
0x1c: {  	_ = 	snop;
	(pc) =	sbr.rel @!p2 .LBB2_6-.Ltmp1, $4  }
0x1d: {  	_ = 	snop  }
0x1e: {  	s12 =	sadd.s32 $0x190, s10  }
0x1f: {  	s10 =	smov.u32 s2;
	s13 =	sadd.s32 $0x1, s11;
	p1 =	slt.s32 s12, s3  }
0x20: {  	s11 =	smov.u32 s13;
	s10 =	smov.u32 @p1 s12  }
.LBB2_1:
0x21: {  	p1 =	sge.u32 s11, s8  }
0x22: {  	s12 =	sxor.u32 @!p1 $0xFFFFFFFF, s11  }
0x23: {  	s12 =	sand.u32 @!p1 $0x1, s12  }
0x24: {  	s12 =	smul.u32 @!p1 $0x190, s12  }
0x25: {  	s13 =	sshrl.u32 @!p1 s10, $0x3  }
0x26: {  	s16 =	sand.u32 @!p1 $0x7, s10;
	s14 =	sadd.s32 @!p1 s5, s13;
	s15 =	sadd.s32 @!p1 $0x280, s12  }
0x27: {  	[tilespmem:s15], [sflag:$0x2] =	stream.linear.gather @!p1 [hbm4b:s14+s16], $0x190, $0x38;
	[tilespmem:$0x8C0] =	vst v63  }
0x28: {  	s13 =	sadd.s32 @!p1 s7, s13;
	s12 =	sadd.s32 @!p1 $0x5A0, s12  }
0x29: {  	[tilespmem:s12], [sflag:$0x2] =	stream.linear.gather @!p1 [hbm4b:s13+s16], $0x190, $0x38;
	[tilespmem:$0x8C0] =	vst v63  }
0x2a: {  	p1 =	seq.s32 s11, $0x0  }
.Ltmp2:
0x2b: {  	_ = 	snop;
	(pc) =	sbr.rel @p1 .LBB2_5-.Ltmp2, $1  }
0x2c: {  	_ =	sdelay $0x3  }
0x2d: {  	s12 =	sand.u32 $0x1, s11  }
0x2e: {  	_ =	swait.ge [sflag:s6], $0x320;
	p1 =	seq.s32 s12, $0x1;
	s12 =	simm.s32 $0x190  }
0x2f: {  	[sflag:s6] =	ssyncset.done $0x0;
	s12 =	simm.s32 @!p1 $0x0  }
0x30: {  	[sflag:s6] =	ssyncadd.s32 $0xFFFFFCE0;
	s14 =	sadd.s32 $0x280, s12  }
0x31: {  	v0 =	vld.msk [tilespmem:s14+$0x0 ss:$0x1], $0xffff;
	_ =	sdelay $0x4  }
0x32: {  	v0 =	vmin.u32 v0, $0x2800;
	_ =	sdelay $0x3  }
0x33: {  	s13 =	simm.s32 $0x0;
	s12 =	sadd.s32 $0x5A0, s12;
	s14 =	sadd.s32 $0x10, s14  }
0x34: {  	[spmem:s9] =	stream.indirect_vreg.scatter.add.s32 [tilespmem:s12], [sflag:$0x1], $0x1, v0, vm0, $0x4038;
	[tilespmem:$0x8C0] =	vst v63  }
.LBB2_3:
0x35: {  	v0 =	vld.msk [tilespmem:s14+$0x0 ss:$0x1], $0xffff;
	s13 =	sadd.s32 $0x10, s13  }
0x36: {  	p1 =	slt.u32 s13, $0x180;
	_ =	sdelay $0x4  }
0x37: {  	v0 =	vmin.u32 v0, $0x2800  }
.Ltmp3:
0x38: {  	(pc) =	sbr.rel @p1 .LBB2_3-.Ltmp3, $3  }
0x39: {  	_ =	sdelay $0x1  }
0x3a: {  	s14 =	sadd.s32 $0x10, s14;
	s12 =	sadd.s32 $0x10, s12  }
0x3b: {  	[spmem:s9] =	stream.indirect_vreg.scatter.add.s32 [tilespmem:s12], [sflag:$0x1], $0x1, v0, vm0, $0x4038;
	[tilespmem:$0x8C0] =	vst v63  }
.Ltmp4:
0x3c: {  	(pc) =	sbr.rel .LBB2_5-.Ltmp4, $4  }
0x3d: {  	_ = 	snop  }
0x3e: {  	_ =	swait.ge [sflag:s4], $0x190  }
0x3f: {  	[sflag:s4] =	ssyncset.done $0x0  }
0x40: {  	[sflag:s4] =	ssyncadd.s32 $0xFFFFFE70  }
.LBB2_6:
0x41: {  	_ =	sfence.sel $0x180000  }
0x42: {  	s2 =	simm.s32 $0x2;
	[bflag:$0x0] =	sbarrier.arrive $0xFFFF  }
0x43: {  	s30 =	simm.s32 $0x1;
	[sflag:s2] =	ssyncpa.u1 $0x1  }
0x44: {  	[sflag:s30] =	ssyncpa.u1 $0x1  }
0x45: {  	_ =	sfence.stream.spmem  }
0x46: {  	s31 =	simm.s32 $0x3D;
	[bflag:$0x0] =	sbarrier.arrive $0xFFFF  }
0x47: {  	s2 =	simm.s32 @p0 $0x3D;
	[sflag:s31] =	ssyncpa.u1 $0x0  }
0x48: {  	[sflag:s2] =	ssyncpa.u1 @p0 $0x1  }
0x49: {  	[bflag:$0x0] =	sbarrier.arrive @p0 $0xFFFF  }
0x4a: {  	_ =	strace @p0 $0x9000004A  }
0x4b: {  	s3 =	simm.s32 @!p0 $0x1C3D;
	s2 =	simm.s32 @!p0 $0x0;
	[bflag:$0x2] =	sbarrier.arrive @p0 $0xFFFF  }
0x4c: {  	[hbm:s1], [sflag:s3] =	dma.local @!p0 [spmem:s2], $0x500  }
0x4d: {  	s1 =	simm.s32 @!p0 $0x3D  }
0x4e: {  	_ =	swait.ge @!p0 [sflag:s1], $0x500  }
0x4f: {  	[sflag:s1] =	ssyncset.done @!p0 $0x0  }
0x50: {  	[sflag:s1] =	ssyncadd.s32 @!p0 $0xFFFFFB00  }
0x51: {  	[sflag:s1] =	ssyncpa.u1 @!p0 $0x1  }
0x52: {  	[bflag:$0x0] =	sbarrier.arrive @!p0 $0xFFFF  }
0x53: {  	_ =	strace @!p0 $0x9000004A  }
0x54: {  	s0 =	sadd.s32 @!p0 $0x100000, s0;
	[bflag:$0x2] =	sbarrier.arrive @!p0 $0xFFFF  }
0x55: {  	[sflag:s0] =	ssyncadd.tile.s32 @!p0 $0x1;
	_ =	shalt  }
.Lfunc_end2:
_tile_overlayer_lowered:
.L_overlay_start_2:
0x56: {  	(tag) =	ssettag $0x2  }
0x57: {  	s0 =	rddreg [dreg:$0x0];
	s2 =	stileid.u32  }
0x58: {  	s1 =	rddreg [dreg:$0x1];
	p0 =	sne.s32 s2, $0x0  }
0x59: {  	s3 =	rddreg [dreg:$0x2];
	[bflag:$0x3] =	sbarrier.arrive $0xFFFF;
	s2 =	simm.s32 @!p0 $0x1C01  }
0x5a: {  	[timem:s3], [sflag:s2] =	dma.local @!p0 [hbm:s0], s1  }
0x5b: {  	s0 =	simm.s32 @!p0 $0x1  }
0x5c: {  	_ =	swait.ge @!p0 [sflag:s0], s1  }
0x5d: {  	s1 =	ssub.s32 @!p0 $0x0, s1;
	[sflag:s0] =	ssyncset.done @!p0 $0x0  }
0x5e: {  	[sflag:s0] =	ssyncadd.s32 @!p0 s1  }
0x5f: {  	[bflag:$0x3] =	sbarrier.arrive $0xFFFF  }
0x60: {  	_ =	shalt  }

</sc_bundles>
